<compile_context>
chip_gen: v7x
topology: tpu7x:2x2x1
jax: 0.10.2.dev20260603
libtpu: 0.0.44.dev20260713+nightly
codegen_flags: <defaults>
</compile_context>

<pallas_src>
import functools

import numpy as np
import jax
import jax.numpy as jnp
from jax import lax
from jax.experimental import pallas as pl
from jax.experimental.pallas import tpu as pltpu
from jax.experimental.pallas import tpu_sc as plsc

_NC = 2
_NS = 16
_NW = _NC * _NS
_LANES = 16


def _pe_table(seq_len, d_model):
    pos = np.arange(seq_len, dtype=np.float32)[:, None]
    i = np.arange(0, d_model, 2, dtype=np.float32)
    div = np.power(10000.0, i / d_model)
    pe = np.zeros((seq_len, d_model), dtype=np.float32)
    pe[:, 0::2] = np.sin(pos / div)
    pe[:, 1::2] = np.cos(pos / div)
    return jnp.asarray(pe)


def kernel(x, tok_table):
    B, S = x.shape
    V, D = tok_table.shape
    N = B * S
    PW = S // _NW
    C = 16
    Q = PW // C
    NCH = Q * B
    NR = 4
    assert S % _NW == 0 and PW % C == 0 and NCH >= 4
    assert B == NR and Q % 2 == 0

    pe = _pe_table(S, D)
    idx = x.reshape(N)
    mesh = plsc.VectorSubcoreMesh(core_axis_name="c", subcore_axis_name="s")

    @functools.partial(
        pl.kernel,
        mesh=mesh,
        out_type=jax.ShapeDtypeStruct((N, D), jnp.float32),
        scratch_types=(
            [pltpu.VMEM((B * PW,), jnp.int32)]
            + [pltpu.VMEM((C, D), jnp.float32) for _ in range(NR)]
            + [pltpu.VMEM((C, D), jnp.float32) for _ in range(2)]
            + [pltpu.SemaphoreType.DMA for _ in range(NR * 2 + 2)]
        ),
    )
    def emb(tab_hbm, idx_hbm, pe_hbm, out_hbm, idx_v,
            g0, g1, g2, g3, p0, p1,
            sg0, sg1, sg2, sg3, ss0, ss1, ss2, ss3, sp0, sp1):
        g = (g0, g1, g2, g3)
        sg = (sg0, sg1, sg2, sg3)
        ss = (ss0, ss1, ss2, ss3)
        p = (p0, p1)
        sp = (sp0, sp1)

        wid = lax.axis_index("s") * _NC + lax.axis_index("c")
        base_pos = wid * PW

        def idx_desc(b):
            return pltpu.make_async_copy(
                idx_hbm.at[pl.ds(b * S + base_pos, PW)],
                idx_v.at[pl.ds(b * PW, PW)], ss[b])

        def gather_desc(c, r):
            return pltpu.make_async_copy(
                tab_hbm.at[idx_v.at[pl.ds((c % B) * PW + (c // B) * C, C)]],
                g[r], sg[r])

        def pe_desc(q, qb):
            return pltpu.make_async_copy(
                pe_hbm.at[pl.ds(base_pos + q * C, C)], p[qb], sp[qb])

        def store_desc(c, r):
            return pltpu.make_async_copy(
                g[r],
                out_hbm.at[pl.ds((c % B) * S + base_pos + (c // B) * C, C)],
                ss[r])

        pe_desc(0, 0).start()
        pe_desc(1, 1).start()
        for b in range(B):
            idx_desc(b).start()
        idx_desc(0).wait()
        gather_desc(0, 0).start()
        idx_desc(1).wait()
        gather_desc(1, 1).start()
        idx_desc(2).wait()
        idx_desc(3).wait()

        @pl.loop(0, Q, step=2)
        def _(qj):
            for qq in range(2):
                qb = qq
                q = qj + qq
                pe_desc(q, qb).wait()
                for b in range(B):
                    c = q * B + b
                    gather_desc(c, b).wait()

                    @pl.when(c >= 2)
                    def _():
                        store_desc(c - 2, (b + 2) % NR).wait()

                    @pl.when(c + 2 < NCH)
                    def _():
                        gather_desc(c + 2, (b + 2) % NR).start()

                    @plsc.parallel_loop(0, C * D, step=4 * _LANES, unroll=4)
                    def _(e):
                        r_ = e // D
                        for u in range(4):
                            sl = pl.ds(e % D + u * _LANES, _LANES)
                            plsc.addupdate(g[b].at[r_, sl],
                                           p[qb].at[r_, sl][...])

                    store_desc(c, b).start()

                @pl.when(q + 2 < Q)
                def _():
                    pe_desc(q + 2, qb).start()

        store_desc(NCH - 2, (NCH - 2) % NR).wait()
        store_desc(NCH - 1, (NCH - 1) % NR).wait()

    out = emb(tok_table, idx, pe)
    return out.reshape(B, S, D)

# --- scband reference (transcript-rebuilt; emitter-appended) ---
"""Pipeline reference for scband-embedding-30700426232271 (READ-ONLY COPY).

The authoritative reference and input builder live on the scoring server;
editing this copy changes nothing except your own understanding.
"""

import jax, jax.numpy as jnp
import numpy as np

VOCAB = 100000
D_MODEL = 1024
MAX_LEN = 8192
BATCH = 4
SEQ_LEN = 4096


def sinusoid_pe(max_len, d_model):
    # standard transformer sinusoidal positional encoding
    pos = np.arange(max_len, dtype=np.float32)[:, None]
    i = np.arange(0, d_model, 2, dtype=np.float32)
    div = np.power(10000.0, i / d_model)
    pe = np.zeros((max_len, d_model), dtype=np.float32)
    pe[:, 0::2] = np.sin(pos / div)
    pe[:, 1::2] = np.cos(pos / div)
    return jnp.asarray(pe)


def setup_inputs(seed: int = 0):
    key = jax.random.key(seed)
    k1, k2 = jax.random.split(key)
    x = jax.random.randint(k1, (BATCH, SEQ_LEN), 0, VOCAB, dtype=jnp.int32)
    tok_table = jax.random.normal(k2, (VOCAB, D_MODEL), dtype=jnp.float32) * 0.02
    # nn.Embedding(padding_idx=1): padding row initialized to zero
    tok_table = tok_table.at[1].set(0.0)
    return {"x": x, "tok_table": tok_table}


def reference(x, tok_table):
    # token embedding gather
    tok_emb = jnp.take(tok_table, x, axis=0)  # [B, S, D]
    # positional encoding (non-trainable), sliced to current seq_len
    seq_len = x.shape[1]
    pos_emb = sinusoid_pe(MAX_LEN, D_MODEL)[:seq_len]  # [S, D]
    out = tok_emb + pos_emb[None, :, :]
    # dropout is identity in eval / reference mode
    return out

if __name__ == "__main__":
    import jax
    _d = setup_inputs()
    print(jax.jit(kernel)(*tuple(_d.values())))

</pallas_src>

<mosaic_0001>
#map = affine_map<(d0, d1) -> (0, 0)>
#map1 = affine_map<(d0, d1) -> (0)>
module attributes {stable_mosaic.version = 14 : i64} {
  func.func @emb(%arg0: i32, %arg1: i32, %arg2: memref<100000x1024xf32, #tpu.memory_space<hbm>>, %arg3: memref<16384xi32, #tpu.memory_space<hbm>>, %arg4: memref<4096x1024xf32, #tpu.memory_space<hbm>>, %arg5: memref<16384x1024xf32, #tpu.memory_space<hbm>>, %arg6: memref<512xi32, #tpu.memory_space<vmem>>, %arg7: memref<16x1024xf32, #tpu.memory_space<vmem>>, %arg8: memref<16x1024xf32, #tpu.memory_space<vmem>>, %arg9: memref<16x1024xf32, #tpu.memory_space<vmem>>, %arg10: memref<16x1024xf32, #tpu.memory_space<vmem>>, %arg11: memref<16x1024xf32, #tpu.memory_space<vmem>>, %arg12: memref<16x1024xf32, #tpu.memory_space<vmem>>, %arg13: memref<!tpu.dma_semaphore, #tpu.memory_space<semaphore_mem>>, %arg14: memref<!tpu.dma_semaphore, #tpu.memory_space<semaphore_mem>>, %arg15: memref<!tpu.dma_semaphore, #tpu.memory_space<semaphore_mem>>, %arg16: memref<!tpu.dma_semaphore, #tpu.memory_space<semaphore_mem>>, %arg17: memref<!tpu.dma_semaphore, #tpu.memory_space<semaphore_mem>>, %arg18: memref<!tpu.dma_semaphore, #tpu.memory_space<semaphore_mem>>, %arg19: memref<!tpu.dma_semaphore, #tpu.memory_space<semaphore_mem>>, %arg20: memref<!tpu.dma_semaphore, #tpu.memory_space<semaphore_mem>>, %arg21: memref<!tpu.dma_semaphore, #tpu.memory_space<semaphore_mem>>, %arg22: memref<!tpu.dma_semaphore, #tpu.memory_space<semaphore_mem>>) attributes {dimension_semantics = [#tpu.dimension_semantics<core_parallel>, #tpu.dimension_semantics<subcore_parallel>], iteration_bounds = array<i64: 2, 16>, scalar_prefetch = 0 : i64, scratch_operands = 17 : i64, tpu.core_type = #tpu.core_type<sc_vector_subcore>, window_params = [{transform_indices = #map}, {transform_indices = #map1}, {transform_indices = #map}, {transform_indices = #map}]} {
    %mul3A = arith.constant 2 : i32
    %mul3A_0 = arith.muli %arg1, %mul3A : i32
    %add3A = arith.addi %mul3A_0, %arg0 : i32
    %mul3A_1 = arith.constant 128 : i32
    %mul3A_2 = arith.muli %add3A, %mul3A_1 : i32
    %add3A_3 = arith.constant 0 : i32
    %add3A_4 = arith.addi %mul3A_2, %add3A_3 : i32
    %dma_start3A = arith.constant 0 : i32
    %dma_start3A_5 = tpu.memref_slice %arg4[%add3A_4, %dma_start3A] : memref<4096x1024xf32, #tpu.memory_space<hbm>> -> memref<16x1024xf32, #tpu.memory_space<hbm>>
    %dma_start3A_6 = arith.constant 0 : i32
    %dma_start3A_7 = tpu.memref_slice %arg4[%add3A_4, %dma_start3A_6] : memref<4096x1024xf32, #tpu.memory_space<hbm>> -> memref<16x1024xf32, #tpu.memory_space<hbm>>
    tpu.enqueue_dma source(%dma_start3A_7 : memref<16x1024xf32, #tpu.memory_space<hbm>>) target(%arg11 : memref<16x1024xf32, #tpu.memory_space<vmem>>) target_semaphore(%arg21 : memref<!tpu.dma_semaphore, #tpu.memory_space<semaphore_mem>>)
    %add3A_8 = arith.constant 16 : i32
    %add3A_9 = arith.addi %mul3A_2, %add3A_8 : i32
    %dma_start3A_10 = arith.constant 0 : i32
    %dma_start3A_11 = tpu.memref_slice %arg4[%add3A_9, %dma_start3A_10] : memref<4096x1024xf32, #tpu.memory_space<hbm>> -> memref<16x1024xf32, #tpu.memory_space<hbm>>
    %dma_start3A_12 = arith.constant 0 : i32
    %dma_start3A_13 = tpu.memref_slice %arg4[%add3A_9, %dma_start3A_12] : memref<4096x1024xf32, #tpu.memory_space<hbm>> -> memref<16x1024xf32, #tpu.memory_space<hbm>>
    tpu.enqueue_dma source(%dma_start3A_13 : memref<16x1024xf32, #tpu.memory_space<hbm>>) target(%arg12 : memref<16x1024xf32, #tpu.memory_space<vmem>>) target_semaphore(%arg22 : memref<!tpu.dma_semaphore, #tpu.memory_space<semaphore_mem>>)
    %add3A_14 = arith.constant 0 : i32
    %add3A_15 = arith.addi %add3A_14, %mul3A_2 : i32
    %dma_start3A_16 = arith.constant 0 : i32
    %dma_start3A_17 = tpu.memref_slice %arg6[%dma_start3A_16] : memref<512xi32, #tpu.memory_space<vmem>> -> memref<128xi32, #tpu.memory_space<vmem>>
    %dma_start3A_18 = tpu.memref_slice %arg3[%add3A_15] : memref<16384xi32, #tpu.memory_space<hbm>> -> memref<128xi32, #tpu.memory_space<hbm>>
    %dma_start3A_19 = arith.constant 0 : i32
    %dma_start3A_20 = tpu.memref_slice %arg6[%dma_start3A_19] : memref<512xi32, #tpu.memory_space<vmem>> -> memref<128xi32, #tpu.memory_space<vmem>>
    %dma_start3A_21 = tpu.memref_slice %arg3[%add3A_15] : memref<16384xi32, #tpu.memory_space<hbm>> -> memref<128xi32, #tpu.memory_space<hbm>>
    tpu.enqueue_dma source(%dma_start3A_21 : memref<128xi32, #tpu.memory_space<hbm>>) target(%dma_start3A_20 : memref<128xi32, #tpu.memory_space<vmem>>) target_semaphore(%arg17 : memref<!tpu.dma_semaphore, #tpu.memory_space<semaphore_mem>>)
    %add3A_22 = arith.constant 4096 : i32
    %add3A_23 = arith.addi %add3A_22, %mul3A_2 : i32
    %dma_start3A_24 = arith.constant 128 : i32
    %dma_start3A_25 = tpu.memref_slice %arg6[%dma_start3A_24] : memref<512xi32, #tpu.memory_space<vmem>> -> memref<128xi32, #tpu.memory_space<vmem>>
    %dma_start3A_26 = tpu.memref_slice %arg3[%add3A_23] : memref<16384xi32, #tpu.memory_space<hbm>> -> memref<128xi32, #tpu.memory_space<hbm>>
    %dma_start3A_27 = arith.constant 128 : i32
    %dma_start3A_28 = tpu.memref_slice %arg6[%dma_start3A_27] : memref<512xi32, #tpu.memory_space<vmem>> -> memref<128xi32, #tpu.memory_space<vmem>>
    %dma_start3A_29 = tpu.memref_slice %arg3[%add3A_23] : memref<16384xi32, #tpu.memory_space<hbm>> -> memref<128xi32, #tpu.memory_space<hbm>>
    tpu.enqueue_dma source(%dma_start3A_29 : memref<128xi32, #tpu.memory_space<hbm>>) target(%dma_start3A_28 : memref<128xi32, #tpu.memory_space<vmem>>) target_semaphore(%arg18 : memref<!tpu.dma_semaphore, #tpu.memory_space<semaphore_mem>>)
    %add3A_30 = arith.constant 8192 : i32
    %add3A_31 = arith.addi %add3A_30, %mul3A_2 : i32
    %dma_start3A_32 = arith.constant 256 : i32
    %dma_start3A_33 = tpu.memref_slice %arg6[%dma_start3A_32] : memref<512xi32, #tpu.memory_space<vmem>> -> memref<128xi32, #tpu.memory_space<vmem>>
    %dma_start3A_34 = tpu.memref_slice %arg3[%add3A_31] : memref<16384xi32, #tpu.memory_space<hbm>> -> memref<128xi32, #tpu.memory_space<hbm>>
    %dma_start3A_35 = arith.constant 256 : i32
    %dma_start3A_36 = tpu.memref_slice %arg6[%dma_start3A_35] : memref<512xi32, #tpu.memory_space<vmem>> -> memref<128xi32, #tpu.memory_space<vmem>>
    %dma_start3A_37 = tpu.memref_slice %arg3[%add3A_31] : memref<16384xi32, #tpu.memory_space<hbm>> -> memref<128xi32, #tpu.memory_space<hbm>>
    tpu.enqueue_dma source(%dma_start3A_37 : memref<128xi32, #tpu.memory_space<hbm>>) target(%dma_start3A_36 : memref<128xi32, #tpu.memory_space<vmem>>) target_semaphore(%arg19 : memref<!tpu.dma_semaphore, #tpu.memory_space<semaphore_mem>>)
    %add3A_38 = arith.constant 12288 : i32
    %add3A_39 = arith.addi %add3A_38, %mul3A_2 : i32
    %dma_start3A_40 = arith.constant 384 : i32
    %dma_start3A_41 = tpu.memref_slice %arg6[%dma_start3A_40] : memref<512xi32, #tpu.memory_space<vmem>> -> memref<128xi32, #tpu.memory_space<vmem>>
    %dma_start3A_42 = tpu.memref_slice %arg3[%add3A_39] : memref<16384xi32, #tpu.memory_space<hbm>> -> memref<128xi32, #tpu.memory_space<hbm>>
    %dma_start3A_43 = arith.constant 384 : i32
    %dma_start3A_44 = tpu.memref_slice %arg6[%dma_start3A_43] : memref<512xi32, #tpu.memory_space<vmem>> -> memref<128xi32, #tpu.memory_space<vmem>>
    %dma_start3A_45 = tpu.memref_slice %arg3[%add3A_39] : memref<16384xi32, #tpu.memory_space<hbm>> -> memref<128xi32, #tpu.memory_space<hbm>>
    tpu.enqueue_dma source(%dma_start3A_45 : memref<128xi32, #tpu.memory_space<hbm>>) target(%dma_start3A_44 : memref<128xi32, #tpu.memory_space<vmem>>) target_semaphore(%arg20 : memref<!tpu.dma_semaphore, #tpu.memory_space<semaphore_mem>>)
    %add3A_46 = arith.constant 0 : i32
    %add3A_47 = arith.addi %add3A_46, %mul3A_2 : i32
    %dma_wait3A = arith.constant 0 : i32
    %dma_wait3A_48 = tpu.memref_slice %arg6[%dma_wait3A] : memref<512xi32, #tpu.memory_space<vmem>> -> memref<128xi32, #tpu.memory_space<vmem>>
    %dma_wait3A_49 = tpu.memref_slice %arg3[%add3A_47] : memref<16384xi32, #tpu.memory_space<hbm>> -> memref<128xi32, #tpu.memory_space<hbm>>
    %dma_wait3A_50 = arith.constant 0 : i32
    %dma_wait3A_51 = tpu.memref_slice %arg6[%dma_wait3A_50] : memref<512xi32, #tpu.memory_space<vmem>> -> memref<128xi32, #tpu.memory_space<vmem>>
    %dma_wait3A_52 = tpu.memref_slice %arg3[%add3A_47] : memref<16384xi32, #tpu.memory_space<hbm>> -> memref<128xi32, #tpu.memory_space<hbm>>
    tpu.wait_dma2 semaphore(%arg17 : memref<!tpu.dma_semaphore, #tpu.memory_space<semaphore_mem>>) src(%dma_wait3A_52 : memref<128xi32, #tpu.memory_space<hbm>>) dst(%dma_wait3A_51 : memref<128xi32, #tpu.memory_space<vmem>>)
    %dma_start3A_53 = arith.constant 0 : i32
    %dma_start3A_54 = tpu.memref_slice %arg6[%dma_start3A_53] : memref<512xi32, #tpu.memory_space<vmem>> -> memref<16xi32, #tpu.memory_space<vmem>>
    %dma_start3A_55 = arith.constant 0 : i32
    %dma_start3A_56 = arith.constant 0 : i32
    %dma_start3A_57 = tpu.memref_slice %arg2[%dma_start3A_55, %dma_start3A_56] : memref<100000x1024xf32, #tpu.memory_space<hbm>> -> memref<100000x1024xf32, #tpu.memory_space<hbm>>
    tpu.enqueue_indirect_dma source(%dma_start3A_57 : memref<100000x1024xf32, #tpu.memory_space<hbm>>) target(%arg7 : memref<16x1024xf32, #tpu.memory_space<vmem>>) offsets(%dma_start3A_54 : memref<16xi32, #tpu.memory_space<vmem>>) semaphore(%arg13 : memref<!tpu.dma_semaphore, #tpu.memory_space<semaphore_mem>>)
    %add3A_58 = arith.constant 4096 : i32
    %add3A_59 = arith.addi %add3A_58, %mul3A_2 : i32
    %dma_wait3A_60 = arith.constant 128 : i32
    %dma_wait3A_61 = tpu.memref_slice %arg6[%dma_wait3A_60] : memref<512xi32, #tpu.memory_space<vmem>> -> memref<128xi32, #tpu.memory_space<vmem>>
    %dma_wait3A_62 = tpu.memref_slice %arg3[%add3A_59] : memref<16384xi32, #tpu.memory_space<hbm>> -> memref<128xi32, #tpu.memory_space<hbm>>
    %dma_wait3A_63 = arith.constant 128 : i32
    %dma_wait3A_64 = tpu.memref_slice %arg6[%dma_wait3A_63] : memref<512xi32, #tpu.memory_space<vmem>> -> memref<128xi32, #tpu.memory_space<vmem>>
    %dma_wait3A_65 = tpu.memref_slice %arg3[%add3A_59] : memref<16384xi32, #tpu.memory_space<hbm>> -> memref<128xi32, #tpu.memory_space<hbm>>
    tpu.wait_dma2 semaphore(%arg18 : memref<!tpu.dma_semaphore, #tpu.memory_space<semaphore_mem>>) src(%dma_wait3A_65 : memref<128xi32, #tpu.memory_space<hbm>>) dst(%dma_wait3A_64 : memref<128xi32, #tpu.memory_space<vmem>>)
    %dma_start3A_66 = arith.constant 128 : i32
    %dma_start3A_67 = tpu.memref_slice %arg6[%dma_start3A_66] : memref<512xi32, #tpu.memory_space<vmem>> -> memref<16xi32, #tpu.memory_space<vmem>>
    %dma_start3A_68 = arith.constant 0 : i32
    %dma_start3A_69 = arith.constant 0 : i32
    %dma_start3A_70 = tpu.memref_slice %arg2[%dma_start3A_68, %dma_start3A_69] : memref<100000x1024xf32, #tpu.memory_space<hbm>> -> memref<100000x1024xf32, #tpu.memory_space<hbm>>
    tpu.enqueue_indirect_dma source(%dma_start3A_70 : memref<100000x1024xf32, #tpu.memory_space<hbm>>) target(%arg8 : memref<16x1024xf32, #tpu.memory_space<vmem>>) offsets(%dma_start3A_67 : memref<16xi32, #tpu.memory_space<vmem>>) semaphore(%arg14 : memref<!tpu.dma_semaphore, #tpu.memory_space<semaphore_mem>>)
    %add3A_71 = arith.constant 8192 : i32
    %add3A_72 = arith.addi %add3A_71, %mul3A_2 : i32
    %dma_wait3A_73 = arith.constant 256 : i32
    %dma_wait3A_74 = tpu.memref_slice %arg6[%dma_wait3A_73] : memref<512xi32, #tpu.memory_space<vmem>> -> memref<128xi32, #tpu.memory_space<vmem>>
    %dma_wait3A_75 = tpu.memref_slice %arg3[%add3A_72] : memref<16384xi32, #tpu.memory_space<hbm>> -> memref<128xi32, #tpu.memory_space<hbm>>
    %dma_wait3A_76 = arith.constant 256 : i32
    %dma_wait3A_77 = tpu.memref_slice %arg6[%dma_wait3A_76] : memref<512xi32, #tpu.memory_space<vmem>> -> memref<128xi32, #tpu.memory_space<vmem>>
    %dma_wait3A_78 = tpu.memref_slice %arg3[%add3A_72] : memref<16384xi32, #tpu.memory_space<hbm>> -> memref<128xi32, #tpu.memory_space<hbm>>
    tpu.wait_dma2 semaphore(%arg19 : memref<!tpu.dma_semaphore, #tpu.memory_space<semaphore_mem>>) src(%dma_wait3A_78 : memref<128xi32, #tpu.memory_space<hbm>>) dst(%dma_wait3A_77 : memref<128xi32, #tpu.memory_space<vmem>>)
    %add3A_79 = arith.constant 12288 : i32
    %add3A_80 = arith.addi %add3A_79, %mul3A_2 : i32
    %dma_wait3A_81 = arith.constant 384 : i32
    %dma_wait3A_82 = tpu.memref_slice %arg6[%dma_wait3A_81] : memref<512xi32, #tpu.memory_space<vmem>> -> memref<128xi32, #tpu.memory_space<vmem>>
    %dma_wait3A_83 = tpu.memref_slice %arg3[%add3A_80] : memref<16384xi32, #tpu.memory_space<hbm>> -> memref<128xi32, #tpu.memory_space<hbm>>
    %dma_wait3A_84 = arith.constant 384 : i32
    %dma_wait3A_85 = tpu.memref_slice %arg6[%dma_wait3A_84] : memref<512xi32, #tpu.memory_space<vmem>> -> memref<128xi32, #tpu.memory_space<vmem>>
    %dma_wait3A_86 = tpu.memref_slice %arg3[%add3A_80] : memref<16384xi32, #tpu.memory_space<hbm>> -> memref<128xi32, #tpu.memory_space<hbm>>
    tpu.wait_dma2 semaphore(%arg20 : memref<!tpu.dma_semaphore, #tpu.memory_space<semaphore_mem>>) src(%dma_wait3A_86 : memref<128xi32, #tpu.memory_space<hbm>>) dst(%dma_wait3A_85 : memref<128xi32, #tpu.memory_space<vmem>>)
    %scan3A = arith.constant 0 : i32
    %scan3A_87 = arith.constant 4 : i32
    %scan3A_88 = arith.addi %scan3A, %scan3A_87 : i32
    %scan3A_89 = arith.constant 1 : i32
    scf.for %scan3A_107 = %scan3A to %scan3A_88 step %scan3A_89  : i32 {
      %mul3A_108 = arith.constant 2 : i32
      %mul3A_109 = arith.muli %scan3A_107, %mul3A_108 : i32
      %add3A_110 = arith.constant 0 : i32
      %add3A_111 = arith.addi %add3A_110, %mul3A_109 : i32
      %add3A_112 = arith.constant 0 : i32
      %add3A_113 = arith.addi %add3A_111, %add3A_112 : i32
      %mul3A_114 = arith.constant 16 : i32
      %mul3A_115 = arith.muli %add3A_113, %mul3A_114 : i32
      %add3A_116 = arith.addi %mul3A_2, %mul3A_115 : i32
      %dma_wait3A_117 = arith.constant 0 : i32
      %dma_wait3A_118 = tpu.memref_slice %arg4[%add3A_116, %dma_wait3A_117] : memref<4096x1024xf32, #tpu.memory_space<hbm>> -> memref<16x1024xf32, #tpu.memory_space<hbm>>
      %dma_wait3A_119 = arith.constant 0 : i32
      %dma_wait3A_120 = tpu.memref_slice %arg4[%add3A_116, %dma_wait3A_119] : memref<4096x1024xf32, #tpu.memory_space<hbm>> -> memref<16x1024xf32, #tpu.memory_space<hbm>>
      tpu.wait_dma2 semaphore(%arg21 : memref<!tpu.dma_semaphore, #tpu.memory_space<semaphore_mem>>) src(%dma_wait3A_120 : memref<16x1024xf32, #tpu.memory_space<hbm>>) dst(%arg11 : memref<16x1024xf32, #tpu.memory_space<vmem>>)
      %mul3A_121 = arith.constant 4 : i32
      %mul3A_122 = arith.muli %add3A_113, %mul3A_121 : i32
      %add3A_123 = arith.constant 0 : i32
      %add3A_124 = arith.addi %mul3A_122, %add3A_123 : i32
      %jit3A = arith.constant 4 : i32
      %eq3A = arith.constant 0 : i32
      %eq3A_125 = arith.cmpi eq, %jit3A, %eq3A : i32
      %jit3A_126 = arith.constant 1 : i32
      %select_n3A = arith.select %eq3A_125, %jit3A_126, %jit3A : i32
      %rem3A = arith.remsi %add3A_124, %select_n3A : i32
      %ne3A = arith.constant 0 : i32
      %ne3A_127 = arith.cmpi ne, %rem3A, %ne3A : i32
      %lt3A = arith.constant 0 : i32
      %lt3A_128 = arith.cmpi slt, %rem3A, %lt3A : i32
      %lt3A_129 = arith.constant 0 : i32
      %lt3A_130 = arith.cmpi slt, %select_n3A, %lt3A_129 : i32
      %ne3A_131 = arith.xori %lt3A_128, %lt3A_130 : i1
      %and3A = arith.andi %ne3A_131, %ne3A_127 : i1
      %add3A_132 = arith.addi %rem3A, %select_n3A : i32
      %select_n3A_133 = arith.select %and3A, %add3A_132, %rem3A : i32
      %mul3A_134 = arith.constant 128 : i32
      %mul3A_135 = arith.muli %select_n3A_133, %mul3A_134 : i32
      %jit3A_136 = arith.constant 4 : i32
      %div3A = arith.divsi %add3A_124, %jit3A_136 : i32
      %sign3A = arith.constant 0 : i32
      %sign3A_137 = arith.cmpi sgt, %add3A_124, %sign3A : i32
      %sign3A_138 = arith.extui %sign3A_137 : i1 to i32
      %sign3A_139 = arith.constant 0 : i32
      %sign3A_140 = arith.cmpi slt, %add3A_124, %sign3A_139 : i32
      %sign3A_141 = arith.extui %sign3A_140 : i1 to i32
      %sign3A_142 = arith.subi %sign3A_138, %sign3A_141 : i32
      %sign3A_143 = arith.constant 0 : i32
      %sign3A_144 = arith.cmpi sgt, %jit3A_136, %sign3A_143 : i32
      %sign3A_145 = arith.extui %sign3A_144 : i1 to i32
      %sign3A_146 = arith.constant 0 : i32
      %sign3A_147 = arith.cmpi slt, %jit3A_136, %sign3A_146 : i32
      %sign3A_148 = arith.extui %sign3A_147 : i1 to i32
      %sign3A_149 = arith.subi %sign3A_145, %sign3A_148 : i32
      %ne3A_150 = arith.cmpi ne, %sign3A_142, %sign3A_149 : i32
      %rem3A_151 = arith.remsi %add3A_124, %jit3A_136 : i32
      %ne3A_152 = arith.constant 0 : i32
      %ne3A_153 = arith.cmpi ne, %rem3A_151, %ne3A_152 : i32
      %and3A_154 = arith.andi %ne3A_150, %ne3A_153 : i1
      %sub3A = arith.constant 1 : i32
      %sub3A_155 = arith.subi %div3A, %sub3A : i32
      %select_n3A_156 = arith.select %and3A_154, %sub3A_155, %div3A : i32
      %mul3A_157 = arith.constant 16 : i32
      %mul3A_158 = arith.muli %select_n3A_156, %mul3A_157 : i32
      %add3A_159 = arith.addi %mul3A_135, %mul3A_158 : i32
      %dma_wait3A_160 = tpu.memref_slice %arg6[%add3A_159] : memref<512xi32, #tpu.memory_space<vmem>> -> memref<16xi32, #tpu.memory_space<vmem>>
      %dma_wait3A_161 = arith.constant 0 : i32
      %dma_wait3A_162 = arith.constant 0 : i32
      %dma_wait3A_163 = tpu.memref_slice %arg2[%dma_wait3A_161, %dma_wait3A_162] : memref<100000x1024xf32, #tpu.memory_space<hbm>> -> memref<100000x1024xf32, #tpu.memory_space<hbm>>
      tpu.wait_indirect_dma semaphore(%arg13 : memref<!tpu.dma_semaphore, #tpu.memory_space<semaphore_mem>>) src(%dma_wait3A_163 : memref<100000x1024xf32, #tpu.memory_space<hbm>>) dst(%arg7 : memref<16x1024xf32, #tpu.memory_space<vmem>>)
      %ge3A = arith.constant 2 : i32
      %ge3A_164 = arith.cmpi sge, %add3A_124, %ge3A : i32
      %convert_element_type3A = arith.extui %ge3A_164 : i1 to i32
      %cond3A = arith.constant 0 : i32
      %cond3A_165 = arith.cmpi ne, %convert_element_type3A, %cond3A : i32
      scf.if %cond3A_165 {
        %sub3A_1074 = arith.constant 2 : i32
        %sub3A_1075 = arith.subi %add3A_124, %sub3A_1074 : i32
        %jit3A_1076 = arith.constant 4 : i32
        %eq3A_1077 = arith.constant 0 : i32
        %eq3A_1078 = arith.cmpi eq, %jit3A_1076, %eq3A_1077 : i32
        %jit3A_1079 = arith.constant 1 : i32
        %select_n3A_1080 = arith.select %eq3A_1078, %jit3A_1079, %jit3A_1076 : i32
        %rem3A_1081 = arith.remsi %sub3A_1075, %select_n3A_1080 : i32
        %ne3A_1082 = arith.constant 0 : i32
        %ne3A_1083 = arith.cmpi ne, %rem3A_1081, %ne3A_1082 : i32
        %lt3A_1084 = arith.constant 0 : i32
        %lt3A_1085 = arith.cmpi slt, %rem3A_1081, %lt3A_1084 : i32
        %lt3A_1086 = arith.constant 0 : i32
        %lt3A_1087 = arith.cmpi slt, %select_n3A_1080, %lt3A_1086 : i32
        %ne3A_1088 = arith.xori %lt3A_1085, %lt3A_1087 : i1
        %and3A_1089 = arith.andi %ne3A_1088, %ne3A_1083 : i1
        %add3A_1090 = arith.addi %rem3A_1081, %select_n3A_1080 : i32
        %select_n3A_1091 = arith.select %and3A_1089, %add3A_1090, %rem3A_1081 : i32
        %mul3A_1092 = arith.constant 4096 : i32
        %mul3A_1093 = arith.muli %select_n3A_1091, %mul3A_1092 : i32
        %add3A_1094 = arith.addi %mul3A_1093, %mul3A_2 : i32
        %jit3A_1095 = arith.constant 4 : i32
        %div3A_1096 = arith.divsi %sub3A_1075, %jit3A_1095 : i32
        %sign3A_1097 = arith.constant 0 : i32
        %sign3A_1098 = arith.cmpi sgt, %sub3A_1075, %sign3A_1097 : i32
        %sign3A_1099 = arith.extui %sign3A_1098 : i1 to i32
        %sign3A_1100 = arith.constant 0 : i32
        %sign3A_1101 = arith.cmpi slt, %sub3A_1075, %sign3A_1100 : i32
        %sign3A_1102 = arith.extui %sign3A_1101 : i1 to i32
        %sign3A_1103 = arith.subi %sign3A_1099, %sign3A_1102 : i32
        %sign3A_1104 = arith.constant 0 : i32
        %sign3A_1105 = arith.cmpi sgt, %jit3A_1095, %sign3A_1104 : i32
        %sign3A_1106 = arith.extui %sign3A_1105 : i1 to i32
        %sign3A_1107 = arith.constant 0 : i32
        %sign3A_1108 = arith.cmpi slt, %jit3A_1095, %sign3A_1107 : i32
        %sign3A_1109 = arith.extui %sign3A_1108 : i1 to i32
        %sign3A_1110 = arith.subi %sign3A_1106, %sign3A_1109 : i32
        %ne3A_1111 = arith.cmpi ne, %sign3A_1103, %sign3A_1110 : i32
        %rem3A_1112 = arith.remsi %sub3A_1075, %jit3A_1095 : i32
        %ne3A_1113 = arith.constant 0 : i32
        %ne3A_1114 = arith.cmpi ne, %rem3A_1112, %ne3A_1113 : i32
        %and3A_1115 = arith.andi %ne3A_1111, %ne3A_1114 : i1
        %sub3A_1116 = arith.constant 1 : i32
        %sub3A_1117 = arith.subi %div3A_1096, %sub3A_1116 : i32
        %select_n3A_1118 = arith.select %and3A_1115, %sub3A_1117, %div3A_1096 : i32
        %mul3A_1119 = arith.constant 16 : i32
        %mul3A_1120 = arith.muli %select_n3A_1118, %mul3A_1119 : i32
        %add3A_1121 = arith.addi %add3A_1094, %mul3A_1120 : i32
        %dma_wait3A_1122 = arith.constant 0 : i32
        %dma_wait3A_1123 = tpu.memref_slice %arg5[%add3A_1121, %dma_wait3A_1122] : memref<16384x1024xf32, #tpu.memory_space<hbm>> -> memref<16x1024xf32, #tpu.memory_space<hbm>>
        %dma_wait3A_1124 = arith.constant 0 : i32
        %dma_wait3A_1125 = tpu.memref_slice %arg5[%add3A_1121, %dma_wait3A_1124] : memref<16384x1024xf32, #tpu.memory_space<hbm>> -> memref<16x1024xf32, #tpu.memory_space<hbm>>
        tpu.wait_dma2 semaphore(%arg19 : memref<!tpu.dma_semaphore, #tpu.memory_space<semaphore_mem>>) src(%arg9 : memref<16x1024xf32, #tpu.memory_space<vmem>>) dst(%dma_wait3A_1125 : memref<16x1024xf32, #tpu.memory_space<hbm>>)
      } else {
      }
      %add3A_166 = arith.constant 2 : i32
      %add3A_167 = arith.addi %add3A_124, %add3A_166 : i32
      %lt3A_168 = arith.constant 32 : i32
      %lt3A_169 = arith.cmpi slt, %add3A_167, %lt3A_168 : i32
      %convert_element_type3A_170 = arith.extui %lt3A_169 : i1 to i32
      %cond3A_171 = arith.constant 0 : i32
      %cond3A_172 = arith.cmpi ne, %convert_element_type3A_170, %cond3A_171 : i32
      scf.if %cond3A_172 {
        %add3A_1074 = arith.constant 2 : i32
        %add3A_1075 = arith.addi %add3A_124, %add3A_1074 : i32
        %jit3A_1076 = arith.constant 4 : i32
        %eq3A_1077 = arith.constant 0 : i32
        %eq3A_1078 = arith.cmpi eq, %jit3A_1076, %eq3A_1077 : i32
        %jit3A_1079 = arith.constant 1 : i32
        %select_n3A_1080 = arith.select %eq3A_1078, %jit3A_1079, %jit3A_1076 : i32
        %rem3A_1081 = arith.remsi %add3A_1075, %select_n3A_1080 : i32
        %ne3A_1082 = arith.constant 0 : i32
        %ne3A_1083 = arith.cmpi ne, %rem3A_1081, %ne3A_1082 : i32
        %lt3A_1084 = arith.constant 0 : i32
        %lt3A_1085 = arith.cmpi slt, %rem3A_1081, %lt3A_1084 : i32
        %lt3A_1086 = arith.constant 0 : i32
        %lt3A_1087 = arith.cmpi slt, %select_n3A_1080, %lt3A_1086 : i32
        %ne3A_1088 = arith.xori %lt3A_1085, %lt3A_1087 : i1
        %and3A_1089 = arith.andi %ne3A_1088, %ne3A_1083 : i1
        %add3A_1090 = arith.addi %rem3A_1081, %select_n3A_1080 : i32
        %select_n3A_1091 = arith.select %and3A_1089, %add3A_1090, %rem3A_1081 : i32
        %mul3A_1092 = arith.constant 128 : i32
        %mul3A_1093 = arith.muli %select_n3A_1091, %mul3A_1092 : i32
        %jit3A_1094 = arith.constant 4 : i32
        %div3A_1095 = arith.divsi %add3A_1075, %jit3A_1094 : i32
        %sign3A_1096 = arith.constant 0 : i32
        %sign3A_1097 = arith.cmpi sgt, %add3A_1075, %sign3A_1096 : i32
        %sign3A_1098 = arith.extui %sign3A_1097 : i1 to i32
        %sign3A_1099 = arith.constant 0 : i32
        %sign3A_1100 = arith.cmpi slt, %add3A_1075, %sign3A_1099 : i32
        %sign3A_1101 = arith.extui %sign3A_1100 : i1 to i32
        %sign3A_1102 = arith.subi %sign3A_1098, %sign3A_1101 : i32
        %sign3A_1103 = arith.constant 0 : i32
        %sign3A_1104 = arith.cmpi sgt, %jit3A_1094, %sign3A_1103 : i32
        %sign3A_1105 = arith.extui %sign3A_1104 : i1 to i32
        %sign3A_1106 = arith.constant 0 : i32
        %sign3A_1107 = arith.cmpi slt, %jit3A_1094, %sign3A_1106 : i32
        %sign3A_1108 = arith.extui %sign3A_1107 : i1 to i32
        %sign3A_1109 = arith.subi %sign3A_1105, %sign3A_1108 : i32
        %ne3A_1110 = arith.cmpi ne, %sign3A_1102, %sign3A_1109 : i32
        %rem3A_1111 = arith.remsi %add3A_1075, %jit3A_1094 : i32
        %ne3A_1112 = arith.constant 0 : i32
        %ne3A_1113 = arith.cmpi ne, %rem3A_1111, %ne3A_1112 : i32
        %and3A_1114 = arith.andi %ne3A_1110, %ne3A_1113 : i1
        %sub3A_1115 = arith.constant 1 : i32
        %sub3A_1116 = arith.subi %div3A_1095, %sub3A_1115 : i32
        %select_n3A_1117 = arith.select %and3A_1114, %sub3A_1116, %div3A_1095 : i32
        %mul3A_1118 = arith.constant 16 : i32
        %mul3A_1119 = arith.muli %select_n3A_1117, %mul3A_1118 : i32
        %add3A_1120 = arith.addi %mul3A_1093, %mul3A_1119 : i32
        %dma_start3A_1121 = tpu.memref_slice %arg6[%add3A_1120] : memref<512xi32, #tpu.memory_space<vmem>> -> memref<16xi32, #tpu.memory_space<vmem>>
        %dma_start3A_1122 = arith.constant 0 : i32
        %dma_start3A_1123 = arith.constant 0 : i32
        %dma_start3A_1124 = tpu.memref_slice %arg2[%dma_start3A_1122, %dma_start3A_1123] : memref<100000x1024xf32, #tpu.memory_space<hbm>> -> memref<100000x1024xf32, #tpu.memory_space<hbm>>
        tpu.enqueue_indirect_dma source(%dma_start3A_1124 : memref<100000x1024xf32, #tpu.memory_space<hbm>>) target(%arg9 : memref<16x1024xf32, #tpu.memory_space<vmem>>) offsets(%dma_start3A_1121 : memref<16xi32, #tpu.memory_space<vmem>>) semaphore(%arg15 : memref<!tpu.dma_semaphore, #tpu.memory_space<semaphore_mem>>)
      } else {
      }
      %parallel_loop3A = arith.constant 0 : i32
      %parallel_loop3A_173 = arith.constant 16384 : i32
      %parallel_loop3A_174 = arith.constant 64 : i32
      scf.for %parallel_loop3A_1074 = %parallel_loop3A to %parallel_loop3A_173 step %parallel_loop3A_174  : i32 {
        %parallel_loop3A_1075 = arith.constant 1024 : i32
        %parallel_loop3A_1076 = arith.divsi %parallel_loop3A_1074, %parallel_loop3A_1075 : i32
        %parallel_loop3A_1077 = arith.constant 0 : i32
        %parallel_loop3A_1078 = arith.cmpi sgt, %parallel_loop3A_1074, %parallel_loop3A_1077 : i32
        %parallel_loop3A_1079 = arith.extui %parallel_loop3A_1078 : i1 to i32
        %parallel_loop3A_1080 = arith.constant 0 : i32
        %parallel_loop3A_1081 = arith.cmpi slt, %parallel_loop3A_1074, %parallel_loop3A_1080 : i32
        %parallel_loop3A_1082 = arith.extui %parallel_loop3A_1081 : i1 to i32
        %parallel_loop3A_1083 = arith.subi %parallel_loop3A_1079, %parallel_loop3A_1082 : i32
        %parallel_loop3A_1084 = arith.constant 0 : i32
        %parallel_loop3A_1085 = arith.cmpi sgt, %parallel_loop3A_1075, %parallel_loop3A_1084 : i32
        %parallel_loop3A_1086 = arith.extui %parallel_loop3A_1085 : i1 to i32
        %parallel_loop3A_1087 = arith.constant 0 : i32
        %parallel_loop3A_1088 = arith.cmpi slt, %parallel_loop3A_1075, %parallel_loop3A_1087 : i32
        %parallel_loop3A_1089 = arith.extui %parallel_loop3A_1088 : i1 to i32
        %parallel_loop3A_1090 = arith.subi %parallel_loop3A_1086, %parallel_loop3A_1089 : i32
        %parallel_loop3A_1091 = arith.cmpi ne, %parallel_loop3A_1083, %parallel_loop3A_1090 : i32
        %parallel_loop3A_1092 = arith.remsi %parallel_loop3A_1074, %parallel_loop3A_1075 : i32
        %parallel_loop3A_1093 = arith.constant 0 : i32
        %parallel_loop3A_1094 = arith.cmpi ne, %parallel_loop3A_1092, %parallel_loop3A_1093 : i32
        %parallel_loop3A_1095 = arith.andi %parallel_loop3A_1091, %parallel_loop3A_1094 : i1
        %parallel_loop3A_1096 = arith.constant 1 : i32
        %parallel_loop3A_1097 = arith.subi %parallel_loop3A_1076, %parallel_loop3A_1096 : i32
        %parallel_loop3A_1098 = arith.select %parallel_loop3A_1095, %parallel_loop3A_1097, %parallel_loop3A_1076 : i32
        %parallel_loop3A_1099 = arith.constant 1024 : i32
        %parallel_loop3A_1100 = arith.constant 0 : i32
        %parallel_loop3A_1101 = arith.cmpi eq, %parallel_loop3A_1099, %parallel_loop3A_1100 : i32
        %parallel_loop3A_1102 = arith.constant 1 : i32
        %parallel_loop3A_1103 = arith.select %parallel_loop3A_1101, %parallel_loop3A_1102, %parallel_loop3A_1099 : i32
        %parallel_loop3A_1104 = arith.remsi %parallel_loop3A_1074, %parallel_loop3A_1103 : i32
        %parallel_loop3A_1105 = arith.constant 0 : i32
        %parallel_loop3A_1106 = arith.cmpi ne, %parallel_loop3A_1104, %parallel_loop3A_1105 : i32
        %parallel_loop3A_1107 = arith.constant 0 : i32
        %parallel_loop3A_1108 = arith.cmpi slt, %parallel_loop3A_1104, %parallel_loop3A_1107 : i32
        %parallel_loop3A_1109 = arith.constant 0 : i32
        %parallel_loop3A_1110 = arith.cmpi slt, %parallel_loop3A_1103, %parallel_loop3A_1109 : i32
        %parallel_loop3A_1111 = arith.xori %parallel_loop3A_1108, %parallel_loop3A_1110 : i1
        %parallel_loop3A_1112 = arith.andi %parallel_loop3A_1111, %parallel_loop3A_1106 : i1
        %parallel_loop3A_1113 = arith.addi %parallel_loop3A_1104, %parallel_loop3A_1103 : i32
        %parallel_loop3A_1114 = arith.select %parallel_loop3A_1112, %parallel_loop3A_1113, %parallel_loop3A_1104 : i32
        %parallel_loop3A_1115 = arith.constant 0 : i32
        %parallel_loop3A_1116 = arith.addi %parallel_loop3A_1114, %parallel_loop3A_1115 : i32
        %parallel_loop3A_1117 = arith.index_cast %parallel_loop3A_1098 : i32 to index
        %parallel_loop3A_1118 = arith.index_cast %parallel_loop3A_1116 : i32 to index
        %parallel_loop3A_1119 = tpu.vector_load %arg11[%parallel_loop3A_1117, %parallel_loop3A_1118] {strides = array<i32>} : memref<16x1024xf32, #tpu.memory_space<vmem>>, vector<1x16xf32>,
        %parallel_loop3A_1120 = vector.shape_cast %parallel_loop3A_1119 : vector<1x16xf32> to vector<16xf32>
        %parallel_loop3A_1121 = arith.index_cast %parallel_loop3A_1098 : i32 to index
        %parallel_loop3A_1122 = arith.index_cast %parallel_loop3A_1116 : i32 to index
        %parallel_loop3A_1123 = tpu.vector_load %arg7[%parallel_loop3A_1121, %parallel_loop3A_1122] {strides = array<i32>} : memref<16x1024xf32, #tpu.memory_space<vmem>>, vector<1x16xf32>,
        %parallel_loop3A_1124 = vector.shape_cast %parallel_loop3A_1123 : vector<1x16xf32> to vector<16xf32>
        %parallel_loop3A_1125 = vector.shape_cast %parallel_loop3A_1120 : vector<16xf32> to vector<1x16xf32>
        tpu.vector_store %arg7[%parallel_loop3A_1121, %parallel_loop3A_1122], %parallel_loop3A_1125 {add = true, strides = array<i32>} : memref<16x1024xf32, #tpu.memory_space<vmem>>, vector<1x16xf32>,
        %parallel_loop3A_1126 = arith.constant 1024 : i32
        %parallel_loop3A_1127 = arith.constant 0 : i32
        %parallel_loop3A_1128 = arith.cmpi eq, %parallel_loop3A_1126, %parallel_loop3A_1127 : i32
        %parallel_loop3A_1129 = arith.constant 1 : i32
        %parallel_loop3A_1130 = arith.select %parallel_loop3A_1128, %parallel_loop3A_1129, %parallel_loop3A_1126 : i32
        %parallel_loop3A_1131 = arith.remsi %parallel_loop3A_1074, %parallel_loop3A_1130 : i32
        %parallel_loop3A_1132 = arith.constant 0 : i32
        %parallel_loop3A_1133 = arith.cmpi ne, %parallel_loop3A_1131, %parallel_loop3A_1132 : i32
        %parallel_loop3A_1134 = arith.constant 0 : i32
        %parallel_loop3A_1135 = arith.cmpi slt, %parallel_loop3A_1131, %parallel_loop3A_1134 : i32
        %parallel_loop3A_1136 = arith.constant 0 : i32
        %parallel_loop3A_1137 = arith.cmpi slt, %parallel_loop3A_1130, %parallel_loop3A_1136 : i32
        %parallel_loop3A_1138 = arith.xori %parallel_loop3A_1135, %parallel_loop3A_1137 : i1
        %parallel_loop3A_1139 = arith.andi %parallel_loop3A_1138, %parallel_loop3A_1133 : i1
        %parallel_loop3A_1140 = arith.addi %parallel_loop3A_1131, %parallel_loop3A_1130 : i32
        %parallel_loop3A_1141 = arith.select %parallel_loop3A_1139, %parallel_loop3A_1140, %parallel_loop3A_1131 : i32
        %parallel_loop3A_1142 = arith.constant 16 : i32
        %parallel_loop3A_1143 = arith.addi %parallel_loop3A_1141, %parallel_loop3A_1142 : i32
        %parallel_loop3A_1144 = arith.index_cast %parallel_loop3A_1098 : i32 to index
        %parallel_loop3A_1145 = arith.index_cast %parallel_loop3A_1143 : i32 to index
        %parallel_loop3A_1146 = tpu.vector_load %arg11[%parallel_loop3A_1144, %parallel_loop3A_1145] {strides = array<i32>} : memref<16x1024xf32, #tpu.memory_space<vmem>>, vector<1x16xf32>,
        %parallel_loop3A_1147 = vector.shape_cast %parallel_loop3A_1146 : vector<1x16xf32> to vector<16xf32>
        %parallel_loop3A_1148 = arith.index_cast %parallel_loop3A_1098 : i32 to index
        %parallel_loop3A_1149 = arith.index_cast %parallel_loop3A_1143 : i32 to index
        %parallel_loop3A_1150 = tpu.vector_load %arg7[%parallel_loop3A_1148, %parallel_loop3A_1149] {strides = array<i32>} : memref<16x1024xf32, #tpu.memory_space<vmem>>, vector<1x16xf32>,
        %parallel_loop3A_1151 = vector.shape_cast %parallel_loop3A_1150 : vector<1x16xf32> to vector<16xf32>
        %parallel_loop3A_1152 = vector.shape_cast %parallel_loop3A_1147 : vector<16xf32> to vector<1x16xf32>
        tpu.vector_store %arg7[%parallel_loop3A_1148, %parallel_loop3A_1149], %parallel_loop3A_1152 {add = true, strides = array<i32>} : memref<16x1024xf32, #tpu.memory_space<vmem>>, vector<1x16xf32>,
        %parallel_loop3A_1153 = arith.constant 1024 : i32
        %parallel_loop3A_1154 = arith.constant 0 : i32
        %parallel_loop3A_1155 = arith.cmpi eq, %parallel_loop3A_1153, %parallel_loop3A_1154 : i32
        %parallel_loop3A_1156 = arith.constant 1 : i32
        %parallel_loop3A_1157 = arith.select %parallel_loop3A_1155, %parallel_loop3A_1156, %parallel_loop3A_1153 : i32
        %parallel_loop3A_1158 = arith.remsi %parallel_loop3A_1074, %parallel_loop3A_1157 : i32
        %parallel_loop3A_1159 = arith.constant 0 : i32
        %parallel_loop3A_1160 = arith.cmpi ne, %parallel_loop3A_1158, %parallel_loop3A_1159 : i32
        %parallel_loop3A_1161 = arith.constant 0 : i32
        %parallel_loop3A_1162 = arith.cmpi slt, %parallel_loop3A_1158, %parallel_loop3A_1161 : i32
        %parallel_loop3A_1163 = arith.constant 0 : i32
        %parallel_loop3A_1164 = arith.cmpi slt, %parallel_loop3A_1157, %parallel_loop3A_1163 : i32
        %parallel_loop3A_1165 = arith.xori %parallel_loop3A_1162, %parallel_loop3A_1164 : i1
        %parallel_loop3A_1166 = arith.andi %parallel_loop3A_1165, %parallel_loop3A_1160 : i1
        %parallel_loop3A_1167 = arith.addi %parallel_loop3A_1158, %parallel_loop3A_1157 : i32
        %parallel_loop3A_1168 = arith.select %parallel_loop3A_1166, %parallel_loop3A_1167, %parallel_loop3A_1158 : i32
        %parallel_loop3A_1169 = arith.constant 32 : i32
        %parallel_loop3A_1170 = arith.addi %parallel_loop3A_1168, %parallel_loop3A_1169 : i32
        %parallel_loop3A_1171 = arith.index_cast %parallel_loop3A_1098 : i32 to index
        %parallel_loop3A_1172 = arith.index_cast %parallel_loop3A_1170 : i32 to index
        %parallel_loop3A_1173 = tpu.vector_load %arg11[%parallel_loop3A_1171, %parallel_loop3A_1172] {strides = array<i32>} : memref<16x1024xf32, #tpu.memory_space<vmem>>, vector<1x16xf32>,
        %parallel_loop3A_1174 = vector.shape_cast %parallel_loop3A_1173 : vector<1x16xf32> to vector<16xf32>
        %parallel_loop3A_1175 = arith.index_cast %parallel_loop3A_1098 : i32 to index
        %parallel_loop3A_1176 = arith.index_cast %parallel_loop3A_1170 : i32 to index
        %parallel_loop3A_1177 = tpu.vector_load %arg7[%parallel_loop3A_1175, %parallel_loop3A_1176] {strides = array<i32>} : memref<16x1024xf32, #tpu.memory_space<vmem>>, vector<1x16xf32>,
        %parallel_loop3A_1178 = vector.shape_cast %parallel_loop3A_1177 : vector<1x16xf32> to vector<16xf32>
        %parallel_loop3A_1179 = vector.shape_cast %parallel_loop3A_1174 : vector<16xf32> to vector<1x16xf32>
        tpu.vector_store %arg7[%parallel_loop3A_1175, %parallel_loop3A_1176], %parallel_loop3A_1179 {add = true, strides = array<i32>} : memref<16x1024xf32, #tpu.memory_space<vmem>>, vector<1x16xf32>,
        %parallel_loop3A_1180 = arith.constant 1024 : i32
        %parallel_loop3A_1181 = arith.constant 0 : i32
        %parallel_loop3A_1182 = arith.cmpi eq, %parallel_loop3A_1180, %parallel_loop3A_1181 : i32
        %parallel_loop3A_1183 = arith.constant 1 : i32
        %parallel_loop3A_1184 = arith.select %parallel_loop3A_1182, %parallel_loop3A_1183, %parallel_loop3A_1180 : i32
        %parallel_loop3A_1185 = arith.remsi %parallel_loop3A_1074, %parallel_loop3A_1184 : i32
        %parallel_loop3A_1186 = arith.constant 0 : i32
        %parallel_loop3A_1187 = arith.cmpi ne, %parallel_loop3A_1185, %parallel_loop3A_1186 : i32
        %parallel_loop3A_1188 = arith.constant 0 : i32
        %parallel_loop3A_1189 = arith.cmpi slt, %parallel_loop3A_1185, %parallel_loop3A_1188 : i32
        %parallel_loop3A_1190 = arith.constant 0 : i32
        %parallel_loop3A_1191 = arith.cmpi slt, %parallel_loop3A_1184, %parallel_loop3A_1190 : i32
        %parallel_loop3A_1192 = arith.xori %parallel_loop3A_1189, %parallel_loop3A_1191 : i1
        %parallel_loop3A_1193 = arith.andi %parallel_loop3A_1192, %parallel_loop3A_1187 : i1
        %parallel_loop3A_1194 = arith.addi %parallel_loop3A_1185, %parallel_loop3A_1184 : i32
        %parallel_loop3A_1195 = arith.select %parallel_loop3A_1193, %parallel_loop3A_1194, %parallel_loop3A_1185 : i32
        %parallel_loop3A_1196 = arith.constant 48 : i32
        %parallel_loop3A_1197 = arith.addi %parallel_loop3A_1195, %parallel_loop3A_1196 : i32
        %parallel_loop3A_1198 = arith.index_cast %parallel_loop3A_1098 : i32 to index
        %parallel_loop3A_1199 = arith.index_cast %parallel_loop3A_1197 : i32 to index
        %parallel_loop3A_1200 = tpu.vector_load %arg11[%parallel_loop3A_1198, %parallel_loop3A_1199] {strides = array<i32>} : memref<16x1024xf32, #tpu.memory_space<vmem>>, vector<1x16xf32>,
        %parallel_loop3A_1201 = vector.shape_cast %parallel_loop3A_1200 : vector<1x16xf32> to vector<16xf32>
        %parallel_loop3A_1202 = arith.index_cast %parallel_loop3A_1098 : i32 to index
        %parallel_loop3A_1203 = arith.index_cast %parallel_loop3A_1197 : i32 to index
        %parallel_loop3A_1204 = tpu.vector_load %arg7[%parallel_loop3A_1202, %parallel_loop3A_1203] {strides = array<i32>} : memref<16x1024xf32, #tpu.memory_space<vmem>>, vector<1x16xf32>,
        %parallel_loop3A_1205 = vector.shape_cast %parallel_loop3A_1204 : vector<1x16xf32> to vector<16xf32>
        %parallel_loop3A_1206 = vector.shape_cast %parallel_loop3A_1201 : vector<16xf32> to vector<1x16xf32>
        tpu.vector_store %arg7[%parallel_loop3A_1202, %parallel_loop3A_1203], %parallel_loop3A_1206 {add = true, strides = array<i32>} : memref<16x1024xf32, #tpu.memory_space<vmem>>, vector<1x16xf32>,
      } {sc.loop_unroll_factor = 4 : i64, sc.parallel_access}
      %jit3A_175 = arith.constant 4 : i32
      %eq3A_176 = arith.constant 0 : i32
      %eq3A_177 = arith.cmpi eq, %jit3A_175, %eq3A_176 : i32
      %jit3A_178 = arith.constant 1 : i32
      %select_n3A_179 = arith.select %eq3A_177, %jit3A_178, %jit3A_175 : i32
      %rem3A_180 = arith.remsi %add3A_124, %select_n3A_179 : i32
      %ne3A_181 = arith.constant 0 : i32
      %ne3A_182 = arith.cmpi ne, %rem3A_180, %ne3A_181 : i32
      %lt3A_183 = arith.constant 0 : i32
      %lt3A_184 = arith.cmpi slt, %rem3A_180, %lt3A_183 : i32
      %lt3A_185 = arith.constant 0 : i32
      %lt3A_186 = arith.cmpi slt, %select_n3A_179, %lt3A_185 : i32
      %ne3A_187 = arith.xori %lt3A_184, %lt3A_186 : i1
      %and3A_188 = arith.andi %ne3A_187, %ne3A_182 : i1
      %add3A_189 = arith.addi %rem3A_180, %select_n3A_179 : i32
      %select_n3A_190 = arith.select %and3A_188, %add3A_189, %rem3A_180 : i32
      %mul3A_191 = arith.constant 4096 : i32
      %mul3A_192 = arith.muli %select_n3A_190, %mul3A_191 : i32
      %add3A_193 = arith.addi %mul3A_192, %mul3A_2 : i32
      %jit3A_194 = arith.constant 4 : i32
      %div3A_195 = arith.divsi %add3A_124, %jit3A_194 : i32
      %sign3A_196 = arith.constant 0 : i32
      %sign3A_197 = arith.cmpi sgt, %add3A_124, %sign3A_196 : i32
      %sign3A_198 = arith.extui %sign3A_197 : i1 to i32
      %sign3A_199 = arith.constant 0 : i32
      %sign3A_200 = arith.cmpi slt, %add3A_124, %sign3A_199 : i32
      %sign3A_201 = arith.extui %sign3A_200 : i1 to i32
      %sign3A_202 = arith.subi %sign3A_198, %sign3A_201 : i32
      %sign3A_203 = arith.constant 0 : i32
      %sign3A_204 = arith.cmpi sgt, %jit3A_194, %sign3A_203 : i32
      %sign3A_205 = arith.extui %sign3A_204 : i1 to i32
      %sign3A_206 = arith.constant 0 : i32
      %sign3A_207 = arith.cmpi slt, %jit3A_194, %sign3A_206 : i32
      %sign3A_208 = arith.extui %sign3A_207 : i1 to i32
      %sign3A_209 = arith.subi %sign3A_205, %sign3A_208 : i32
      %ne3A_210 = arith.cmpi ne, %sign3A_202, %sign3A_209 : i32
      %rem3A_211 = arith.remsi %add3A_124, %jit3A_194 : i32
      %ne3A_212 = arith.constant 0 : i32
      %ne3A_213 = arith.cmpi ne, %rem3A_211, %ne3A_212 : i32
      %and3A_214 = arith.andi %ne3A_210, %ne3A_213 : i1
      %sub3A_215 = arith.constant 1 : i32
      %sub3A_216 = arith.subi %div3A_195, %sub3A_215 : i32
      %select_n3A_217 = arith.select %and3A_214, %sub3A_216, %div3A_195 : i32
      %mul3A_218 = arith.constant 16 : i32
      %mul3A_219 = arith.muli %select_n3A_217, %mul3A_218 : i32
      %add3A_220 = arith.addi %add3A_193, %mul3A_219 : i32
      %dma_start3A_221 = arith.constant 0 : i32
      %dma_start3A_222 = tpu.memref_slice %arg5[%add3A_220, %dma_start3A_221] : memref<16384x1024xf32, #tpu.memory_space<hbm>> -> memref<16x1024xf32, #tpu.memory_space<hbm>>
      %dma_start3A_223 = arith.constant 0 : i32
      %dma_start3A_224 = tpu.memref_slice %arg5[%add3A_220, %dma_start3A_223] : memref<16384x1024xf32, #tpu.memory_space<hbm>> -> memref<16x1024xf32, #tpu.memory_space<hbm>>
      tpu.enqueue_dma source(%arg7 : memref<16x1024xf32, #tpu.memory_space<vmem>>) target(%dma_start3A_224 : memref<16x1024xf32, #tpu.memory_space<hbm>>) target_semaphore(%arg17 : memref<!tpu.dma_semaphore, #tpu.memory_space<semaphore_mem>>)
      %mul3A_225 = arith.constant 4 : i32
      %mul3A_226 = arith.muli %add3A_113, %mul3A_225 : i32
      %add3A_227 = arith.constant 1 : i32
      %add3A_228 = arith.addi %mul3A_226, %add3A_227 : i32
      %jit3A_229 = arith.constant 4 : i32
      %eq3A_230 = arith.constant 0 : i32
      %eq3A_231 = arith.cmpi eq, %jit3A_229, %eq3A_230 : i32
      %jit3A_232 = arith.constant 1 : i32
      %select_n3A_233 = arith.select %eq3A_231, %jit3A_232, %jit3A_229 : i32
      %rem3A_234 = arith.remsi %add3A_228, %select_n3A_233 : i32
      %ne3A_235 = arith.constant 0 : i32
      %ne3A_236 = arith.cmpi ne, %rem3A_234, %ne3A_235 : i32
      %lt3A_237 = arith.constant 0 : i32
      %lt3A_238 = arith.cmpi slt, %rem3A_234, %lt3A_237 : i32
      %lt3A_239 = arith.constant 0 : i32
      %lt3A_240 = arith.cmpi slt, %select_n3A_233, %lt3A_239 : i32
      %ne3A_241 = arith.xori %lt3A_238, %lt3A_240 : i1
      %and3A_242 = arith.andi %ne3A_241, %ne3A_236 : i1
      %add3A_243 = arith.addi %rem3A_234, %select_n3A_233 : i32
      %select_n3A_244 = arith.select %and3A_242, %add3A_243, %rem3A_234 : i32
      %mul3A_245 = arith.constant 128 : i32
      %mul3A_246 = arith.muli %select_n3A_244, %mul3A_245 : i32
      %jit3A_247 = arith.constant 4 : i32
      %div3A_248 = arith.divsi %add3A_228, %jit3A_247 : i32
      %sign3A_249 = arith.constant 0 : i32
      %sign3A_250 = arith.cmpi sgt, %add3A_228, %sign3A_249 : i32
      %sign3A_251 = arith.extui %sign3A_250 : i1 to i32
      %sign3A_252 = arith.constant 0 : i32
      %sign3A_253 = arith.cmpi slt, %add3A_228, %sign3A_252 : i32
      %sign3A_254 = arith.extui %sign3A_253 : i1 to i32
      %sign3A_255 = arith.subi %sign3A_251, %sign3A_254 : i32
      %sign3A_256 = arith.constant 0 : i32
      %sign3A_257 = arith.cmpi sgt, %jit3A_247, %sign3A_256 : i32
      %sign3A_258 = arith.extui %sign3A_257 : i1 to i32
      %sign3A_259 = arith.constant 0 : i32
      %sign3A_260 = arith.cmpi slt, %jit3A_247, %sign3A_259 : i32
      %sign3A_261 = arith.extui %sign3A_260 : i1 to i32
      %sign3A_262 = arith.subi %sign3A_258, %sign3A_261 : i32
      %ne3A_263 = arith.cmpi ne, %sign3A_255, %sign3A_262 : i32
      %rem3A_264 = arith.remsi %add3A_228, %jit3A_247 : i32
      %ne3A_265 = arith.constant 0 : i32
      %ne3A_266 = arith.cmpi ne, %rem3A_264, %ne3A_265 : i32
      %and3A_267 = arith.andi %ne3A_263, %ne3A_266 : i1
      %sub3A_268 = arith.constant 1 : i32
      %sub3A_269 = arith.subi %div3A_248, %sub3A_268 : i32
      %select_n3A_270 = arith.select %and3A_267, %sub3A_269, %div3A_248 : i32
      %mul3A_271 = arith.constant 16 : i32
      %mul3A_272 = arith.muli %select_n3A_270, %mul3A_271 : i32
      %add3A_273 = arith.addi %mul3A_246, %mul3A_272 : i32
      %dma_wait3A_274 = tpu.memref_slice %arg6[%add3A_273] : memref<512xi32, #tpu.memory_space<vmem>> -> memref<16xi32, #tpu.memory_space<vmem>>
      %dma_wait3A_275 = arith.constant 0 : i32
      %dma_wait3A_276 = arith.constant 0 : i32
      %dma_wait3A_277 = tpu.memref_slice %arg2[%dma_wait3A_275, %dma_wait3A_276] : memref<100000x1024xf32, #tpu.memory_space<hbm>> -> memref<100000x1024xf32, #tpu.memory_space<hbm>>
      tpu.wait_indirect_dma semaphore(%arg14 : memref<!tpu.dma_semaphore, #tpu.memory_space<semaphore_mem>>) src(%dma_wait3A_277 : memref<100000x1024xf32, #tpu.memory_space<hbm>>) dst(%arg8 : memref<16x1024xf32, #tpu.memory_space<vmem>>)
      %ge3A_278 = arith.constant 2 : i32
      %ge3A_279 = arith.cmpi sge, %add3A_228, %ge3A_278 : i32
      %convert_element_type3A_280 = arith.extui %ge3A_279 : i1 to i32
      %cond3A_281 = arith.constant 0 : i32
      %cond3A_282 = arith.cmpi ne, %convert_element_type3A_280, %cond3A_281 : i32
      scf.if %cond3A_282 {
        %sub3A_1074 = arith.constant 2 : i32
        %sub3A_1075 = arith.subi %add3A_228, %sub3A_1074 : i32
        %jit3A_1076 = arith.constant 4 : i32
        %eq3A_1077 = arith.constant 0 : i32
        %eq3A_1078 = arith.cmpi eq, %jit3A_1076, %eq3A_1077 : i32
        %jit3A_1079 = arith.constant 1 : i32
        %select_n3A_1080 = arith.select %eq3A_1078, %jit3A_1079, %jit3A_1076 : i32
        %rem3A_1081 = arith.remsi %sub3A_1075, %select_n3A_1080 : i32
        %ne3A_1082 = arith.constant 0 : i32
        %ne3A_1083 = arith.cmpi ne, %rem3A_1081, %ne3A_1082 : i32
        %lt3A_1084 = arith.constant 0 : i32
        %lt3A_1085 = arith.cmpi slt, %rem3A_1081, %lt3A_1084 : i32
        %lt3A_1086 = arith.constant 0 : i32
        %lt3A_1087 = arith.cmpi slt, %select_n3A_1080, %lt3A_1086 : i32
        %ne3A_1088 = arith.xori %lt3A_1085, %lt3A_1087 : i1
        %and3A_1089 = arith.andi %ne3A_1088, %ne3A_1083 : i1
        %add3A_1090 = arith.addi %rem3A_1081, %select_n3A_1080 : i32
        %select_n3A_1091 = arith.select %and3A_1089, %add3A_1090, %rem3A_1081 : i32
        %mul3A_1092 = arith.constant 4096 : i32
        %mul3A_1093 = arith.muli %select_n3A_1091, %mul3A_1092 : i32
        %add3A_1094 = arith.addi %mul3A_1093, %mul3A_2 : i32
        %jit3A_1095 = arith.constant 4 : i32
        %div3A_1096 = arith.divsi %sub3A_1075, %jit3A_1095 : i32
        %sign3A_1097 = arith.constant 0 : i32
        %sign3A_1098 = arith.cmpi sgt, %sub3A_1075, %sign3A_1097 : i32
        %sign3A_1099 = arith.extui %sign3A_1098 : i1 to i32
        %sign3A_1100 = arith.constant 0 : i32
        %sign3A_1101 = arith.cmpi slt, %sub3A_1075, %sign3A_1100 : i32
        %sign3A_1102 = arith.extui %sign3A_1101 : i1 to i32
        %sign3A_1103 = arith.subi %sign3A_1099, %sign3A_1102 : i32
        %sign3A_1104 = arith.constant 0 : i32
        %sign3A_1105 = arith.cmpi sgt, %jit3A_1095, %sign3A_1104 : i32
        %sign3A_1106 = arith.extui %sign3A_1105 : i1 to i32
        %sign3A_1107 = arith.constant 0 : i32
        %sign3A_1108 = arith.cmpi slt, %jit3A_1095, %sign3A_1107 : i32
        %sign3A_1109 = arith.extui %sign3A_1108 : i1 to i32
        %sign3A_1110 = arith.subi %sign3A_1106, %sign3A_1109 : i32
        %ne3A_1111 = arith.cmpi ne, %sign3A_1103, %sign3A_1110 : i32
        %rem3A_1112 = arith.remsi %sub3A_1075, %jit3A_1095 : i32
        %ne3A_1113 = arith.constant 0 : i32
        %ne3A_1114 = arith.cmpi ne, %rem3A_1112, %ne3A_1113 : i32
        %and3A_1115 = arith.andi %ne3A_1111, %ne3A_1114 : i1
        %sub3A_1116 = arith.constant 1 : i32
        %sub3A_1117 = arith.subi %div3A_1096, %sub3A_1116 : i32
        %select_n3A_1118 = arith.select %and3A_1115, %sub3A_1117, %div3A_1096 : i32
        %mul3A_1119 = arith.constant 16 : i32
        %mul3A_1120 = arith.muli %select_n3A_1118, %mul3A_1119 : i32
        %add3A_1121 = arith.addi %add3A_1094, %mul3A_1120 : i32
        %dma_wait3A_1122 = arith.constant 0 : i32
        %dma_wait3A_1123 = tpu.memref_slice %arg5[%add3A_1121, %dma_wait3A_1122] : memref<16384x1024xf32, #tpu.memory_space<hbm>> -> memref<16x1024xf32, #tpu.memory_space<hbm>>
        %dma_wait3A_1124 = arith.constant 0 : i32
        %dma_wait3A_1125 = tpu.memref_slice %arg5[%add3A_1121, %dma_wait3A_1124] : memref<16384x1024xf32, #tpu.memory_space<hbm>> -> memref<16x1024xf32, #tpu.memory_space<hbm>>
        tpu.wait_dma2 semaphore(%arg20 : memref<!tpu.dma_semaphore, #tpu.memory_space<semaphore_mem>>) src(%arg10 : memref<16x1024xf32, #tpu.memory_space<vmem>>) dst(%dma_wait3A_1125 : memref<16x1024xf32, #tpu.memory_space<hbm>>)
      } else {
      }
      %add3A_283 = arith.constant 2 : i32
      %add3A_284 = arith.addi %add3A_228, %add3A_283 : i32
      %lt3A_285 = arith.constant 32 : i32
      %lt3A_286 = arith.cmpi slt, %add3A_284, %lt3A_285 : i32
      %convert_element_type3A_287 = arith.extui %lt3A_286 : i1 to i32
      %cond3A_288 = arith.constant 0 : i32
      %cond3A_289 = arith.cmpi ne, %convert_element_type3A_287, %cond3A_288 : i32
      scf.if %cond3A_289 {
        %add3A_1074 = arith.constant 2 : i32
        %add3A_1075 = arith.addi %add3A_228, %add3A_1074 : i32
        %jit3A_1076 = arith.constant 4 : i32
        %eq3A_1077 = arith.constant 0 : i32
        %eq3A_1078 = arith.cmpi eq, %jit3A_1076, %eq3A_1077 : i32
        %jit3A_1079 = arith.constant 1 : i32
        %select_n3A_1080 = arith.select %eq3A_1078, %jit3A_1079, %jit3A_1076 : i32
        %rem3A_1081 = arith.remsi %add3A_1075, %select_n3A_1080 : i32
        %ne3A_1082 = arith.constant 0 : i32
        %ne3A_1083 = arith.cmpi ne, %rem3A_1081, %ne3A_1082 : i32
        %lt3A_1084 = arith.constant 0 : i32
        %lt3A_1085 = arith.cmpi slt, %rem3A_1081, %lt3A_1084 : i32
        %lt3A_1086 = arith.constant 0 : i32
        %lt3A_1087 = arith.cmpi slt, %select_n3A_1080, %lt3A_1086 : i32
        %ne3A_1088 = arith.xori %lt3A_1085, %lt3A_1087 : i1
        %and3A_1089 = arith.andi %ne3A_1088, %ne3A_1083 : i1
        %add3A_1090 = arith.addi %rem3A_1081, %select_n3A_1080 : i32
        %select_n3A_1091 = arith.select %and3A_1089, %add3A_1090, %rem3A_1081 : i32
        %mul3A_1092 = arith.constant 128 : i32
        %mul3A_1093 = arith.muli %select_n3A_1091, %mul3A_1092 : i32
        %jit3A_1094 = arith.constant 4 : i32
        %div3A_1095 = arith.divsi %add3A_1075, %jit3A_1094 : i32
        %sign3A_1096 = arith.constant 0 : i32
        %sign3A_1097 = arith.cmpi sgt, %add3A_1075, %sign3A_1096 : i32
        %sign3A_1098 = arith.extui %sign3A_1097 : i1 to i32
        %sign3A_1099 = arith.constant 0 : i32
        %sign3A_1100 = arith.cmpi slt, %add3A_1075, %sign3A_1099 : i32
        %sign3A_1101 = arith.extui %sign3A_1100 : i1 to i32
        %sign3A_1102 = arith.subi %sign3A_1098, %sign3A_1101 : i32
        %sign3A_1103 = arith.constant 0 : i32
        %sign3A_1104 = arith.cmpi sgt, %jit3A_1094, %sign3A_1103 : i32
        %sign3A_1105 = arith.extui %sign3A_1104 : i1 to i32
        %sign3A_1106 = arith.constant 0 : i32
        %sign3A_1107 = arith.cmpi slt, %jit3A_1094, %sign3A_1106 : i32
        %sign3A_1108 = arith.extui %sign3A_1107 : i1 to i32
        %sign3A_1109 = arith.subi %sign3A_1105, %sign3A_1108 : i32
        %ne3A_1110 = arith.cmpi ne, %sign3A_1102, %sign3A_1109 : i32
        %rem3A_1111 = arith.remsi %add3A_1075, %jit3A_1094 : i32
        %ne3A_1112 = arith.constant 0 : i32
        %ne3A_1113 = arith.cmpi ne, %rem3A_1111, %ne3A_1112 : i32
        %and3A_1114 = arith.andi %ne3A_1110, %ne3A_1113 : i1
        %sub3A_1115 = arith.constant 1 : i32
        %sub3A_1116 = arith.subi %div3A_1095, %sub3A_1115 : i32
        %select_n3A_1117 = arith.select %and3A_1114, %sub3A_1116, %div3A_1095 : i32
        %mul3A_1118 = arith.constant 16 : i32
        %mul3A_1119 = arith.muli %select_n3A_1117, %mul3A_1118 : i32
        %add3A_1120 = arith.addi %mul3A_1093, %mul3A_1119 : i32
        %dma_start3A_1121 = tpu.memref_slice %arg6[%add3A_1120] : memref<512xi32, #tpu.memory_space<vmem>> -> memref<16xi32, #tpu.memory_space<vmem>>
        %dma_start3A_1122 = arith.constant 0 : i32
        %dma_start3A_1123 = arith.constant 0 : i32
        %dma_start3A_1124 = tpu.memref_slice %arg2[%dma_start3A_1122, %dma_start3A_1123] : memref<100000x1024xf32, #tpu.memory_space<hbm>> -> memref<100000x1024xf32, #tpu.memory_space<hbm>>
        tpu.enqueue_indirect_dma source(%dma_start3A_1124 : memref<100000x1024xf32, #tpu.memory_space<hbm>>) target(%arg10 : memref<16x1024xf32, #tpu.memory_space<vmem>>) offsets(%dma_start3A_1121 : memref<16xi32, #tpu.memory_space<vmem>>) semaphore(%arg16 : memref<!tpu.dma_semaphore, #tpu.memory_space<semaphore_mem>>)
      } else {
      }
      %parallel_loop3A_290 = arith.constant 0 : i32
      %parallel_loop3A_291 = arith.constant 16384 : i32
      %parallel_loop3A_292 = arith.constant 64 : i32
      scf.for %parallel_loop3A_1074 = %parallel_loop3A_290 to %parallel_loop3A_291 step %parallel_loop3A_292  : i32 {
        %parallel_loop3A_1075 = arith.constant 1024 : i32
        %parallel_loop3A_1076 = arith.divsi %parallel_loop3A_1074, %parallel_loop3A_1075 : i32
        %parallel_loop3A_1077 = arith.constant 0 : i32
        %parallel_loop3A_1078 = arith.cmpi sgt, %parallel_loop3A_1074, %parallel_loop3A_1077 : i32
        %parallel_loop3A_1079 = arith.extui %parallel_loop3A_1078 : i1 to i32
        %parallel_loop3A_1080 = arith.constant 0 : i32
        %parallel_loop3A_1081 = arith.cmpi slt, %parallel_loop3A_1074, %parallel_loop3A_1080 : i32
        %parallel_loop3A_1082 = arith.extui %parallel_loop3A_1081 : i1 to i32
        %parallel_loop3A_1083 = arith.subi %parallel_loop3A_1079, %parallel_loop3A_1082 : i32
        %parallel_loop3A_1084 = arith.constant 0 : i32
        %parallel_loop3A_1085 = arith.cmpi sgt, %parallel_loop3A_1075, %parallel_loop3A_1084 : i32
        %parallel_loop3A_1086 = arith.extui %parallel_loop3A_1085 : i1 to i32
        %parallel_loop3A_1087 = arith.constant 0 : i32
        %parallel_loop3A_1088 = arith.cmpi slt, %parallel_loop3A_1075, %parallel_loop3A_1087 : i32
        %parallel_loop3A_1089 = arith.extui %parallel_loop3A_1088 : i1 to i32
        %parallel_loop3A_1090 = arith.subi %parallel_loop3A_1086, %parallel_loop3A_1089 : i32
        %parallel_loop3A_1091 = arith.cmpi ne, %parallel_loop3A_1083, %parallel_loop3A_1090 : i32
        %parallel_loop3A_1092 = arith.remsi %parallel_loop3A_1074, %parallel_loop3A_1075 : i32
        %parallel_loop3A_1093 = arith.constant 0 : i32
        %parallel_loop3A_1094 = arith.cmpi ne, %parallel_loop3A_1092, %parallel_loop3A_1093 : i32
        %parallel_loop3A_1095 = arith.andi %parallel_loop3A_1091, %parallel_loop3A_1094 : i1
        %parallel_loop3A_1096 = arith.constant 1 : i32
        %parallel_loop3A_1097 = arith.subi %parallel_loop3A_1076, %parallel_loop3A_1096 : i32
        %parallel_loop3A_1098 = arith.select %parallel_loop3A_1095, %parallel_loop3A_1097, %parallel_loop3A_1076 : i32
        %parallel_loop3A_1099 = arith.constant 1024 : i32
        %parallel_loop3A_1100 = arith.constant 0 : i32
        %parallel_loop3A_1101 = arith.cmpi eq, %parallel_loop3A_1099, %parallel_loop3A_1100 : i32
        %parallel_loop3A_1102 = arith.constant 1 : i32
        %parallel_loop3A_1103 = arith.select %parallel_loop3A_1101, %parallel_loop3A_1102, %parallel_loop3A_1099 : i32
        %parallel_loop3A_1104 = arith.remsi %parallel_loop3A_1074, %parallel_loop3A_1103 : i32
        %parallel_loop3A_1105 = arith.constant 0 : i32
        %parallel_loop3A_1106 = arith.cmpi ne, %parallel_loop3A_1104, %parallel_loop3A_1105 : i32
        %parallel_loop3A_1107 = arith.constant 0 : i32
        %parallel_loop3A_1108 = arith.cmpi slt, %parallel_loop3A_1104, %parallel_loop3A_1107 : i32
        %parallel_loop3A_1109 = arith.constant 0 : i32
        %parallel_loop3A_1110 = arith.cmpi slt, %parallel_loop3A_1103, %parallel_loop3A_1109 : i32
        %parallel_loop3A_1111 = arith.xori %parallel_loop3A_1108, %parallel_loop3A_1110 : i1
        %parallel_loop3A_1112 = arith.andi %parallel_loop3A_1111, %parallel_loop3A_1106 : i1
        %parallel_loop3A_1113 = arith.addi %parallel_loop3A_1104, %parallel_loop3A_1103 : i32
        %parallel_loop3A_1114 = arith.select %parallel_loop3A_1112, %parallel_loop3A_1113, %parallel_loop3A_1104 : i32
        %parallel_loop3A_1115 = arith.constant 0 : i32
        %parallel_loop3A_1116 = arith.addi %parallel_loop3A_1114, %parallel_loop3A_1115 : i32
        %parallel_loop3A_1117 = arith.index_cast %parallel_loop3A_1098 : i32 to index
        %parallel_loop3A_1118 = arith.index_cast %parallel_loop3A_1116 : i32 to index
        %parallel_loop3A_1119 = tpu.vector_load %arg11[%parallel_loop3A_1117, %parallel_loop3A_1118] {strides = array<i32>} : memref<16x1024xf32, #tpu.memory_space<vmem>>, vector<1x16xf32>,
        %parallel_loop3A_1120 = vector.shape_cast %parallel_loop3A_1119 : vector<1x16xf32> to vector<16xf32>
        %parallel_loop3A_1121 = arith.index_cast %parallel_loop3A_1098 : i32 to index
        %parallel_loop3A_1122 = arith.index_cast %parallel_loop3A_1116 : i32 to index
        %parallel_loop3A_1123 = tpu.vector_load %arg8[%parallel_loop3A_1121, %parallel_loop3A_1122] {strides = array<i32>} : memref<16x1024xf32, #tpu.memory_space<vmem>>, vector<1x16xf32>,
        %parallel_loop3A_1124 = vector.shape_cast %parallel_loop3A_1123 : vector<1x16xf32> to vector<16xf32>
        %parallel_loop3A_1125 = vector.shape_cast %parallel_loop3A_1120 : vector<16xf32> to vector<1x16xf32>
        tpu.vector_store %arg8[%parallel_loop3A_1121, %parallel_loop3A_1122], %parallel_loop3A_1125 {add = true, strides = array<i32>} : memref<16x1024xf32, #tpu.memory_space<vmem>>, vector<1x16xf32>,
        %parallel_loop3A_1126 = arith.constant 1024 : i32
        %parallel_loop3A_1127 = arith.constant 0 : i32
        %parallel_loop3A_1128 = arith.cmpi eq, %parallel_loop3A_1126, %parallel_loop3A_1127 : i32
        %parallel_loop3A_1129 = arith.constant 1 : i32
        %parallel_loop3A_1130 = arith.select %parallel_loop3A_1128, %parallel_loop3A_1129, %parallel_loop3A_1126 : i32
        %parallel_loop3A_1131 = arith.remsi %parallel_loop3A_1074, %parallel_loop3A_1130 : i32
        %parallel_loop3A_1132 = arith.constant 0 : i32
        %parallel_loop3A_1133 = arith.cmpi ne, %parallel_loop3A_1131, %parallel_loop3A_1132 : i32
        %parallel_loop3A_1134 = arith.constant 0 : i32
        %parallel_loop3A_1135 = arith.cmpi slt, %parallel_loop3A_1131, %parallel_loop3A_1134 : i32
        %parallel_loop3A_1136 = arith.constant 0 : i32
        %parallel_loop3A_1137 = arith.cmpi slt, %parallel_loop3A_1130, %parallel_loop3A_1136 : i32
        %parallel_loop3A_1138 = arith.xori %parallel_loop3A_1135, %parallel_loop3A_1137 : i1
        %parallel_loop3A_1139 = arith.andi %parallel_loop3A_1138, %parallel_loop3A_1133 : i1
        %parallel_loop3A_1140 = arith.addi %parallel_loop3A_1131, %parallel_loop3A_1130 : i32
        %parallel_loop3A_1141 = arith.select %parallel_loop3A_1139, %parallel_loop3A_1140, %parallel_loop3A_1131 : i32
        %parallel_loop3A_1142 = arith.constant 16 : i32
        %parallel_loop3A_1143 = arith.addi %parallel_loop3A_1141, %parallel_loop3A_1142 : i32
        %parallel_loop3A_1144 = arith.index_cast %parallel_loop3A_1098 : i32 to index
        %parallel_loop3A_1145 = arith.index_cast %parallel_loop3A_1143 : i32 to index
        %parallel_loop3A_1146 = tpu.vector_load %arg11[%parallel_loop3A_1144, %parallel_loop3A_1145] {strides = array<i32>} : memref<16x1024xf32, #tpu.memory_space<vmem>>, vector<1x16xf32>,
        %parallel_loop3A_1147 = vector.shape_cast %parallel_loop3A_1146 : vector<1x16xf32> to vector<16xf32>
        %parallel_loop3A_1148 = arith.index_cast %parallel_loop3A_1098 : i32 to index
        %parallel_loop3A_1149 = arith.index_cast %parallel_loop3A_1143 : i32 to index
        %parallel_loop3A_1150 = tpu.vector_load %arg8[%parallel_loop3A_1148, %parallel_loop3A_1149] {strides = array<i32>} : memref<16x1024xf32, #tpu.memory_space<vmem>>, vector<1x16xf32>,
        %parallel_loop3A_1151 = vector.shape_cast %parallel_loop3A_1150 : vector<1x16xf32> to vector<16xf32>
        %parallel_loop3A_1152 = vector.shape_cast %parallel_loop3A_1147 : vector<16xf32> to vector<1x16xf32>
        tpu.vector_store %arg8[%parallel_loop3A_1148, %parallel_loop3A_1149], %parallel_loop3A_1152 {add = true, strides = array<i32>} : memref<16x1024xf32, #tpu.memory_space<vmem>>, vector<1x16xf32>,
        %parallel_loop3A_1153 = arith.constant 1024 : i32
        %parallel_loop3A_1154 = arith.constant 0 : i32
        %parallel_loop3A_1155 = arith.cmpi eq, %parallel_loop3A_1153, %parallel_loop3A_1154 : i32
        %parallel_loop3A_1156 = arith.constant 1 : i32
        %parallel_loop3A_1157 = arith.select %parallel_loop3A_1155, %parallel_loop3A_1156, %parallel_loop3A_1153 : i32
        %parallel_loop3A_1158 = arith.remsi %parallel_loop3A_1074, %parallel_loop3A_1157 : i32
        %parallel_loop3A_1159 = arith.constant 0 : i32
        %parallel_loop3A_1160 = arith.cmpi ne, %parallel_loop3A_1158, %parallel_loop3A_1159 : i32
        %parallel_loop3A_1161 = arith.constant 0 : i32
        %parallel_loop3A_1162 = arith.cmpi slt, %parallel_loop3A_1158, %parallel_loop3A_1161 : i32
        %parallel_loop3A_1163 = arith.constant 0 : i32
        %parallel_loop3A_1164 = arith.cmpi slt, %parallel_loop3A_1157, %parallel_loop3A_1163 : i32
        %parallel_loop3A_1165 = arith.xori %parallel_loop3A_1162, %parallel_loop3A_1164 : i1
        %parallel_loop3A_1166 = arith.andi %parallel_loop3A_1165, %parallel_loop3A_1160 : i1
        %parallel_loop3A_1167 = arith.addi %parallel_loop3A_1158, %parallel_loop3A_1157 : i32
        %parallel_loop3A_1168 = arith.select %parallel_loop3A_1166, %parallel_loop3A_1167, %parallel_loop3A_1158 : i32
        %parallel_loop3A_1169 = arith.constant 32 : i32
        %parallel_loop3A_1170 = arith.addi %parallel_loop3A_1168, %parallel_loop3A_1169 : i32
        %parallel_loop3A_1171 = arith.index_cast %parallel_loop3A_1098 : i32 to index
        %parallel_loop3A_1172 = arith.index_cast %parallel_loop3A_1170 : i32 to index
        %parallel_loop3A_1173 = tpu.vector_load %arg11[%parallel_loop3A_1171, %parallel_loop3A_1172] {strides = array<i32>} : memref<16x1024xf32, #tpu.memory_space<vmem>>, vector<1x16xf32>,
        %parallel_loop3A_1174 = vector.shape_cast %parallel_loop3A_1173 : vector<1x16xf32> to vector<16xf32>
        %parallel_loop3A_1175 = arith.index_cast %parallel_loop3A_1098 : i32 to index
        %parallel_loop3A_1176 = arith.index_cast %parallel_loop3A_1170 : i32 to index
        %parallel_loop3A_1177 = tpu.vector_load %arg8[%parallel_loop3A_1175, %parallel_loop3A_1176] {strides = array<i32>} : memref<16x1024xf32, #tpu.memory_space<vmem>>, vector<1x16xf32>,
        %parallel_loop3A_1178 = vector.shape_cast %parallel_loop3A_1177 : vector<1x16xf32> to vector<16xf32>
        %parallel_loop3A_1179 = vector.shape_cast %parallel_loop3A_1174 : vector<16xf32> to vector<1x16xf32>
        tpu.vector_store %arg8[%parallel_loop3A_1175, %parallel_loop3A_1176], %parallel_loop3A_1179 {add = true, strides = array<i32>} : memref<16x1024xf32, #tpu.memory_space<vmem>>, vector<1x16xf32>,
        %parallel_loop3A_1180 = arith.constant 1024 : i32
        %parallel_loop3A_1181 = arith.constant 0 : i32
        %parallel_loop3A_1182 = arith.cmpi eq, %parallel_loop3A_1180, %parallel_loop3A_1181 : i32
        %parallel_loop3A_1183 = arith.constant 1 : i32
        %parallel_loop3A_1184 = arith.select %parallel_loop3A_1182, %parallel_loop3A_1183, %parallel_loop3A_1180 : i32
        %parallel_loop3A_1185 = arith.remsi %parallel_loop3A_1074, %parallel_loop3A_1184 : i32
        %parallel_loop3A_1186 = arith.constant 0 : i32
        %parallel_loop3A_1187 = arith.cmpi ne, %parallel_loop3A_1185, %parallel_loop3A_1186 : i32
        %parallel_loop3A_1188 = arith.constant 0 : i32
        %parallel_loop3A_1189 = arith.cmpi slt, %parallel_loop3A_1185, %parallel_loop3A_1188 : i32
        %parallel_loop3A_1190 = arith.constant 0 : i32
        %parallel_loop3A_1191 = arith.cmpi slt, %parallel_loop3A_1184, %parallel_loop3A_1190 : i32
        %parallel_loop3A_1192 = arith.xori %parallel_loop3A_1189, %parallel_loop3A_1191 : i1
        %parallel_loop3A_1193 = arith.andi %parallel_loop3A_1192, %parallel_loop3A_1187 : i1
        %parallel_loop3A_1194 = arith.addi %parallel_loop3A_1185, %parallel_loop3A_1184 : i32
        %parallel_loop3A_1195 = arith.select %parallel_loop3A_1193, %parallel_loop3A_1194, %parallel_loop3A_1185 : i32
        %parallel_loop3A_1196 = arith.constant 48 : i32
        %parallel_loop3A_1197 = arith.addi %parallel_loop3A_1195, %parallel_loop3A_1196 : i32
        %parallel_loop3A_1198 = arith.index_cast %parallel_loop3A_1098 : i32 to index
        %parallel_loop3A_1199 = arith.index_cast %parallel_loop3A_1197 : i32 to index
        %parallel_loop3A_1200 = tpu.vector_load %arg11[%parallel_loop3A_1198, %parallel_loop3A_1199] {strides = array<i32>} : memref<16x1024xf32, #tpu.memory_space<vmem>>, vector<1x16xf32>,
        %parallel_loop3A_1201 = vector.shape_cast %parallel_loop3A_1200 : vector<1x16xf32> to vector<16xf32>
        %parallel_loop3A_1202 = arith.index_cast %parallel_loop3A_1098 : i32 to index
        %parallel_loop3A_1203 = arith.index_cast %parallel_loop3A_1197 : i32 to index
        %parallel_loop3A_1204 = tpu.vector_load %arg8[%parallel_loop3A_1202, %parallel_loop3A_1203] {strides = array<i32>} : memref<16x1024xf32, #tpu.memory_space<vmem>>, vector<1x16xf32>,
        %parallel_loop3A_1205 = vector.shape_cast %parallel_loop3A_1204 : vector<1x16xf32> to vector<16xf32>
        %parallel_loop3A_1206 = vector.shape_cast %parallel_loop3A_1201 : vector<16xf32> to vector<1x16xf32>
        tpu.vector_store %arg8[%parallel_loop3A_1202, %parallel_loop3A_1203], %parallel_loop3A_1206 {add = true, strides = array<i32>} : memref<16x1024xf32, #tpu.memory_space<vmem>>, vector<1x16xf32>,
      } {sc.loop_unroll_factor = 4 : i64, sc.parallel_access}
      %jit3A_293 = arith.constant 4 : i32
      %eq3A_294 = arith.constant 0 : i32
      %eq3A_295 = arith.cmpi eq, %jit3A_293, %eq3A_294 : i32
      %jit3A_296 = arith.constant 1 : i32
      %select_n3A_297 = arith.select %eq3A_295, %jit3A_296, %jit3A_293 : i32
      %rem3A_298 = arith.remsi %add3A_228, %select_n3A_297 : i32
      %ne3A_299 = arith.constant 0 : i32
      %ne3A_300 = arith.cmpi ne, %rem3A_298, %ne3A_299 : i32
      %lt3A_301 = arith.constant 0 : i32
      %lt3A_302 = arith.cmpi slt, %rem3A_298, %lt3A_301 : i32
      %lt3A_303 = arith.constant 0 : i32
      %lt3A_304 = arith.cmpi slt, %select_n3A_297, %lt3A_303 : i32
      %ne3A_305 = arith.xori %lt3A_302, %lt3A_304 : i1
      %and3A_306 = arith.andi %ne3A_305, %ne3A_300 : i1
      %add3A_307 = arith.addi %rem3A_298, %select_n3A_297 : i32
      %select_n3A_308 = arith.select %and3A_306, %add3A_307, %rem3A_298 : i32
      %mul3A_309 = arith.constant 4096 : i32
      %mul3A_310 = arith.muli %select_n3A_308, %mul3A_309 : i32
      %add3A_311 = arith.addi %mul3A_310, %mul3A_2 : i32
      %jit3A_312 = arith.constant 4 : i32
      %div3A_313 = arith.divsi %add3A_228, %jit3A_312 : i32
      %sign3A_314 = arith.constant 0 : i32
      %sign3A_315 = arith.cmpi sgt, %add3A_228, %sign3A_314 : i32
      %sign3A_316 = arith.extui %sign3A_315 : i1 to i32
      %sign3A_317 = arith.constant 0 : i32
      %sign3A_318 = arith.cmpi slt, %add3A_228, %sign3A_317 : i32
      %sign3A_319 = arith.extui %sign3A_318 : i1 to i32
      %sign3A_320 = arith.subi %sign3A_316, %sign3A_319 : i32
      %sign3A_321 = arith.constant 0 : i32
      %sign3A_322 = arith.cmpi sgt, %jit3A_312, %sign3A_321 : i32
      %sign3A_323 = arith.extui %sign3A_322 : i1 to i32
      %sign3A_324 = arith.constant 0 : i32
      %sign3A_325 = arith.cmpi slt, %jit3A_312, %sign3A_324 : i32
      %sign3A_326 = arith.extui %sign3A_325 : i1 to i32
      %sign3A_327 = arith.subi %sign3A_323, %sign3A_326 : i32
      %ne3A_328 = arith.cmpi ne, %sign3A_320, %sign3A_327 : i32
      %rem3A_329 = arith.remsi %add3A_228, %jit3A_312 : i32
      %ne3A_330 = arith.constant 0 : i32
      %ne3A_331 = arith.cmpi ne, %rem3A_329, %ne3A_330 : i32
      %and3A_332 = arith.andi %ne3A_328, %ne3A_331 : i1
      %sub3A_333 = arith.constant 1 : i32
      %sub3A_334 = arith.subi %div3A_313, %sub3A_333 : i32
      %select_n3A_335 = arith.select %and3A_332, %sub3A_334, %div3A_313 : i32
      %mul3A_336 = arith.constant 16 : i32
      %mul3A_337 = arith.muli %select_n3A_335, %mul3A_336 : i32
      %add3A_338 = arith.addi %add3A_311, %mul3A_337 : i32
      %dma_start3A_339 = arith.constant 0 : i32
      %dma_start3A_340 = tpu.memref_slice %arg5[%add3A_338, %dma_start3A_339] : memref<16384x1024xf32, #tpu.memory_space<hbm>> -> memref<16x1024xf32, #tpu.memory_space<hbm>>
      %dma_start3A_341 = arith.constant 0 : i32
      %dma_start3A_342 = tpu.memref_slice %arg5[%add3A_338, %dma_start3A_341] : memref<16384x1024xf32, #tpu.memory_space<hbm>> -> memref<16x1024xf32, #tpu.memory_space<hbm>>
      tpu.enqueue_dma source(%arg8 : memref<16x1024xf32, #tpu.memory_space<vmem>>) target(%dma_start3A_342 : memref<16x1024xf32, #tpu.memory_space<hbm>>) target_semaphore(%arg18 : memref<!tpu.dma_semaphore, #tpu.memory_space<semaphore_mem>>)
      %mul3A_343 = arith.constant 4 : i32
      %mul3A_344 = arith.muli %add3A_113, %mul3A_343 : i32
      %add3A_345 = arith.constant 2 : i32
      %add3A_346 = arith.addi %mul3A_344, %add3A_345 : i32
      %jit3A_347 = arith.constant 4 : i32
      %eq3A_348 = arith.constant 0 : i32
      %eq3A_349 = arith.cmpi eq, %jit3A_347, %eq3A_348 : i32
      %jit3A_350 = arith.constant 1 : i32
      %select_n3A_351 = arith.select %eq3A_349, %jit3A_350, %jit3A_347 : i32
      %rem3A_352 = arith.remsi %add3A_346, %select_n3A_351 : i32
      %ne3A_353 = arith.constant 0 : i32
      %ne3A_354 = arith.cmpi ne, %rem3A_352, %ne3A_353 : i32
      %lt3A_355 = arith.constant 0 : i32
      %lt3A_356 = arith.cmpi slt, %rem3A_352, %lt3A_355 : i32
      %lt3A_357 = arith.constant 0 : i32
      %lt3A_358 = arith.cmpi slt, %select_n3A_351, %lt3A_357 : i32
      %ne3A_359 = arith.xori %lt3A_356, %lt3A_358 : i1
      %and3A_360 = arith.andi %ne3A_359, %ne3A_354 : i1
      %add3A_361 = arith.addi %rem3A_352, %select_n3A_351 : i32
      %select_n3A_362 = arith.select %and3A_360, %add3A_361, %rem3A_352 : i32
      %mul3A_363 = arith.constant 128 : i32
      %mul3A_364 = arith.muli %select_n3A_362, %mul3A_363 : i32
      %jit3A_365 = arith.constant 4 : i32
      %div3A_366 = arith.divsi %add3A_346, %jit3A_365 : i32
      %sign3A_367 = arith.constant 0 : i32
      %sign3A_368 = arith.cmpi sgt, %add3A_346, %sign3A_367 : i32
      %sign3A_369 = arith.extui %sign3A_368 : i1 to i32
      %sign3A_370 = arith.constant 0 : i32
      %sign3A_371 = arith.cmpi slt, %add3A_346, %sign3A_370 : i32
      %sign3A_372 = arith.extui %sign3A_371 : i1 to i32
      %sign3A_373 = arith.subi %sign3A_369, %sign3A_372 : i32
      %sign3A_374 = arith.constant 0 : i32
      %sign3A_375 = arith.cmpi sgt, %jit3A_365, %sign3A_374 : i32
      %sign3A_376 = arith.extui %sign3A_375 : i1 to i32
      %sign3A_377 = arith.constant 0 : i32
      %sign3A_378 = arith.cmpi slt, %jit3A_365, %sign3A_377 : i32
      %sign3A_379 = arith.extui %sign3A_378 : i1 to i32
      %sign3A_380 = arith.subi %sign3A_376, %sign3A_379 : i32
      %ne3A_381 = arith.cmpi ne, %sign3A_373, %sign3A_380 : i32
      %rem3A_382 = arith.remsi %add3A_346, %jit3A_365 : i32
      %ne3A_383 = arith.constant 0 : i32
      %ne3A_384 = arith.cmpi ne, %rem3A_382, %ne3A_383 : i32
      %and3A_385 = arith.andi %ne3A_381, %ne3A_384 : i1
      %sub3A_386 = arith.constant 1 : i32
      %sub3A_387 = arith.subi %div3A_366, %sub3A_386 : i32
      %select_n3A_388 = arith.select %and3A_385, %sub3A_387, %div3A_366 : i32
      %mul3A_389 = arith.constant 16 : i32
      %mul3A_390 = arith.muli %select_n3A_388, %mul3A_389 : i32
      %add3A_391 = arith.addi %mul3A_364, %mul3A_390 : i32
      %dma_wait3A_392 = tpu.memref_slice %arg6[%add3A_391] : memref<512xi32, #tpu.memory_space<vmem>> -> memref<16xi32, #tpu.memory_space<vmem>>
      %dma_wait3A_393 = arith.constant 0 : i32
      %dma_wait3A_394 = arith.constant 0 : i32
      %dma_wait3A_395 = tpu.memref_slice %arg2[%dma_wait3A_393, %dma_wait3A_394] : memref<100000x1024xf32, #tpu.memory_space<hbm>> -> memref<100000x1024xf32, #tpu.memory_space<hbm>>
      tpu.wait_indirect_dma semaphore(%arg15 : memref<!tpu.dma_semaphore, #tpu.memory_space<semaphore_mem>>) src(%dma_wait3A_395 : memref<100000x1024xf32, #tpu.memory_space<hbm>>) dst(%arg9 : memref<16x1024xf32, #tpu.memory_space<vmem>>)
      %ge3A_396 = arith.constant 2 : i32
      %ge3A_397 = arith.cmpi sge, %add3A_346, %ge3A_396 : i32
      %convert_element_type3A_398 = arith.extui %ge3A_397 : i1 to i32
      %cond3A_399 = arith.constant 0 : i32
      %cond3A_400 = arith.cmpi ne, %convert_element_type3A_398, %cond3A_399 : i32
      scf.if %cond3A_400 {
        %sub3A_1074 = arith.constant 2 : i32
        %sub3A_1075 = arith.subi %add3A_346, %sub3A_1074 : i32
        %jit3A_1076 = arith.constant 4 : i32
        %eq3A_1077 = arith.constant 0 : i32
        %eq3A_1078 = arith.cmpi eq, %jit3A_1076, %eq3A_1077 : i32
        %jit3A_1079 = arith.constant 1 : i32
        %select_n3A_1080 = arith.select %eq3A_1078, %jit3A_1079, %jit3A_1076 : i32
        %rem3A_1081 = arith.remsi %sub3A_1075, %select_n3A_1080 : i32
        %ne3A_1082 = arith.constant 0 : i32
        %ne3A_1083 = arith.cmpi ne, %rem3A_1081, %ne3A_1082 : i32
        %lt3A_1084 = arith.constant 0 : i32
        %lt3A_1085 = arith.cmpi slt, %rem3A_1081, %lt3A_1084 : i32
        %lt3A_1086 = arith.constant 0 : i32
        %lt3A_1087 = arith.cmpi slt, %select_n3A_1080, %lt3A_1086 : i32
        %ne3A_1088 = arith.xori %lt3A_1085, %lt3A_1087 : i1
        %and3A_1089 = arith.andi %ne3A_1088, %ne3A_1083 : i1
        %add3A_1090 = arith.addi %rem3A_1081, %select_n3A_1080 : i32
        %select_n3A_1091 = arith.select %and3A_1089, %add3A_1090, %rem3A_1081 : i32
        %mul3A_1092 = arith.constant 4096 : i32
        %mul3A_1093 = arith.muli %select_n3A_1091, %mul3A_1092 : i32
        %add3A_1094 = arith.addi %mul3A_1093, %mul3A_2 : i32
        %jit3A_1095 = arith.constant 4 : i32
        %div3A_1096 = arith.divsi %sub3A_1075, %jit3A_1095 : i32
        %sign3A_1097 = arith.constant 0 : i32
        %sign3A_1098 = arith.cmpi sgt, %sub3A_1075, %sign3A_1097 : i32
        %sign3A_1099 = arith.extui %sign3A_1098 : i1 to i32
        %sign3A_1100 = arith.constant 0 : i32
        %sign3A_1101 = arith.cmpi slt, %sub3A_1075, %sign3A_1100 : i32
        %sign3A_1102 = arith.extui %sign3A_1101 : i1 to i32
        %sign3A_1103 = arith.subi %sign3A_1099, %sign3A_1102 : i32
        %sign3A_1104 = arith.constant 0 : i32
        %sign3A_1105 = arith.cmpi sgt, %jit3A_1095, %sign3A_1104 : i32
        %sign3A_1106 = arith.extui %sign3A_1105 : i1 to i32
        %sign3A_1107 = arith.constant 0 : i32
        %sign3A_1108 = arith.cmpi slt, %jit3A_1095, %sign3A_1107 : i32
        %sign3A_1109 = arith.extui %sign3A_1108 : i1 to i32
        %sign3A_1110 = arith.subi %sign3A_1106, %sign3A_1109 : i32
        %ne3A_1111 = arith.cmpi ne, %sign3A_1103, %sign3A_1110 : i32
        %rem3A_1112 = arith.remsi %sub3A_1075, %jit3A_1095 : i32
        %ne3A_1113 = arith.constant 0 : i32
        %ne3A_1114 = arith.cmpi ne, %rem3A_1112, %ne3A_1113 : i32
        %and3A_1115 = arith.andi %ne3A_1111, %ne3A_1114 : i1
        %sub3A_1116 = arith.constant 1 : i32
        %sub3A_1117 = arith.subi %div3A_1096, %sub3A_1116 : i32
        %select_n3A_1118 = arith.select %and3A_1115, %sub3A_1117, %div3A_1096 : i32
        %mul3A_1119 = arith.constant 16 : i32
        %mul3A_1120 = arith.muli %select_n3A_1118, %mul3A_1119 : i32
        %add3A_1121 = arith.addi %add3A_1094, %mul3A_1120 : i32
        %dma_wait3A_1122 = arith.constant 0 : i32
        %dma_wait3A_1123 = tpu.memref_slice %arg5[%add3A_1121, %dma_wait3A_1122] : memref<16384x1024xf32, #tpu.memory_space<hbm>> -> memref<16x1024xf32, #tpu.memory_space<hbm>>
        %dma_wait3A_1124 = arith.constant 0 : i32
        %dma_wait3A_1125 = tpu.memref_slice %arg5[%add3A_1121, %dma_wait3A_1124] : memref<16384x1024xf32, #tpu.memory_space<hbm>> -> memref<16x1024xf32, #tpu.memory_space<hbm>>
        tpu.wait_dma2 semaphore(%arg17 : memref<!tpu.dma_semaphore, #tpu.memory_space<semaphore_mem>>) src(%arg7 : memref<16x1024xf32, #tpu.memory_space<vmem>>) dst(%dma_wait3A_1125 : memref<16x1024xf32, #tpu.memory_space<hbm>>)
      } else {
      }
      %add3A_401 = arith.constant 2 : i32
      %add3A_402 = arith.addi %add3A_346, %add3A_401 : i32
      %lt3A_403 = arith.constant 32 : i32
      %lt3A_404 = arith.cmpi slt, %add3A_402, %lt3A_403 : i32
      %convert_element_type3A_405 = arith.extui %lt3A_404 : i1 to i32
      %cond3A_406 = arith.constant 0 : i32
      %cond3A_407 = arith.cmpi ne, %convert_element_type3A_405, %cond3A_406 : i32
      scf.if %cond3A_407 {
        %add3A_1074 = arith.constant 2 : i32
        %add3A_1075 = arith.addi %add3A_346, %add3A_1074 : i32
        %jit3A_1076 = arith.constant 4 : i32
        %eq3A_1077 = arith.constant 0 : i32
        %eq3A_1078 = arith.cmpi eq, %jit3A_1076, %eq3A_1077 : i32
        %jit3A_1079 = arith.constant 1 : i32
        %select_n3A_1080 = arith.select %eq3A_1078, %jit3A_1079, %jit3A_1076 : i32
        %rem3A_1081 = arith.remsi %add3A_1075, %select_n3A_1080 : i32
        %ne3A_1082 = arith.constant 0 : i32
        %ne3A_1083 = arith.cmpi ne, %rem3A_1081, %ne3A_1082 : i32
        %lt3A_1084 = arith.constant 0 : i32
        %lt3A_1085 = arith.cmpi slt, %rem3A_1081, %lt3A_1084 : i32
        %lt3A_1086 = arith.constant 0 : i32
        %lt3A_1087 = arith.cmpi slt, %select_n3A_1080, %lt3A_1086 : i32
        %ne3A_1088 = arith.xori %lt3A_1085, %lt3A_1087 : i1
        %and3A_1089 = arith.andi %ne3A_1088, %ne3A_1083 : i1
        %add3A_1090 = arith.addi %rem3A_1081, %select_n3A_1080 : i32
        %select_n3A_1091 = arith.select %and3A_1089, %add3A_1090, %rem3A_1081 : i32
        %mul3A_1092 = arith.constant 128 : i32
        %mul3A_1093 = arith.muli %select_n3A_1091, %mul3A_1092 : i32
        %jit3A_1094 = arith.constant 4 : i32
        %div3A_1095 = arith.divsi %add3A_1075, %jit3A_1094 : i32
        %sign3A_1096 = arith.constant 0 : i32
        %sign3A_1097 = arith.cmpi sgt, %add3A_1075, %sign3A_1096 : i32
        %sign3A_1098 = arith.extui %sign3A_1097 : i1 to i32
        %sign3A_1099 = arith.constant 0 : i32
        %sign3A_1100 = arith.cmpi slt, %add3A_1075, %sign3A_1099 : i32
        %sign3A_1101 = arith.extui %sign3A_1100 : i1 to i32
        %sign3A_1102 = arith.subi %sign3A_1098, %sign3A_1101 : i32
        %sign3A_1103 = arith.constant 0 : i32
        %sign3A_1104 = arith.cmpi sgt, %jit3A_1094, %sign3A_1103 : i32
        %sign3A_1105 = arith.extui %sign3A_1104 : i1 to i32
        %sign3A_1106 = arith.constant 0 : i32
        %sign3A_1107 = arith.cmpi slt, %jit3A_1094, %sign3A_1106 : i32
        %sign3A_1108 = arith.extui %sign3A_1107 : i1 to i32
        %sign3A_1109 = arith.subi %sign3A_1105, %sign3A_1108 : i32
        %ne3A_1110 = arith.cmpi ne, %sign3A_1102, %sign3A_1109 : i32
        %rem3A_1111 = arith.remsi %add3A_1075, %jit3A_1094 : i32
        %ne3A_1112 = arith.constant 0 : i32
        %ne3A_1113 = arith.cmpi ne, %rem3A_1111, %ne3A_1112 : i32
        %and3A_1114 = arith.andi %ne3A_1110, %ne3A_1113 : i1
        %sub3A_1115 = arith.constant 1 : i32
        %sub3A_1116 = arith.subi %div3A_1095, %sub3A_1115 : i32
        %select_n3A_1117 = arith.select %and3A_1114, %sub3A_1116, %div3A_1095 : i32
        %mul3A_1118 = arith.constant 16 : i32
        %mul3A_1119 = arith.muli %select_n3A_1117, %mul3A_1118 : i32
        %add3A_1120 = arith.addi %mul3A_1093, %mul3A_1119 : i32
        %dma_start3A_1121 = tpu.memref_slice %arg6[%add3A_1120] : memref<512xi32, #tpu.memory_space<vmem>> -> memref<16xi32, #tpu.memory_space<vmem>>
        %dma_start3A_1122 = arith.constant 0 : i32
        %dma_start3A_1123 = arith.constant 0 : i32
        %dma_start3A_1124 = tpu.memref_slice %arg2[%dma_start3A_1122, %dma_start3A_1123] : memref<100000x1024xf32, #tpu.memory_space<hbm>> -> memref<100000x1024xf32, #tpu.memory_space<hbm>>
        tpu.enqueue_indirect_dma source(%dma_start3A_1124 : memref<100000x1024xf32, #tpu.memory_space<hbm>>) target(%arg7 : memref<16x1024xf32, #tpu.memory_space<vmem>>) offsets(%dma_start3A_1121 : memref<16xi32, #tpu.memory_space<vmem>>) semaphore(%arg13 : memref<!tpu.dma_semaphore, #tpu.memory_space<semaphore_mem>>)
      } else {
      }
      %parallel_loop3A_408 = arith.constant 0 : i32
      %parallel_loop3A_409 = arith.constant 16384 : i32
      %parallel_loop3A_410 = arith.constant 64 : i32
      scf.for %parallel_loop3A_1074 = %parallel_loop3A_408 to %parallel_loop3A_409 step %parallel_loop3A_410  : i32 {
        %parallel_loop3A_1075 = arith.constant 1024 : i32
        %parallel_loop3A_1076 = arith.divsi %parallel_loop3A_1074, %parallel_loop3A_1075 : i32
        %parallel_loop3A_1077 = arith.constant 0 : i32
        %parallel_loop3A_1078 = arith.cmpi sgt, %parallel_loop3A_1074, %parallel_loop3A_1077 : i32
        %parallel_loop3A_1079 = arith.extui %parallel_loop3A_1078 : i1 to i32
        %parallel_loop3A_1080 = arith.constant 0 : i32
        %parallel_loop3A_1081 = arith.cmpi slt, %parallel_loop3A_1074, %parallel_loop3A_1080 : i32
        %parallel_loop3A_1082 = arith.extui %parallel_loop3A_1081 : i1 to i32
        %parallel_loop3A_1083 = arith.subi %parallel_loop3A_1079, %parallel_loop3A_1082 : i32
        %parallel_loop3A_1084 = arith.constant 0 : i32
        %parallel_loop3A_1085 = arith.cmpi sgt, %parallel_loop3A_1075, %parallel_loop3A_1084 : i32
        %parallel_loop3A_1086 = arith.extui %parallel_loop3A_1085 : i1 to i32
        %parallel_loop3A_1087 = arith.constant 0 : i32
        %parallel_loop3A_1088 = arith.cmpi slt, %parallel_loop3A_1075, %parallel_loop3A_1087 : i32
        %parallel_loop3A_1089 = arith.extui %parallel_loop3A_1088 : i1 to i32
        %parallel_loop3A_1090 = arith.subi %parallel_loop3A_1086, %parallel_loop3A_1089 : i32
        %parallel_loop3A_1091 = arith.cmpi ne, %parallel_loop3A_1083, %parallel_loop3A_1090 : i32
        %parallel_loop3A_1092 = arith.remsi %parallel_loop3A_1074, %parallel_loop3A_1075 : i32
        %parallel_loop3A_1093 = arith.constant 0 : i32
        %parallel_loop3A_1094 = arith.cmpi ne, %parallel_loop3A_1092, %parallel_loop3A_1093 : i32
        %parallel_loop3A_1095 = arith.andi %parallel_loop3A_1091, %parallel_loop3A_1094 : i1
        %parallel_loop3A_1096 = arith.constant 1 : i32
        %parallel_loop3A_1097 = arith.subi %parallel_loop3A_1076, %parallel_loop3A_1096 : i32
        %parallel_loop3A_1098 = arith.select %parallel_loop3A_1095, %parallel_loop3A_1097, %parallel_loop3A_1076 : i32
        %parallel_loop3A_1099 = arith.constant 1024 : i32
        %parallel_loop3A_1100 = arith.constant 0 : i32
        %parallel_loop3A_1101 = arith.cmpi eq, %parallel_loop3A_1099, %parallel_loop3A_1100 : i32
        %parallel_loop3A_1102 = arith.constant 1 : i32
        %parallel_loop3A_1103 = arith.select %parallel_loop3A_1101, %parallel_loop3A_1102, %parallel_loop3A_1099 : i32
        %parallel_loop3A_1104 = arith.remsi %parallel_loop3A_1074, %parallel_loop3A_1103 : i32
        %parallel_loop3A_1105 = arith.constant 0 : i32
        %parallel_loop3A_1106 = arith.cmpi ne, %parallel_loop3A_1104, %parallel_loop3A_1105 : i32
        %parallel_loop3A_1107 = arith.constant 0 : i32
        %parallel_loop3A_1108 = arith.cmpi slt, %parallel_loop3A_1104, %parallel_loop3A_1107 : i32
        %parallel_loop3A_1109 = arith.constant 0 : i32
        %parallel_loop3A_1110 = arith.cmpi slt, %parallel_loop3A_1103, %parallel_loop3A_1109 : i32
        %parallel_loop3A_1111 = arith.xori %parallel_loop3A_1108, %parallel_loop3A_1110 : i1
        %parallel_loop3A_1112 = arith.andi %parallel_loop3A_1111, %parallel_loop3A_1106 : i1
        %parallel_loop3A_1113 = arith.addi %parallel_loop3A_1104, %parallel_loop3A_1103 : i32
        %parallel_loop3A_1114 = arith.select %parallel_loop3A_1112, %parallel_loop3A_1113, %parallel_loop3A_1104 : i32
        %parallel_loop3A_1115 = arith.constant 0 : i32
        %parallel_loop3A_1116 = arith.addi %parallel_loop3A_1114, %parallel_loop3A_1115 : i32
        %parallel_loop3A_1117 = arith.index_cast %parallel_loop3A_1098 : i32 to index
        %parallel_loop3A_1118 = arith.index_cast %parallel_loop3A_1116 : i32 to index
        %parallel_loop3A_1119 = tpu.vector_load %arg11[%parallel_loop3A_1117, %parallel_loop3A_1118] {strides = array<i32>} : memref<16x1024xf32, #tpu.memory_space<vmem>>, vector<1x16xf32>,
        %parallel_loop3A_1120 = vector.shape_cast %parallel_loop3A_1119 : vector<1x16xf32> to vector<16xf32>
        %parallel_loop3A_1121 = arith.index_cast %parallel_loop3A_1098 : i32 to index
        %parallel_loop3A_1122 = arith.index_cast %parallel_loop3A_1116 : i32 to index
        %parallel_loop3A_1123 = tpu.vector_load %arg9[%parallel_loop3A_1121, %parallel_loop3A_1122] {strides = array<i32>} : memref<16x1024xf32, #tpu.memory_space<vmem>>, vector<1x16xf32>,
        %parallel_loop3A_1124 = vector.shape_cast %parallel_loop3A_1123 : vector<1x16xf32> to vector<16xf32>
        %parallel_loop3A_1125 = vector.shape_cast %parallel_loop3A_1120 : vector<16xf32> to vector<1x16xf32>
        tpu.vector_store %arg9[%parallel_loop3A_1121, %parallel_loop3A_1122], %parallel_loop3A_1125 {add = true, strides = array<i32>} : memref<16x1024xf32, #tpu.memory_space<vmem>>, vector<1x16xf32>,
        %parallel_loop3A_1126 = arith.constant 1024 : i32
        %parallel_loop3A_1127 = arith.constant 0 : i32
        %parallel_loop3A_1128 = arith.cmpi eq, %parallel_loop3A_1126, %parallel_loop3A_1127 : i32
        %parallel_loop3A_1129 = arith.constant 1 : i32
        %parallel_loop3A_1130 = arith.select %parallel_loop3A_1128, %parallel_loop3A_1129, %parallel_loop3A_1126 : i32
        %parallel_loop3A_1131 = arith.remsi %parallel_loop3A_1074, %parallel_loop3A_1130 : i32
        %parallel_loop3A_1132 = arith.constant 0 : i32
        %parallel_loop3A_1133 = arith.cmpi ne, %parallel_loop3A_1131, %parallel_loop3A_1132 : i32
        %parallel_loop3A_1134 = arith.constant 0 : i32
        %parallel_loop3A_1135 = arith.cmpi slt, %parallel_loop3A_1131, %parallel_loop3A_1134 : i32
        %parallel_loop3A_1136 = arith.constant 0 : i32
        %parallel_loop3A_1137 = arith.cmpi slt, %parallel_loop3A_1130, %parallel_loop3A_1136 : i32
        %parallel_loop3A_1138 = arith.xori %parallel_loop3A_1135, %parallel_loop3A_1137 : i1
        %parallel_loop3A_1139 = arith.andi %parallel_loop3A_1138, %parallel_loop3A_1133 : i1
        %parallel_loop3A_1140 = arith.addi %parallel_loop3A_1131, %parallel_loop3A_1130 : i32
        %parallel_loop3A_1141 = arith.select %parallel_loop3A_1139, %parallel_loop3A_1140, %parallel_loop3A_1131 : i32
        %parallel_loop3A_1142 = arith.constant 16 : i32
        %parallel_loop3A_1143 = arith.addi %parallel_loop3A_1141, %parallel_loop3A_1142 : i32
        %parallel_loop3A_1144 = arith.index_cast %parallel_loop3A_1098 : i32 to index
        %parallel_loop3A_1145 = arith.index_cast %parallel_loop3A_1143 : i32 to index
        %parallel_loop3A_1146 = tpu.vector_load %arg11[%parallel_loop3A_1144, %parallel_loop3A_1145] {strides = array<i32>} : memref<16x1024xf32, #tpu.memory_space<vmem>>, vector<1x16xf32>,
        %parallel_loop3A_1147 = vector.shape_cast %parallel_loop3A_1146 : vector<1x16xf32> to vector<16xf32>
        %parallel_loop3A_1148 = arith.index_cast %parallel_loop3A_1098 : i32 to index
        %parallel_loop3A_1149 = arith.index_cast %parallel_loop3A_1143 : i32 to index
        %parallel_loop3A_1150 = tpu.vector_load %arg9[%parallel_loop3A_1148, %parallel_loop3A_1149] {strides = array<i32>} : memref<16x1024xf32, #tpu.memory_space<vmem>>, vector<1x16xf32>,
        %parallel_loop3A_1151 = vector.shape_cast %parallel_loop3A_1150 : vector<1x16xf32> to vector<16xf32>
        %parallel_loop3A_1152 = vector.shape_cast %parallel_loop3A_1147 : vector<16xf32> to vector<1x16xf32>
        tpu.vector_store %arg9[%parallel_loop3A_1148, %parallel_loop3A_1149], %parallel_loop3A_1152 {add = true, strides = array<i32>} : memref<16x1024xf32, #tpu.memory_space<vmem>>, vector<1x16xf32>,
        %parallel_loop3A_1153 = arith.constant 1024 : i32
        %parallel_loop3A_1154 = arith.constant 0 : i32
        %parallel_loop3A_1155 = arith.cmpi eq, %parallel_loop3A_1153, %parallel_loop3A_1154 : i32
        %parallel_loop3A_1156 = arith.constant 1 : i32
        %parallel_loop3A_1157 = arith.select %parallel_loop3A_1155, %parallel_loop3A_1156, %parallel_loop3A_1153 : i32
        %parallel_loop3A_1158 = arith.remsi %parallel_loop3A_1074, %parallel_loop3A_1157 : i32
        %parallel_loop3A_1159 = arith.constant 0 : i32
        %parallel_loop3A_1160 = arith.cmpi ne, %parallel_loop3A_1158, %parallel_loop3A_1159 : i32
        %parallel_loop3A_1161 = arith.constant 0 : i32
        %parallel_loop3A_1162 = arith.cmpi slt, %parallel_loop3A_1158, %parallel_loop3A_1161 : i32
        %parallel_loop3A_1163 = arith.constant 0 : i32
        %parallel_loop3A_1164 = arith.cmpi slt, %parallel_loop3A_1157, %parallel_loop3A_1163 : i32
        %parallel_loop3A_1165 = arith.xori %parallel_loop3A_1162, %parallel_loop3A_1164 : i1
        %parallel_loop3A_1166 = arith.andi %parallel_loop3A_1165, %parallel_loop3A_1160 : i1
        %parallel_loop3A_1167 = arith.addi %parallel_loop3A_1158, %parallel_loop3A_1157 : i32
        %parallel_loop3A_1168 = arith.select %parallel_loop3A_1166, %parallel_loop3A_1167, %parallel_loop3A_1158 : i32
        %parallel_loop3A_1169 = arith.constant 32 : i32
        %parallel_loop3A_1170 = arith.addi %parallel_loop3A_1168, %parallel_loop3A_1169 : i32
        %parallel_loop3A_1171 = arith.index_cast %parallel_loop3A_1098 : i32 to index
        %parallel_loop3A_1172 = arith.index_cast %parallel_loop3A_1170 : i32 to index
        %parallel_loop3A_1173 = tpu.vector_load %arg11[%parallel_loop3A_1171, %parallel_loop3A_1172] {strides = array<i32>} : memref<16x1024xf32, #tpu.memory_space<vmem>>, vector<1x16xf32>,
        %parallel_loop3A_1174 = vector.shape_cast %parallel_loop3A_1173 : vector<1x16xf32> to vector<16xf32>
        %parallel_loop3A_1175 = arith.index_cast %parallel_loop3A_1098 : i32 to index
        %parallel_loop3A_1176 = arith.index_cast %parallel_loop3A_1170 : i32 to index
        %parallel_loop3A_1177 = tpu.vector_load %arg9[%parallel_loop3A_1175, %parallel_loop3A_1176] {strides = array<i32>} : memref<16x1024xf32, #tpu.memory_space<vmem>>, vector<1x16xf32>,
        %parallel_loop3A_1178 = vector.shape_cast %parallel_loop3A_1177 : vector<1x16xf32> to vector<16xf32>
        %parallel_loop3A_1179 = vector.shape_cast %parallel_loop3A_1174 : vector<16xf32> to vector<1x16xf32>
        tpu.vector_store %arg9[%parallel_loop3A_1175, %parallel_loop3A_1176], %parallel_loop3A_1179 {add = true, strides = array<i32>} : memref<16x1024xf32, #tpu.memory_space<vmem>>, vector<1x16xf32>,
        %parallel_loop3A_1180 = arith.constant 1024 : i32
        %parallel_loop3A_1181 = arith.constant 0 : i32
        %parallel_loop3A_1182 = arith.cmpi eq, %parallel_loop3A_1180, %parallel_loop3A_1181 : i32
        %parallel_loop3A_1183 = arith.constant 1 : i32
        %parallel_loop3A_1184 = arith.select %parallel_loop3A_1182, %parallel_loop3A_1183, %parallel_loop3A_1180 : i32
        %parallel_loop3A_1185 = arith.remsi %parallel_loop3A_1074, %parallel_loop3A_1184 : i32
        %parallel_loop3A_1186 = arith.constant 0 : i32
        %parallel_loop3A_1187 = arith.cmpi ne, %parallel_loop3A_1185, %parallel_loop3A_1186 : i32
        %parallel_loop3A_1188 = arith.constant 0 : i32
        %parallel_loop3A_1189 = arith.cmpi slt, %parallel_loop3A_1185, %parallel_loop3A_1188 : i32
        %parallel_loop3A_1190 = arith.constant 0 : i32
        %parallel_loop3A_1191 = arith.cmpi slt, %parallel_loop3A_1184, %parallel_loop3A_1190 : i32
        %parallel_loop3A_1192 = arith.xori %parallel_loop3A_1189, %parallel_loop3A_1191 : i1
        %parallel_loop3A_1193 = arith.andi %parallel_loop3A_1192, %parallel_loop3A_1187 : i1
        %parallel_loop3A_1194 = arith.addi %parallel_loop3A_1185, %parallel_loop3A_1184 : i32
        %parallel_loop3A_1195 = arith.select %parallel_loop3A_1193, %parallel_loop3A_1194, %parallel_loop3A_1185 : i32
        %parallel_loop3A_1196 = arith.constant 48 : i32
        %parallel_loop3A_1197 = arith.addi %parallel_loop3A_1195, %parallel_loop3A_1196 : i32
        %parallel_loop3A_1198 = arith.index_cast %parallel_loop3A_1098 : i32 to index
        %parallel_loop3A_1199 = arith.index_cast %parallel_loop3A_1197 : i32 to index
        %parallel_loop3A_1200 = tpu.vector_load %arg11[%parallel_loop3A_1198, %parallel_loop3A_1199] {strides = array<i32>} : memref<16x1024xf32, #tpu.memory_space<vmem>>, vector<1x16xf32>,
        %parallel_loop3A_1201 = vector.shape_cast %parallel_loop3A_1200 : vector<1x16xf32> to vector<16xf32>
        %parallel_loop3A_1202 = arith.index_cast %parallel_loop3A_1098 : i32 to index
        %parallel_loop3A_1203 = arith.index_cast %parallel_loop3A_1197 : i32 to index
        %parallel_loop3A_1204 = tpu.vector_load %arg9[%parallel_loop3A_1202, %parallel_loop3A_1203] {strides = array<i32>} : memref<16x1024xf32, #tpu.memory_space<vmem>>, vector<1x16xf32>,
        %parallel_loop3A_1205 = vector.shape_cast %parallel_loop3A_1204 : vector<1x16xf32> to vector<16xf32>
        %parallel_loop3A_1206 = vector.shape_cast %parallel_loop3A_1201 : vector<16xf32> to vector<1x16xf32>
        tpu.vector_store %arg9[%parallel_loop3A_1202, %parallel_loop3A_1203], %parallel_loop3A_1206 {add = true, strides = array<i32>} : memref<16x1024xf32, #tpu.memory_space<vmem>>, vector<1x16xf32>,
      } {sc.loop_unroll_factor = 4 : i64, sc.parallel_access}
      %jit3A_411 = arith.constant 4 : i32
      %eq3A_412 = arith.constant 0 : i32
      %eq3A_413 = arith.cmpi eq, %jit3A_411, %eq3A_412 : i32
      %jit3A_414 = arith.constant 1 : i32
      %select_n3A_415 = arith.select %eq3A_413, %jit3A_414, %jit3A_411 : i32
      %rem3A_416 = arith.remsi %add3A_346, %select_n3A_415 : i32
      %ne3A_417 = arith.constant 0 : i32
      %ne3A_418 = arith.cmpi ne, %rem3A_416, %ne3A_417 : i32
      %lt3A_419 = arith.constant 0 : i32
      %lt3A_420 = arith.cmpi slt, %rem3A_416, %lt3A_419 : i32
      %lt3A_421 = arith.constant 0 : i32
      %lt3A_422 = arith.cmpi slt, %select_n3A_415, %lt3A_421 : i32
      %ne3A_423 = arith.xori %lt3A_420, %lt3A_422 : i1
      %and3A_424 = arith.andi %ne3A_423, %ne3A_418 : i1
      %add3A_425 = arith.addi %rem3A_416, %select_n3A_415 : i32
      %select_n3A_426 = arith.select %and3A_424, %add3A_425, %rem3A_416 : i32
      %mul3A_427 = arith.constant 4096 : i32
      %mul3A_428 = arith.muli %select_n3A_426, %mul3A_427 : i32
      %add3A_429 = arith.addi %mul3A_428, %mul3A_2 : i32
      %jit3A_430 = arith.constant 4 : i32
      %div3A_431 = arith.divsi %add3A_346, %jit3A_430 : i32
      %sign3A_432 = arith.constant 0 : i32
      %sign3A_433 = arith.cmpi sgt, %add3A_346, %sign3A_432 : i32
      %sign3A_434 = arith.extui %sign3A_433 : i1 to i32
      %sign3A_435 = arith.constant 0 : i32
      %sign3A_436 = arith.cmpi slt, %add3A_346, %sign3A_435 : i32
      %sign3A_437 = arith.extui %sign3A_436 : i1 to i32
      %sign3A_438 = arith.subi %sign3A_434, %sign3A_437 : i32
      %sign3A_439 = arith.constant 0 : i32
      %sign3A_440 = arith.cmpi sgt, %jit3A_430, %sign3A_439 : i32
      %sign3A_441 = arith.extui %sign3A_440 : i1 to i32
      %sign3A_442 = arith.constant 0 : i32
      %sign3A_443 = arith.cmpi slt, %jit3A_430, %sign3A_442 : i32
      %sign3A_444 = arith.extui %sign3A_443 : i1 to i32
      %sign3A_445 = arith.subi %sign3A_441, %sign3A_444 : i32
      %ne3A_446 = arith.cmpi ne, %sign3A_438, %sign3A_445 : i32
      %rem3A_447 = arith.remsi %add3A_346, %jit3A_430 : i32
      %ne3A_448 = arith.constant 0 : i32
      %ne3A_449 = arith.cmpi ne, %rem3A_447, %ne3A_448 : i32
      %and3A_450 = arith.andi %ne3A_446, %ne3A_449 : i1
      %sub3A_451 = arith.constant 1 : i32
      %sub3A_452 = arith.subi %div3A_431, %sub3A_451 : i32
      %select_n3A_453 = arith.select %and3A_450, %sub3A_452, %div3A_431 : i32
      %mul3A_454 = arith.constant 16 : i32
      %mul3A_455 = arith.muli %select_n3A_453, %mul3A_454 : i32
      %add3A_456 = arith.addi %add3A_429, %mul3A_455 : i32
      %dma_start3A_457 = arith.constant 0 : i32
      %dma_start3A_458 = tpu.memref_slice %arg5[%add3A_456, %dma_start3A_457] : memref<16384x1024xf32, #tpu.memory_space<hbm>> -> memref<16x1024xf32, #tpu.memory_space<hbm>>
      %dma_start3A_459 = arith.constant 0 : i32
      %dma_start3A_460 = tpu.memref_slice %arg5[%add3A_456, %dma_start3A_459] : memref<16384x1024xf32, #tpu.memory_space<hbm>> -> memref<16x1024xf32, #tpu.memory_space<hbm>>
      tpu.enqueue_dma source(%arg9 : memref<16x1024xf32, #tpu.memory_space<vmem>>) target(%dma_start3A_460 : memref<16x1024xf32, #tpu.memory_space<hbm>>) target_semaphore(%arg19 : memref<!tpu.dma_semaphore, #tpu.memory_space<semaphore_mem>>)
      %mul3A_461 = arith.constant 4 : i32
      %mul3A_462 = arith.muli %add3A_113, %mul3A_461 : i32
      %add3A_463 = arith.constant 3 : i32
      %add3A_464 = arith.addi %mul3A_462, %add3A_463 : i32
      %jit3A_465 = arith.constant 4 : i32
      %eq3A_466 = arith.constant 0 : i32
      %eq3A_467 = arith.cmpi eq, %jit3A_465, %eq3A_466 : i32
      %jit3A_468 = arith.constant 1 : i32
      %select_n3A_469 = arith.select %eq3A_467, %jit3A_468, %jit3A_465 : i32
      %rem3A_470 = arith.remsi %add3A_464, %select_n3A_469 : i32
      %ne3A_471 = arith.constant 0 : i32
      %ne3A_472 = arith.cmpi ne, %rem3A_470, %ne3A_471 : i32
      %lt3A_473 = arith.constant 0 : i32
      %lt3A_474 = arith.cmpi slt, %rem3A_470, %lt3A_473 : i32
      %lt3A_475 = arith.constant 0 : i32
      %lt3A_476 = arith.cmpi slt, %select_n3A_469, %lt3A_475 : i32
      %ne3A_477 = arith.xori %lt3A_474, %lt3A_476 : i1
      %and3A_478 = arith.andi %ne3A_477, %ne3A_472 : i1
      %add3A_479 = arith.addi %rem3A_470, %select_n3A_469 : i32
      %select_n3A_480 = arith.select %and3A_478, %add3A_479, %rem3A_470 : i32
      %mul3A_481 = arith.constant 128 : i32
      %mul3A_482 = arith.muli %select_n3A_480, %mul3A_481 : i32
      %jit3A_483 = arith.constant 4 : i32
      %div3A_484 = arith.divsi %add3A_464, %jit3A_483 : i32
      %sign3A_485 = arith.constant 0 : i32
      %sign3A_486 = arith.cmpi sgt, %add3A_464, %sign3A_485 : i32
      %sign3A_487 = arith.extui %sign3A_486 : i1 to i32
      %sign3A_488 = arith.constant 0 : i32
      %sign3A_489 = arith.cmpi slt, %add3A_464, %sign3A_488 : i32
      %sign3A_490 = arith.extui %sign3A_489 : i1 to i32
      %sign3A_491 = arith.subi %sign3A_487, %sign3A_490 : i32
      %sign3A_492 = arith.constant 0 : i32
      %sign3A_493 = arith.cmpi sgt, %jit3A_483, %sign3A_492 : i32
      %sign3A_494 = arith.extui %sign3A_493 : i1 to i32
      %sign3A_495 = arith.constant 0 : i32
      %sign3A_496 = arith.cmpi slt, %jit3A_483, %sign3A_495 : i32
      %sign3A_497 = arith.extui %sign3A_496 : i1 to i32
      %sign3A_498 = arith.subi %sign3A_494, %sign3A_497 : i32
      %ne3A_499 = arith.cmpi ne, %sign3A_491, %sign3A_498 : i32
      %rem3A_500 = arith.remsi %add3A_464, %jit3A_483 : i32
      %ne3A_501 = arith.constant 0 : i32
      %ne3A_502 = arith.cmpi ne, %rem3A_500, %ne3A_501 : i32
      %and3A_503 = arith.andi %ne3A_499, %ne3A_502 : i1
      %sub3A_504 = arith.constant 1 : i32
      %sub3A_505 = arith.subi %div3A_484, %sub3A_504 : i32
      %select_n3A_506 = arith.select %and3A_503, %sub3A_505, %div3A_484 : i32
      %mul3A_507 = arith.constant 16 : i32
      %mul3A_508 = arith.muli %select_n3A_506, %mul3A_507 : i32
      %add3A_509 = arith.addi %mul3A_482, %mul3A_508 : i32
      %dma_wait3A_510 = tpu.memref_slice %arg6[%add3A_509] : memref<512xi32, #tpu.memory_space<vmem>> -> memref<16xi32, #tpu.memory_space<vmem>>
      %dma_wait3A_511 = arith.constant 0 : i32
      %dma_wait3A_512 = arith.constant 0 : i32
      %dma_wait3A_513 = tpu.memref_slice %arg2[%dma_wait3A_511, %dma_wait3A_512] : memref<100000x1024xf32, #tpu.memory_space<hbm>> -> memref<100000x1024xf32, #tpu.memory_space<hbm>>
      tpu.wait_indirect_dma semaphore(%arg16 : memref<!tpu.dma_semaphore, #tpu.memory_space<semaphore_mem>>) src(%dma_wait3A_513 : memref<100000x1024xf32, #tpu.memory_space<hbm>>) dst(%arg10 : memref<16x1024xf32, #tpu.memory_space<vmem>>)
      %ge3A_514 = arith.constant 2 : i32
      %ge3A_515 = arith.cmpi sge, %add3A_464, %ge3A_514 : i32
      %convert_element_type3A_516 = arith.extui %ge3A_515 : i1 to i32
      %cond3A_517 = arith.constant 0 : i32
      %cond3A_518 = arith.cmpi ne, %convert_element_type3A_516, %cond3A_517 : i32
      scf.if %cond3A_518 {
        %sub3A_1074 = arith.constant 2 : i32
        %sub3A_1075 = arith.subi %add3A_464, %sub3A_1074 : i32
        %jit3A_1076 = arith.constant 4 : i32
        %eq3A_1077 = arith.constant 0 : i32
        %eq3A_1078 = arith.cmpi eq, %jit3A_1076, %eq3A_1077 : i32
        %jit3A_1079 = arith.constant 1 : i32
        %select_n3A_1080 = arith.select %eq3A_1078, %jit3A_1079, %jit3A_1076 : i32
        %rem3A_1081 = arith.remsi %sub3A_1075, %select_n3A_1080 : i32
        %ne3A_1082 = arith.constant 0 : i32
        %ne3A_1083 = arith.cmpi ne, %rem3A_1081, %ne3A_1082 : i32
        %lt3A_1084 = arith.constant 0 : i32
        %lt3A_1085 = arith.cmpi slt, %rem3A_1081, %lt3A_1084 : i32
        %lt3A_1086 = arith.constant 0 : i32
        %lt3A_1087 = arith.cmpi slt, %select_n3A_1080, %lt3A_1086 : i32
        %ne3A_1088 = arith.xori %lt3A_1085, %lt3A_1087 : i1
        %and3A_1089 = arith.andi %ne3A_1088, %ne3A_1083 : i1
        %add3A_1090 = arith.addi %rem3A_1081, %select_n3A_1080 : i32
        %select_n3A_1091 = arith.select %and3A_1089, %add3A_1090, %rem3A_1081 : i32
        %mul3A_1092 = arith.constant 4096 : i32
        %mul3A_1093 = arith.muli %select_n3A_1091, %mul3A_1092 : i32
        %add3A_1094 = arith.addi %mul3A_1093, %mul3A_2 : i32
        %jit3A_1095 = arith.constant 4 : i32
        %div3A_1096 = arith.divsi %sub3A_1075, %jit3A_1095 : i32
        %sign3A_1097 = arith.constant 0 : i32
        %sign3A_1098 = arith.cmpi sgt, %sub3A_1075, %sign3A_1097 : i32
        %sign3A_1099 = arith.extui %sign3A_1098 : i1 to i32
        %sign3A_1100 = arith.constant 0 : i32
        %sign3A_1101 = arith.cmpi slt, %sub3A_1075, %sign3A_1100 : i32
        %sign3A_1102 = arith.extui %sign3A_1101 : i1 to i32
        %sign3A_1103 = arith.subi %sign3A_1099, %sign3A_1102 : i32
        %sign3A_1104 = arith.constant 0 : i32
        %sign3A_1105 = arith.cmpi sgt, %jit3A_1095, %sign3A_1104 : i32
        %sign3A_1106 = arith.extui %sign3A_1105 : i1 to i32
        %sign3A_1107 = arith.constant 0 : i32
        %sign3A_1108 = arith.cmpi slt, %jit3A_1095, %sign3A_1107 : i32
        %sign3A_1109 = arith.extui %sign3A_1108 : i1 to i32
        %sign3A_1110 = arith.subi %sign3A_1106, %sign3A_1109 : i32
        %ne3A_1111 = arith.cmpi ne, %sign3A_1103, %sign3A_1110 : i32
        %rem3A_1112 = arith.remsi %sub3A_1075, %jit3A_1095 : i32
        %ne3A_1113 = arith.constant 0 : i32
        %ne3A_1114 = arith.cmpi ne, %rem3A_1112, %ne3A_1113 : i32
        %and3A_1115 = arith.andi %ne3A_1111, %ne3A_1114 : i1
        %sub3A_1116 = arith.constant 1 : i32
        %sub3A_1117 = arith.subi %div3A_1096, %sub3A_1116 : i32
        %select_n3A_1118 = arith.select %and3A_1115, %sub3A_1117, %div3A_1096 : i32
        %mul3A_1119 = arith.constant 16 : i32
        %mul3A_1120 = arith.muli %select_n3A_1118, %mul3A_1119 : i32
        %add3A_1121 = arith.addi %add3A_1094, %mul3A_1120 : i32
        %dma_wait3A_1122 = arith.constant 0 : i32
        %dma_wait3A_1123 = tpu.memref_slice %arg5[%add3A_1121, %dma_wait3A_1122] : memref<16384x1024xf32, #tpu.memory_space<hbm>> -> memref<16x1024xf32, #tpu.memory_space<hbm>>
        %dma_wait3A_1124 = arith.constant 0 : i32
        %dma_wait3A_1125 = tpu.memref_slice %arg5[%add3A_1121, %dma_wait3A_1124] : memref<16384x1024xf32, #tpu.memory_space<hbm>> -> memref<16x1024xf32, #tpu.memory_space<hbm>>
        tpu.wait_dma2 semaphore(%arg18 : memref<!tpu.dma_semaphore, #tpu.memory_space<semaphore_mem>>) src(%arg8 : memref<16x1024xf32, #tpu.memory_space<vmem>>) dst(%dma_wait3A_1125 : memref<16x1024xf32, #tpu.memory_space<hbm>>)
      } else {
      }
      %add3A_519 = arith.constant 2 : i32
      %add3A_520 = arith.addi %add3A_464, %add3A_519 : i32
      %lt3A_521 = arith.constant 32 : i32
      %lt3A_522 = arith.cmpi slt, %add3A_520, %lt3A_521 : i32
      %convert_element_type3A_523 = arith.extui %lt3A_522 : i1 to i32
      %cond3A_524 = arith.constant 0 : i32
      %cond3A_525 = arith.cmpi ne, %convert_element_type3A_523, %cond3A_524 : i32
      scf.if %cond3A_525 {
        %add3A_1074 = arith.constant 2 : i32
        %add3A_1075 = arith.addi %add3A_464, %add3A_1074 : i32
        %jit3A_1076 = arith.constant 4 : i32
        %eq3A_1077 = arith.constant 0 : i32
        %eq3A_1078 = arith.cmpi eq, %jit3A_1076, %eq3A_1077 : i32
        %jit3A_1079 = arith.constant 1 : i32
        %select_n3A_1080 = arith.select %eq3A_1078, %jit3A_1079, %jit3A_1076 : i32
        %rem3A_1081 = arith.remsi %add3A_1075, %select_n3A_1080 : i32
        %ne3A_1082 = arith.constant 0 : i32
        %ne3A_1083 = arith.cmpi ne, %rem3A_1081, %ne3A_1082 : i32
        %lt3A_1084 = arith.constant 0 : i32
        %lt3A_1085 = arith.cmpi slt, %rem3A_1081, %lt3A_1084 : i32
        %lt3A_1086 = arith.constant 0 : i32
        %lt3A_1087 = arith.cmpi slt, %select_n3A_1080, %lt3A_1086 : i32
        %ne3A_1088 = arith.xori %lt3A_1085, %lt3A_1087 : i1
        %and3A_1089 = arith.andi %ne3A_1088, %ne3A_1083 : i1
        %add3A_1090 = arith.addi %rem3A_1081, %select_n3A_1080 : i32
        %select_n3A_1091 = arith.select %and3A_1089, %add3A_1090, %rem3A_1081 : i32
        %mul3A_1092 = arith.constant 128 : i32
        %mul3A_1093 = arith.muli %select_n3A_1091, %mul3A_1092 : i32
        %jit3A_1094 = arith.constant 4 : i32
        %div3A_1095 = arith.divsi %add3A_1075, %jit3A_1094 : i32
        %sign3A_1096 = arith.constant 0 : i32
        %sign3A_1097 = arith.cmpi sgt, %add3A_1075, %sign3A_1096 : i32
        %sign3A_1098 = arith.extui %sign3A_1097 : i1 to i32
        %sign3A_1099 = arith.constant 0 : i32
        %sign3A_1100 = arith.cmpi slt, %add3A_1075, %sign3A_1099 : i32
        %sign3A_1101 = arith.extui %sign3A_1100 : i1 to i32
        %sign3A_1102 = arith.subi %sign3A_1098, %sign3A_1101 : i32
        %sign3A_1103 = arith.constant 0 : i32
        %sign3A_1104 = arith.cmpi sgt, %jit3A_1094, %sign3A_1103 : i32
        %sign3A_1105 = arith.extui %sign3A_1104 : i1 to i32
        %sign3A_1106 = arith.constant 0 : i32
        %sign3A_1107 = arith.cmpi slt, %jit3A_1094, %sign3A_1106 : i32
        %sign3A_1108 = arith.extui %sign3A_1107 : i1 to i32
        %sign3A_1109 = arith.subi %sign3A_1105, %sign3A_1108 : i32
        %ne3A_1110 = arith.cmpi ne, %sign3A_1102, %sign3A_1109 : i32
        %rem3A_1111 = arith.remsi %add3A_1075, %jit3A_1094 : i32
        %ne3A_1112 = arith.constant 0 : i32
        %ne3A_1113 = arith.cmpi ne, %rem3A_1111, %ne3A_1112 : i32
        %and3A_1114 = arith.andi %ne3A_1110, %ne3A_1113 : i1
        %sub3A_1115 = arith.constant 1 : i32
        %sub3A_1116 = arith.subi %div3A_1095, %sub3A_1115 : i32
        %select_n3A_1117 = arith.select %and3A_1114, %sub3A_1116, %div3A_1095 : i32
        %mul3A_1118 = arith.constant 16 : i32
        %mul3A_1119 = arith.muli %select_n3A_1117, %mul3A_1118 : i32
        %add3A_1120 = arith.addi %mul3A_1093, %mul3A_1119 : i32
        %dma_start3A_1121 = tpu.memref_slice %arg6[%add3A_1120] : memref<512xi32, #tpu.memory_space<vmem>> -> memref<16xi32, #tpu.memory_space<vmem>>
        %dma_start3A_1122 = arith.constant 0 : i32
        %dma_start3A_1123 = arith.constant 0 : i32
        %dma_start3A_1124 = tpu.memref_slice %arg2[%dma_start3A_1122, %dma_start3A_1123] : memref<100000x1024xf32, #tpu.memory_space<hbm>> -> memref<100000x1024xf32, #tpu.memory_space<hbm>>
        tpu.enqueue_indirect_dma source(%dma_start3A_1124 : memref<100000x1024xf32, #tpu.memory_space<hbm>>) target(%arg8 : memref<16x1024xf32, #tpu.memory_space<vmem>>) offsets(%dma_start3A_1121 : memref<16xi32, #tpu.memory_space<vmem>>) semaphore(%arg14 : memref<!tpu.dma_semaphore, #tpu.memory_space<semaphore_mem>>)
      } else {
      }
      %parallel_loop3A_526 = arith.constant 0 : i32
      %parallel_loop3A_527 = arith.constant 16384 : i32
      %parallel_loop3A_528 = arith.constant 64 : i32
      scf.for %parallel_loop3A_1074 = %parallel_loop3A_526 to %parallel_loop3A_527 step %parallel_loop3A_528  : i32 {
        %parallel_loop3A_1075 = arith.constant 1024 : i32
        %parallel_loop3A_1076 = arith.divsi %parallel_loop3A_1074, %parallel_loop3A_1075 : i32
        %parallel_loop3A_1077 = arith.constant 0 : i32
        %parallel_loop3A_1078 = arith.cmpi sgt, %parallel_loop3A_1074, %parallel_loop3A_1077 : i32
        %parallel_loop3A_1079 = arith.extui %parallel_loop3A_1078 : i1 to i32
        %parallel_loop3A_1080 = arith.constant 0 : i32
        %parallel_loop3A_1081 = arith.cmpi slt, %parallel_loop3A_1074, %parallel_loop3A_1080 : i32
        %parallel_loop3A_1082 = arith.extui %parallel_loop3A_1081 : i1 to i32
        %parallel_loop3A_1083 = arith.subi %parallel_loop3A_1079, %parallel_loop3A_1082 : i32
        %parallel_loop3A_1084 = arith.constant 0 : i32
        %parallel_loop3A_1085 = arith.cmpi sgt, %parallel_loop3A_1075, %parallel_loop3A_1084 : i32
        %parallel_loop3A_1086 = arith.extui %parallel_loop3A_1085 : i1 to i32
        %parallel_loop3A_1087 = arith.constant 0 : i32
        %parallel_loop3A_1088 = arith.cmpi slt, %parallel_loop3A_1075, %parallel_loop3A_1087 : i32
        %parallel_loop3A_1089 = arith.extui %parallel_loop3A_1088 : i1 to i32
        %parallel_loop3A_1090 = arith.subi %parallel_loop3A_1086, %parallel_loop3A_1089 : i32
        %parallel_loop3A_1091 = arith.cmpi ne, %parallel_loop3A_1083, %parallel_loop3A_1090 : i32
        %parallel_loop3A_1092 = arith.remsi %parallel_loop3A_1074, %parallel_loop3A_1075 : i32
        %parallel_loop3A_1093 = arith.constant 0 : i32
        %parallel_loop3A_1094 = arith.cmpi ne, %parallel_loop3A_1092, %parallel_loop3A_1093 : i32
        %parallel_loop3A_1095 = arith.andi %parallel_loop3A_1091, %parallel_loop3A_1094 : i1
        %parallel_loop3A_1096 = arith.constant 1 : i32
        %parallel_loop3A_1097 = arith.subi %parallel_loop3A_1076, %parallel_loop3A_1096 : i32
        %parallel_loop3A_1098 = arith.select %parallel_loop3A_1095, %parallel_loop3A_1097, %parallel_loop3A_1076 : i32
        %parallel_loop3A_1099 = arith.constant 1024 : i32
        %parallel_loop3A_1100 = arith.constant 0 : i32
        %parallel_loop3A_1101 = arith.cmpi eq, %parallel_loop3A_1099, %parallel_loop3A_1100 : i32
        %parallel_loop3A_1102 = arith.constant 1 : i32
        %parallel_loop3A_1103 = arith.select %parallel_loop3A_1101, %parallel_loop3A_1102, %parallel_loop3A_1099 : i32
        %parallel_loop3A_1104 = arith.remsi %parallel_loop3A_1074, %parallel_loop3A_1103 : i32
        %parallel_loop3A_1105 = arith.constant 0 : i32
        %parallel_loop3A_1106 = arith.cmpi ne, %parallel_loop3A_1104, %parallel_loop3A_1105 : i32
        %parallel_loop3A_1107 = arith.constant 0 : i32
        %parallel_loop3A_1108 = arith.cmpi slt, %parallel_loop3A_1104, %parallel_loop3A_1107 : i32
        %parallel_loop3A_1109 = arith.constant 0 : i32
        %parallel_loop3A_1110 = arith.cmpi slt, %parallel_loop3A_1103, %parallel_loop3A_1109 : i32
        %parallel_loop3A_1111 = arith.xori %parallel_loop3A_1108, %parallel_loop3A_1110 : i1
        %parallel_loop3A_1112 = arith.andi %parallel_loop3A_1111, %parallel_loop3A_1106 : i1
        %parallel_loop3A_1113 = arith.addi %parallel_loop3A_1104, %parallel_loop3A_1103 : i32
        %parallel_loop3A_1114 = arith.select %parallel_loop3A_1112, %parallel_loop3A_1113, %parallel_loop3A_1104 : i32
        %parallel_loop3A_1115 = arith.constant 0 : i32
        %parallel_loop3A_1116 = arith.addi %parallel_loop3A_1114, %parallel_loop3A_1115 : i32
        %parallel_loop3A_1117 = arith.index_cast %parallel_loop3A_1098 : i32 to index
        %parallel_loop3A_1118 = arith.index_cast %parallel_loop3A_1116 : i32 to index
        %parallel_loop3A_1119 = tpu.vector_load %arg11[%parallel_loop3A_1117, %parallel_loop3A_1118] {strides = array<i32>} : memref<16x1024xf32, #tpu.memory_space<vmem>>, vector<1x16xf32>,
        %parallel_loop3A_1120 = vector.shape_cast %parallel_loop3A_1119 : vector<1x16xf32> to vector<16xf32>
        %parallel_loop3A_1121 = arith.index_cast %parallel_loop3A_1098 : i32 to index
        %parallel_loop3A_1122 = arith.index_cast %parallel_loop3A_1116 : i32 to index
        %parallel_loop3A_1123 = tpu.vector_load %arg10[%parallel_loop3A_1121, %parallel_loop3A_1122] {strides = array<i32>} : memref<16x1024xf32, #tpu.memory_space<vmem>>, vector<1x16xf32>,
        %parallel_loop3A_1124 = vector.shape_cast %parallel_loop3A_1123 : vector<1x16xf32> to vector<16xf32>
        %parallel_loop3A_1125 = vector.shape_cast %parallel_loop3A_1120 : vector<16xf32> to vector<1x16xf32>
        tpu.vector_store %arg10[%parallel_loop3A_1121, %parallel_loop3A_1122], %parallel_loop3A_1125 {add = true, strides = array<i32>} : memref<16x1024xf32, #tpu.memory_space<vmem>>, vector<1x16xf32>,
        %parallel_loop3A_1126 = arith.constant 1024 : i32
        %parallel_loop3A_1127 = arith.constant 0 : i32
        %parallel_loop3A_1128 = arith.cmpi eq, %parallel_loop3A_1126, %parallel_loop3A_1127 : i32
        %parallel_loop3A_1129 = arith.constant 1 : i32
        %parallel_loop3A_1130 = arith.select %parallel_loop3A_1128, %parallel_loop3A_1129, %parallel_loop3A_1126 : i32
        %parallel_loop3A_1131 = arith.remsi %parallel_loop3A_1074, %parallel_loop3A_1130 : i32
        %parallel_loop3A_1132 = arith.constant 0 : i32
        %parallel_loop3A_1133 = arith.cmpi ne, %parallel_loop3A_1131, %parallel_loop3A_1132 : i32
        %parallel_loop3A_1134 = arith.constant 0 : i32
        %parallel_loop3A_1135 = arith.cmpi slt, %parallel_loop3A_1131, %parallel_loop3A_1134 : i32
        %parallel_loop3A_1136 = arith.constant 0 : i32
        %parallel_loop3A_1137 = arith.cmpi slt, %parallel_loop3A_1130, %parallel_loop3A_1136 : i32
        %parallel_loop3A_1138 = arith.xori %parallel_loop3A_1135, %parallel_loop3A_1137 : i1
        %parallel_loop3A_1139 = arith.andi %parallel_loop3A_1138, %parallel_loop3A_1133 : i1
        %parallel_loop3A_1140 = arith.addi %parallel_loop3A_1131, %parallel_loop3A_1130 : i32
        %parallel_loop3A_1141 = arith.select %parallel_loop3A_1139, %parallel_loop3A_1140, %parallel_loop3A_1131 : i32
        %parallel_loop3A_1142 = arith.constant 16 : i32
        %parallel_loop3A_1143 = arith.addi %parallel_loop3A_1141, %parallel_loop3A_1142 : i32
        %parallel_loop3A_1144 = arith.index_cast %parallel_loop3A_1098 : i32 to index
        %parallel_loop3A_1145 = arith.index_cast %parallel_loop3A_1143 : i32 to index
        %parallel_loop3A_1146 = tpu.vector_load %arg11[%parallel_loop3A_1144, %parallel_loop3A_1145] {strides = array<i32>} : memref<16x1024xf32, #tpu.memory_space<vmem>>, vector<1x16xf32>,
        %parallel_loop3A_1147 = vector.shape_cast %parallel_loop3A_1146 : vector<1x16xf32> to vector<16xf32>
        %parallel_loop3A_1148 = arith.index_cast %parallel_loop3A_1098 : i32 to index
        %parallel_loop3A_1149 = arith.index_cast %parallel_loop3A_1143 : i32 to index
        %parallel_loop3A_1150 = tpu.vector_load %arg10[%parallel_loop3A_1148, %parallel_loop3A_1149] {strides = array<i32>} : memref<16x1024xf32, #tpu.memory_space<vmem>>, vector<1x16xf32>,
        %parallel_loop3A_1151 = vector.shape_cast %parallel_loop3A_1150 : vector<1x16xf32> to vector<16xf32>
        %parallel_loop3A_1152 = vector.shape_cast %parallel_loop3A_1147 : vector<16xf32> to vector<1x16xf32>
        tpu.vector_store %arg10[%parallel_loop3A_1148, %parallel_loop3A_1149], %parallel_loop3A_1152 {add = true, strides = array<i32>} : memref<16x1024xf32, #tpu.memory_space<vmem>>, vector<1x16xf32>,
        %parallel_loop3A_1153 = arith.constant 1024 : i32
        %parallel_loop3A_1154 = arith.constant 0 : i32
        %parallel_loop3A_1155 = arith.cmpi eq, %parallel_loop3A_1153, %parallel_loop3A_1154 : i32
        %parallel_loop3A_1156 = arith.constant 1 : i32
        %parallel_loop3A_1157 = arith.select %parallel_loop3A_1155, %parallel_loop3A_1156, %parallel_loop3A_1153 : i32
        %parallel_loop3A_1158 = arith.remsi %parallel_loop3A_1074, %parallel_loop3A_1157 : i32
        %parallel_loop3A_1159 = arith.constant 0 : i32
        %parallel_loop3A_1160 = arith.cmpi ne, %parallel_loop3A_1158, %parallel_loop3A_1159 : i32
        %parallel_loop3A_1161 = arith.constant 0 : i32
        %parallel_loop3A_1162 = arith.cmpi slt, %parallel_loop3A_1158, %parallel_loop3A_1161 : i32
        %parallel_loop3A_1163 = arith.constant 0 : i32
        %parallel_loop3A_1164 = arith.cmpi slt, %parallel_loop3A_1157, %parallel_loop3A_1163 : i32
        %parallel_loop3A_1165 = arith.xori %parallel_loop3A_1162, %parallel_loop3A_1164 : i1
        %parallel_loop3A_1166 = arith.andi %parallel_loop3A_1165, %parallel_loop3A_1160 : i1
        %parallel_loop3A_1167 = arith.addi %parallel_loop3A_1158, %parallel_loop3A_1157 : i32
        %parallel_loop3A_1168 = arith.select %parallel_loop3A_1166, %parallel_loop3A_1167, %parallel_loop3A_1158 : i32
        %parallel_loop3A_1169 = arith.constant 32 : i32
        %parallel_loop3A_1170 = arith.addi %parallel_loop3A_1168, %parallel_loop3A_1169 : i32
        %parallel_loop3A_1171 = arith.index_cast %parallel_loop3A_1098 : i32 to index
        %parallel_loop3A_1172 = arith.index_cast %parallel_loop3A_1170 : i32 to index
        %parallel_loop3A_1173 = tpu.vector_load %arg11[%parallel_loop3A_1171, %parallel_loop3A_1172] {strides = array<i32>} : memref<16x1024xf32, #tpu.memory_space<vmem>>, vector<1x16xf32>,
        %parallel_loop3A_1174 = vector.shape_cast %parallel_loop3A_1173 : vector<1x16xf32> to vector<16xf32>
        %parallel_loop3A_1175 = arith.index_cast %parallel_loop3A_1098 : i32 to index
        %parallel_loop3A_1176 = arith.index_cast %parallel_loop3A_1170 : i32 to index
        %parallel_loop3A_1177 = tpu.vector_load %arg10[%parallel_loop3A_1175, %parallel_loop3A_1176] {strides = array<i32>} : memref<16x1024xf32, #tpu.memory_space<vmem>>, vector<1x16xf32>,
        %parallel_loop3A_1178 = vector.shape_cast %parallel_loop3A_1177 : vector<1x16xf32> to vector<16xf32>
        %parallel_loop3A_1179 = vector.shape_cast %parallel_loop3A_1174 : vector<16xf32> to vector<1x16xf32>
        tpu.vector_store %arg10[%parallel_loop3A_1175, %parallel_loop3A_1176], %parallel_loop3A_1179 {add = true, strides = array<i32>} : memref<16x1024xf32, #tpu.memory_space<vmem>>, vector<1x16xf32>,
        %parallel_loop3A_1180 = arith.constant 1024 : i32
        %parallel_loop3A_1181 = arith.constant 0 : i32
        %parallel_loop3A_1182 = arith.cmpi eq, %parallel_loop3A_1180, %parallel_loop3A_1181 : i32
        %parallel_loop3A_1183 = arith.constant 1 : i32
        %parallel_loop3A_1184 = arith.select %parallel_loop3A_1182, %parallel_loop3A_1183, %parallel_loop3A_1180 : i32
        %parallel_loop3A_1185 = arith.remsi %parallel_loop3A_1074, %parallel_loop3A_1184 : i32
        %parallel_loop3A_1186 = arith.constant 0 : i32
        %parallel_loop3A_1187 = arith.cmpi ne, %parallel_loop3A_1185, %parallel_loop3A_1186 : i32
        %parallel_loop3A_1188 = arith.constant 0 : i32
        %parallel_loop3A_1189 = arith.cmpi slt, %parallel_loop3A_1185, %parallel_loop3A_1188 : i32
        %parallel_loop3A_1190 = arith.constant 0 : i32
        %parallel_loop3A_1191 = arith.cmpi slt, %parallel_loop3A_1184, %parallel_loop3A_1190 : i32
        %parallel_loop3A_1192 = arith.xori %parallel_loop3A_1189, %parallel_loop3A_1191 : i1
        %parallel_loop3A_1193 = arith.andi %parallel_loop3A_1192, %parallel_loop3A_1187 : i1
        %parallel_loop3A_1194 = arith.addi %parallel_loop3A_1185, %parallel_loop3A_1184 : i32
        %parallel_loop3A_1195 = arith.select %parallel_loop3A_1193, %parallel_loop3A_1194, %parallel_loop3A_1185 : i32
        %parallel_loop3A_1196 = arith.constant 48 : i32
        %parallel_loop3A_1197 = arith.addi %parallel_loop3A_1195, %parallel_loop3A_1196 : i32
        %parallel_loop3A_1198 = arith.index_cast %parallel_loop3A_1098 : i32 to index
        %parallel_loop3A_1199 = arith.index_cast %parallel_loop3A_1197 : i32 to index
        %parallel_loop3A_1200 = tpu.vector_load %arg11[%parallel_loop3A_1198, %parallel_loop3A_1199] {strides = array<i32>} : memref<16x1024xf32, #tpu.memory_space<vmem>>, vector<1x16xf32>,
        %parallel_loop3A_1201 = vector.shape_cast %parallel_loop3A_1200 : vector<1x16xf32> to vector<16xf32>
        %parallel_loop3A_1202 = arith.index_cast %parallel_loop3A_1098 : i32 to index
        %parallel_loop3A_1203 = arith.index_cast %parallel_loop3A_1197 : i32 to index
        %parallel_loop3A_1204 = tpu.vector_load %arg10[%parallel_loop3A_1202, %parallel_loop3A_1203] {strides = array<i32>} : memref<16x1024xf32, #tpu.memory_space<vmem>>, vector<1x16xf32>,
        %parallel_loop3A_1205 = vector.shape_cast %parallel_loop3A_1204 : vector<1x16xf32> to vector<16xf32>
        %parallel_loop3A_1206 = vector.shape_cast %parallel_loop3A_1201 : vector<16xf32> to vector<1x16xf32>
        tpu.vector_store %arg10[%parallel_loop3A_1202, %parallel_loop3A_1203], %parallel_loop3A_1206 {add = true, strides = array<i32>} : memref<16x1024xf32, #tpu.memory_space<vmem>>, vector<1x16xf32>,
      } {sc.loop_unroll_factor = 4 : i64, sc.parallel_access}
      %jit3A_529 = arith.constant 4 : i32
      %eq3A_530 = arith.constant 0 : i32
      %eq3A_531 = arith.cmpi eq, %jit3A_529, %eq3A_530 : i32
      %jit3A_532 = arith.constant 1 : i32
      %select_n3A_533 = arith.select %eq3A_531, %jit3A_532, %jit3A_529 : i32
      %rem3A_534 = arith.remsi %add3A_464, %select_n3A_533 : i32
      %ne3A_535 = arith.constant 0 : i32
      %ne3A_536 = arith.cmpi ne, %rem3A_534, %ne3A_535 : i32
      %lt3A_537 = arith.constant 0 : i32
      %lt3A_538 = arith.cmpi slt, %rem3A_534, %lt3A_537 : i32
      %lt3A_539 = arith.constant 0 : i32
      %lt3A_540 = arith.cmpi slt, %select_n3A_533, %lt3A_539 : i32
      %ne3A_541 = arith.xori %lt3A_538, %lt3A_540 : i1
      %and3A_542 = arith.andi %ne3A_541, %ne3A_536 : i1
      %add3A_543 = arith.addi %rem3A_534, %select_n3A_533 : i32
      %select_n3A_544 = arith.select %and3A_542, %add3A_543, %rem3A_534 : i32
      %mul3A_545 = arith.constant 4096 : i32
      %mul3A_546 = arith.muli %select_n3A_544, %mul3A_545 : i32
      %add3A_547 = arith.addi %mul3A_546, %mul3A_2 : i32
      %jit3A_548 = arith.constant 4 : i32
      %div3A_549 = arith.divsi %add3A_464, %jit3A_548 : i32
      %sign3A_550 = arith.constant 0 : i32
      %sign3A_551 = arith.cmpi sgt, %add3A_464, %sign3A_550 : i32
      %sign3A_552 = arith.extui %sign3A_551 : i1 to i32
      %sign3A_553 = arith.constant 0 : i32
      %sign3A_554 = arith.cmpi slt, %add3A_464, %sign3A_553 : i32
      %sign3A_555 = arith.extui %sign3A_554 : i1 to i32
      %sign3A_556 = arith.subi %sign3A_552, %sign3A_555 : i32
      %sign3A_557 = arith.constant 0 : i32
      %sign3A_558 = arith.cmpi sgt, %jit3A_548, %sign3A_557 : i32
      %sign3A_559 = arith.extui %sign3A_558 : i1 to i32
      %sign3A_560 = arith.constant 0 : i32
      %sign3A_561 = arith.cmpi slt, %jit3A_548, %sign3A_560 : i32
      %sign3A_562 = arith.extui %sign3A_561 : i1 to i32
      %sign3A_563 = arith.subi %sign3A_559, %sign3A_562 : i32
      %ne3A_564 = arith.cmpi ne, %sign3A_556, %sign3A_563 : i32
      %rem3A_565 = arith.remsi %add3A_464, %jit3A_548 : i32
      %ne3A_566 = arith.constant 0 : i32
      %ne3A_567 = arith.cmpi ne, %rem3A_565, %ne3A_566 : i32
      %and3A_568 = arith.andi %ne3A_564, %ne3A_567 : i1
      %sub3A_569 = arith.constant 1 : i32
      %sub3A_570 = arith.subi %div3A_549, %sub3A_569 : i32
      %select_n3A_571 = arith.select %and3A_568, %sub3A_570, %div3A_549 : i32
      %mul3A_572 = arith.constant 16 : i32
      %mul3A_573 = arith.muli %select_n3A_571, %mul3A_572 : i32
      %add3A_574 = arith.addi %add3A_547, %mul3A_573 : i32
      %dma_start3A_575 = arith.constant 0 : i32
      %dma_start3A_576 = tpu.memref_slice %arg5[%add3A_574, %dma_start3A_575] : memref<16384x1024xf32, #tpu.memory_space<hbm>> -> memref<16x1024xf32, #tpu.memory_space<hbm>>
      %dma_start3A_577 = arith.constant 0 : i32
      %dma_start3A_578 = tpu.memref_slice %arg5[%add3A_574, %dma_start3A_577] : memref<16384x1024xf32, #tpu.memory_space<hbm>> -> memref<16x1024xf32, #tpu.memory_space<hbm>>
      tpu.enqueue_dma source(%arg10 : memref<16x1024xf32, #tpu.memory_space<vmem>>) target(%dma_start3A_578 : memref<16x1024xf32, #tpu.memory_space<hbm>>) target_semaphore(%arg20 : memref<!tpu.dma_semaphore, #tpu.memory_space<semaphore_mem>>)
      %add3A_579 = arith.constant 2 : i32
      %add3A_580 = arith.addi %add3A_113, %add3A_579 : i32
      %lt3A_581 = arith.constant 8 : i32
      %lt3A_582 = arith.cmpi slt, %add3A_580, %lt3A_581 : i32
      %convert_element_type3A_583 = arith.extui %lt3A_582 : i1 to i32
      %cond3A_584 = arith.constant 0 : i32
      %cond3A_585 = arith.cmpi ne, %convert_element_type3A_583, %cond3A_584 : i32
      scf.if %cond3A_585 {
        %add3A_1074 = arith.constant 2 : i32
        %add3A_1075 = arith.addi %add3A_113, %add3A_1074 : i32
        %mul3A_1076 = arith.constant 16 : i32
        %mul3A_1077 = arith.muli %add3A_1075, %mul3A_1076 : i32
        %add3A_1078 = arith.addi %mul3A_2, %mul3A_1077 : i32
        %dma_start3A_1079 = arith.constant 0 : i32
        %dma_start3A_1080 = tpu.memref_slice %arg4[%add3A_1078, %dma_start3A_1079] : memref<4096x1024xf32, #tpu.memory_space<hbm>> -> memref<16x1024xf32, #tpu.memory_space<hbm>>
        %dma_start3A_1081 = arith.constant 0 : i32
        %dma_start3A_1082 = tpu.memref_slice %arg4[%add3A_1078, %dma_start3A_1081] : memref<4096x1024xf32, #tpu.memory_space<hbm>> -> memref<16x1024xf32, #tpu.memory_space<hbm>>
        tpu.enqueue_dma source(%dma_start3A_1082 : memref<16x1024xf32, #tpu.memory_space<hbm>>) target(%arg11 : memref<16x1024xf32, #tpu.memory_space<vmem>>) target_semaphore(%arg21 : memref<!tpu.dma_semaphore, #tpu.memory_space<semaphore_mem>>)
      } else {
      }
      %add3A_586 = arith.constant 1 : i32
      %add3A_587 = arith.addi %add3A_111, %add3A_586 : i32
      %mul3A_588 = arith.constant 16 : i32
      %mul3A_589 = arith.muli %add3A_587, %mul3A_588 : i32
      %add3A_590 = arith.addi %mul3A_2, %mul3A_589 : i32
      %dma_wait3A_591 = arith.constant 0 : i32
      %dma_wait3A_592 = tpu.memref_slice %arg4[%add3A_590, %dma_wait3A_591] : memref<4096x1024xf32, #tpu.memory_space<hbm>> -> memref<16x1024xf32, #tpu.memory_space<hbm>>
      %dma_wait3A_593 = arith.constant 0 : i32
      %dma_wait3A_594 = tpu.memref_slice %arg4[%add3A_590, %dma_wait3A_593] : memref<4096x1024xf32, #tpu.memory_space<hbm>> -> memref<16x1024xf32, #tpu.memory_space<hbm>>
      tpu.wait_dma2 semaphore(%arg22 : memref<!tpu.dma_semaphore, #tpu.memory_space<semaphore_mem>>) src(%dma_wait3A_594 : memref<16x1024xf32, #tpu.memory_space<hbm>>) dst(%arg12 : memref<16x1024xf32, #tpu.memory_space<vmem>>)
      %mul3A_595 = arith.constant 4 : i32
      %mul3A_596 = arith.muli %add3A_587, %mul3A_595 : i32
      %add3A_597 = arith.constant 0 : i32
      %add3A_598 = arith.addi %mul3A_596, %add3A_597 : i32
      %jit3A_599 = arith.constant 4 : i32
      %eq3A_600 = arith.constant 0 : i32
      %eq3A_601 = arith.cmpi eq, %jit3A_599, %eq3A_600 : i32
      %jit3A_602 = arith.constant 1 : i32
      %select_n3A_603 = arith.select %eq3A_601, %jit3A_602, %jit3A_599 : i32
      %rem3A_604 = arith.remsi %add3A_598, %select_n3A_603 : i32
      %ne3A_605 = arith.constant 0 : i32
      %ne3A_606 = arith.cmpi ne, %rem3A_604, %ne3A_605 : i32
      %lt3A_607 = arith.constant 0 : i32
      %lt3A_608 = arith.cmpi slt, %rem3A_604, %lt3A_607 : i32
      %lt3A_609 = arith.constant 0 : i32
      %lt3A_610 = arith.cmpi slt, %select_n3A_603, %lt3A_609 : i32
      %ne3A_611 = arith.xori %lt3A_608, %lt3A_610 : i1
      %and3A_612 = arith.andi %ne3A_611, %ne3A_606 : i1
      %add3A_613 = arith.addi %rem3A_604, %select_n3A_603 : i32
      %select_n3A_614 = arith.select %and3A_612, %add3A_613, %rem3A_604 : i32
      %mul3A_615 = arith.constant 128 : i32
      %mul3A_616 = arith.muli %select_n3A_614, %mul3A_615 : i32
      %jit3A_617 = arith.constant 4 : i32
      %div3A_618 = arith.divsi %add3A_598, %jit3A_617 : i32
      %sign3A_619 = arith.constant 0 : i32
      %sign3A_620 = arith.cmpi sgt, %add3A_598, %sign3A_619 : i32
      %sign3A_621 = arith.extui %sign3A_620 : i1 to i32
      %sign3A_622 = arith.constant 0 : i32
      %sign3A_623 = arith.cmpi slt, %add3A_598, %sign3A_622 : i32
      %sign3A_624 = arith.extui %sign3A_623 : i1 to i32
      %sign3A_625 = arith.subi %sign3A_621, %sign3A_624 : i32
      %sign3A_626 = arith.constant 0 : i32
      %sign3A_627 = arith.cmpi sgt, %jit3A_617, %sign3A_626 : i32
      %sign3A_628 = arith.extui %sign3A_627 : i1 to i32
      %sign3A_629 = arith.constant 0 : i32
      %sign3A_630 = arith.cmpi slt, %jit3A_617, %sign3A_629 : i32
      %sign3A_631 = arith.extui %sign3A_630 : i1 to i32
      %sign3A_632 = arith.subi %sign3A_628, %sign3A_631 : i32
      %ne3A_633 = arith.cmpi ne, %sign3A_625, %sign3A_632 : i32
      %rem3A_634 = arith.remsi %add3A_598, %jit3A_617 : i32
      %ne3A_635 = arith.constant 0 : i32
      %ne3A_636 = arith.cmpi ne, %rem3A_634, %ne3A_635 : i32
      %and3A_637 = arith.andi %ne3A_633, %ne3A_636 : i1
      %sub3A_638 = arith.constant 1 : i32
      %sub3A_639 = arith.subi %div3A_618, %sub3A_638 : i32
      %select_n3A_640 = arith.select %and3A_637, %sub3A_639, %div3A_618 : i32
      %mul3A_641 = arith.constant 16 : i32
      %mul3A_642 = arith.muli %select_n3A_640, %mul3A_641 : i32
      %add3A_643 = arith.addi %mul3A_616, %mul3A_642 : i32
      %dma_wait3A_644 = tpu.memref_slice %arg6[%add3A_643] : memref<512xi32, #tpu.memory_space<vmem>> -> memref<16xi32, #tpu.memory_space<vmem>>
      %dma_wait3A_645 = arith.constant 0 : i32
      %dma_wait3A_646 = arith.constant 0 : i32
      %dma_wait3A_647 = tpu.memref_slice %arg2[%dma_wait3A_645, %dma_wait3A_646] : memref<100000x1024xf32, #tpu.memory_space<hbm>> -> memref<100000x1024xf32, #tpu.memory_space<hbm>>
      tpu.wait_indirect_dma semaphore(%arg13 : memref<!tpu.dma_semaphore, #tpu.memory_space<semaphore_mem>>) src(%dma_wait3A_647 : memref<100000x1024xf32, #tpu.memory_space<hbm>>) dst(%arg7 : memref<16x1024xf32, #tpu.memory_space<vmem>>)
      %ge3A_648 = arith.constant 2 : i32
      %ge3A_649 = arith.cmpi sge, %add3A_598, %ge3A_648 : i32
      %convert_element_type3A_650 = arith.extui %ge3A_649 : i1 to i32
      %cond3A_651 = arith.constant 0 : i32
      %cond3A_652 = arith.cmpi ne, %convert_element_type3A_650, %cond3A_651 : i32
      scf.if %cond3A_652 {
        %sub3A_1074 = arith.constant 2 : i32
        %sub3A_1075 = arith.subi %add3A_598, %sub3A_1074 : i32
        %jit3A_1076 = arith.constant 4 : i32
        %eq3A_1077 = arith.constant 0 : i32
        %eq3A_1078 = arith.cmpi eq, %jit3A_1076, %eq3A_1077 : i32
        %jit3A_1079 = arith.constant 1 : i32
        %select_n3A_1080 = arith.select %eq3A_1078, %jit3A_1079, %jit3A_1076 : i32
        %rem3A_1081 = arith.remsi %sub3A_1075, %select_n3A_1080 : i32
        %ne3A_1082 = arith.constant 0 : i32
        %ne3A_1083 = arith.cmpi ne, %rem3A_1081, %ne3A_1082 : i32
        %lt3A_1084 = arith.constant 0 : i32
        %lt3A_1085 = arith.cmpi slt, %rem3A_1081, %lt3A_1084 : i32
        %lt3A_1086 = arith.constant 0 : i32
        %lt3A_1087 = arith.cmpi slt, %select_n3A_1080, %lt3A_1086 : i32
        %ne3A_1088 = arith.xori %lt3A_1085, %lt3A_1087 : i1
        %and3A_1089 = arith.andi %ne3A_1088, %ne3A_1083 : i1
        %add3A_1090 = arith.addi %rem3A_1081, %select_n3A_1080 : i32
        %select_n3A_1091 = arith.select %and3A_1089, %add3A_1090, %rem3A_1081 : i32
        %mul3A_1092 = arith.constant 4096 : i32
        %mul3A_1093 = arith.muli %select_n3A_1091, %mul3A_1092 : i32
        %add3A_1094 = arith.addi %mul3A_1093, %mul3A_2 : i32
        %jit3A_1095 = arith.constant 4 : i32
        %div3A_1096 = arith.divsi %sub3A_1075, %jit3A_1095 : i32
        %sign3A_1097 = arith.constant 0 : i32
        %sign3A_1098 = arith.cmpi sgt, %sub3A_1075, %sign3A_1097 : i32
        %sign3A_1099 = arith.extui %sign3A_1098 : i1 to i32
        %sign3A_1100 = arith.constant 0 : i32
        %sign3A_1101 = arith.cmpi slt, %sub3A_1075, %sign3A_1100 : i32
        %sign3A_1102 = arith.extui %sign3A_1101 : i1 to i32
        %sign3A_1103 = arith.subi %sign3A_1099, %sign3A_1102 : i32
        %sign3A_1104 = arith.constant 0 : i32
        %sign3A_1105 = arith.cmpi sgt, %jit3A_1095, %sign3A_1104 : i32
        %sign3A_1106 = arith.extui %sign3A_1105 : i1 to i32
        %sign3A_1107 = arith.constant 0 : i32
        %sign3A_1108 = arith.cmpi slt, %jit3A_1095, %sign3A_1107 : i32
        %sign3A_1109 = arith.extui %sign3A_1108 : i1 to i32
        %sign3A_1110 = arith.subi %sign3A_1106, %sign3A_1109 : i32
        %ne3A_1111 = arith.cmpi ne, %sign3A_1103, %sign3A_1110 : i32
        %rem3A_1112 = arith.remsi %sub3A_1075, %jit3A_1095 : i32
        %ne3A_1113 = arith.constant 0 : i32
        %ne3A_1114 = arith.cmpi ne, %rem3A_1112, %ne3A_1113 : i32
        %and3A_1115 = arith.andi %ne3A_1111, %ne3A_1114 : i1
        %sub3A_1116 = arith.constant 1 : i32
        %sub3A_1117 = arith.subi %div3A_1096, %sub3A_1116 : i32
        %select_n3A_1118 = arith.select %and3A_1115, %sub3A_1117, %div3A_1096 : i32
        %mul3A_1119 = arith.constant 16 : i32
        %mul3A_1120 = arith.muli %select_n3A_1118, %mul3A_1119 : i32
        %add3A_1121 = arith.addi %add3A_1094, %mul3A_1120 : i32
        %dma_wait3A_1122 = arith.constant 0 : i32
        %dma_wait3A_1123 = tpu.memref_slice %arg5[%add3A_1121, %dma_wait3A_1122] : memref<16384x1024xf32, #tpu.memory_space<hbm>> -> memref<16x1024xf32, #tpu.memory_space<hbm>>
        %dma_wait3A_1124 = arith.constant 0 : i32
        %dma_wait3A_1125 = tpu.memref_slice %arg5[%add3A_1121, %dma_wait3A_1124] : memref<16384x1024xf32, #tpu.memory_space<hbm>> -> memref<16x1024xf32, #tpu.memory_space<hbm>>
        tpu.wait_dma2 semaphore(%arg19 : memref<!tpu.dma_semaphore, #tpu.memory_space<semaphore_mem>>) src(%arg9 : memref<16x1024xf32, #tpu.memory_space<vmem>>) dst(%dma_wait3A_1125 : memref<16x1024xf32, #tpu.memory_space<hbm>>)
      } else {
      }
      %add3A_653 = arith.constant 2 : i32
      %add3A_654 = arith.addi %add3A_598, %add3A_653 : i32
      %lt3A_655 = arith.constant 32 : i32
      %lt3A_656 = arith.cmpi slt, %add3A_654, %lt3A_655 : i32
      %convert_element_type3A_657 = arith.extui %lt3A_656 : i1 to i32
      %cond3A_658 = arith.constant 0 : i32
      %cond3A_659 = arith.cmpi ne, %convert_element_type3A_657, %cond3A_658 : i32
      scf.if %cond3A_659 {
        %add3A_1074 = arith.constant 2 : i32
        %add3A_1075 = arith.addi %add3A_598, %add3A_1074 : i32
        %jit3A_1076 = arith.constant 4 : i32
        %eq3A_1077 = arith.constant 0 : i32
        %eq3A_1078 = arith.cmpi eq, %jit3A_1076, %eq3A_1077 : i32
        %jit3A_1079 = arith.constant 1 : i32
        %select_n3A_1080 = arith.select %eq3A_1078, %jit3A_1079, %jit3A_1076 : i32
        %rem3A_1081 = arith.remsi %add3A_1075, %select_n3A_1080 : i32
        %ne3A_1082 = arith.constant 0 : i32
        %ne3A_1083 = arith.cmpi ne, %rem3A_1081, %ne3A_1082 : i32
        %lt3A_1084 = arith.constant 0 : i32
        %lt3A_1085 = arith.cmpi slt, %rem3A_1081, %lt3A_1084 : i32
        %lt3A_1086 = arith.constant 0 : i32
        %lt3A_1087 = arith.cmpi slt, %select_n3A_1080, %lt3A_1086 : i32
        %ne3A_1088 = arith.xori %lt3A_1085, %lt3A_1087 : i1
        %and3A_1089 = arith.andi %ne3A_1088, %ne3A_1083 : i1
        %add3A_1090 = arith.addi %rem3A_1081, %select_n3A_1080 : i32
        %select_n3A_1091 = arith.select %and3A_1089, %add3A_1090, %rem3A_1081 : i32
        %mul3A_1092 = arith.constant 128 : i32
        %mul3A_1093 = arith.muli %select_n3A_1091, %mul3A_1092 : i32
        %jit3A_1094 = arith.constant 4 : i32
        %div3A_1095 = arith.divsi %add3A_1075, %jit3A_1094 : i32
        %sign3A_1096 = arith.constant 0 : i32
        %sign3A_1097 = arith.cmpi sgt, %add3A_1075, %sign3A_1096 : i32
        %sign3A_1098 = arith.extui %sign3A_1097 : i1 to i32
        %sign3A_1099 = arith.constant 0 : i32
        %sign3A_1100 = arith.cmpi slt, %add3A_1075, %sign3A_1099 : i32
        %sign3A_1101 = arith.extui %sign3A_1100 : i1 to i32
        %sign3A_1102 = arith.subi %sign3A_1098, %sign3A_1101 : i32
        %sign3A_1103 = arith.constant 0 : i32
        %sign3A_1104 = arith.cmpi sgt, %jit3A_1094, %sign3A_1103 : i32
        %sign3A_1105 = arith.extui %sign3A_1104 : i1 to i32
        %sign3A_1106 = arith.constant 0 : i32
        %sign3A_1107 = arith.cmpi slt, %jit3A_1094, %sign3A_1106 : i32
        %sign3A_1108 = arith.extui %sign3A_1107 : i1 to i32
        %sign3A_1109 = arith.subi %sign3A_1105, %sign3A_1108 : i32
        %ne3A_1110 = arith.cmpi ne, %sign3A_1102, %sign3A_1109 : i32
        %rem3A_1111 = arith.remsi %add3A_1075, %jit3A_1094 : i32
        %ne3A_1112 = arith.constant 0 : i32
        %ne3A_1113 = arith.cmpi ne, %rem3A_1111, %ne3A_1112 : i32
        %and3A_1114 = arith.andi %ne3A_1110, %ne3A_1113 : i1
        %sub3A_1115 = arith.constant 1 : i32
        %sub3A_1116 = arith.subi %div3A_1095, %sub3A_1115 : i32
        %select_n3A_1117 = arith.select %and3A_1114, %sub3A_1116, %div3A_1095 : i32
        %mul3A_1118 = arith.constant 16 : i32
        %mul3A_1119 = arith.muli %select_n3A_1117, %mul3A_1118 : i32
        %add3A_1120 = arith.addi %mul3A_1093, %mul3A_1119 : i32
        %dma_start3A_1121 = tpu.memref_slice %arg6[%add3A_1120] : memref<512xi32, #tpu.memory_space<vmem>> -> memref<16xi32, #tpu.memory_space<vmem>>
        %dma_start3A_1122 = arith.constant 0 : i32
        %dma_start3A_1123 = arith.constant 0 : i32
        %dma_start3A_1124 = tpu.memref_slice %arg2[%dma_start3A_1122, %dma_start3A_1123] : memref<100000x1024xf32, #tpu.memory_space<hbm>> -> memref<100000x1024xf32, #tpu.memory_space<hbm>>
        tpu.enqueue_indirect_dma source(%dma_start3A_1124 : memref<100000x1024xf32, #tpu.memory_space<hbm>>) target(%arg9 : memref<16x1024xf32, #tpu.memory_space<vmem>>) offsets(%dma_start3A_1121 : memref<16xi32, #tpu.memory_space<vmem>>) semaphore(%arg15 : memref<!tpu.dma_semaphore, #tpu.memory_space<semaphore_mem>>)
      } else {
      }
      %parallel_loop3A_660 = arith.constant 0 : i32
      %parallel_loop3A_661 = arith.constant 16384 : i32
      %parallel_loop3A_662 = arith.constant 64 : i32
      scf.for %parallel_loop3A_1074 = %parallel_loop3A_660 to %parallel_loop3A_661 step %parallel_loop3A_662  : i32 {
        %parallel_loop3A_1075 = arith.constant 1024 : i32
        %parallel_loop3A_1076 = arith.divsi %parallel_loop3A_1074, %parallel_loop3A_1075 : i32
        %parallel_loop3A_1077 = arith.constant 0 : i32
        %parallel_loop3A_1078 = arith.cmpi sgt, %parallel_loop3A_1074, %parallel_loop3A_1077 : i32
        %parallel_loop3A_1079 = arith.extui %parallel_loop3A_1078 : i1 to i32
        %parallel_loop3A_1080 = arith.constant 0 : i32
        %parallel_loop3A_1081 = arith.cmpi slt, %parallel_loop3A_1074, %parallel_loop3A_1080 : i32
        %parallel_loop3A_1082 = arith.extui %parallel_loop3A_1081 : i1 to i32
        %parallel_loop3A_1083 = arith.subi %parallel_loop3A_1079, %parallel_loop3A_1082 : i32
        %parallel_loop3A_1084 = arith.constant 0 : i32
        %parallel_loop3A_1085 = arith.cmpi sgt, %parallel_loop3A_1075, %parallel_loop3A_1084 : i32
        %parallel_loop3A_1086 = arith.extui %parallel_loop3A_1085 : i1 to i32
        %parallel_loop3A_1087 = arith.constant 0 : i32
        %parallel_loop3A_1088 = arith.cmpi slt, %parallel_loop3A_1075, %parallel_loop3A_1087 : i32
        %parallel_loop3A_1089 = arith.extui %parallel_loop3A_1088 : i1 to i32
        %parallel_loop3A_1090 = arith.subi %parallel_loop3A_1086, %parallel_loop3A_1089 : i32
        %parallel_loop3A_1091 = arith.cmpi ne, %parallel_loop3A_1083, %parallel_loop3A_1090 : i32
        %parallel_loop3A_1092 = arith.remsi %parallel_loop3A_1074, %parallel_loop3A_1075 : i32
        %parallel_loop3A_1093 = arith.constant 0 : i32
        %parallel_loop3A_1094 = arith.cmpi ne, %parallel_loop3A_1092, %parallel_loop3A_1093 : i32
        %parallel_loop3A_1095 = arith.andi %parallel_loop3A_1091, %parallel_loop3A_1094 : i1
        %parallel_loop3A_1096 = arith.constant 1 : i32
        %parallel_loop3A_1097 = arith.subi %parallel_loop3A_1076, %parallel_loop3A_1096 : i32
        %parallel_loop3A_1098 = arith.select %parallel_loop3A_1095, %parallel_loop3A_1097, %parallel_loop3A_1076 : i32
        %parallel_loop3A_1099 = arith.constant 1024 : i32
        %parallel_loop3A_1100 = arith.constant 0 : i32
        %parallel_loop3A_1101 = arith.cmpi eq, %parallel_loop3A_1099, %parallel_loop3A_1100 : i32
        %parallel_loop3A_1102 = arith.constant 1 : i32
        %parallel_loop3A_1103 = arith.select %parallel_loop3A_1101, %parallel_loop3A_1102, %parallel_loop3A_1099 : i32
        %parallel_loop3A_1104 = arith.remsi %parallel_loop3A_1074, %parallel_loop3A_1103 : i32
        %parallel_loop3A_1105 = arith.constant 0 : i32
        %parallel_loop3A_1106 = arith.cmpi ne, %parallel_loop3A_1104, %parallel_loop3A_1105 : i32
        %parallel_loop3A_1107 = arith.constant 0 : i32
        %parallel_loop3A_1108 = arith.cmpi slt, %parallel_loop3A_1104, %parallel_loop3A_1107 : i32
        %parallel_loop3A_1109 = arith.constant 0 : i32
        %parallel_loop3A_1110 = arith.cmpi slt, %parallel_loop3A_1103, %parallel_loop3A_1109 : i32
        %parallel_loop3A_1111 = arith.xori %parallel_loop3A_1108, %parallel_loop3A_1110 : i1
        %parallel_loop3A_1112 = arith.andi %parallel_loop3A_1111, %parallel_loop3A_1106 : i1
        %parallel_loop3A_1113 = arith.addi %parallel_loop3A_1104, %parallel_loop3A_1103 : i32
        %parallel_loop3A_1114 = arith.select %parallel_loop3A_1112, %parallel_loop3A_1113, %parallel_loop3A_1104 : i32
        %parallel_loop3A_1115 = arith.constant 0 : i32
        %parallel_loop3A_1116 = arith.addi %parallel_loop3A_1114, %parallel_loop3A_1115 : i32
        %parallel_loop3A_1117 = arith.index_cast %parallel_loop3A_1098 : i32 to index
        %parallel_loop3A_1118 = arith.index_cast %parallel_loop3A_1116 : i32 to index
        %parallel_loop3A_1119 = tpu.vector_load %arg12[%parallel_loop3A_1117, %parallel_loop3A_1118] {strides = array<i32>} : memref<16x1024xf32, #tpu.memory_space<vmem>>, vector<1x16xf32>,
        %parallel_loop3A_1120 = vector.shape_cast %parallel_loop3A_1119 : vector<1x16xf32> to vector<16xf32>
        %parallel_loop3A_1121 = arith.index_cast %parallel_loop3A_1098 : i32 to index
        %parallel_loop3A_1122 = arith.index_cast %parallel_loop3A_1116 : i32 to index
        %parallel_loop3A_1123 = tpu.vector_load %arg7[%parallel_loop3A_1121, %parallel_loop3A_1122] {strides = array<i32>} : memref<16x1024xf32, #tpu.memory_space<vmem>>, vector<1x16xf32>,
        %parallel_loop3A_1124 = vector.shape_cast %parallel_loop3A_1123 : vector<1x16xf32> to vector<16xf32>
        %parallel_loop3A_1125 = vector.shape_cast %parallel_loop3A_1120 : vector<16xf32> to vector<1x16xf32>
        tpu.vector_store %arg7[%parallel_loop3A_1121, %parallel_loop3A_1122], %parallel_loop3A_1125 {add = true, strides = array<i32>} : memref<16x1024xf32, #tpu.memory_space<vmem>>, vector<1x16xf32>,
        %parallel_loop3A_1126 = arith.constant 1024 : i32
        %parallel_loop3A_1127 = arith.constant 0 : i32
        %parallel_loop3A_1128 = arith.cmpi eq, %parallel_loop3A_1126, %parallel_loop3A_1127 : i32
        %parallel_loop3A_1129 = arith.constant 1 : i32
        %parallel_loop3A_1130 = arith.select %parallel_loop3A_1128, %parallel_loop3A_1129, %parallel_loop3A_1126 : i32
        %parallel_loop3A_1131 = arith.remsi %parallel_loop3A_1074, %parallel_loop3A_1130 : i32
        %parallel_loop3A_1132 = arith.constant 0 : i32
        %parallel_loop3A_1133 = arith.cmpi ne, %parallel_loop3A_1131, %parallel_loop3A_1132 : i32
        %parallel_loop3A_1134 = arith.constant 0 : i32
        %parallel_loop3A_1135 = arith.cmpi slt, %parallel_loop3A_1131, %parallel_loop3A_1134 : i32
        %parallel_loop3A_1136 = arith.constant 0 : i32
        %parallel_loop3A_1137 = arith.cmpi slt, %parallel_loop3A_1130, %parallel_loop3A_1136 : i32
        %parallel_loop3A_1138 = arith.xori %parallel_loop3A_1135, %parallel_loop3A_1137 : i1
        %parallel_loop3A_1139 = arith.andi %parallel_loop3A_1138, %parallel_loop3A_1133 : i1
        %parallel_loop3A_1140 = arith.addi %parallel_loop3A_1131, %parallel_loop3A_1130 : i32
        %parallel_loop3A_1141 = arith.select %parallel_loop3A_1139, %parallel_loop3A_1140, %parallel_loop3A_1131 : i32
        %parallel_loop3A_1142 = arith.constant 16 : i32
        %parallel_loop3A_1143 = arith.addi %parallel_loop3A_1141, %parallel_loop3A_1142 : i32
        %parallel_loop3A_1144 = arith.index_cast %parallel_loop3A_1098 : i32 to index
        %parallel_loop3A_1145 = arith.index_cast %parallel_loop3A_1143 : i32 to index
        %parallel_loop3A_1146 = tpu.vector_load %arg12[%parallel_loop3A_1144, %parallel_loop3A_1145] {strides = array<i32>} : memref<16x1024xf32, #tpu.memory_space<vmem>>, vector<1x16xf32>,
        %parallel_loop3A_1147 = vector.shape_cast %parallel_loop3A_1146 : vector<1x16xf32> to vector<16xf32>
        %parallel_loop3A_1148 = arith.index_cast %parallel_loop3A_1098 : i32 to index
        %parallel_loop3A_1149 = arith.index_cast %parallel_loop3A_1143 : i32 to index
        %parallel_loop3A_1150 = tpu.vector_load %arg7[%parallel_loop3A_1148, %parallel_loop3A_1149] {strides = array<i32>} : memref<16x1024xf32, #tpu.memory_space<vmem>>, vector<1x16xf32>,
        %parallel_loop3A_1151 = vector.shape_cast %parallel_loop3A_1150 : vector<1x16xf32> to vector<16xf32>
        %parallel_loop3A_1152 = vector.shape_cast %parallel_loop3A_1147 : vector<16xf32> to vector<1x16xf32>
        tpu.vector_store %arg7[%parallel_loop3A_1148, %parallel_loop3A_1149], %parallel_loop3A_1152 {add = true, strides = array<i32>} : memref<16x1024xf32, #tpu.memory_space<vmem>>, vector<1x16xf32>,
        %parallel_loop3A_1153 = arith.constant 1024 : i32
        %parallel_loop3A_1154 = arith.constant 0 : i32
        %parallel_loop3A_1155 = arith.cmpi eq, %parallel_loop3A_1153, %parallel_loop3A_1154 : i32
        %parallel_loop3A_1156 = arith.constant 1 : i32
        %parallel_loop3A_1157 = arith.select %parallel_loop3A_1155, %parallel_loop3A_1156, %parallel_loop3A_1153 : i32
        %parallel_loop3A_1158 = arith.remsi %parallel_loop3A_1074, %parallel_loop3A_1157 : i32
        %parallel_loop3A_1159 = arith.constant 0 : i32
        %parallel_loop3A_1160 = arith.cmpi ne, %parallel_loop3A_1158, %parallel_loop3A_1159 : i32
        %parallel_loop3A_1161 = arith.constant 0 : i32
        %parallel_loop3A_1162 = arith.cmpi slt, %parallel_loop3A_1158, %parallel_loop3A_1161 : i32
        %parallel_loop3A_1163 = arith.constant 0 : i32
        %parallel_loop3A_1164 = arith.cmpi slt, %parallel_loop3A_1157, %parallel_loop3A_1163 : i32
        %parallel_loop3A_1165 = arith.xori %parallel_loop3A_1162, %parallel_loop3A_1164 : i1
        %parallel_loop3A_1166 = arith.andi %parallel_loop3A_1165, %parallel_loop3A_1160 : i1
        %parallel_loop3A_1167 = arith.addi %parallel_loop3A_1158, %parallel_loop3A_1157 : i32
        %parallel_loop3A_1168 = arith.select %parallel_loop3A_1166, %parallel_loop3A_1167, %parallel_loop3A_1158 : i32
        %parallel_loop3A_1169 = arith.constant 32 : i32
        %parallel_loop3A_1170 = arith.addi %parallel_loop3A_1168, %parallel_loop3A_1169 : i32
        %parallel_loop3A_1171 = arith.index_cast %parallel_loop3A_1098 : i32 to index
        %parallel_loop3A_1172 = arith.index_cast %parallel_loop3A_1170 : i32 to index
        %parallel_loop3A_1173 = tpu.vector_load %arg12[%parallel_loop3A_1171, %parallel_loop3A_1172] {strides = array<i32>} : memref<16x1024xf32, #tpu.memory_space<vmem>>, vector<1x16xf32>,
        %parallel_loop3A_1174 = vector.shape_cast %parallel_loop3A_1173 : vector<1x16xf32> to vector<16xf32>
        %parallel_loop3A_1175 = arith.index_cast %parallel_loop3A_1098 : i32 to index
        %parallel_loop3A_1176 = arith.index_cast %parallel_loop3A_1170 : i32 to index
        %parallel_loop3A_1177 = tpu.vector_load %arg7[%parallel_loop3A_1175, %parallel_loop3A_1176] {strides = array<i32>} : memref<16x1024xf32, #tpu.memory_space<vmem>>, vector<1x16xf32>,
        %parallel_loop3A_1178 = vector.shape_cast %parallel_loop3A_1177 : vector<1x16xf32> to vector<16xf32>
        %parallel_loop3A_1179 = vector.shape_cast %parallel_loop3A_1174 : vector<16xf32> to vector<1x16xf32>
        tpu.vector_store %arg7[%parallel_loop3A_1175, %parallel_loop3A_1176], %parallel_loop3A_1179 {add = true, strides = array<i32>} : memref<16x1024xf32, #tpu.memory_space<vmem>>, vector<1x16xf32>,
        %parallel_loop3A_1180 = arith.constant 1024 : i32
        %parallel_loop3A_1181 = arith.constant 0 : i32
        %parallel_loop3A_1182 = arith.cmpi eq, %parallel_loop3A_1180, %parallel_loop3A_1181 : i32
        %parallel_loop3A_1183 = arith.constant 1 : i32
        %parallel_loop3A_1184 = arith.select %parallel_loop3A_1182, %parallel_loop3A_1183, %parallel_loop3A_1180 : i32
        %parallel_loop3A_1185 = arith.remsi %parallel_loop3A_1074, %parallel_loop3A_1184 : i32
        %parallel_loop3A_1186 = arith.constant 0 : i32
        %parallel_loop3A_1187 = arith.cmpi ne, %parallel_loop3A_1185, %parallel_loop3A_1186 : i32
        %parallel_loop3A_1188 = arith.constant 0 : i32
        %parallel_loop3A_1189 = arith.cmpi slt, %parallel_loop3A_1185, %parallel_loop3A_1188 : i32
        %parallel_loop3A_1190 = arith.constant 0 : i32
        %parallel_loop3A_1191 = arith.cmpi slt, %parallel_loop3A_1184, %parallel_loop3A_1190 : i32
        %parallel_loop3A_1192 = arith.xori %parallel_loop3A_1189, %parallel_loop3A_1191 : i1
        %parallel_loop3A_1193 = arith.andi %parallel_loop3A_1192, %parallel_loop3A_1187 : i1
        %parallel_loop3A_1194 = arith.addi %parallel_loop3A_1185, %parallel_loop3A_1184 : i32
        %parallel_loop3A_1195 = arith.select %parallel_loop3A_1193, %parallel_loop3A_1194, %parallel_loop3A_1185 : i32
        %parallel_loop3A_1196 = arith.constant 48 : i32
        %parallel_loop3A_1197 = arith.addi %parallel_loop3A_1195, %parallel_loop3A_1196 : i32
        %parallel_loop3A_1198 = arith.index_cast %parallel_loop3A_1098 : i32 to index
        %parallel_loop3A_1199 = arith.index_cast %parallel_loop3A_1197 : i32 to index
        %parallel_loop3A_1200 = tpu.vector_load %arg12[%parallel_loop3A_1198, %parallel_loop3A_1199] {strides = array<i32>} : memref<16x1024xf32, #tpu.memory_space<vmem>>, vector<1x16xf32>,
        %parallel_loop3A_1201 = vector.shape_cast %parallel_loop3A_1200 : vector<1x16xf32> to vector<16xf32>
        %parallel_loop3A_1202 = arith.index_cast %parallel_loop3A_1098 : i32 to index
        %parallel_loop3A_1203 = arith.index_cast %parallel_loop3A_1197 : i32 to index
        %parallel_loop3A_1204 = tpu.vector_load %arg7[%parallel_loop3A_1202, %parallel_loop3A_1203] {strides = array<i32>} : memref<16x1024xf32, #tpu.memory_space<vmem>>, vector<1x16xf32>,
        %parallel_loop3A_1205 = vector.shape_cast %parallel_loop3A_1204 : vector<1x16xf32> to vector<16xf32>
        %parallel_loop3A_1206 = vector.shape_cast %parallel_loop3A_1201 : vector<16xf32> to vector<1x16xf32>
        tpu.vector_store %arg7[%parallel_loop3A_1202, %parallel_loop3A_1203], %parallel_loop3A_1206 {add = true, strides = array<i32>} : memref<16x1024xf32, #tpu.memory_space<vmem>>, vector<1x16xf32>,
      } {sc.loop_unroll_factor = 4 : i64, sc.parallel_access}
      %jit3A_663 = arith.constant 4 : i32
      %eq3A_664 = arith.constant 0 : i32
      %eq3A_665 = arith.cmpi eq, %jit3A_663, %eq3A_664 : i32
      %jit3A_666 = arith.constant 1 : i32
      %select_n3A_667 = arith.select %eq3A_665, %jit3A_666, %jit3A_663 : i32
      %rem3A_668 = arith.remsi %add3A_598, %select_n3A_667 : i32
      %ne3A_669 = arith.constant 0 : i32
      %ne3A_670 = arith.cmpi ne, %rem3A_668, %ne3A_669 : i32
      %lt3A_671 = arith.constant 0 : i32
      %lt3A_672 = arith.cmpi slt, %rem3A_668, %lt3A_671 : i32
      %lt3A_673 = arith.constant 0 : i32
      %lt3A_674 = arith.cmpi slt, %select_n3A_667, %lt3A_673 : i32
      %ne3A_675 = arith.xori %lt3A_672, %lt3A_674 : i1
      %and3A_676 = arith.andi %ne3A_675, %ne3A_670 : i1
      %add3A_677 = arith.addi %rem3A_668, %select_n3A_667 : i32
      %select_n3A_678 = arith.select %and3A_676, %add3A_677, %rem3A_668 : i32
      %mul3A_679 = arith.constant 4096 : i32
      %mul3A_680 = arith.muli %select_n3A_678, %mul3A_679 : i32
      %add3A_681 = arith.addi %mul3A_680, %mul3A_2 : i32
      %jit3A_682 = arith.constant 4 : i32
      %div3A_683 = arith.divsi %add3A_598, %jit3A_682 : i32
      %sign3A_684 = arith.constant 0 : i32
      %sign3A_685 = arith.cmpi sgt, %add3A_598, %sign3A_684 : i32
      %sign3A_686 = arith.extui %sign3A_685 : i1 to i32
      %sign3A_687 = arith.constant 0 : i32
      %sign3A_688 = arith.cmpi slt, %add3A_598, %sign3A_687 : i32
      %sign3A_689 = arith.extui %sign3A_688 : i1 to i32
      %sign3A_690 = arith.subi %sign3A_686, %sign3A_689 : i32
      %sign3A_691 = arith.constant 0 : i32
      %sign3A_692 = arith.cmpi sgt, %jit3A_682, %sign3A_691 : i32
      %sign3A_693 = arith.extui %sign3A_692 : i1 to i32
      %sign3A_694 = arith.constant 0 : i32
      %sign3A_695 = arith.cmpi slt, %jit3A_682, %sign3A_694 : i32
      %sign3A_696 = arith.extui %sign3A_695 : i1 to i32
      %sign3A_697 = arith.subi %sign3A_693, %sign3A_696 : i32
      %ne3A_698 = arith.cmpi ne, %sign3A_690, %sign3A_697 : i32
      %rem3A_699 = arith.remsi %add3A_598, %jit3A_682 : i32
      %ne3A_700 = arith.constant 0 : i32
      %ne3A_701 = arith.cmpi ne, %rem3A_699, %ne3A_700 : i32
      %and3A_702 = arith.andi %ne3A_698, %ne3A_701 : i1
      %sub3A_703 = arith.constant 1 : i32
      %sub3A_704 = arith.subi %div3A_683, %sub3A_703 : i32
      %select_n3A_705 = arith.select %and3A_702, %sub3A_704, %div3A_683 : i32
      %mul3A_706 = arith.constant 16 : i32
      %mul3A_707 = arith.muli %select_n3A_705, %mul3A_706 : i32
      %add3A_708 = arith.addi %add3A_681, %mul3A_707 : i32
      %dma_start3A_709 = arith.constant 0 : i32
      %dma_start3A_710 = tpu.memref_slice %arg5[%add3A_708, %dma_start3A_709] : memref<16384x1024xf32, #tpu.memory_space<hbm>> -> memref<16x1024xf32, #tpu.memory_space<hbm>>
      %dma_start3A_711 = arith.constant 0 : i32
      %dma_start3A_712 = tpu.memref_slice %arg5[%add3A_708, %dma_start3A_711] : memref<16384x1024xf32, #tpu.memory_space<hbm>> -> memref<16x1024xf32, #tpu.memory_space<hbm>>
      tpu.enqueue_dma source(%arg7 : memref<16x1024xf32, #tpu.memory_space<vmem>>) target(%dma_start3A_712 : memref<16x1024xf32, #tpu.memory_space<hbm>>) target_semaphore(%arg17 : memref<!tpu.dma_semaphore, #tpu.memory_space<semaphore_mem>>)
      %mul3A_713 = arith.constant 4 : i32
      %mul3A_714 = arith.muli %add3A_587, %mul3A_713 : i32
      %add3A_715 = arith.constant 1 : i32
      %add3A_716 = arith.addi %mul3A_714, %add3A_715 : i32
      %jit3A_717 = arith.constant 4 : i32
      %eq3A_718 = arith.constant 0 : i32
      %eq3A_719 = arith.cmpi eq, %jit3A_717, %eq3A_718 : i32
      %jit3A_720 = arith.constant 1 : i32
      %select_n3A_721 = arith.select %eq3A_719, %jit3A_720, %jit3A_717 : i32
      %rem3A_722 = arith.remsi %add3A_716, %select_n3A_721 : i32
      %ne3A_723 = arith.constant 0 : i32
      %ne3A_724 = arith.cmpi ne, %rem3A_722, %ne3A_723 : i32
      %lt3A_725 = arith.constant 0 : i32
      %lt3A_726 = arith.cmpi slt, %rem3A_722, %lt3A_725 : i32
      %lt3A_727 = arith.constant 0 : i32
      %lt3A_728 = arith.cmpi slt, %select_n3A_721, %lt3A_727 : i32
      %ne3A_729 = arith.xori %lt3A_726, %lt3A_728 : i1
      %and3A_730 = arith.andi %ne3A_729, %ne3A_724 : i1
      %add3A_731 = arith.addi %rem3A_722, %select_n3A_721 : i32
      %select_n3A_732 = arith.select %and3A_730, %add3A_731, %rem3A_722 : i32
      %mul3A_733 = arith.constant 128 : i32
      %mul3A_734 = arith.muli %select_n3A_732, %mul3A_733 : i32
      %jit3A_735 = arith.constant 4 : i32
      %div3A_736 = arith.divsi %add3A_716, %jit3A_735 : i32
      %sign3A_737 = arith.constant 0 : i32
      %sign3A_738 = arith.cmpi sgt, %add3A_716, %sign3A_737 : i32
      %sign3A_739 = arith.extui %sign3A_738 : i1 to i32
      %sign3A_740 = arith.constant 0 : i32
      %sign3A_741 = arith.cmpi slt, %add3A_716, %sign3A_740 : i32
      %sign3A_742 = arith.extui %sign3A_741 : i1 to i32
      %sign3A_743 = arith.subi %sign3A_739, %sign3A_742 : i32
      %sign3A_744 = arith.constant 0 : i32
      %sign3A_745 = arith.cmpi sgt, %jit3A_735, %sign3A_744 : i32
      %sign3A_746 = arith.extui %sign3A_745 : i1 to i32
      %sign3A_747 = arith.constant 0 : i32
      %sign3A_748 = arith.cmpi slt, %jit3A_735, %sign3A_747 : i32
      %sign3A_749 = arith.extui %sign3A_748 : i1 to i32
      %sign3A_750 = arith.subi %sign3A_746, %sign3A_749 : i32
      %ne3A_751 = arith.cmpi ne, %sign3A_743, %sign3A_750 : i32
      %rem3A_752 = arith.remsi %add3A_716, %jit3A_735 : i32
      %ne3A_753 = arith.constant 0 : i32
      %ne3A_754 = arith.cmpi ne, %rem3A_752, %ne3A_753 : i32
      %and3A_755 = arith.andi %ne3A_751, %ne3A_754 : i1
      %sub3A_756 = arith.constant 1 : i32
      %sub3A_757 = arith.subi %div3A_736, %sub3A_756 : i32
      %select_n3A_758 = arith.select %and3A_755, %sub3A_757, %div3A_736 : i32
      %mul3A_759 = arith.constant 16 : i32
      %mul3A_760 = arith.muli %select_n3A_758, %mul3A_759 : i32
      %add3A_761 = arith.addi %mul3A_734, %mul3A_760 : i32
      %dma_wait3A_762 = tpu.memref_slice %arg6[%add3A_761] : memref<512xi32, #tpu.memory_space<vmem>> -> memref<16xi32, #tpu.memory_space<vmem>>
      %dma_wait3A_763 = arith.constant 0 : i32
      %dma_wait3A_764 = arith.constant 0 : i32
      %dma_wait3A_765 = tpu.memref_slice %arg2[%dma_wait3A_763, %dma_wait3A_764] : memref<100000x1024xf32, #tpu.memory_space<hbm>> -> memref<100000x1024xf32, #tpu.memory_space<hbm>>
      tpu.wait_indirect_dma semaphore(%arg14 : memref<!tpu.dma_semaphore, #tpu.memory_space<semaphore_mem>>) src(%dma_wait3A_765 : memref<100000x1024xf32, #tpu.memory_space<hbm>>) dst(%arg8 : memref<16x1024xf32, #tpu.memory_space<vmem>>)
      %ge3A_766 = arith.constant 2 : i32
      %ge3A_767 = arith.cmpi sge, %add3A_716, %ge3A_766 : i32
      %convert_element_type3A_768 = arith.extui %ge3A_767 : i1 to i32
      %cond3A_769 = arith.constant 0 : i32
      %cond3A_770 = arith.cmpi ne, %convert_element_type3A_768, %cond3A_769 : i32
      scf.if %cond3A_770 {
        %sub3A_1074 = arith.constant 2 : i32
        %sub3A_1075 = arith.subi %add3A_716, %sub3A_1074 : i32
        %jit3A_1076 = arith.constant 4 : i32
        %eq3A_1077 = arith.constant 0 : i32
        %eq3A_1078 = arith.cmpi eq, %jit3A_1076, %eq3A_1077 : i32
        %jit3A_1079 = arith.constant 1 : i32
        %select_n3A_1080 = arith.select %eq3A_1078, %jit3A_1079, %jit3A_1076 : i32
        %rem3A_1081 = arith.remsi %sub3A_1075, %select_n3A_1080 : i32
        %ne3A_1082 = arith.constant 0 : i32
        %ne3A_1083 = arith.cmpi ne, %rem3A_1081, %ne3A_1082 : i32
        %lt3A_1084 = arith.constant 0 : i32
        %lt3A_1085 = arith.cmpi slt, %rem3A_1081, %lt3A_1084 : i32
        %lt3A_1086 = arith.constant 0 : i32
        %lt3A_1087 = arith.cmpi slt, %select_n3A_1080, %lt3A_1086 : i32
        %ne3A_1088 = arith.xori %lt3A_1085, %lt3A_1087 : i1
        %and3A_1089 = arith.andi %ne3A_1088, %ne3A_1083 : i1
        %add3A_1090 = arith.addi %rem3A_1081, %select_n3A_1080 : i32
        %select_n3A_1091 = arith.select %and3A_1089, %add3A_1090, %rem3A_1081 : i32
        %mul3A_1092 = arith.constant 4096 : i32
        %mul3A_1093 = arith.muli %select_n3A_1091, %mul3A_1092 : i32
        %add3A_1094 = arith.addi %mul3A_1093, %mul3A_2 : i32
        %jit3A_1095 = arith.constant 4 : i32
        %div3A_1096 = arith.divsi %sub3A_1075, %jit3A_1095 : i32
        %sign3A_1097 = arith.constant 0 : i32
        %sign3A_1098 = arith.cmpi sgt, %sub3A_1075, %sign3A_1097 : i32
        %sign3A_1099 = arith.extui %sign3A_1098 : i1 to i32
        %sign3A_1100 = arith.constant 0 : i32
        %sign3A_1101 = arith.cmpi slt, %sub3A_1075, %sign3A_1100 : i32
        %sign3A_1102 = arith.extui %sign3A_1101 : i1 to i32
        %sign3A_1103 = arith.subi %sign3A_1099, %sign3A_1102 : i32
        %sign3A_1104 = arith.constant 0 : i32
        %sign3A_1105 = arith.cmpi sgt, %jit3A_1095, %sign3A_1104 : i32
        %sign3A_1106 = arith.extui %sign3A_1105 : i1 to i32
        %sign3A_1107 = arith.constant 0 : i32
        %sign3A_1108 = arith.cmpi slt, %jit3A_1095, %sign3A_1107 : i32
        %sign3A_1109 = arith.extui %sign3A_1108 : i1 to i32
        %sign3A_1110 = arith.subi %sign3A_1106, %sign3A_1109 : i32
        %ne3A_1111 = arith.cmpi ne, %sign3A_1103, %sign3A_1110 : i32
        %rem3A_1112 = arith.remsi %sub3A_1075, %jit3A_1095 : i32
        %ne3A_1113 = arith.constant 0 : i32
        %ne3A_1114 = arith.cmpi ne, %rem3A_1112, %ne3A_1113 : i32
        %and3A_1115 = arith.andi %ne3A_1111, %ne3A_1114 : i1
        %sub3A_1116 = arith.constant 1 : i32
        %sub3A_1117 = arith.subi %div3A_1096, %sub3A_1116 : i32
        %select_n3A_1118 = arith.select %and3A_1115, %sub3A_1117, %div3A_1096 : i32
        %mul3A_1119 = arith.constant 16 : i32
        %mul3A_1120 = arith.muli %select_n3A_1118, %mul3A_1119 : i32
        %add3A_1121 = arith.addi %add3A_1094, %mul3A_1120 : i32
        %dma_wait3A_1122 = arith.constant 0 : i32
        %dma_wait3A_1123 = tpu.memref_slice %arg5[%add3A_1121, %dma_wait3A_1122] : memref<16384x1024xf32, #tpu.memory_space<hbm>> -> memref<16x1024xf32, #tpu.memory_space<hbm>>
        %dma_wait3A_1124 = arith.constant 0 : i32
        %dma_wait3A_1125 = tpu.memref_slice %arg5[%add3A_1121, %dma_wait3A_1124] : memref<16384x1024xf32, #tpu.memory_space<hbm>> -> memref<16x1024xf32, #tpu.memory_space<hbm>>
        tpu.wait_dma2 semaphore(%arg20 : memref<!tpu.dma_semaphore, #tpu.memory_space<semaphore_mem>>) src(%arg10 : memref<16x1024xf32, #tpu.memory_space<vmem>>) dst(%dma_wait3A_1125 : memref<16x1024xf32, #tpu.memory_space<hbm>>)
      } else {
      }
      %add3A_771 = arith.constant 2 : i32
      %add3A_772 = arith.addi %add3A_716, %add3A_771 : i32
      %lt3A_773 = arith.constant 32 : i32
      %lt3A_774 = arith.cmpi slt, %add3A_772, %lt3A_773 : i32
      %convert_element_type3A_775 = arith.extui %lt3A_774 : i1 to i32
      %cond3A_776 = arith.constant 0 : i32
      %cond3A_777 = arith.cmpi ne, %convert_element_type3A_775, %cond3A_776 : i32
      scf.if %cond3A_777 {
        %add3A_1074 = arith.constant 2 : i32
        %add3A_1075 = arith.addi %add3A_716, %add3A_1074 : i32
        %jit3A_1076 = arith.constant 4 : i32
        %eq3A_1077 = arith.constant 0 : i32
        %eq3A_1078 = arith.cmpi eq, %jit3A_1076, %eq3A_1077 : i32
        %jit3A_1079 = arith.constant 1 : i32
        %select_n3A_1080 = arith.select %eq3A_1078, %jit3A_1079, %jit3A_1076 : i32
        %rem3A_1081 = arith.remsi %add3A_1075, %select_n3A_1080 : i32
        %ne3A_1082 = arith.constant 0 : i32
        %ne3A_1083 = arith.cmpi ne, %rem3A_1081, %ne3A_1082 : i32
        %lt3A_1084 = arith.constant 0 : i32
        %lt3A_1085 = arith.cmpi slt, %rem3A_1081, %lt3A_1084 : i32
        %lt3A_1086 = arith.constant 0 : i32
        %lt3A_1087 = arith.cmpi slt, %select_n3A_1080, %lt3A_1086 : i32
        %ne3A_1088 = arith.xori %lt3A_1085, %lt3A_1087 : i1
        %and3A_1089 = arith.andi %ne3A_1088, %ne3A_1083 : i1
        %add3A_1090 = arith.addi %rem3A_1081, %select_n3A_1080 : i32
        %select_n3A_1091 = arith.select %and3A_1089, %add3A_1090, %rem3A_1081 : i32
        %mul3A_1092 = arith.constant 128 : i32
        %mul3A_1093 = arith.muli %select_n3A_1091, %mul3A_1092 : i32
        %jit3A_1094 = arith.constant 4 : i32
        %div3A_1095 = arith.divsi %add3A_1075, %jit3A_1094 : i32
        %sign3A_1096 = arith.constant 0 : i32
        %sign3A_1097 = arith.cmpi sgt, %add3A_1075, %sign3A_1096 : i32
        %sign3A_1098 = arith.extui %sign3A_1097 : i1 to i32
        %sign3A_1099 = arith.constant 0 : i32
        %sign3A_1100 = arith.cmpi slt, %add3A_1075, %sign3A_1099 : i32
        %sign3A_1101 = arith.extui %sign3A_1100 : i1 to i32
        %sign3A_1102 = arith.subi %sign3A_1098, %sign3A_1101 : i32
        %sign3A_1103 = arith.constant 0 : i32
        %sign3A_1104 = arith.cmpi sgt, %jit3A_1094, %sign3A_1103 : i32
        %sign3A_1105 = arith.extui %sign3A_1104 : i1 to i32
        %sign3A_1106 = arith.constant 0 : i32
        %sign3A_1107 = arith.cmpi slt, %jit3A_1094, %sign3A_1106 : i32
        %sign3A_1108 = arith.extui %sign3A_1107 : i1 to i32
        %sign3A_1109 = arith.subi %sign3A_1105, %sign3A_1108 : i32
        %ne3A_1110 = arith.cmpi ne, %sign3A_1102, %sign3A_1109 : i32
        %rem3A_1111 = arith.remsi %add3A_1075, %jit3A_1094 : i32
        %ne3A_1112 = arith.constant 0 : i32
        %ne3A_1113 = arith.cmpi ne, %rem3A_1111, %ne3A_1112 : i32
        %and3A_1114 = arith.andi %ne3A_1110, %ne3A_1113 : i1
        %sub3A_1115 = arith.constant 1 : i32
        %sub3A_1116 = arith.subi %div3A_1095, %sub3A_1115 : i32
        %select_n3A_1117 = arith.select %and3A_1114, %sub3A_1116, %div3A_1095 : i32
        %mul3A_1118 = arith.constant 16 : i32
        %mul3A_1119 = arith.muli %select_n3A_1117, %mul3A_1118 : i32
        %add3A_1120 = arith.addi %mul3A_1093, %mul3A_1119 : i32
        %dma_start3A_1121 = tpu.memref_slice %arg6[%add3A_1120] : memref<512xi32, #tpu.memory_space<vmem>> -> memref<16xi32, #tpu.memory_space<vmem>>
        %dma_start3A_1122 = arith.constant 0 : i32
        %dma_start3A_1123 = arith.constant 0 : i32
        %dma_start3A_1124 = tpu.memref_slice %arg2[%dma_start3A_1122, %dma_start3A_1123] : memref<100000x1024xf32, #tpu.memory_space<hbm>> -> memref<100000x1024xf32, #tpu.memory_space<hbm>>
        tpu.enqueue_indirect_dma source(%dma_start3A_1124 : memref<100000x1024xf32, #tpu.memory_space<hbm>>) target(%arg10 : memref<16x1024xf32, #tpu.memory_space<vmem>>) offsets(%dma_start3A_1121 : memref<16xi32, #tpu.memory_space<vmem>>) semaphore(%arg16 : memref<!tpu.dma_semaphore, #tpu.memory_space<semaphore_mem>>)
      } else {
      }
      %parallel_loop3A_778 = arith.constant 0 : i32
      %parallel_loop3A_779 = arith.constant 16384 : i32
      %parallel_loop3A_780 = arith.constant 64 : i32
      scf.for %parallel_loop3A_1074 = %parallel_loop3A_778 to %parallel_loop3A_779 step %parallel_loop3A_780  : i32 {
        %parallel_loop3A_1075 = arith.constant 1024 : i32
        %parallel_loop3A_1076 = arith.divsi %parallel_loop3A_1074, %parallel_loop3A_1075 : i32
        %parallel_loop3A_1077 = arith.constant 0 : i32
        %parallel_loop3A_1078 = arith.cmpi sgt, %parallel_loop3A_1074, %parallel_loop3A_1077 : i32
        %parallel_loop3A_1079 = arith.extui %parallel_loop3A_1078 : i1 to i32
        %parallel_loop3A_1080 = arith.constant 0 : i32
        %parallel_loop3A_1081 = arith.cmpi slt, %parallel_loop3A_1074, %parallel_loop3A_1080 : i32
        %parallel_loop3A_1082 = arith.extui %parallel_loop3A_1081 : i1 to i32
        %parallel_loop3A_1083 = arith.subi %parallel_loop3A_1079, %parallel_loop3A_1082 : i32
        %parallel_loop3A_1084 = arith.constant 0 : i32
        %parallel_loop3A_1085 = arith.cmpi sgt, %parallel_loop3A_1075, %parallel_loop3A_1084 : i32
        %parallel_loop3A_1086 = arith.extui %parallel_loop3A_1085 : i1 to i32
        %parallel_loop3A_1087 = arith.constant 0 : i32
        %parallel_loop3A_1088 = arith.cmpi slt, %parallel_loop3A_1075, %parallel_loop3A_1087 : i32
        %parallel_loop3A_1089 = arith.extui %parallel_loop3A_1088 : i1 to i32
        %parallel_loop3A_1090 = arith.subi %parallel_loop3A_1086, %parallel_loop3A_1089 : i32
        %parallel_loop3A_1091 = arith.cmpi ne, %parallel_loop3A_1083, %parallel_loop3A_1090 : i32
        %parallel_loop3A_1092 = arith.remsi %parallel_loop3A_1074, %parallel_loop3A_1075 : i32
        %parallel_loop3A_1093 = arith.constant 0 : i32
        %parallel_loop3A_1094 = arith.cmpi ne, %parallel_loop3A_1092, %parallel_loop3A_1093 : i32
        %parallel_loop3A_1095 = arith.andi %parallel_loop3A_1091, %parallel_loop3A_1094 : i1
        %parallel_loop3A_1096 = arith.constant 1 : i32
        %parallel_loop3A_1097 = arith.subi %parallel_loop3A_1076, %parallel_loop3A_1096 : i32
        %parallel_loop3A_1098 = arith.select %parallel_loop3A_1095, %parallel_loop3A_1097, %parallel_loop3A_1076 : i32
        %parallel_loop3A_1099 = arith.constant 1024 : i32
        %parallel_loop3A_1100 = arith.constant 0 : i32
        %parallel_loop3A_1101 = arith.cmpi eq, %parallel_loop3A_1099, %parallel_loop3A_1100 : i32
        %parallel_loop3A_1102 = arith.constant 1 : i32
        %parallel_loop3A_1103 = arith.select %parallel_loop3A_1101, %parallel_loop3A_1102, %parallel_loop3A_1099 : i32
        %parallel_loop3A_1104 = arith.remsi %parallel_loop3A_1074, %parallel_loop3A_1103 : i32
        %parallel_loop3A_1105 = arith.constant 0 : i32
        %parallel_loop3A_1106 = arith.cmpi ne, %parallel_loop3A_1104, %parallel_loop3A_1105 : i32
        %parallel_loop3A_1107 = arith.constant 0 : i32
        %parallel_loop3A_1108 = arith.cmpi slt, %parallel_loop3A_1104, %parallel_loop3A_1107 : i32
        %parallel_loop3A_1109 = arith.constant 0 : i32
        %parallel_loop3A_1110 = arith.cmpi slt, %parallel_loop3A_1103, %parallel_loop3A_1109 : i32
        %parallel_loop3A_1111 = arith.xori %parallel_loop3A_1108, %parallel_loop3A_1110 : i1
        %parallel_loop3A_1112 = arith.andi %parallel_loop3A_1111, %parallel_loop3A_1106 : i1
        %parallel_loop3A_1113 = arith.addi %parallel_loop3A_1104, %parallel_loop3A_1103 : i32
        %parallel_loop3A_1114 = arith.select %parallel_loop3A_1112, %parallel_loop3A_1113, %parallel_loop3A_1104 : i32
        %parallel_loop3A_1115 = arith.constant 0 : i32
        %parallel_loop3A_1116 = arith.addi %parallel_loop3A_1114, %parallel_loop3A_1115 : i32
        %parallel_loop3A_1117 = arith.index_cast %parallel_loop3A_1098 : i32 to index
        %parallel_loop3A_1118 = arith.index_cast %parallel_loop3A_1116 : i32 to index
        %parallel_loop3A_1119 = tpu.vector_load %arg12[%parallel_loop3A_1117, %parallel_loop3A_1118] {strides = array<i32>} : memref<16x1024xf32, #tpu.memory_space<vmem>>, vector<1x16xf32>,
        %parallel_loop3A_1120 = vector.shape_cast %parallel_loop3A_1119 : vector<1x16xf32> to vector<16xf32>
        %parallel_loop3A_1121 = arith.index_cast %parallel_loop3A_1098 : i32 to index
        %parallel_loop3A_1122 = arith.index_cast %parallel_loop3A_1116 : i32 to index
        %parallel_loop3A_1123 = tpu.vector_load %arg8[%parallel_loop3A_1121, %parallel_loop3A_1122] {strides = array<i32>} : memref<16x1024xf32, #tpu.memory_space<vmem>>, vector<1x16xf32>,
        %parallel_loop3A_1124 = vector.shape_cast %parallel_loop3A_1123 : vector<1x16xf32> to vector<16xf32>
        %parallel_loop3A_1125 = vector.shape_cast %parallel_loop3A_1120 : vector<16xf32> to vector<1x16xf32>
        tpu.vector_store %arg8[%parallel_loop3A_1121, %parallel_loop3A_1122], %parallel_loop3A_1125 {add = true, strides = array<i32>} : memref<16x1024xf32, #tpu.memory_space<vmem>>, vector<1x16xf32>,
        %parallel_loop3A_1126 = arith.constant 1024 : i32
        %parallel_loop3A_1127 = arith.constant 0 : i32
        %parallel_loop3A_1128 = arith.cmpi eq, %parallel_loop3A_1126, %parallel_loop3A_1127 : i32
        %parallel_loop3A_1129 = arith.constant 1 : i32
        %parallel_loop3A_1130 = arith.select %parallel_loop3A_1128, %parallel_loop3A_1129, %parallel_loop3A_1126 : i32
        %parallel_loop3A_1131 = arith.remsi %parallel_loop3A_1074, %parallel_loop3A_1130 : i32
        %parallel_loop3A_1132 = arith.constant 0 : i32
        %parallel_loop3A_1133 = arith.cmpi ne, %parallel_loop3A_1131, %parallel_loop3A_1132 : i32
        %parallel_loop3A_1134 = arith.constant 0 : i32
        %parallel_loop3A_1135 = arith.cmpi slt, %parallel_loop3A_1131, %parallel_loop3A_1134 : i32
        %parallel_loop3A_1136 = arith.constant 0 : i32
        %parallel_loop3A_1137 = arith.cmpi slt, %parallel_loop3A_1130, %parallel_loop3A_1136 : i32
        %parallel_loop3A_1138 = arith.xori %parallel_loop3A_1135, %parallel_loop3A_1137 : i1
        %parallel_loop3A_1139 = arith.andi %parallel_loop3A_1138, %parallel_loop3A_1133 : i1
        %parallel_loop3A_1140 = arith.addi %parallel_loop3A_1131, %parallel_loop3A_1130 : i32
        %parallel_loop3A_1141 = arith.select %parallel_loop3A_1139, %parallel_loop3A_1140, %parallel_loop3A_1131 : i32
        %parallel_loop3A_1142 = arith.constant 16 : i32
        %parallel_loop3A_1143 = arith.addi %parallel_loop3A_1141, %parallel_loop3A_1142 : i32
        %parallel_loop3A_1144 = arith.index_cast %parallel_loop3A_1098 : i32 to index
        %parallel_loop3A_1145 = arith.index_cast %parallel_loop3A_1143 : i32 to index
        %parallel_loop3A_1146 = tpu.vector_load %arg12[%parallel_loop3A_1144, %parallel_loop3A_1145] {strides = array<i32>} : memref<16x1024xf32, #tpu.memory_space<vmem>>, vector<1x16xf32>,
        %parallel_loop3A_1147 = vector.shape_cast %parallel_loop3A_1146 : vector<1x16xf32> to vector<16xf32>
        %parallel_loop3A_1148 = arith.index_cast %parallel_loop3A_1098 : i32 to index
        %parallel_loop3A_1149 = arith.index_cast %parallel_loop3A_1143 : i32 to index
        %parallel_loop3A_1150 = tpu.vector_load %arg8[%parallel_loop3A_1148, %parallel_loop3A_1149] {strides = array<i32>} : memref<16x1024xf32, #tpu.memory_space<vmem>>, vector<1x16xf32>,
        %parallel_loop3A_1151 = vector.shape_cast %parallel_loop3A_1150 : vector<1x16xf32> to vector<16xf32>
        %parallel_loop3A_1152 = vector.shape_cast %parallel_loop3A_1147 : vector<16xf32> to vector<1x16xf32>
        tpu.vector_store %arg8[%parallel_loop3A_1148, %parallel_loop3A_1149], %parallel_loop3A_1152 {add = true, strides = array<i32>} : memref<16x1024xf32, #tpu.memory_space<vmem>>, vector<1x16xf32>,
        %parallel_loop3A_1153 = arith.constant 1024 : i32
        %parallel_loop3A_1154 = arith.constant 0 : i32
        %parallel_loop3A_1155 = arith.cmpi eq, %parallel_loop3A_1153, %parallel_loop3A_1154 : i32
        %parallel_loop3A_1156 = arith.constant 1 : i32
        %parallel_loop3A_1157 = arith.select %parallel_loop3A_1155, %parallel_loop3A_1156, %parallel_loop3A_1153 : i32
        %parallel_loop3A_1158 = arith.remsi %parallel_loop3A_1074, %parallel_loop3A_1157 : i32
        %parallel_loop3A_1159 = arith.constant 0 : i32
        %parallel_loop3A_1160 = arith.cmpi ne, %parallel_loop3A_1158, %parallel_loop3A_1159 : i32
        %parallel_loop3A_1161 = arith.constant 0 : i32
        %parallel_loop3A_1162 = arith.cmpi slt, %parallel_loop3A_1158, %parallel_loop3A_1161 : i32
        %parallel_loop3A_1163 = arith.constant 0 : i32
        %parallel_loop3A_1164 = arith.cmpi slt, %parallel_loop3A_1157, %parallel_loop3A_1163 : i32
        %parallel_loop3A_1165 = arith.xori %parallel_loop3A_1162, %parallel_loop3A_1164 : i1
        %parallel_loop3A_1166 = arith.andi %parallel_loop3A_1165, %parallel_loop3A_1160 : i1
        %parallel_loop3A_1167 = arith.addi %parallel_loop3A_1158, %parallel_loop3A_1157 : i32
        %parallel_loop3A_1168 = arith.select %parallel_loop3A_1166, %parallel_loop3A_1167, %parallel_loop3A_1158 : i32
        %parallel_loop3A_1169 = arith.constant 32 : i32
        %parallel_loop3A_1170 = arith.addi %parallel_loop3A_1168, %parallel_loop3A_1169 : i32
        %parallel_loop3A_1171 = arith.index_cast %parallel_loop3A_1098 : i32 to index
        %parallel_loop3A_1172 = arith.index_cast %parallel_loop3A_1170 : i32 to index
        %parallel_loop3A_1173 = tpu.vector_load %arg12[%parallel_loop3A_1171, %parallel_loop3A_1172] {strides = array<i32>} : memref<16x1024xf32, #tpu.memory_space<vmem>>, vector<1x16xf32>,
        %parallel_loop3A_1174 = vector.shape_cast %parallel_loop3A_1173 : vector<1x16xf32> to vector<16xf32>
        %parallel_loop3A_1175 = arith.index_cast %parallel_loop3A_1098 : i32 to index
        %parallel_loop3A_1176 = arith.index_cast %parallel_loop3A_1170 : i32 to index
        %parallel_loop3A_1177 = tpu.vector_load %arg8[%parallel_loop3A_1175, %parallel_loop3A_1176] {strides = array<i32>} : memref<16x1024xf32, #tpu.memory_space<vmem>>, vector<1x16xf32>,
        %parallel_loop3A_1178 = vector.shape_cast %parallel_loop3A_1177 : vector<1x16xf32> to vector<16xf32>
        %parallel_loop3A_1179 = vector.shape_cast %parallel_loop3A_1174 : vector<16xf32> to vector<1x16xf32>
        tpu.vector_store %arg8[%parallel_loop3A_1175, %parallel_loop3A_1176], %parallel_loop3A_1179 {add = true, strides = array<i32>} : memref<16x1024xf32, #tpu.memory_space<vmem>>, vector<1x16xf32>,
        %parallel_loop3A_1180 = arith.constant 1024 : i32
        %parallel_loop3A_1181 = arith.constant 0 : i32
        %parallel_loop3A_1182 = arith.cmpi eq, %parallel_loop3A_1180, %parallel_loop3A_1181 : i32
        %parallel_loop3A_1183 = arith.constant 1 : i32
        %parallel_loop3A_1184 = arith.select %parallel_loop3A_1182, %parallel_loop3A_1183, %parallel_loop3A_1180 : i32
        %parallel_loop3A_1185 = arith.remsi %parallel_loop3A_1074, %parallel_loop3A_1184 : i32
        %parallel_loop3A_1186 = arith.constant 0 : i32
        %parallel_loop3A_1187 = arith.cmpi ne, %parallel_loop3A_1185, %parallel_loop3A_1186 : i32
        %parallel_loop3A_1188 = arith.constant 0 : i32
        %parallel_loop3A_1189 = arith.cmpi slt, %parallel_loop3A_1185, %parallel_loop3A_1188 : i32
        %parallel_loop3A_1190 = arith.constant 0 : i32
        %parallel_loop3A_1191 = arith.cmpi slt, %parallel_loop3A_1184, %parallel_loop3A_1190 : i32
        %parallel_loop3A_1192 = arith.xori %parallel_loop3A_1189, %parallel_loop3A_1191 : i1
        %parallel_loop3A_1193 = arith.andi %parallel_loop3A_1192, %parallel_loop3A_1187 : i1
        %parallel_loop3A_1194 = arith.addi %parallel_loop3A_1185, %parallel_loop3A_1184 : i32
        %parallel_loop3A_1195 = arith.select %parallel_loop3A_1193, %parallel_loop3A_1194, %parallel_loop3A_1185 : i32
        %parallel_loop3A_1196 = arith.constant 48 : i32
        %parallel_loop3A_1197 = arith.addi %parallel_loop3A_1195, %parallel_loop3A_1196 : i32
        %parallel_loop3A_1198 = arith.index_cast %parallel_loop3A_1098 : i32 to index
        %parallel_loop3A_1199 = arith.index_cast %parallel_loop3A_1197 : i32 to index
        %parallel_loop3A_1200 = tpu.vector_load %arg12[%parallel_loop3A_1198, %parallel_loop3A_1199] {strides = array<i32>} : memref<16x1024xf32, #tpu.memory_space<vmem>>, vector<1x16xf32>,
        %parallel_loop3A_1201 = vector.shape_cast %parallel_loop3A_1200 : vector<1x16xf32> to vector<16xf32>
        %parallel_loop3A_1202 = arith.index_cast %parallel_loop3A_1098 : i32 to index
        %parallel_loop3A_1203 = arith.index_cast %parallel_loop3A_1197 : i32 to index
        %parallel_loop3A_1204 = tpu.vector_load %arg8[%parallel_loop3A_1202, %parallel_loop3A_1203] {strides = array<i32>} : memref<16x1024xf32, #tpu.memory_space<vmem>>, vector<1x16xf32>,
        %parallel_loop3A_1205 = vector.shape_cast %parallel_loop3A_1204 : vector<1x16xf32> to vector<16xf32>
        %parallel_loop3A_1206 = vector.shape_cast %parallel_loop3A_1201 : vector<16xf32> to vector<1x16xf32>
        tpu.vector_store %arg8[%parallel_loop3A_1202, %parallel_loop3A_1203], %parallel_loop3A_1206 {add = true, strides = array<i32>} : memref<16x1024xf32, #tpu.memory_space<vmem>>, vector<1x16xf32>,
      } {sc.loop_unroll_factor = 4 : i64, sc.parallel_access}
      %jit3A_781 = arith.constant 4 : i32
      %eq3A_782 = arith.constant 0 : i32
      %eq3A_783 = arith.cmpi eq, %jit3A_781, %eq3A_782 : i32
      %jit3A_784 = arith.constant 1 : i32
      %select_n3A_785 = arith.select %eq3A_783, %jit3A_784, %jit3A_781 : i32
      %rem3A_786 = arith.remsi %add3A_716, %select_n3A_785 : i32
      %ne3A_787 = arith.constant 0 : i32
      %ne3A_788 = arith.cmpi ne, %rem3A_786, %ne3A_787 : i32
      %lt3A_789 = arith.constant 0 : i32
      %lt3A_790 = arith.cmpi slt, %rem3A_786, %lt3A_789 : i32
      %lt3A_791 = arith.constant 0 : i32
      %lt3A_792 = arith.cmpi slt, %select_n3A_785, %lt3A_791 : i32
      %ne3A_793 = arith.xori %lt3A_790, %lt3A_792 : i1
      %and3A_794 = arith.andi %ne3A_793, %ne3A_788 : i1
      %add3A_795 = arith.addi %rem3A_786, %select_n3A_785 : i32
      %select_n3A_796 = arith.select %and3A_794, %add3A_795, %rem3A_786 : i32
      %mul3A_797 = arith.constant 4096 : i32
      %mul3A_798 = arith.muli %select_n3A_796, %mul3A_797 : i32
      %add3A_799 = arith.addi %mul3A_798, %mul3A_2 : i32
      %jit3A_800 = arith.constant 4 : i32
      %div3A_801 = arith.divsi %add3A_716, %jit3A_800 : i32
      %sign3A_802 = arith.constant 0 : i32
      %sign3A_803 = arith.cmpi sgt, %add3A_716, %sign3A_802 : i32
      %sign3A_804 = arith.extui %sign3A_803 : i1 to i32
      %sign3A_805 = arith.constant 0 : i32
      %sign3A_806 = arith.cmpi slt, %add3A_716, %sign3A_805 : i32
      %sign3A_807 = arith.extui %sign3A_806 : i1 to i32
      %sign3A_808 = arith.subi %sign3A_804, %sign3A_807 : i32
      %sign3A_809 = arith.constant 0 : i32
      %sign3A_810 = arith.cmpi sgt, %jit3A_800, %sign3A_809 : i32
      %sign3A_811 = arith.extui %sign3A_810 : i1 to i32
      %sign3A_812 = arith.constant 0 : i32
      %sign3A_813 = arith.cmpi slt, %jit3A_800, %sign3A_812 : i32
      %sign3A_814 = arith.extui %sign3A_813 : i1 to i32
      %sign3A_815 = arith.subi %sign3A_811, %sign3A_814 : i32
      %ne3A_816 = arith.cmpi ne, %sign3A_808, %sign3A_815 : i32
      %rem3A_817 = arith.remsi %add3A_716, %jit3A_800 : i32
      %ne3A_818 = arith.constant 0 : i32
      %ne3A_819 = arith.cmpi ne, %rem3A_817, %ne3A_818 : i32
      %and3A_820 = arith.andi %ne3A_816, %ne3A_819 : i1
      %sub3A_821 = arith.constant 1 : i32
      %sub3A_822 = arith.subi %div3A_801, %sub3A_821 : i32
      %select_n3A_823 = arith.select %and3A_820, %sub3A_822, %div3A_801 : i32
      %mul3A_824 = arith.constant 16 : i32
      %mul3A_825 = arith.muli %select_n3A_823, %mul3A_824 : i32
      %add3A_826 = arith.addi %add3A_799, %mul3A_825 : i32
      %dma_start3A_827 = arith.constant 0 : i32
      %dma_start3A_828 = tpu.memref_slice %arg5[%add3A_826, %dma_start3A_827] : memref<16384x1024xf32, #tpu.memory_space<hbm>> -> memref<16x1024xf32, #tpu.memory_space<hbm>>
      %dma_start3A_829 = arith.constant 0 : i32
      %dma_start3A_830 = tpu.memref_slice %arg5[%add3A_826, %dma_start3A_829] : memref<16384x1024xf32, #tpu.memory_space<hbm>> -> memref<16x1024xf32, #tpu.memory_space<hbm>>
      tpu.enqueue_dma source(%arg8 : memref<16x1024xf32, #tpu.memory_space<vmem>>) target(%dma_start3A_830 : memref<16x1024xf32, #tpu.memory_space<hbm>>) target_semaphore(%arg18 : memref<!tpu.dma_semaphore, #tpu.memory_space<semaphore_mem>>)
      %mul3A_831 = arith.constant 4 : i32
      %mul3A_832 = arith.muli %add3A_587, %mul3A_831 : i32
      %add3A_833 = arith.constant 2 : i32
      %add3A_834 = arith.addi %mul3A_832, %add3A_833 : i32
      %jit3A_835 = arith.constant 4 : i32
      %eq3A_836 = arith.constant 0 : i32
      %eq3A_837 = arith.cmpi eq, %jit3A_835, %eq3A_836 : i32
      %jit3A_838 = arith.constant 1 : i32
      %select_n3A_839 = arith.select %eq3A_837, %jit3A_838, %jit3A_835 : i32
      %rem3A_840 = arith.remsi %add3A_834, %select_n3A_839 : i32
      %ne3A_841 = arith.constant 0 : i32
      %ne3A_842 = arith.cmpi ne, %rem3A_840, %ne3A_841 : i32
      %lt3A_843 = arith.constant 0 : i32
      %lt3A_844 = arith.cmpi slt, %rem3A_840, %lt3A_843 : i32
      %lt3A_845 = arith.constant 0 : i32
      %lt3A_846 = arith.cmpi slt, %select_n3A_839, %lt3A_845 : i32
      %ne3A_847 = arith.xori %lt3A_844, %lt3A_846 : i1
      %and3A_848 = arith.andi %ne3A_847, %ne3A_842 : i1
      %add3A_849 = arith.addi %rem3A_840, %select_n3A_839 : i32
      %select_n3A_850 = arith.select %and3A_848, %add3A_849, %rem3A_840 : i32
      %mul3A_851 = arith.constant 128 : i32
      %mul3A_852 = arith.muli %select_n3A_850, %mul3A_851 : i32
      %jit3A_853 = arith.constant 4 : i32
      %div3A_854 = arith.divsi %add3A_834, %jit3A_853 : i32
      %sign3A_855 = arith.constant 0 : i32
      %sign3A_856 = arith.cmpi sgt, %add3A_834, %sign3A_855 : i32
      %sign3A_857 = arith.extui %sign3A_856 : i1 to i32
      %sign3A_858 = arith.constant 0 : i32
      %sign3A_859 = arith.cmpi slt, %add3A_834, %sign3A_858 : i32
      %sign3A_860 = arith.extui %sign3A_859 : i1 to i32
      %sign3A_861 = arith.subi %sign3A_857, %sign3A_860 : i32
      %sign3A_862 = arith.constant 0 : i32
      %sign3A_863 = arith.cmpi sgt, %jit3A_853, %sign3A_862 : i32
      %sign3A_864 = arith.extui %sign3A_863 : i1 to i32
      %sign3A_865 = arith.constant 0 : i32
      %sign3A_866 = arith.cmpi slt, %jit3A_853, %sign3A_865 : i32
      %sign3A_867 = arith.extui %sign3A_866 : i1 to i32
      %sign3A_868 = arith.subi %sign3A_864, %sign3A_867 : i32
      %ne3A_869 = arith.cmpi ne, %sign3A_861, %sign3A_868 : i32
      %rem3A_870 = arith.remsi %add3A_834, %jit3A_853 : i32
      %ne3A_871 = arith.constant 0 : i32
      %ne3A_872 = arith.cmpi ne, %rem3A_870, %ne3A_871 : i32
      %and3A_873 = arith.andi %ne3A_869, %ne3A_872 : i1
      %sub3A_874 = arith.constant 1 : i32
      %sub3A_875 = arith.subi %div3A_854, %sub3A_874 : i32
      %select_n3A_876 = arith.select %and3A_873, %sub3A_875, %div3A_854 : i32
      %mul3A_877 = arith.constant 16 : i32
      %mul3A_878 = arith.muli %select_n3A_876, %mul3A_877 : i32
      %add3A_879 = arith.addi %mul3A_852, %mul3A_878 : i32
      %dma_wait3A_880 = tpu.memref_slice %arg6[%add3A_879] : memref<512xi32, #tpu.memory_space<vmem>> -> memref<16xi32, #tpu.memory_space<vmem>>
      %dma_wait3A_881 = arith.constant 0 : i32
      %dma_wait3A_882 = arith.constant 0 : i32
      %dma_wait3A_883 = tpu.memref_slice %arg2[%dma_wait3A_881, %dma_wait3A_882] : memref<100000x1024xf32, #tpu.memory_space<hbm>> -> memref<100000x1024xf32, #tpu.memory_space<hbm>>
      tpu.wait_indirect_dma semaphore(%arg15 : memref<!tpu.dma_semaphore, #tpu.memory_space<semaphore_mem>>) src(%dma_wait3A_883 : memref<100000x1024xf32, #tpu.memory_space<hbm>>) dst(%arg9 : memref<16x1024xf32, #tpu.memory_space<vmem>>)
      %ge3A_884 = arith.constant 2 : i32
      %ge3A_885 = arith.cmpi sge, %add3A_834, %ge3A_884 : i32
      %convert_element_type3A_886 = arith.extui %ge3A_885 : i1 to i32
      %cond3A_887 = arith.constant 0 : i32
      %cond3A_888 = arith.cmpi ne, %convert_element_type3A_886, %cond3A_887 : i32
      scf.if %cond3A_888 {
        %sub3A_1074 = arith.constant 2 : i32
        %sub3A_1075 = arith.subi %add3A_834, %sub3A_1074 : i32
        %jit3A_1076 = arith.constant 4 : i32
        %eq3A_1077 = arith.constant 0 : i32
        %eq3A_1078 = arith.cmpi eq, %jit3A_1076, %eq3A_1077 : i32
        %jit3A_1079 = arith.constant 1 : i32
        %select_n3A_1080 = arith.select %eq3A_1078, %jit3A_1079, %jit3A_1076 : i32
        %rem3A_1081 = arith.remsi %sub3A_1075, %select_n3A_1080 : i32
        %ne3A_1082 = arith.constant 0 : i32
        %ne3A_1083 = arith.cmpi ne, %rem3A_1081, %ne3A_1082 : i32
        %lt3A_1084 = arith.constant 0 : i32
        %lt3A_1085 = arith.cmpi slt, %rem3A_1081, %lt3A_1084 : i32
        %lt3A_1086 = arith.constant 0 : i32
        %lt3A_1087 = arith.cmpi slt, %select_n3A_1080, %lt3A_1086 : i32
        %ne3A_1088 = arith.xori %lt3A_1085, %lt3A_1087 : i1
        %and3A_1089 = arith.andi %ne3A_1088, %ne3A_1083 : i1
        %add3A_1090 = arith.addi %rem3A_1081, %select_n3A_1080 : i32
        %select_n3A_1091 = arith.select %and3A_1089, %add3A_1090, %rem3A_1081 : i32
        %mul3A_1092 = arith.constant 4096 : i32
        %mul3A_1093 = arith.muli %select_n3A_1091, %mul3A_1092 : i32
        %add3A_1094 = arith.addi %mul3A_1093, %mul3A_2 : i32
        %jit3A_1095 = arith.constant 4 : i32
        %div3A_1096 = arith.divsi %sub3A_1075, %jit3A_1095 : i32
        %sign3A_1097 = arith.constant 0 : i32
        %sign3A_1098 = arith.cmpi sgt, %sub3A_1075, %sign3A_1097 : i32
        %sign3A_1099 = arith.extui %sign3A_1098 : i1 to i32
        %sign3A_1100 = arith.constant 0 : i32
        %sign3A_1101 = arith.cmpi slt, %sub3A_1075, %sign3A_1100 : i32
        %sign3A_1102 = arith.extui %sign3A_1101 : i1 to i32
        %sign3A_1103 = arith.subi %sign3A_1099, %sign3A_1102 : i32
        %sign3A_1104 = arith.constant 0 : i32
        %sign3A_1105 = arith.cmpi sgt, %jit3A_1095, %sign3A_1104 : i32
        %sign3A_1106 = arith.extui %sign3A_1105 : i1 to i32
        %sign3A_1107 = arith.constant 0 : i32
        %sign3A_1108 = arith.cmpi slt, %jit3A_1095, %sign3A_1107 : i32
        %sign3A_1109 = arith.extui %sign3A_1108 : i1 to i32
        %sign3A_1110 = arith.subi %sign3A_1106, %sign3A_1109 : i32
        %ne3A_1111 = arith.cmpi ne, %sign3A_1103, %sign3A_1110 : i32
        %rem3A_1112 = arith.remsi %sub3A_1075, %jit3A_1095 : i32
        %ne3A_1113 = arith.constant 0 : i32
        %ne3A_1114 = arith.cmpi ne, %rem3A_1112, %ne3A_1113 : i32
        %and3A_1115 = arith.andi %ne3A_1111, %ne3A_1114 : i1
        %sub3A_1116 = arith.constant 1 : i32
        %sub3A_1117 = arith.subi %div3A_1096, %sub3A_1116 : i32
        %select_n3A_1118 = arith.select %and3A_1115, %sub3A_1117, %div3A_1096 : i32
        %mul3A_1119 = arith.constant 16 : i32
        %mul3A_1120 = arith.muli %select_n3A_1118, %mul3A_1119 : i32
        %add3A_1121 = arith.addi %add3A_1094, %mul3A_1120 : i32
        %dma_wait3A_1122 = arith.constant 0 : i32
        %dma_wait3A_1123 = tpu.memref_slice %arg5[%add3A_1121, %dma_wait3A_1122] : memref<16384x1024xf32, #tpu.memory_space<hbm>> -> memref<16x1024xf32, #tpu.memory_space<hbm>>
        %dma_wait3A_1124 = arith.constant 0 : i32
        %dma_wait3A_1125 = tpu.memref_slice %arg5[%add3A_1121, %dma_wait3A_1124] : memref<16384x1024xf32, #tpu.memory_space<hbm>> -> memref<16x1024xf32, #tpu.memory_space<hbm>>
        tpu.wait_dma2 semaphore(%arg17 : memref<!tpu.dma_semaphore, #tpu.memory_space<semaphore_mem>>) src(%arg7 : memref<16x1024xf32, #tpu.memory_space<vmem>>) dst(%dma_wait3A_1125 : memref<16x1024xf32, #tpu.memory_space<hbm>>)
      } else {
      }
      %add3A_889 = arith.constant 2 : i32
      %add3A_890 = arith.addi %add3A_834, %add3A_889 : i32
      %lt3A_891 = arith.constant 32 : i32
      %lt3A_892 = arith.cmpi slt, %add3A_890, %lt3A_891 : i32
      %convert_element_type3A_893 = arith.extui %lt3A_892 : i1 to i32
      %cond3A_894 = arith.constant 0 : i32
      %cond3A_895 = arith.cmpi ne, %convert_element_type3A_893, %cond3A_894 : i32
      scf.if %cond3A_895 {
        %add3A_1074 = arith.constant 2 : i32
        %add3A_1075 = arith.addi %add3A_834, %add3A_1074 : i32
        %jit3A_1076 = arith.constant 4 : i32
        %eq3A_1077 = arith.constant 0 : i32
        %eq3A_1078 = arith.cmpi eq, %jit3A_1076, %eq3A_1077 : i32
        %jit3A_1079 = arith.constant 1 : i32
        %select_n3A_1080 = arith.select %eq3A_1078, %jit3A_1079, %jit3A_1076 : i32
        %rem3A_1081 = arith.remsi %add3A_1075, %select_n3A_1080 : i32
        %ne3A_1082 = arith.constant 0 : i32
        %ne3A_1083 = arith.cmpi ne, %rem3A_1081, %ne3A_1082 : i32
        %lt3A_1084 = arith.constant 0 : i32
        %lt3A_1085 = arith.cmpi slt, %rem3A_1081, %lt3A_1084 : i32
        %lt3A_1086 = arith.constant 0 : i32
        %lt3A_1087 = arith.cmpi slt, %select_n3A_1080, %lt3A_1086 : i32
        %ne3A_1088 = arith.xori %lt3A_1085, %lt3A_1087 : i1
        %and3A_1089 = arith.andi %ne3A_1088, %ne3A_1083 : i1
        %add3A_1090 = arith.addi %rem3A_1081, %select_n3A_1080 : i32
        %select_n3A_1091 = arith.select %and3A_1089, %add3A_1090, %rem3A_1081 : i32
        %mul3A_1092 = arith.constant 128 : i32
        %mul3A_1093 = arith.muli %select_n3A_1091, %mul3A_1092 : i32
        %jit3A_1094 = arith.constant 4 : i32
        %div3A_1095 = arith.divsi %add3A_1075, %jit3A_1094 : i32
        %sign3A_1096 = arith.constant 0 : i32
        %sign3A_1097 = arith.cmpi sgt, %add3A_1075, %sign3A_1096 : i32
        %sign3A_1098 = arith.extui %sign3A_1097 : i1 to i32
        %sign3A_1099 = arith.constant 0 : i32
        %sign3A_1100 = arith.cmpi slt, %add3A_1075, %sign3A_1099 : i32
        %sign3A_1101 = arith.extui %sign3A_1100 : i1 to i32
        %sign3A_1102 = arith.subi %sign3A_1098, %sign3A_1101 : i32
        %sign3A_1103 = arith.constant 0 : i32
        %sign3A_1104 = arith.cmpi sgt, %jit3A_1094, %sign3A_1103 : i32
        %sign3A_1105 = arith.extui %sign3A_1104 : i1 to i32
        %sign3A_1106 = arith.constant 0 : i32
        %sign3A_1107 = arith.cmpi slt, %jit3A_1094, %sign3A_1106 : i32
        %sign3A_1108 = arith.extui %sign3A_1107 : i1 to i32
        %sign3A_1109 = arith.subi %sign3A_1105, %sign3A_1108 : i32
        %ne3A_1110 = arith.cmpi ne, %sign3A_1102, %sign3A_1109 : i32
        %rem3A_1111 = arith.remsi %add3A_1075, %jit3A_1094 : i32
        %ne3A_1112 = arith.constant 0 : i32
        %ne3A_1113 = arith.cmpi ne, %rem3A_1111, %ne3A_1112 : i32
        %and3A_1114 = arith.andi %ne3A_1110, %ne3A_1113 : i1
        %sub3A_1115 = arith.constant 1 : i32
        %sub3A_1116 = arith.subi %div3A_1095, %sub3A_1115 : i32
        %select_n3A_1117 = arith.select %and3A_1114, %sub3A_1116, %div3A_1095 : i32
        %mul3A_1118 = arith.constant 16 : i32
        %mul3A_1119 = arith.muli %select_n3A_1117, %mul3A_1118 : i32
        %add3A_1120 = arith.addi %mul3A_1093, %mul3A_1119 : i32
        %dma_start3A_1121 = tpu.memref_slice %arg6[%add3A_1120] : memref<512xi32, #tpu.memory_space<vmem>> -> memref<16xi32, #tpu.memory_space<vmem>>
        %dma_start3A_1122 = arith.constant 0 : i32
        %dma_start3A_1123 = arith.constant 0 : i32
        %dma_start3A_1124 = tpu.memref_slice %arg2[%dma_start3A_1122, %dma_start3A_1123] : memref<100000x1024xf32, #tpu.memory_space<hbm>> -> memref<100000x1024xf32, #tpu.memory_space<hbm>>
        tpu.enqueue_indirect_dma source(%dma_start3A_1124 : memref<100000x1024xf32, #tpu.memory_space<hbm>>) target(%arg7 : memref<16x1024xf32, #tpu.memory_space<vmem>>) offsets(%dma_start3A_1121 : memref<16xi32, #tpu.memory_space<vmem>>) semaphore(%arg13 : memref<!tpu.dma_semaphore, #tpu.memory_space<semaphore_mem>>)
      } else {
      }
      %parallel_loop3A_896 = arith.constant 0 : i32
      %parallel_loop3A_897 = arith.constant 16384 : i32
      %parallel_loop3A_898 = arith.constant 64 : i32
      scf.for %parallel_loop3A_1074 = %parallel_loop3A_896 to %parallel_loop3A_897 step %parallel_loop3A_898  : i32 {
        %parallel_loop3A_1075 = arith.constant 1024 : i32
        %parallel_loop3A_1076 = arith.divsi %parallel_loop3A_1074, %parallel_loop3A_1075 : i32
        %parallel_loop3A_1077 = arith.constant 0 : i32
        %parallel_loop3A_1078 = arith.cmpi sgt, %parallel_loop3A_1074, %parallel_loop3A_1077 : i32
        %parallel_loop3A_1079 = arith.extui %parallel_loop3A_1078 : i1 to i32
        %parallel_loop3A_1080 = arith.constant 0 : i32
        %parallel_loop3A_1081 = arith.cmpi slt, %parallel_loop3A_1074, %parallel_loop3A_1080 : i32
        %parallel_loop3A_1082 = arith.extui %parallel_loop3A_1081 : i1 to i32
        %parallel_loop3A_1083 = arith.subi %parallel_loop3A_1079, %parallel_loop3A_1082 : i32
        %parallel_loop3A_1084 = arith.constant 0 : i32
        %parallel_loop3A_1085 = arith.cmpi sgt, %parallel_loop3A_1075, %parallel_loop3A_1084 : i32
        %parallel_loop3A_1086 = arith.extui %parallel_loop3A_1085 : i1 to i32
        %parallel_loop3A_1087 = arith.constant 0 : i32
        %parallel_loop3A_1088 = arith.cmpi slt, %parallel_loop3A_1075, %parallel_loop3A_1087 : i32
        %parallel_loop3A_1089 = arith.extui %parallel_loop3A_1088 : i1 to i32
        %parallel_loop3A_1090 = arith.subi %parallel_loop3A_1086, %parallel_loop3A_1089 : i32
        %parallel_loop3A_1091 = arith.cmpi ne, %parallel_loop3A_1083, %parallel_loop3A_1090 : i32
        %parallel_loop3A_1092 = arith.remsi %parallel_loop3A_1074, %parallel_loop3A_1075 : i32
        %parallel_loop3A_1093 = arith.constant 0 : i32
        %parallel_loop3A_1094 = arith.cmpi ne, %parallel_loop3A_1092, %parallel_loop3A_1093 : i32
        %parallel_loop3A_1095 = arith.andi %parallel_loop3A_1091, %parallel_loop3A_1094 : i1
        %parallel_loop3A_1096 = arith.constant 1 : i32
        %parallel_loop3A_1097 = arith.subi %parallel_loop3A_1076, %parallel_loop3A_1096 : i32
        %parallel_loop3A_1098 = arith.select %parallel_loop3A_1095, %parallel_loop3A_1097, %parallel_loop3A_1076 : i32
        %parallel_loop3A_1099 = arith.constant 1024 : i32
        %parallel_loop3A_1100 = arith.constant 0 : i32
        %parallel_loop3A_1101 = arith.cmpi eq, %parallel_loop3A_1099, %parallel_loop3A_1100 : i32
        %parallel_loop3A_1102 = arith.constant 1 : i32
        %parallel_loop3A_1103 = arith.select %parallel_loop3A_1101, %parallel_loop3A_1102, %parallel_loop3A_1099 : i32
        %parallel_loop3A_1104 = arith.remsi %parallel_loop3A_1074, %parallel_loop3A_1103 : i32
        %parallel_loop3A_1105 = arith.constant 0 : i32
        %parallel_loop3A_1106 = arith.cmpi ne, %parallel_loop3A_1104, %parallel_loop3A_1105 : i32
        %parallel_loop3A_1107 = arith.constant 0 : i32
        %parallel_loop3A_1108 = arith.cmpi slt, %parallel_loop3A_1104, %parallel_loop3A_1107 : i32
        %parallel_loop3A_1109 = arith.constant 0 : i32
        %parallel_loop3A_1110 = arith.cmpi slt, %parallel_loop3A_1103, %parallel_loop3A_1109 : i32
        %parallel_loop3A_1111 = arith.xori %parallel_loop3A_1108, %parallel_loop3A_1110 : i1
        %parallel_loop3A_1112 = arith.andi %parallel_loop3A_1111, %parallel_loop3A_1106 : i1
        %parallel_loop3A_1113 = arith.addi %parallel_loop3A_1104, %parallel_loop3A_1103 : i32
        %parallel_loop3A_1114 = arith.select %parallel_loop3A_1112, %parallel_loop3A_1113, %parallel_loop3A_1104 : i32
        %parallel_loop3A_1115 = arith.constant 0 : i32
        %parallel_loop3A_1116 = arith.addi %parallel_loop3A_1114, %parallel_loop3A_1115 : i32
        %parallel_loop3A_1117 = arith.index_cast %parallel_loop3A_1098 : i32 to index
        %parallel_loop3A_1118 = arith.index_cast %parallel_loop3A_1116 : i32 to index
        %parallel_loop3A_1119 = tpu.vector_load %arg12[%parallel_loop3A_1117, %parallel_loop3A_1118] {strides = array<i32>} : memref<16x1024xf32, #tpu.memory_space<vmem>>, vector<1x16xf32>,
        %parallel_loop3A_1120 = vector.shape_cast %parallel_loop3A_1119 : vector<1x16xf32> to vector<16xf32>
        %parallel_loop3A_1121 = arith.index_cast %parallel_loop3A_1098 : i32 to index
        %parallel_loop3A_1122 = arith.index_cast %parallel_loop3A_1116 : i32 to index
        %parallel_loop3A_1123 = tpu.vector_load %arg9[%parallel_loop3A_1121, %parallel_loop3A_1122] {strides = array<i32>} : memref<16x1024xf32, #tpu.memory_space<vmem>>, vector<1x16xf32>,
        %parallel_loop3A_1124 = vector.shape_cast %parallel_loop3A_1123 : vector<1x16xf32> to vector<16xf32>
        %parallel_loop3A_1125 = vector.shape_cast %parallel_loop3A_1120 : vector<16xf32> to vector<1x16xf32>
        tpu.vector_store %arg9[%parallel_loop3A_1121, %parallel_loop3A_1122], %parallel_loop3A_1125 {add = true, strides = array<i32>} : memref<16x1024xf32, #tpu.memory_space<vmem>>, vector<1x16xf32>,
        %parallel_loop3A_1126 = arith.constant 1024 : i32
        %parallel_loop3A_1127 = arith.constant 0 : i32
        %parallel_loop3A_1128 = arith.cmpi eq, %parallel_loop3A_1126, %parallel_loop3A_1127 : i32
        %parallel_loop3A_1129 = arith.constant 1 : i32
        %parallel_loop3A_1130 = arith.select %parallel_loop3A_1128, %parallel_loop3A_1129, %parallel_loop3A_1126 : i32
        %parallel_loop3A_1131 = arith.remsi %parallel_loop3A_1074, %parallel_loop3A_1130 : i32
        %parallel_loop3A_1132 = arith.constant 0 : i32
        %parallel_loop3A_1133 = arith.cmpi ne, %parallel_loop3A_1131, %parallel_loop3A_1132 : i32
        %parallel_loop3A_1134 = arith.constant 0 : i32
        %parallel_loop3A_1135 = arith.cmpi slt, %parallel_loop3A_1131, %parallel_loop3A_1134 : i32
        %parallel_loop3A_1136 = arith.constant 0 : i32
        %parallel_loop3A_1137 = arith.cmpi slt, %parallel_loop3A_1130, %parallel_loop3A_1136 : i32
        %parallel_loop3A_1138 = arith.xori %parallel_loop3A_1135, %parallel_loop3A_1137 : i1
        %parallel_loop3A_1139 = arith.andi %parallel_loop3A_1138, %parallel_loop3A_1133 : i1
        %parallel_loop3A_1140 = arith.addi %parallel_loop3A_1131, %parallel_loop3A_1130 : i32
        %parallel_loop3A_1141 = arith.select %parallel_loop3A_1139, %parallel_loop3A_1140, %parallel_loop3A_1131 : i32
        %parallel_loop3A_1142 = arith.constant 16 : i32
        %parallel_loop3A_1143 = arith.addi %parallel_loop3A_1141, %parallel_loop3A_1142 : i32
        %parallel_loop3A_1144 = arith.index_cast %parallel_loop3A_1098 : i32 to index
        %parallel_loop3A_1145 = arith.index_cast %parallel_loop3A_1143 : i32 to index
        %parallel_loop3A_1146 = tpu.vector_load %arg12[%parallel_loop3A_1144, %parallel_loop3A_1145] {strides = array<i32>} : memref<16x1024xf32, #tpu.memory_space<vmem>>, vector<1x16xf32>,
        %parallel_loop3A_1147 = vector.shape_cast %parallel_loop3A_1146 : vector<1x16xf32> to vector<16xf32>
        %parallel_loop3A_1148 = arith.index_cast %parallel_loop3A_1098 : i32 to index
        %parallel_loop3A_1149 = arith.index_cast %parallel_loop3A_1143 : i32 to index
        %parallel_loop3A_1150 = tpu.vector_load %arg9[%parallel_loop3A_1148, %parallel_loop3A_1149] {strides = array<i32>} : memref<16x1024xf32, #tpu.memory_space<vmem>>, vector<1x16xf32>,
        %parallel_loop3A_1151 = vector.shape_cast %parallel_loop3A_1150 : vector<1x16xf32> to vector<16xf32>
        %parallel_loop3A_1152 = vector.shape_cast %parallel_loop3A_1147 : vector<16xf32> to vector<1x16xf32>
        tpu.vector_store %arg9[%parallel_loop3A_1148, %parallel_loop3A_1149], %parallel_loop3A_1152 {add = true, strides = array<i32>} : memref<16x1024xf32, #tpu.memory_space<vmem>>, vector<1x16xf32>,
        %parallel_loop3A_1153 = arith.constant 1024 : i32
        %parallel_loop3A_1154 = arith.constant 0 : i32
        %parallel_loop3A_1155 = arith.cmpi eq, %parallel_loop3A_1153, %parallel_loop3A_1154 : i32
        %parallel_loop3A_1156 = arith.constant 1 : i32
        %parallel_loop3A_1157 = arith.select %parallel_loop3A_1155, %parallel_loop3A_1156, %parallel_loop3A_1153 : i32
        %parallel_loop3A_1158 = arith.remsi %parallel_loop3A_1074, %parallel_loop3A_1157 : i32
        %parallel_loop3A_1159 = arith.constant 0 : i32
        %parallel_loop3A_1160 = arith.cmpi ne, %parallel_loop3A_1158, %parallel_loop3A_1159 : i32
        %parallel_loop3A_1161 = arith.constant 0 : i32
        %parallel_loop3A_1162 = arith.cmpi slt, %parallel_loop3A_1158, %parallel_loop3A_1161 : i32
        %parallel_loop3A_1163 = arith.constant 0 : i32
        %parallel_loop3A_1164 = arith.cmpi slt, %parallel_loop3A_1157, %parallel_loop3A_1163 : i32
        %parallel_loop3A_1165 = arith.xori %parallel_loop3A_1162, %parallel_loop3A_1164 : i1
        %parallel_loop3A_1166 = arith.andi %parallel_loop3A_1165, %parallel_loop3A_1160 : i1
        %parallel_loop3A_1167 = arith.addi %parallel_loop3A_1158, %parallel_loop3A_1157 : i32
        %parallel_loop3A_1168 = arith.select %parallel_loop3A_1166, %parallel_loop3A_1167, %parallel_loop3A_1158 : i32
        %parallel_loop3A_1169 = arith.constant 32 : i32
        %parallel_loop3A_1170 = arith.addi %parallel_loop3A_1168, %parallel_loop3A_1169 : i32
        %parallel_loop3A_1171 = arith.index_cast %parallel_loop3A_1098 : i32 to index
        %parallel_loop3A_1172 = arith.index_cast %parallel_loop3A_1170 : i32 to index
        %parallel_loop3A_1173 = tpu.vector_load %arg12[%parallel_loop3A_1171, %parallel_loop3A_1172] {strides = array<i32>} : memref<16x1024xf32, #tpu.memory_space<vmem>>, vector<1x16xf32>,
        %parallel_loop3A_1174 = vector.shape_cast %parallel_loop3A_1173 : vector<1x16xf32> to vector<16xf32>
        %parallel_loop3A_1175 = arith.index_cast %parallel_loop3A_1098 : i32 to index
        %parallel_loop3A_1176 = arith.index_cast %parallel_loop3A_1170 : i32 to index
        %parallel_loop3A_1177 = tpu.vector_load %arg9[%parallel_loop3A_1175, %parallel_loop3A_1176] {strides = array<i32>} : memref<16x1024xf32, #tpu.memory_space<vmem>>, vector<1x16xf32>,
        %parallel_loop3A_1178 = vector.shape_cast %parallel_loop3A_1177 : vector<1x16xf32> to vector<16xf32>
        %parallel_loop3A_1179 = vector.shape_cast %parallel_loop3A_1174 : vector<16xf32> to vector<1x16xf32>
        tpu.vector_store %arg9[%parallel_loop3A_1175, %parallel_loop3A_1176], %parallel_loop3A_1179 {add = true, strides = array<i32>} : memref<16x1024xf32, #tpu.memory_space<vmem>>, vector<1x16xf32>,
        %parallel_loop3A_1180 = arith.constant 1024 : i32
        %parallel_loop3A_1181 = arith.constant 0 : i32
        %parallel_loop3A_1182 = arith.cmpi eq, %parallel_loop3A_1180, %parallel_loop3A_1181 : i32
        %parallel_loop3A_1183 = arith.constant 1 : i32
        %parallel_loop3A_1184 = arith.select %parallel_loop3A_1182, %parallel_loop3A_1183, %parallel_loop3A_1180 : i32
        %parallel_loop3A_1185 = arith.remsi %parallel_loop3A_1074, %parallel_loop3A_1184 : i32
        %parallel_loop3A_1186 = arith.constant 0 : i32
        %parallel_loop3A_1187 = arith.cmpi ne, %parallel_loop3A_1185, %parallel_loop3A_1186 : i32
        %parallel_loop3A_1188 = arith.constant 0 : i32
        %parallel_loop3A_1189 = arith.cmpi slt, %parallel_loop3A_1185, %parallel_loop3A_1188 : i32
        %parallel_loop3A_1190 = arith.constant 0 : i32
        %parallel_loop3A_1191 = arith.cmpi slt, %parallel_loop3A_1184, %parallel_loop3A_1190 : i32
        %parallel_loop3A_1192 = arith.xori %parallel_loop3A_1189, %parallel_loop3A_1191 : i1
        %parallel_loop3A_1193 = arith.andi %parallel_loop3A_1192, %parallel_loop3A_1187 : i1
        %parallel_loop3A_1194 = arith.addi %parallel_loop3A_1185, %parallel_loop3A_1184 : i32
        %parallel_loop3A_1195 = arith.select %parallel_loop3A_1193, %parallel_loop3A_1194, %parallel_loop3A_1185 : i32
        %parallel_loop3A_1196 = arith.constant 48 : i32
        %parallel_loop3A_1197 = arith.addi %parallel_loop3A_1195, %parallel_loop3A_1196 : i32
        %parallel_loop3A_1198 = arith.index_cast %parallel_loop3A_1098 : i32 to index
        %parallel_loop3A_1199 = arith.index_cast %parallel_loop3A_1197 : i32 to index
        %parallel_loop3A_1200 = tpu.vector_load %arg12[%parallel_loop3A_1198, %parallel_loop3A_1199] {strides = array<i32>} : memref<16x1024xf32, #tpu.memory_space<vmem>>, vector<1x16xf32>,
        %parallel_loop3A_1201 = vector.shape_cast %parallel_loop3A_1200 : vector<1x16xf32> to vector<16xf32>
        %parallel_loop3A_1202 = arith.index_cast %parallel_loop3A_1098 : i32 to index
        %parallel_loop3A_1203 = arith.index_cast %parallel_loop3A_1197 : i32 to index
        %parallel_loop3A_1204 = tpu.vector_load %arg9[%parallel_loop3A_1202, %parallel_loop3A_1203] {strides = array<i32>} : memref<16x1024xf32, #tpu.memory_space<vmem>>, vector<1x16xf32>,
        %parallel_loop3A_1205 = vector.shape_cast %parallel_loop3A_1204 : vector<1x16xf32> to vector<16xf32>
        %parallel_loop3A_1206 = vector.shape_cast %parallel_loop3A_1201 : vector<16xf32> to vector<1x16xf32>
        tpu.vector_store %arg9[%parallel_loop3A_1202, %parallel_loop3A_1203], %parallel_loop3A_1206 {add = true, strides = array<i32>} : memref<16x1024xf32, #tpu.memory_space<vmem>>, vector<1x16xf32>,
      } {sc.loop_unroll_factor = 4 : i64, sc.parallel_access}
      %jit3A_899 = arith.constant 4 : i32
      %eq3A_900 = arith.constant 0 : i32
      %eq3A_901 = arith.cmpi eq, %jit3A_899, %eq3A_900 : i32
      %jit3A_902 = arith.constant 1 : i32
      %select_n3A_903 = arith.select %eq3A_901, %jit3A_902, %jit3A_899 : i32
      %rem3A_904 = arith.remsi %add3A_834, %select_n3A_903 : i32
      %ne3A_905 = arith.constant 0 : i32
      %ne3A_906 = arith.cmpi ne, %rem3A_904, %ne3A_905 : i32
      %lt3A_907 = arith.constant 0 : i32
      %lt3A_908 = arith.cmpi slt, %rem3A_904, %lt3A_907 : i32
      %lt3A_909 = arith.constant 0 : i32
      %lt3A_910 = arith.cmpi slt, %select_n3A_903, %lt3A_909 : i32
      %ne3A_911 = arith.xori %lt3A_908, %lt3A_910 : i1
      %and3A_912 = arith.andi %ne3A_911, %ne3A_906 : i1
      %add3A_913 = arith.addi %rem3A_904, %select_n3A_903 : i32
      %select_n3A_914 = arith.select %and3A_912, %add3A_913, %rem3A_904 : i32
      %mul3A_915 = arith.constant 4096 : i32
      %mul3A_916 = arith.muli %select_n3A_914, %mul3A_915 : i32
      %add3A_917 = arith.addi %mul3A_916, %mul3A_2 : i32
      %jit3A_918 = arith.constant 4 : i32
      %div3A_919 = arith.divsi %add3A_834, %jit3A_918 : i32
      %sign3A_920 = arith.constant 0 : i32
      %sign3A_921 = arith.cmpi sgt, %add3A_834, %sign3A_920 : i32
      %sign3A_922 = arith.extui %sign3A_921 : i1 to i32
      %sign3A_923 = arith.constant 0 : i32
      %sign3A_924 = arith.cmpi slt, %add3A_834, %sign3A_923 : i32
      %sign3A_925 = arith.extui %sign3A_924 : i1 to i32
      %sign3A_926 = arith.subi %sign3A_922, %sign3A_925 : i32
      %sign3A_927 = arith.constant 0 : i32
      %sign3A_928 = arith.cmpi sgt, %jit3A_918, %sign3A_927 : i32
      %sign3A_929 = arith.extui %sign3A_928 : i1 to i32
      %sign3A_930 = arith.constant 0 : i32
      %sign3A_931 = arith.cmpi slt, %jit3A_918, %sign3A_930 : i32
      %sign3A_932 = arith.extui %sign3A_931 : i1 to i32
      %sign3A_933 = arith.subi %sign3A_929, %sign3A_932 : i32
      %ne3A_934 = arith.cmpi ne, %sign3A_926, %sign3A_933 : i32
      %rem3A_935 = arith.remsi %add3A_834, %jit3A_918 : i32
      %ne3A_936 = arith.constant 0 : i32
      %ne3A_937 = arith.cmpi ne, %rem3A_935, %ne3A_936 : i32
      %and3A_938 = arith.andi %ne3A_934, %ne3A_937 : i1
      %sub3A_939 = arith.constant 1 : i32
      %sub3A_940 = arith.subi %div3A_919, %sub3A_939 : i32
      %select_n3A_941 = arith.select %and3A_938, %sub3A_940, %div3A_919 : i32
      %mul3A_942 = arith.constant 16 : i32
      %mul3A_943 = arith.muli %select_n3A_941, %mul3A_942 : i32
      %add3A_944 = arith.addi %add3A_917, %mul3A_943 : i32
      %dma_start3A_945 = arith.constant 0 : i32
      %dma_start3A_946 = tpu.memref_slice %arg5[%add3A_944, %dma_start3A_945] : memref<16384x1024xf32, #tpu.memory_space<hbm>> -> memref<16x1024xf32, #tpu.memory_space<hbm>>
      %dma_start3A_947 = arith.constant 0 : i32
      %dma_start3A_948 = tpu.memref_slice %arg5[%add3A_944, %dma_start3A_947] : memref<16384x1024xf32, #tpu.memory_space<hbm>> -> memref<16x1024xf32, #tpu.memory_space<hbm>>
      tpu.enqueue_dma source(%arg9 : memref<16x1024xf32, #tpu.memory_space<vmem>>) target(%dma_start3A_948 : memref<16x1024xf32, #tpu.memory_space<hbm>>) target_semaphore(%arg19 : memref<!tpu.dma_semaphore, #tpu.memory_space<semaphore_mem>>)
      %mul3A_949 = arith.constant 4 : i32
      %mul3A_950 = arith.muli %add3A_587, %mul3A_949 : i32
      %add3A_951 = arith.constant 3 : i32
      %add3A_952 = arith.addi %mul3A_950, %add3A_951 : i32
      %jit3A_953 = arith.constant 4 : i32
      %eq3A_954 = arith.constant 0 : i32
      %eq3A_955 = arith.cmpi eq, %jit3A_953, %eq3A_954 : i32
      %jit3A_956 = arith.constant 1 : i32
      %select_n3A_957 = arith.select %eq3A_955, %jit3A_956, %jit3A_953 : i32
      %rem3A_958 = arith.remsi %add3A_952, %select_n3A_957 : i32
      %ne3A_959 = arith.constant 0 : i32
      %ne3A_960 = arith.cmpi ne, %rem3A_958, %ne3A_959 : i32
      %lt3A_961 = arith.constant 0 : i32
      %lt3A_962 = arith.cmpi slt, %rem3A_958, %lt3A_961 : i32
      %lt3A_963 = arith.constant 0 : i32
      %lt3A_964 = arith.cmpi slt, %select_n3A_957, %lt3A_963 : i32
      %ne3A_965 = arith.xori %lt3A_962, %lt3A_964 : i1
      %and3A_966 = arith.andi %ne3A_965, %ne3A_960 : i1
      %add3A_967 = arith.addi %rem3A_958, %select_n3A_957 : i32
      %select_n3A_968 = arith.select %and3A_966, %add3A_967, %rem3A_958 : i32
      %mul3A_969 = arith.constant 128 : i32
      %mul3A_970 = arith.muli %select_n3A_968, %mul3A_969 : i32
      %jit3A_971 = arith.constant 4 : i32
      %div3A_972 = arith.divsi %add3A_952, %jit3A_971 : i32
      %sign3A_973 = arith.constant 0 : i32
      %sign3A_974 = arith.cmpi sgt, %add3A_952, %sign3A_973 : i32
      %sign3A_975 = arith.extui %sign3A_974 : i1 to i32
      %sign3A_976 = arith.constant 0 : i32
      %sign3A_977 = arith.cmpi slt, %add3A_952, %sign3A_976 : i32
      %sign3A_978 = arith.extui %sign3A_977 : i1 to i32
      %sign3A_979 = arith.subi %sign3A_975, %sign3A_978 : i32
      %sign3A_980 = arith.constant 0 : i32
      %sign3A_981 = arith.cmpi sgt, %jit3A_971, %sign3A_980 : i32
      %sign3A_982 = arith.extui %sign3A_981 : i1 to i32
      %sign3A_983 = arith.constant 0 : i32
      %sign3A_984 = arith.cmpi slt, %jit3A_971, %sign3A_983 : i32
      %sign3A_985 = arith.extui %sign3A_984 : i1 to i32
      %sign3A_986 = arith.subi %sign3A_982, %sign3A_985 : i32
      %ne3A_987 = arith.cmpi ne, %sign3A_979, %sign3A_986 : i32
      %rem3A_988 = arith.remsi %add3A_952, %jit3A_971 : i32
      %ne3A_989 = arith.constant 0 : i32
      %ne3A_990 = arith.cmpi ne, %rem3A_988, %ne3A_989 : i32
      %and3A_991 = arith.andi %ne3A_987, %ne3A_990 : i1
      %sub3A_992 = arith.constant 1 : i32
      %sub3A_993 = arith.subi %div3A_972, %sub3A_992 : i32
      %select_n3A_994 = arith.select %and3A_991, %sub3A_993, %div3A_972 : i32
      %mul3A_995 = arith.constant 16 : i32
      %mul3A_996 = arith.muli %select_n3A_994, %mul3A_995 : i32
      %add3A_997 = arith.addi %mul3A_970, %mul3A_996 : i32
      %dma_wait3A_998 = tpu.memref_slice %arg6[%add3A_997] : memref<512xi32, #tpu.memory_space<vmem>> -> memref<16xi32, #tpu.memory_space<vmem>>
      %dma_wait3A_999 = arith.constant 0 : i32
      %dma_wait3A_1000 = arith.constant 0 : i32
      %dma_wait3A_1001 = tpu.memref_slice %arg2[%dma_wait3A_999, %dma_wait3A_1000] : memref<100000x1024xf32, #tpu.memory_space<hbm>> -> memref<100000x1024xf32, #tpu.memory_space<hbm>>
      tpu.wait_indirect_dma semaphore(%arg16 : memref<!tpu.dma_semaphore, #tpu.memory_space<semaphore_mem>>) src(%dma_wait3A_1001 : memref<100000x1024xf32, #tpu.memory_space<hbm>>) dst(%arg10 : memref<16x1024xf32, #tpu.memory_space<vmem>>)
      %ge3A_1002 = arith.constant 2 : i32
      %ge3A_1003 = arith.cmpi sge, %add3A_952, %ge3A_1002 : i32
      %convert_element_type3A_1004 = arith.extui %ge3A_1003 : i1 to i32
      %cond3A_1005 = arith.constant 0 : i32
      %cond3A_1006 = arith.cmpi ne, %convert_element_type3A_1004, %cond3A_1005 : i32
      scf.if %cond3A_1006 {
        %sub3A_1074 = arith.constant 2 : i32
        %sub3A_1075 = arith.subi %add3A_952, %sub3A_1074 : i32
        %jit3A_1076 = arith.constant 4 : i32
        %eq3A_1077 = arith.constant 0 : i32
        %eq3A_1078 = arith.cmpi eq, %jit3A_1076, %eq3A_1077 : i32
        %jit3A_1079 = arith.constant 1 : i32
        %select_n3A_1080 = arith.select %eq3A_1078, %jit3A_1079, %jit3A_1076 : i32
        %rem3A_1081 = arith.remsi %sub3A_1075, %select_n3A_1080 : i32
        %ne3A_1082 = arith.constant 0 : i32
        %ne3A_1083 = arith.cmpi ne, %rem3A_1081, %ne3A_1082 : i32
        %lt3A_1084 = arith.constant 0 : i32
        %lt3A_1085 = arith.cmpi slt, %rem3A_1081, %lt3A_1084 : i32
        %lt3A_1086 = arith.constant 0 : i32
        %lt3A_1087 = arith.cmpi slt, %select_n3A_1080, %lt3A_1086 : i32
        %ne3A_1088 = arith.xori %lt3A_1085, %lt3A_1087 : i1
        %and3A_1089 = arith.andi %ne3A_1088, %ne3A_1083 : i1
        %add3A_1090 = arith.addi %rem3A_1081, %select_n3A_1080 : i32
        %select_n3A_1091 = arith.select %and3A_1089, %add3A_1090, %rem3A_1081 : i32
        %mul3A_1092 = arith.constant 4096 : i32
        %mul3A_1093 = arith.muli %select_n3A_1091, %mul3A_1092 : i32
        %add3A_1094 = arith.addi %mul3A_1093, %mul3A_2 : i32
        %jit3A_1095 = arith.constant 4 : i32
        %div3A_1096 = arith.divsi %sub3A_1075, %jit3A_1095 : i32
        %sign3A_1097 = arith.constant 0 : i32
        %sign3A_1098 = arith.cmpi sgt, %sub3A_1075, %sign3A_1097 : i32
        %sign3A_1099 = arith.extui %sign3A_1098 : i1 to i32
        %sign3A_1100 = arith.constant 0 : i32
        %sign3A_1101 = arith.cmpi slt, %sub3A_1075, %sign3A_1100 : i32
        %sign3A_1102 = arith.extui %sign3A_1101 : i1 to i32
        %sign3A_1103 = arith.subi %sign3A_1099, %sign3A_1102 : i32
        %sign3A_1104 = arith.constant 0 : i32
        %sign3A_1105 = arith.cmpi sgt, %jit3A_1095, %sign3A_1104 : i32
        %sign3A_1106 = arith.extui %sign3A_1105 : i1 to i32
        %sign3A_1107 = arith.constant 0 : i32
        %sign3A_1108 = arith.cmpi slt, %jit3A_1095, %sign3A_1107 : i32
        %sign3A_1109 = arith.extui %sign3A_1108 : i1 to i32
        %sign3A_1110 = arith.subi %sign3A_1106, %sign3A_1109 : i32
        %ne3A_1111 = arith.cmpi ne, %sign3A_1103, %sign3A_1110 : i32
        %rem3A_1112 = arith.remsi %sub3A_1075, %jit3A_1095 : i32
        %ne3A_1113 = arith.constant 0 : i32
        %ne3A_1114 = arith.cmpi ne, %rem3A_1112, %ne3A_1113 : i32
        %and3A_1115 = arith.andi %ne3A_1111, %ne3A_1114 : i1
        %sub3A_1116 = arith.constant 1 : i32
        %sub3A_1117 = arith.subi %div3A_1096, %sub3A_1116 : i32
        %select_n3A_1118 = arith.select %and3A_1115, %sub3A_1117, %div3A_1096 : i32
        %mul3A_1119 = arith.constant 16 : i32
        %mul3A_1120 = arith.muli %select_n3A_1118, %mul3A_1119 : i32
        %add3A_1121 = arith.addi %add3A_1094, %mul3A_1120 : i32
        %dma_wait3A_1122 = arith.constant 0 : i32
        %dma_wait3A_1123 = tpu.memref_slice %arg5[%add3A_1121, %dma_wait3A_1122] : memref<16384x1024xf32, #tpu.memory_space<hbm>> -> memref<16x1024xf32, #tpu.memory_space<hbm>>
        %dma_wait3A_1124 = arith.constant 0 : i32
        %dma_wait3A_1125 = tpu.memref_slice %arg5[%add3A_1121, %dma_wait3A_1124] : memref<16384x1024xf32, #tpu.memory_space<hbm>> -> memref<16x1024xf32, #tpu.memory_space<hbm>>
        tpu.wait_dma2 semaphore(%arg18 : memref<!tpu.dma_semaphore, #tpu.memory_space<semaphore_mem>>) src(%arg8 : memref<16x1024xf32, #tpu.memory_space<vmem>>) dst(%dma_wait3A_1125 : memref<16x1024xf32, #tpu.memory_space<hbm>>)
      } else {
      }
      %add3A_1007 = arith.constant 2 : i32
      %add3A_1008 = arith.addi %add3A_952, %add3A_1007 : i32
      %lt3A_1009 = arith.constant 32 : i32
      %lt3A_1010 = arith.cmpi slt, %add3A_1008, %lt3A_1009 : i32
      %convert_element_type3A_1011 = arith.extui %lt3A_1010 : i1 to i32
      %cond3A_1012 = arith.constant 0 : i32
      %cond3A_1013 = arith.cmpi ne, %convert_element_type3A_1011, %cond3A_1012 : i32
      scf.if %cond3A_1013 {
        %add3A_1074 = arith.constant 2 : i32
        %add3A_1075 = arith.addi %add3A_952, %add3A_1074 : i32
        %jit3A_1076 = arith.constant 4 : i32
        %eq3A_1077 = arith.constant 0 : i32
        %eq3A_1078 = arith.cmpi eq, %jit3A_1076, %eq3A_1077 : i32
        %jit3A_1079 = arith.constant 1 : i32
        %select_n3A_1080 = arith.select %eq3A_1078, %jit3A_1079, %jit3A_1076 : i32
        %rem3A_1081 = arith.remsi %add3A_1075, %select_n3A_1080 : i32
        %ne3A_1082 = arith.constant 0 : i32
        %ne3A_1083 = arith.cmpi ne, %rem3A_1081, %ne3A_1082 : i32
        %lt3A_1084 = arith.constant 0 : i32
        %lt3A_1085 = arith.cmpi slt, %rem3A_1081, %lt3A_1084 : i32
        %lt3A_1086 = arith.constant 0 : i32
        %lt3A_1087 = arith.cmpi slt, %select_n3A_1080, %lt3A_1086 : i32
        %ne3A_1088 = arith.xori %lt3A_1085, %lt3A_1087 : i1
        %and3A_1089 = arith.andi %ne3A_1088, %ne3A_1083 : i1
        %add3A_1090 = arith.addi %rem3A_1081, %select_n3A_1080 : i32
        %select_n3A_1091 = arith.select %and3A_1089, %add3A_1090, %rem3A_1081 : i32
        %mul3A_1092 = arith.constant 128 : i32
        %mul3A_1093 = arith.muli %select_n3A_1091, %mul3A_1092 : i32
        %jit3A_1094 = arith.constant 4 : i32
        %div3A_1095 = arith.divsi %add3A_1075, %jit3A_1094 : i32
        %sign3A_1096 = arith.constant 0 : i32
        %sign3A_1097 = arith.cmpi sgt, %add3A_1075, %sign3A_1096 : i32
        %sign3A_1098 = arith.extui %sign3A_1097 : i1 to i32
        %sign3A_1099 = arith.constant 0 : i32
        %sign3A_1100 = arith.cmpi slt, %add3A_1075, %sign3A_1099 : i32
        %sign3A_1101 = arith.extui %sign3A_1100 : i1 to i32
        %sign3A_1102 = arith.subi %sign3A_1098, %sign3A_1101 : i32
        %sign3A_1103 = arith.constant 0 : i32
        %sign3A_1104 = arith.cmpi sgt, %jit3A_1094, %sign3A_1103 : i32
        %sign3A_1105 = arith.extui %sign3A_1104 : i1 to i32
        %sign3A_1106 = arith.constant 0 : i32
        %sign3A_1107 = arith.cmpi slt, %jit3A_1094, %sign3A_1106 : i32
        %sign3A_1108 = arith.extui %sign3A_1107 : i1 to i32
        %sign3A_1109 = arith.subi %sign3A_1105, %sign3A_1108 : i32
        %ne3A_1110 = arith.cmpi ne, %sign3A_1102, %sign3A_1109 : i32
        %rem3A_1111 = arith.remsi %add3A_1075, %jit3A_1094 : i32
        %ne3A_1112 = arith.constant 0 : i32
        %ne3A_1113 = arith.cmpi ne, %rem3A_1111, %ne3A_1112 : i32
        %and3A_1114 = arith.andi %ne3A_1110, %ne3A_1113 : i1
        %sub3A_1115 = arith.constant 1 : i32
        %sub3A_1116 = arith.subi %div3A_1095, %sub3A_1115 : i32
        %select_n3A_1117 = arith.select %and3A_1114, %sub3A_1116, %div3A_1095 : i32
        %mul3A_1118 = arith.constant 16 : i32
        %mul3A_1119 = arith.muli %select_n3A_1117, %mul3A_1118 : i32
        %add3A_1120 = arith.addi %mul3A_1093, %mul3A_1119 : i32
        %dma_start3A_1121 = tpu.memref_slice %arg6[%add3A_1120] : memref<512xi32, #tpu.memory_space<vmem>> -> memref<16xi32, #tpu.memory_space<vmem>>
        %dma_start3A_1122 = arith.constant 0 : i32
        %dma_start3A_1123 = arith.constant 0 : i32
        %dma_start3A_1124 = tpu.memref_slice %arg2[%dma_start3A_1122, %dma_start3A_1123] : memref<100000x1024xf32, #tpu.memory_space<hbm>> -> memref<100000x1024xf32, #tpu.memory_space<hbm>>
        tpu.enqueue_indirect_dma source(%dma_start3A_1124 : memref<100000x1024xf32, #tpu.memory_space<hbm>>) target(%arg8 : memref<16x1024xf32, #tpu.memory_space<vmem>>) offsets(%dma_start3A_1121 : memref<16xi32, #tpu.memory_space<vmem>>) semaphore(%arg14 : memref<!tpu.dma_semaphore, #tpu.memory_space<semaphore_mem>>)
      } else {
      }
      %parallel_loop3A_1014 = arith.constant 0 : i32
      %parallel_loop3A_1015 = arith.constant 16384 : i32
      %parallel_loop3A_1016 = arith.constant 64 : i32
      scf.for %parallel_loop3A_1074 = %parallel_loop3A_1014 to %parallel_loop3A_1015 step %parallel_loop3A_1016  : i32 {
        %parallel_loop3A_1075 = arith.constant 1024 : i32
        %parallel_loop3A_1076 = arith.divsi %parallel_loop3A_1074, %parallel_loop3A_1075 : i32
        %parallel_loop3A_1077 = arith.constant 0 : i32
        %parallel_loop3A_1078 = arith.cmpi sgt, %parallel_loop3A_1074, %parallel_loop3A_1077 : i32
        %parallel_loop3A_1079 = arith.extui %parallel_loop3A_1078 : i1 to i32
        %parallel_loop3A_1080 = arith.constant 0 : i32
        %parallel_loop3A_1081 = arith.cmpi slt, %parallel_loop3A_1074, %parallel_loop3A_1080 : i32
        %parallel_loop3A_1082 = arith.extui %parallel_loop3A_1081 : i1 to i32
        %parallel_loop3A_1083 = arith.subi %parallel_loop3A_1079, %parallel_loop3A_1082 : i32
        %parallel_loop3A_1084 = arith.constant 0 : i32
        %parallel_loop3A_1085 = arith.cmpi sgt, %parallel_loop3A_1075, %parallel_loop3A_1084 : i32
        %parallel_loop3A_1086 = arith.extui %parallel_loop3A_1085 : i1 to i32
        %parallel_loop3A_1087 = arith.constant 0 : i32
        %parallel_loop3A_1088 = arith.cmpi slt, %parallel_loop3A_1075, %parallel_loop3A_1087 : i32
        %parallel_loop3A_1089 = arith.extui %parallel_loop3A_1088 : i1 to i32
        %parallel_loop3A_1090 = arith.subi %parallel_loop3A_1086, %parallel_loop3A_1089 : i32
        %parallel_loop3A_1091 = arith.cmpi ne, %parallel_loop3A_1083, %parallel_loop3A_1090 : i32
        %parallel_loop3A_1092 = arith.remsi %parallel_loop3A_1074, %parallel_loop3A_1075 : i32
        %parallel_loop3A_1093 = arith.constant 0 : i32
        %parallel_loop3A_1094 = arith.cmpi ne, %parallel_loop3A_1092, %parallel_loop3A_1093 : i32
        %parallel_loop3A_1095 = arith.andi %parallel_loop3A_1091, %parallel_loop3A_1094 : i1
        %parallel_loop3A_1096 = arith.constant 1 : i32
        %parallel_loop3A_1097 = arith.subi %parallel_loop3A_1076, %parallel_loop3A_1096 : i32
        %parallel_loop3A_1098 = arith.select %parallel_loop3A_1095, %parallel_loop3A_1097, %parallel_loop3A_1076 : i32
        %parallel_loop3A_1099 = arith.constant 1024 : i32
        %parallel_loop3A_1100 = arith.constant 0 : i32
        %parallel_loop3A_1101 = arith.cmpi eq, %parallel_loop3A_1099, %parallel_loop3A_1100 : i32
        %parallel_loop3A_1102 = arith.constant 1 : i32
        %parallel_loop3A_1103 = arith.select %parallel_loop3A_1101, %parallel_loop3A_1102, %parallel_loop3A_1099 : i32
        %parallel_loop3A_1104 = arith.remsi %parallel_loop3A_1074, %parallel_loop3A_1103 : i32
        %parallel_loop3A_1105 = arith.constant 0 : i32
        %parallel_loop3A_1106 = arith.cmpi ne, %parallel_loop3A_1104, %parallel_loop3A_1105 : i32
        %parallel_loop3A_1107 = arith.constant 0 : i32
        %parallel_loop3A_1108 = arith.cmpi slt, %parallel_loop3A_1104, %parallel_loop3A_1107 : i32
        %parallel_loop3A_1109 = arith.constant 0 : i32
        %parallel_loop3A_1110 = arith.cmpi slt, %parallel_loop3A_1103, %parallel_loop3A_1109 : i32
        %parallel_loop3A_1111 = arith.xori %parallel_loop3A_1108, %parallel_loop3A_1110 : i1
        %parallel_loop3A_1112 = arith.andi %parallel_loop3A_1111, %parallel_loop3A_1106 : i1
        %parallel_loop3A_1113 = arith.addi %parallel_loop3A_1104, %parallel_loop3A_1103 : i32
        %parallel_loop3A_1114 = arith.select %parallel_loop3A_1112, %parallel_loop3A_1113, %parallel_loop3A_1104 : i32
        %parallel_loop3A_1115 = arith.constant 0 : i32
        %parallel_loop3A_1116 = arith.addi %parallel_loop3A_1114, %parallel_loop3A_1115 : i32
        %parallel_loop3A_1117 = arith.index_cast %parallel_loop3A_1098 : i32 to index
        %parallel_loop3A_1118 = arith.index_cast %parallel_loop3A_1116 : i32 to index
        %parallel_loop3A_1119 = tpu.vector_load %arg12[%parallel_loop3A_1117, %parallel_loop3A_1118] {strides = array<i32>} : memref<16x1024xf32, #tpu.memory_space<vmem>>, vector<1x16xf32>,
        %parallel_loop3A_1120 = vector.shape_cast %parallel_loop3A_1119 : vector<1x16xf32> to vector<16xf32>
        %parallel_loop3A_1121 = arith.index_cast %parallel_loop3A_1098 : i32 to index
        %parallel_loop3A_1122 = arith.index_cast %parallel_loop3A_1116 : i32 to index
        %parallel_loop3A_1123 = tpu.vector_load %arg10[%parallel_loop3A_1121, %parallel_loop3A_1122] {strides = array<i32>} : memref<16x1024xf32, #tpu.memory_space<vmem>>, vector<1x16xf32>,
        %parallel_loop3A_1124 = vector.shape_cast %parallel_loop3A_1123 : vector<1x16xf32> to vector<16xf32>
        %parallel_loop3A_1125 = vector.shape_cast %parallel_loop3A_1120 : vector<16xf32> to vector<1x16xf32>
        tpu.vector_store %arg10[%parallel_loop3A_1121, %parallel_loop3A_1122], %parallel_loop3A_1125 {add = true, strides = array<i32>} : memref<16x1024xf32, #tpu.memory_space<vmem>>, vector<1x16xf32>,
        %parallel_loop3A_1126 = arith.constant 1024 : i32
        %parallel_loop3A_1127 = arith.constant 0 : i32
        %parallel_loop3A_1128 = arith.cmpi eq, %parallel_loop3A_1126, %parallel_loop3A_1127 : i32
        %parallel_loop3A_1129 = arith.constant 1 : i32
        %parallel_loop3A_1130 = arith.select %parallel_loop3A_1128, %parallel_loop3A_1129, %parallel_loop3A_1126 : i32
        %parallel_loop3A_1131 = arith.remsi %parallel_loop3A_1074, %parallel_loop3A_1130 : i32
        %parallel_loop3A_1132 = arith.constant 0 : i32
        %parallel_loop3A_1133 = arith.cmpi ne, %parallel_loop3A_1131, %parallel_loop3A_1132 : i32
        %parallel_loop3A_1134 = arith.constant 0 : i32
        %parallel_loop3A_1135 = arith.cmpi slt, %parallel_loop3A_1131, %parallel_loop3A_1134 : i32
        %parallel_loop3A_1136 = arith.constant 0 : i32
        %parallel_loop3A_1137 = arith.cmpi slt, %parallel_loop3A_1130, %parallel_loop3A_1136 : i32
        %parallel_loop3A_1138 = arith.xori %parallel_loop3A_1135, %parallel_loop3A_1137 : i1
        %parallel_loop3A_1139 = arith.andi %parallel_loop3A_1138, %parallel_loop3A_1133 : i1
        %parallel_loop3A_1140 = arith.addi %parallel_loop3A_1131, %parallel_loop3A_1130 : i32
        %parallel_loop3A_1141 = arith.select %parallel_loop3A_1139, %parallel_loop3A_1140, %parallel_loop3A_1131 : i32
        %parallel_loop3A_1142 = arith.constant 16 : i32
        %parallel_loop3A_1143 = arith.addi %parallel_loop3A_1141, %parallel_loop3A_1142 : i32
        %parallel_loop3A_1144 = arith.index_cast %parallel_loop3A_1098 : i32 to index
        %parallel_loop3A_1145 = arith.index_cast %parallel_loop3A_1143 : i32 to index
        %parallel_loop3A_1146 = tpu.vector_load %arg12[%parallel_loop3A_1144, %parallel_loop3A_1145] {strides = array<i32>} : memref<16x1024xf32, #tpu.memory_space<vmem>>, vector<1x16xf32>,
        %parallel_loop3A_1147 = vector.shape_cast %parallel_loop3A_1146 : vector<1x16xf32> to vector<16xf32>
        %parallel_loop3A_1148 = arith.index_cast %parallel_loop3A_1098 : i32 to index
        %parallel_loop3A_1149 = arith.index_cast %parallel_loop3A_1143 : i32 to index
        %parallel_loop3A_1150 = tpu.vector_load %arg10[%parallel_loop3A_1148, %parallel_loop3A_1149] {strides = array<i32>} : memref<16x1024xf32, #tpu.memory_space<vmem>>, vector<1x16xf32>,
        %parallel_loop3A_1151 = vector.shape_cast %parallel_loop3A_1150 : vector<1x16xf32> to vector<16xf32>
        %parallel_loop3A_1152 = vector.shape_cast %parallel_loop3A_1147 : vector<16xf32> to vector<1x16xf32>
        tpu.vector_store %arg10[%parallel_loop3A_1148, %parallel_loop3A_1149], %parallel_loop3A_1152 {add = true, strides = array<i32>} : memref<16x1024xf32, #tpu.memory_space<vmem>>, vector<1x16xf32>,
        %parallel_loop3A_1153 = arith.constant 1024 : i32
        %parallel_loop3A_1154 = arith.constant 0 : i32
        %parallel_loop3A_1155 = arith.cmpi eq, %parallel_loop3A_1153, %parallel_loop3A_1154 : i32
        %parallel_loop3A_1156 = arith.constant 1 : i32
        %parallel_loop3A_1157 = arith.select %parallel_loop3A_1155, %parallel_loop3A_1156, %parallel_loop3A_1153 : i32
        %parallel_loop3A_1158 = arith.remsi %parallel_loop3A_1074, %parallel_loop3A_1157 : i32
        %parallel_loop3A_1159 = arith.constant 0 : i32
        %parallel_loop3A_1160 = arith.cmpi ne, %parallel_loop3A_1158, %parallel_loop3A_1159 : i32
        %parallel_loop3A_1161 = arith.constant 0 : i32
        %parallel_loop3A_1162 = arith.cmpi slt, %parallel_loop3A_1158, %parallel_loop3A_1161 : i32
        %parallel_loop3A_1163 = arith.constant 0 : i32
        %parallel_loop3A_1164 = arith.cmpi slt, %parallel_loop3A_1157, %parallel_loop3A_1163 : i32
        %parallel_loop3A_1165 = arith.xori %parallel_loop3A_1162, %parallel_loop3A_1164 : i1
        %parallel_loop3A_1166 = arith.andi %parallel_loop3A_1165, %parallel_loop3A_1160 : i1
        %parallel_loop3A_1167 = arith.addi %parallel_loop3A_1158, %parallel_loop3A_1157 : i32
        %parallel_loop3A_1168 = arith.select %parallel_loop3A_1166, %parallel_loop3A_1167, %parallel_loop3A_1158 : i32
        %parallel_loop3A_1169 = arith.constant 32 : i32
        %parallel_loop3A_1170 = arith.addi %parallel_loop3A_1168, %parallel_loop3A_1169 : i32
        %parallel_loop3A_1171 = arith.index_cast %parallel_loop3A_1098 : i32 to index
        %parallel_loop3A_1172 = arith.index_cast %parallel_loop3A_1170 : i32 to index
        %parallel_loop3A_1173 = tpu.vector_load %arg12[%parallel_loop3A_1171, %parallel_loop3A_1172] {strides = array<i32>} : memref<16x1024xf32, #tpu.memory_space<vmem>>, vector<1x16xf32>,
        %parallel_loop3A_1174 = vector.shape_cast %parallel_loop3A_1173 : vector<1x16xf32> to vector<16xf32>
        %parallel_loop3A_1175 = arith.index_cast %parallel_loop3A_1098 : i32 to index
        %parallel_loop3A_1176 = arith.index_cast %parallel_loop3A_1170 : i32 to index
        %parallel_loop3A_1177 = tpu.vector_load %arg10[%parallel_loop3A_1175, %parallel_loop3A_1176] {strides = array<i32>} : memref<16x1024xf32, #tpu.memory_space<vmem>>, vector<1x16xf32>,
        %parallel_loop3A_1178 = vector.shape_cast %parallel_loop3A_1177 : vector<1x16xf32> to vector<16xf32>
        %parallel_loop3A_1179 = vector.shape_cast %parallel_loop3A_1174 : vector<16xf32> to vector<1x16xf32>
        tpu.vector_store %arg10[%parallel_loop3A_1175, %parallel_loop3A_1176], %parallel_loop3A_1179 {add = true, strides = array<i32>} : memref<16x1024xf32, #tpu.memory_space<vmem>>, vector<1x16xf32>,
        %parallel_loop3A_1180 = arith.constant 1024 : i32
        %parallel_loop3A_1181 = arith.constant 0 : i32
        %parallel_loop3A_1182 = arith.cmpi eq, %parallel_loop3A_1180, %parallel_loop3A_1181 : i32
        %parallel_loop3A_1183 = arith.constant 1 : i32
        %parallel_loop3A_1184 = arith.select %parallel_loop3A_1182, %parallel_loop3A_1183, %parallel_loop3A_1180 : i32
        %parallel_loop3A_1185 = arith.remsi %parallel_loop3A_1074, %parallel_loop3A_1184 : i32
        %parallel_loop3A_1186 = arith.constant 0 : i32
        %parallel_loop3A_1187 = arith.cmpi ne, %parallel_loop3A_1185, %parallel_loop3A_1186 : i32
        %parallel_loop3A_1188 = arith.constant 0 : i32
        %parallel_loop3A_1189 = arith.cmpi slt, %parallel_loop3A_1185, %parallel_loop3A_1188 : i32
        %parallel_loop3A_1190 = arith.constant 0 : i32
        %parallel_loop3A_1191 = arith.cmpi slt, %parallel_loop3A_1184, %parallel_loop3A_1190 : i32
        %parallel_loop3A_1192 = arith.xori %parallel_loop3A_1189, %parallel_loop3A_1191 : i1
        %parallel_loop3A_1193 = arith.andi %parallel_loop3A_1192, %parallel_loop3A_1187 : i1
        %parallel_loop3A_1194 = arith.addi %parallel_loop3A_1185, %parallel_loop3A_1184 : i32
        %parallel_loop3A_1195 = arith.select %parallel_loop3A_1193, %parallel_loop3A_1194, %parallel_loop3A_1185 : i32
        %parallel_loop3A_1196 = arith.constant 48 : i32
        %parallel_loop3A_1197 = arith.addi %parallel_loop3A_1195, %parallel_loop3A_1196 : i32
        %parallel_loop3A_1198 = arith.index_cast %parallel_loop3A_1098 : i32 to index
        %parallel_loop3A_1199 = arith.index_cast %parallel_loop3A_1197 : i32 to index
        %parallel_loop3A_1200 = tpu.vector_load %arg12[%parallel_loop3A_1198, %parallel_loop3A_1199] {strides = array<i32>} : memref<16x1024xf32, #tpu.memory_space<vmem>>, vector<1x16xf32>,
        %parallel_loop3A_1201 = vector.shape_cast %parallel_loop3A_1200 : vector<1x16xf32> to vector<16xf32>
        %parallel_loop3A_1202 = arith.index_cast %parallel_loop3A_1098 : i32 to index
        %parallel_loop3A_1203 = arith.index_cast %parallel_loop3A_1197 : i32 to index
        %parallel_loop3A_1204 = tpu.vector_load %arg10[%parallel_loop3A_1202, %parallel_loop3A_1203] {strides = array<i32>} : memref<16x1024xf32, #tpu.memory_space<vmem>>, vector<1x16xf32>,
        %parallel_loop3A_1205 = vector.shape_cast %parallel_loop3A_1204 : vector<1x16xf32> to vector<16xf32>
        %parallel_loop3A_1206 = vector.shape_cast %parallel_loop3A_1201 : vector<16xf32> to vector<1x16xf32>
        tpu.vector_store %arg10[%parallel_loop3A_1202, %parallel_loop3A_1203], %parallel_loop3A_1206 {add = true, strides = array<i32>} : memref<16x1024xf32, #tpu.memory_space<vmem>>, vector<1x16xf32>,
      } {sc.loop_unroll_factor = 4 : i64, sc.parallel_access}
      %jit3A_1017 = arith.constant 4 : i32
      %eq3A_1018 = arith.constant 0 : i32
      %eq3A_1019 = arith.cmpi eq, %jit3A_1017, %eq3A_1018 : i32
      %jit3A_1020 = arith.constant 1 : i32
      %select_n3A_1021 = arith.select %eq3A_1019, %jit3A_1020, %jit3A_1017 : i32
      %rem3A_1022 = arith.remsi %add3A_952, %select_n3A_1021 : i32
      %ne3A_1023 = arith.constant 0 : i32
      %ne3A_1024 = arith.cmpi ne, %rem3A_1022, %ne3A_1023 : i32
      %lt3A_1025 = arith.constant 0 : i32
      %lt3A_1026 = arith.cmpi slt, %rem3A_1022, %lt3A_1025 : i32
      %lt3A_1027 = arith.constant 0 : i32
      %lt3A_1028 = arith.cmpi slt, %select_n3A_1021, %lt3A_1027 : i32
      %ne3A_1029 = arith.xori %lt3A_1026, %lt3A_1028 : i1
      %and3A_1030 = arith.andi %ne3A_1029, %ne3A_1024 : i1
      %add3A_1031 = arith.addi %rem3A_1022, %select_n3A_1021 : i32
      %select_n3A_1032 = arith.select %and3A_1030, %add3A_1031, %rem3A_1022 : i32
      %mul3A_1033 = arith.constant 4096 : i32
      %mul3A_1034 = arith.muli %select_n3A_1032, %mul3A_1033 : i32
      %add3A_1035 = arith.addi %mul3A_1034, %mul3A_2 : i32
      %jit3A_1036 = arith.constant 4 : i32
      %div3A_1037 = arith.divsi %add3A_952, %jit3A_1036 : i32
      %sign3A_1038 = arith.constant 0 : i32
      %sign3A_1039 = arith.cmpi sgt, %add3A_952, %sign3A_1038 : i32
      %sign3A_1040 = arith.extui %sign3A_1039 : i1 to i32
      %sign3A_1041 = arith.constant 0 : i32
      %sign3A_1042 = arith.cmpi slt, %add3A_952, %sign3A_1041 : i32
      %sign3A_1043 = arith.extui %sign3A_1042 : i1 to i32
      %sign3A_1044 = arith.subi %sign3A_1040, %sign3A_1043 : i32
      %sign3A_1045 = arith.constant 0 : i32
      %sign3A_1046 = arith.cmpi sgt, %jit3A_1036, %sign3A_1045 : i32
      %sign3A_1047 = arith.extui %sign3A_1046 : i1 to i32
      %sign3A_1048 = arith.constant 0 : i32
      %sign3A_1049 = arith.cmpi slt, %jit3A_1036, %sign3A_1048 : i32
      %sign3A_1050 = arith.extui %sign3A_1049 : i1 to i32
      %sign3A_1051 = arith.subi %sign3A_1047, %sign3A_1050 : i32
      %ne3A_1052 = arith.cmpi ne, %sign3A_1044, %sign3A_1051 : i32
      %rem3A_1053 = arith.remsi %add3A_952, %jit3A_1036 : i32
      %ne3A_1054 = arith.constant 0 : i32
      %ne3A_1055 = arith.cmpi ne, %rem3A_1053, %ne3A_1054 : i32
      %and3A_1056 = arith.andi %ne3A_1052, %ne3A_1055 : i1
      %sub3A_1057 = arith.constant 1 : i32
      %sub3A_1058 = arith.subi %div3A_1037, %sub3A_1057 : i32
      %select_n3A_1059 = arith.select %and3A_1056, %sub3A_1058, %div3A_1037 : i32
      %mul3A_1060 = arith.constant 16 : i32
      %mul3A_1061 = arith.muli %select_n3A_1059, %mul3A_1060 : i32
      %add3A_1062 = arith.addi %add3A_1035, %mul3A_1061 : i32
      %dma_start3A_1063 = arith.constant 0 : i32
      %dma_start3A_1064 = tpu.memref_slice %arg5[%add3A_1062, %dma_start3A_1063] : memref<16384x1024xf32, #tpu.memory_space<hbm>> -> memref<16x1024xf32, #tpu.memory_space<hbm>>
      %dma_start3A_1065 = arith.constant 0 : i32
      %dma_start3A_1066 = tpu.memref_slice %arg5[%add3A_1062, %dma_start3A_1065] : memref<16384x1024xf32, #tpu.memory_space<hbm>> -> memref<16x1024xf32, #tpu.memory_space<hbm>>
      tpu.enqueue_dma source(%arg10 : memref<16x1024xf32, #tpu.memory_space<vmem>>) target(%dma_start3A_1066 : memref<16x1024xf32, #tpu.memory_space<hbm>>) target_semaphore(%arg20 : memref<!tpu.dma_semaphore, #tpu.memory_space<semaphore_mem>>)
      %add3A_1067 = arith.constant 2 : i32
      %add3A_1068 = arith.addi %add3A_587, %add3A_1067 : i32
      %lt3A_1069 = arith.constant 8 : i32
      %lt3A_1070 = arith.cmpi slt, %add3A_1068, %lt3A_1069 : i32
      %convert_element_type3A_1071 = arith.extui %lt3A_1070 : i1 to i32
      %cond3A_1072 = arith.constant 0 : i32
      %cond3A_1073 = arith.cmpi ne, %convert_element_type3A_1071, %cond3A_1072 : i32
      scf.if %cond3A_1073 {
        %add3A_1074 = arith.constant 2 : i32
        %add3A_1075 = arith.addi %add3A_587, %add3A_1074 : i32
        %mul3A_1076 = arith.constant 16 : i32
        %mul3A_1077 = arith.muli %add3A_1075, %mul3A_1076 : i32
        %add3A_1078 = arith.addi %mul3A_2, %mul3A_1077 : i32
        %dma_start3A_1079 = arith.constant 0 : i32
        %dma_start3A_1080 = tpu.memref_slice %arg4[%add3A_1078, %dma_start3A_1079] : memref<4096x1024xf32, #tpu.memory_space<hbm>> -> memref<16x1024xf32, #tpu.memory_space<hbm>>
        %dma_start3A_1081 = arith.constant 0 : i32
        %dma_start3A_1082 = tpu.memref_slice %arg4[%add3A_1078, %dma_start3A_1081] : memref<4096x1024xf32, #tpu.memory_space<hbm>> -> memref<16x1024xf32, #tpu.memory_space<hbm>>
        tpu.enqueue_dma source(%dma_start3A_1082 : memref<16x1024xf32, #tpu.memory_space<hbm>>) target(%arg12 : memref<16x1024xf32, #tpu.memory_space<vmem>>) target_semaphore(%arg22 : memref<!tpu.dma_semaphore, #tpu.memory_space<semaphore_mem>>)
      } else {
      }
    }
    %scan3A_90 = arith.constant 4 : i32
    %add3A_91 = arith.constant 8192 : i32
    %add3A_92 = arith.addi %add3A_91, %mul3A_2 : i32
    %add3A_93 = arith.constant 112 : i32
    %add3A_94 = arith.addi %add3A_92, %add3A_93 : i32
    %dma_wait3A_95 = arith.constant 0 : i32
    %dma_wait3A_96 = tpu.memref_slice %arg5[%add3A_94, %dma_wait3A_95] : memref<16384x1024xf32, #tpu.memory_space<hbm>> -> memref<16x1024xf32, #tpu.memory_space<hbm>>
    %dma_wait3A_97 = arith.constant 0 : i32
    %dma_wait3A_98 = tpu.memref_slice %arg5[%add3A_94, %dma_wait3A_97] : memref<16384x1024xf32, #tpu.memory_space<hbm>> -> memref<16x1024xf32, #tpu.memory_space<hbm>>
    tpu.wait_dma2 semaphore(%arg19 : memref<!tpu.dma_semaphore, #tpu.memory_space<semaphore_mem>>) src(%arg9 : memref<16x1024xf32, #tpu.memory_space<vmem>>) dst(%dma_wait3A_98 : memref<16x1024xf32, #tpu.memory_space<hbm>>)
    %add3A_99 = arith.constant 12288 : i32
    %add3A_100 = arith.addi %add3A_99, %mul3A_2 : i32
    %add3A_101 = arith.constant 112 : i32
    %add3A_102 = arith.addi %add3A_100, %add3A_101 : i32
    %dma_wait3A_103 = arith.constant 0 : i32
    %dma_wait3A_104 = tpu.memref_slice %arg5[%add3A_102, %dma_wait3A_103] : memref<16384x1024xf32, #tpu.memory_space<hbm>> -> memref<16x1024xf32, #tpu.memory_space<hbm>>
    %dma_wait3A_105 = arith.constant 0 : i32
    %dma_wait3A_106 = tpu.memref_slice %arg5[%add3A_102, %dma_wait3A_105] : memref<16384x1024xf32, #tpu.memory_space<hbm>> -> memref<16x1024xf32, #tpu.memory_space<hbm>>
    tpu.wait_dma2 semaphore(%arg20 : memref<!tpu.dma_semaphore, #tpu.memory_space<semaphore_mem>>) src(%arg10 : memref<16x1024xf32, #tpu.memory_space<vmem>>) dst(%dma_wait3A_106 : memref<16x1024xf32, #tpu.memory_space<hbm>>)
    return
  }
}

</mosaic_0001>

<sc_bundles>
// kernel: kernel.3.cloned.1.call-start
scs
__scs_entry_jumppad:
0x0: {  	(pc) =	sbr.rel $0x88, $3  }
0x1: {  	(tag) =	ssettag $0x0;
	lr =	simm.s32 $0x1  }
0x2: {  	[smem:$0x3F9F] =	sst lr;
	_ =	strace $0xD0000000  }
0x3: {  	_ = 	snop  }
0x4: {  	_ = 	snop  }
0x5: {  	_ = 	snop  }
0x6: {  	_ = 	snop  }
0x7: {  	_ = 	snop  }
__scs_overlays_trampoline_lowered:
0x8: {  	[smem:$0x3FAE] =	sst s0  }
0x9: {  	[smem:$0x3FAF] =	sst s1  }
0xa: {  	[smem:$0x3FB0] =	sst s2  }
0xb: {  	[smem:$0x3FB1] =	sst s3  }
0xc: {  	[smem:$0x3FB2] =	sst s4  }
0xd: {  	[smem:$0x3FB3] =	sst s5  }
0xe: {  	[smem:$0x3FB4] =	sst s6  }
0xf: {  	[smem:$0x3FB5] =	sst s7  }
0x10: {  	[smem:$0x3FB6] =	sst s8  }
0x11: {  	[smem:$0x3FB7] =	sst s9;
	s0 =	simm.s32 @!p0 $0x0  }
0x12: {  	s1 =	sld [smem:$0x3F9D];
	s0 =	simm.s32 @p0 $0x1  }
0x13: {  	[smem:$0x3FB8] =	sst s0;
	s0 =	simm.s32 @!p1 $0x0  }
0x14: {  	s2 =	sld [smem:$0x3F9C];
	s0 =	simm.s32 @p1 $0x1  }
0x15: {  	[smem:$0x3FB9] =	sst s0;
	s0 =	simm.s32 @!p2 $0x0  }
0x16: {  	s3 =	sld [smem:$0x3FDB];
	s0 =	simm.s32 @p2 $0x1  }
0x17: {  	s4 =	simm.s32 $0x1BF5;
	[smem:$0x3FBB] =	sst s0  }
0x18: {  	s0 =	sld [smem:$0x3F9E];
	_ =	swait.ge [sflag:s4], $0x0  }
0x19: {  	s7 =	sld [smem:$0x3F9F]  }
0x1a: {  	s8 =	sadd.s32 $0xFFFFE003, lr  }
0x1b: {  	s9 =	sadd.s32 $0xFFFFFEF7, lr;
	s5 =	simm.s32 $0xFFFFFFFF;
	p2 =	slt.u32 s8, $0xFFFFF086  }
0x1c: {  	p1 =	slt.u32 s9, $0xF7A;
	s5 =	simm.s32 @!p2 $0x0  }
0x1d: {  	s5 =	simm.s32 @p1 $0x1;
	p0 =	seq.s32 s7, s2  }
0x1e: {  	s7 =	smul.u32 @!p0 $0xF7A, s2;
	p2 =	seq.s32 @!p0 s5, $0x0  }
0x1f: {  	s9 =	smul.u32 $0xF7A, s1;
	s8 =	simm.s32 @!p0 $0x1BF5;
	p2 =	por !p2, p0  }
0x20: {  	[sflag:s8] =	ssyncset.s32 @!p0 $0xFFFFF086;
	s6 =	sadd.s32 @!p0 s3, s7;
	s7 =	simm.s32 @!p0 $0x108  }
0x21: {  	s3 =	sadd.s32 s3, s9;
	s6 =	sadd.s32 @!p0 $0x88, s6;
	s7 =	simm.s32 @p2 $0x1082  }
0x22: {  	[simem:s7], [sflag:s8] =	dma.local @!p0 [hbm:s6], $0xF7A  }
0x23: {  	s9 =	sor.u32 $0xD0000000, s2;
	s6 =	simm.s32 $0x108;
	_ =	swait.ge @!p0 [sflag:s8], $0x0  }
0x24: {  	s3 =	sadd.s32 $0x88, s3;
	s6 =	simm.s32 @!p1 $0x1082;
	[sflag:s4] =	ssyncset.s32 $0xFFFFF086  }
0x25: {  	[simem:s6], [sflag:s4] =	dma.local [hbm:s3], $0xF7A  }
0x26: {  	[smem:$0x3F9F] =	sst s1;
	(tag) =	ssettag s2;
	_ =	strace s9  }
0x27: {  	s1 =	sld [smem:$0x3FAF]  }
0x28: {  	s2 =	sld [smem:$0x3FB0]  }
0x29: {  	s4 =	sld [smem:$0x3FB2]  }
0x2a: {  	p0 =	seq.s32 s5, $0x0;
	s5 =	sld [smem:$0x3FB3]  }
0x2b: {  	s6 =	sld [smem:$0x3FB4]  }
0x2c: {  	s7 =	sld [smem:$0x3FB5]  }
0x2d: {  	s3 =	simm.s32 $0x108;
	s8 =	sld [smem:$0x3FB6]  }
0x2e: {  	s3 =	simm.s32 @!p0 $0x1082;
	s9 =	sld [smem:$0x3FB7]  }
0x2f: {  	lr =	sadd.s32 s0, s3;
	s0 =	sld [smem:$0x3FAE]  }
0x30: {  	s3 =	sld [smem:$0x3FB1]  }
0x31: {  	[smem:$0x3FBA] =	sst s10  }
0x32: {  	s10 =	sld [smem:$0x3FB8];
	_ =	sdelay $0x3  }
0x33: {  	p0 =	seq.s32 s10, $0x1;
	s10 =	sld [smem:$0x3FBA];
	_ =	sdelay $0x3  }
0x34: {  	[smem:$0x3FBA] =	sst s10  }
0x35: {  	s10 =	sld [smem:$0x3FB9];
	_ =	sdelay $0x3  }
0x36: {  	p1 =	seq.s32 s10, $0x1;
	s10 =	sld [smem:$0x3FBA];
	_ =	sdelay $0x3  }
0x37: {  	[smem:$0x3FBA] =	sst s10  }
0x38: {  	s10 =	sld [smem:$0x3FBB]  }
0x39: {  	_ = 	snop;
	(pc) =	sbr.ind lr, $3  }
0x3a: {  	_ = 	snop  }
0x3b: {  	_ = 	snop  }
0x3c: {  	p2 =	seq.s32 s10, $0x1;
	s10 =	sld [smem:$0x3FBA]  }
0x3d: {  	_ =	shalt  }
0x3e: {  	_ =	shalt  }
0x3f: {  	_ =	shalt  }
0x40: {  	_ =	shalt  }
0x41: {  	_ =	shalt  }
0x42: {  	_ =	shalt  }
0x43: {  	_ =	shalt  }
0x44: {  	_ =	shalt  }
0x45: {  	_ =	shalt  }
0x46: {  	_ =	shalt  }
0x47: {  	_ =	shalt  }
0x48: {  	_ =	shalt  }
0x49: {  	_ =	shalt  }
0x4a: {  	_ =	shalt  }
0x4b: {  	_ =	shalt  }
0x4c: {  	_ =	shalt  }
0x4d: {  	_ =	shalt  }
0x4e: {  	_ =	shalt  }
0x4f: {  	_ =	shalt  }
0x50: {  	_ =	shalt  }
0x51: {  	_ =	shalt  }
0x52: {  	_ =	shalt  }
0x53: {  	_ =	shalt  }
0x54: {  	_ =	shalt  }
0x55: {  	_ =	shalt  }
0x56: {  	_ =	shalt  }
0x57: {  	_ =	shalt  }
0x58: {  	_ =	shalt  }
0x59: {  	_ =	shalt  }
0x5a: {  	_ =	shalt  }
0x5b: {  	_ =	shalt  }
0x5c: {  	_ =	shalt  }
0x5d: {  	_ =	shalt  }
0x5e: {  	_ =	shalt  }
0x5f: {  	_ =	shalt  }
0x60: {  	_ =	shalt  }
0x61: {  	_ =	shalt  }
0x62: {  	_ =	shalt  }
0x63: {  	_ =	shalt  }
0x64: {  	_ =	shalt  }
0x65: {  	_ =	shalt  }
0x66: {  	_ =	shalt  }
0x67: {  	_ =	shalt  }
0x68: {  	_ =	shalt  }
0x69: {  	_ =	shalt  }
0x6a: {  	_ =	shalt  }
0x6b: {  	_ =	shalt  }
0x6c: {  	_ =	shalt  }
0x6d: {  	_ =	shalt  }
0x6e: {  	_ =	shalt  }
0x6f: {  	_ =	shalt  }
0x70: {  	_ =	shalt  }
0x71: {  	_ =	shalt  }
0x72: {  	_ =	shalt  }
0x73: {  	_ =	shalt  }
0x74: {  	_ =	shalt  }
0x75: {  	_ =	shalt  }
0x76: {  	_ =	shalt  }
0x77: {  	_ =	shalt  }
0x78: {  	_ =	shalt  }
0x79: {  	_ =	shalt  }
0x7a: {  	_ =	shalt  }
0x7b: {  	_ =	shalt  }
0x7c: {  	_ =	shalt  }
0x7d: {  	_ =	shalt  }
0x7e: {  	_ =	shalt  }
0x7f: {  	_ =	shalt  }
0x80: {  	_ =	shalt  }
0x81: {  	_ =	shalt  }
0x82: {  	_ =	shalt  }
0x83: {  	_ =	shalt  }
0x84: {  	_ =	shalt  }
0x85: {  	_ =	shalt  }
0x86: {  	_ =	shalt  }
0x87: {  	_ =	shalt  }
.Lfunc_end0:
.L_simem_size_0:
called_computation_lowered:
.L_overlay_start_0:
0x88: {  	s2 =	sld [smem:$0x3FD9]  }
0x89: {  	s3 =	sld [smem:$0x3FFE];
	_ =	sdelay $0x1  }
0x8a: {  	s1 =	srdreg.scid  }
0x8b: {  	s0 =	sand.u32 $0x1, s1  }
0x8c: {  	s17 =	sshll.u32 s0, $0xA;
	s2 =	sadd.s32 s3, s2  }
0x8d: {  	s2 =	sadd.s32 s2, s17  }
0x8e: {  	[smem:$0x3FC6] =	sst s2  }
0x8f: {  	_ = 	snop  }
0x90: {  	s2 =	sld [smem:$0x3FC8]  }
0x91: {  	s18 =	sld [smem:$0x3FD0];
	(tm) =	ssettm $0x1  }
0x92: {  	s4 =	sld [smem:$0x3FFB];
	_ =	sdelay $0x3  }
0x93: {  	_ =	strace s4  }
0x94: {  	s4 =	sld [smem:$0x3FFC];
	_ =	sdelay $0x3  }
0x95: {  	_ =	strace s4  }
0x96: {  	s4 =	sld [smem:$0x3FFD];
	_ =	sdelay $0x3  }
0x97: {  	_ =	strace s4  }
0x98: {  	_ =	strace $0x8FFFFFFF  }
0x99: {  	s19 =	sld [smem:$0x3FDB];
	_ =	sdelay $0x1  }
0x9a: {  	s5 =	simm.s32 $_scs_section_size  }
0x9b: {  	s6 =	simm.s32 $_size__tile_overlayer_lowered;
	s7 =	simm.s32 $_tile_overlayer_lowered  }
0x9c: {  	s22 =	simm.s32 $0x1BFF;
	s21 =	sshll.u32 s7, $0x1;
	s4 =	sadd.s32 s5, s19  }
0x9d: {  	s8 =	simm.s32 $0x0;
	s20 =	sshll.u32 s6, $0x1;
	s6 =	sadd.s32 s21, s4  }
0x9e: {  	[timem:s8], [sflag:s22] =	dma.local [hbm:s6], s20  }
0x9f: {  	_ =	swait.ge [sflag:s22], s20  }
0xa0: {  	s5 =	ssub.s32 $0x0, s20;
	[sflag:s22] =	ssyncset.done $0x0  }
0xa1: {  	[sflag:s22] =	ssyncadd.s32 s5;
	_ =	sdelay $0x1  }
0xa2: {  	s23 =	simm.s32 $0x1B8B  }
0xa3: {  	_ =	swait.ge [sflag:s23], $0x1  }
0xa4: {  	[sflag:s23] =	ssyncset.done $0x0  }
0xa5: {  	s25 =	simm.s32 $0x1B8E;
	s24 =	sld [smem:$0x3FFE];
	[sflag:s23] =	ssyncadd.s32 $0xFFFFFFFF  }
0xa6: {  	s26 =	simm.s32 $execute0_lowered;
	[smem:$0x3FD2] =	sst s25  }
0xa7: {  	s6 =	sshll.u32 s26, $0x1;
	_ =	strace $0x80000046;
	[dreg:$0x1] =	wrdreg $0xFFFFFFFF  }
0xa8: {  	s28 =	simm.s32 $_size_execute0_lowered;
	s4 =	sadd.s32 s4, s6;
	[dreg:$0x0] =	wrdreg $0x0  }
0xa9: {  	s6 =	sshll.u32 s28, $0x1;
	[dreg:$0x2] =	wrdreg s4  }
0xaa: {  	[dreg:$0x3] =	wrdreg s6  }
0xab: {  	[dreg:$0x4] =	wrdreg $0xC0  }
0xac: {  	_ =	task [dreg:s8], $0x5FFFF  }
0xad: {  	[dreg:$0x1] =	wrdreg $0xFFFFFFFF  }
0xae: {  	[dreg:$0x0] =	wrdreg $0x60  }
0xaf: {  	[dreg:$0x2] =	wrdreg s2  }
0xb0: {  	[dreg:$0x3] =	wrdreg s24  }
0xb1: {  	[dreg:$0x4] =	wrdreg s18  }
0xb2: {  	[dreg:$0x5] =	wrdreg $0x9  }
0xb3: {  	_ =	task.clear_ibuf [dreg:s8], $0x6FFFF;
	_ =	strace $0x90000046  }
0xb4: {  	s29 =	simm.s32 $0x9;
	_ =	strace $0x80000048  }
0xb5: {  	_ =	swait.ge [sflag:s29], $0x1  }
0xb6: {  	[sflag:s29] =	ssyncadd.s32 $0xFFFFFFFF  }
0xb7: {  	_ =	strace $0x90000048  }
0xb8: {  	_ =	sfence  }
0xb9: {  	s30 =	sld [smem:$0x0];
	_ =	sdelay $0x2  }
0xba: {  	s31 =	sshll.u32 s1, $0xD;
	s1 =	sshrl.u32 s1, $0x2  }
0xbb: {  	s3 =	sand.u32 $0x4000, s31;
	s1 =	sadd.s32 s1, s30  }
0xbc: {  	s0 =	sor.u32 s3, s0;
	s1 =	sshll.u32 s1, $0x11  }
0xbd: {  	s0 =	sor.u32 s1, s0  }
0xbe: {  	s0 =	sadd.s32 $0x8F2B, s0  }
0xbf: {  	[sflag:s0] =	ssyncadd.remote.s32 $0x1  }
0xc0: {  	_ =	sfence.sel $0xFFFF  }
0xc1: {  	[dreg:$0x0] =	wrdreg $0xFFFFFFFF;
	(pc) =	sbr.abs _section_cstart, $3  }
0xc2: {  	[dreg:$0x1] =	wrdreg $0xFFFFFFFF  }
0xc3: {  	_ =	task.clear_ibuf [dreg:s8], $0x2FFFF;
	_ =	strace $0x9FFFFFFF  }
0xc4: {  	(tm) =	ssettm $0x7FFFFFFF  }
0xc5: {  	_ =	shalt  }
tec
execute0_lowered:
.L_overlay_start_1:
0x0: {  	(tag) =	ssettag $0x1  }
0x1: {  	s1 =	rddreg [dreg:$0x0]  }
0x2: {  	s0 =	rddreg [dreg:$0x1]  }
0x3: {  	s6 =	rddreg [dreg:$0x2];
	s2 =	srdreg.scid;
	s4 =	simm.s32 $0x0  }
0x4: {  	s3 =	stileid.u32;
	s29 =	simm.s32 $0x5;
	s31 =	simm.s32 $0x7  }
0x5: {  	s30 =	simm.s32 $0x8A00;
	s28 =	simm.s32 $0x3;
	s8 =	simm.s32 $0x4  }
0x6: {  	s9 =	simm.s32 $0xA;
	s2 =	sand.u32 $0x1, s2;
	[smem:$0x7FF] =	sst s4  }
0x7: {  	s3 =	sshll.u32 s3, $0x8;
	s12 =	sadd.s32 $0x100, s1;
	s13 =	sadd.s32 $0x200, s1  }
0x8: {  	s24 =	sadd.s32 $0x800, s6;
	s25 =	sadd.s32 $0x80800, s6;
	s5 =	sshll.u32 s2, $0x7  }
0x9: {  	_ =	strace $0x80000047;
	s2 =	ssub.s32 $0x2, s2;
	[dreg:$0xd] =	wrdreg s24  }
0xa: {  	[dreg:$0xe] =	wrdreg s25;
	s25 =	simm.s32 $0x8200;
	s3 =	sor.u32 s5, s3  }
0xb: {  	s24 =	simm.s32 $0xC200;
	s14 =	sshrl.u32 s2, $0x1;
	s5 =	sshrl.u32 s3, $0x3  }
0xc: {  	s7 =	sshll.u32 s3, $0x7;
	s2 =	ssub.s32 s2, s14;
	s5 =	sadd.s32 s5, s0  }
0xd: {  	s0 =	sadd.s32 s7, s0;
	[dreg:$0x4] =	wrdreg s7;
	s26 =	smax.u32 s2, $0x1  }
0xe: {  	s14 =	sadd.s32 $0x300, s1;
	s15 =	sadd.s32 $0xC00, s0;
	[dreg:$0x10] =	wrdreg s26  }
0xf: {  	s3 =	simm.s32 $0x2;
	s16 =	sadd.s32 $0x1400, s0;
	[dreg:$0x5] =	wrdreg s15  }
0x10: {  	s21 =	sadd.s32 s7, s6;
	s17 =	sadd.s32 $0x400, s5;
	[dreg:$0x6] =	wrdreg s16  }
0x11: {  	s6 =	simm.s32 $0x6;
	s18 =	sadd.s32 $0x600, s5;
	[dreg:$0x7] =	wrdreg s17  }
0x12: {  	s7 =	simm.s32 $0x4200;
	s19 =	sadd.s32 $0x800, s5;
	[dreg:$0x8] =	wrdreg s18  }
.Ltmp0:
0x13: {  	s20 =	sadd.s32 $0xA00, s5;
	[dreg:$0x9] =	wrdreg s19;
	(pc) =	sbr.rel .LBB2_1-.Ltmp0, $4  }
0x14: {  	s22 =	sadd.s32 $0x80000, s21;
	s23 =	sadd.s32 $0x1C00, s0;
	[dreg:$0xa] =	wrdreg s20  }
0x15: {  	v2 =	vlaneseq.u32;
	s0 =	sadd.s32 $0x2400, s0;
	s5 =	simm.s32 $0x0;
	[dreg:$0xb] =	wrdreg s22  }
0x16: {  	vm0 =	vmmov $0xffff;
	v1 =	vshrl.u32 v2, $0x3;
	s16 =	sadd.s32 $0x100000, s21;
	s17 =	sadd.s32 $0x180000, s21;
	[dreg:$0xc] =	wrdreg s23  }
0x17: {  	v0 =	vand.u32 $0x7, v2;
	v2 =	vor.u32 $0x8, v2;
	v1 =	vmul.u32 $0x8, v1;
	[dreg:$0xf] =	wrdreg s0;
	s0 =	simm.s32 $0x8;
	s23 =	simm.s32 $0x1  }
.LBB2_20:
0x18: {  	_ =	swait.ge [sflag:s31], $0x4000  }
0x19: {  	[sflag:s31] =	ssyncset.done $0x0  }
0x1a: {  	[sflag:s31] =	ssyncadd.s32 $0xFFFFC000  }
0x1b: {  	_ =	swait.ge [sflag:s0], $0x4000  }
0x1c: {  	s5 =	rddreg [dreg:$0x11]  }
0x1d: {  	s2 =	rddreg [dreg:$0x10];
	s5 =	sadd.s32 $0x1, s5  }
0x1e: {  	p0 =	sne.s32 s5, s2  }
.Ltmp1:
0x1f: {  	_ = 	snop;
	(pc) =	sbr.rel @!p0 .LBB2_21-.Ltmp1, $3  }
0x20: {  	_ =	sdelay $0x1  }
0x21: {  	[sflag:s0] =	ssyncset.done $0x0  }
0x22: {  	[sflag:s0] =	ssyncadd.s32 $0xFFFFC000  }
.LBB2_1:
0x23: {  	[dreg:$0x11] =	wrdreg s5  }
0x24: {  	s2 =	rddreg [dreg:$0x5];
	s18 =	simm.s32 $0x10200  }
0x25: {  	[tilespmem:s18], [sflag:$0x9] =	stream.linear.gather [hbm4b:s2+s4], $0x4000, $0x38;
	[tilespmem:$0x18200] =	vst v63  }
0x26: {  	s19 =	rddreg [dreg:$0x6];
	s20 =	simm.s32 $0x14200  }
0x27: {  	[tilespmem:s20], [sflag:$0xA] =	stream.linear.gather [hbm4b:s19+s4], $0x4000, $0x38;
	[tilespmem:$0x18200] =	vst v63  }
0x28: {  	s21 =	rddreg [dreg:$0x7]  }
0x29: {  	[tilespmem:s4], [sflag:$0x5] =	stream.linear.gather [hbm4b:s21+s4], $0x80, $0x38;
	[tilespmem:$0x18200] =	vst v63  }
0x2a: {  	s22 =	rddreg [dreg:$0x8];
	s26 =	simm.s32 $0x80  }
0x2b: {  	[tilespmem:s26], [sflag:$0x6] =	stream.linear.gather [hbm4b:s22+s4], $0x80, $0x38;
	[tilespmem:$0x18200] =	vst v63  }
0x2c: {  	s10 =	rddreg [dreg:$0x9];
	s11 =	simm.s32 $0x100  }
0x2d: {  	[tilespmem:s11], [sflag:$0x7] =	stream.linear.gather [hbm4b:s10+s4], $0x80, $0x38;
	[tilespmem:$0x18200] =	vst v63  }
0x2e: {  	s15 =	rddreg [dreg:$0xa];
	s18 =	simm.s32 $0x180  }
0x2f: {  	[tilespmem:s18], [sflag:$0x8] =	stream.linear.gather [hbm4b:s15+s4], $0x80, $0x38;
	[tilespmem:$0x18200] =	vst v63  }
0x30: {  	_ =	swait.ge [sflag:s29], $0x80  }
0x31: {  	[sflag:s29] =	ssyncset.done $0x0  }
0x32: {  	[sflag:s29] =	ssyncadd.s32 $0xFFFFFF80  }
0x33: {  	v3 =	vld [tilespmem:$0x0];
	_ =	sdelay $0x4  }
0x34: {  	v4 =	vshll.u32 v3, $0x3  }
0x35: {  	v3 =	vand.u32 $0x7, v3;
	v4 =	vand.u32 $0xFFFFFFC0, v4  }
0x36: {  	v3 =	vor.u32 v3, v4  }
0x37: {  	v4 =	vperm.xlane v3, v0;
	_ =	sdelay $0x1  }
0x38: {  	v4 =	vadd.s32 v1, v4;
	_ =	sdelay $0x3  }
0x39: {  	s19 =	simm.s32 $0x200  }
0x3a: {  	[tilespmem:s19], [sflag:$0x1] =	stream.indirect_vreg.gather [hbm4b:s1+s4], $0x80, v4, vm0, $0xb8;
	[tilespmem:$0x18200] =	vst v63  }
0x3b: {  	s20 =	simm.s32 $0xA00;
	v3 =	vperm.xlane v3, v2  }
0x3c: {  	[tilespmem:s20], [sflag:$0x1] =	stream.indirect_vreg.gather [hbm4b:s12+s4], $0x80, v4, vm0, $0xb8;
	[tilespmem:$0x18200] =	vst v63  }
0x3d: {  	s21 =	simm.s32 $0x1200;
	v3 =	vadd.s32 v1, v3  }
0x3e: {  	[tilespmem:s21], [sflag:$0x1] =	stream.indirect_vreg.gather [hbm4b:s13+s4], $0x80, v4, vm0, $0xb8;
	[tilespmem:$0x18200] =	vst v63  }
0x3f: {  	s22 =	simm.s32 $0x1A00  }
0x40: {  	[tilespmem:s22], [sflag:$0x1] =	stream.indirect_vreg.gather [hbm4b:s14+s4], $0x80, v4, vm0, $0xb8;
	[tilespmem:$0x18200] =	vst v63  }
0x41: {  	s26 =	simm.s32 $0x2200  }
0x42: {  	[tilespmem:s26], [sflag:$0x1] =	stream.indirect_vreg.gather [hbm4b:s1+s4], $0x80, v3, vm0, $0xb8;
	[tilespmem:$0x18200] =	vst v63  }
0x43: {  	s5 =	simm.s32 $0x2A00  }
0x44: {  	[tilespmem:s5], [sflag:$0x1] =	stream.indirect_vreg.gather [hbm4b:s12+s4], $0x80, v3, vm0, $0xb8;
	[tilespmem:$0x18200] =	vst v63  }
0x45: {  	s10 =	simm.s32 $0x3200  }
0x46: {  	[tilespmem:s10], [sflag:$0x1] =	stream.indirect_vreg.gather [hbm4b:s13+s4], $0x80, v3, vm0, $0xb8;
	[tilespmem:$0x18200] =	vst v63  }
0x47: {  	s11 =	simm.s32 $0x3A00  }
0x48: {  	[tilespmem:s11], [sflag:$0x1] =	stream.indirect_vreg.gather [hbm4b:s14+s4], $0x80, v3, vm0, $0xb8;
	[tilespmem:$0x18200] =	vst v63  }
0x49: {  	_ =	swait.ge [sflag:s6], $0x80  }
0x4a: {  	[sflag:s6] =	ssyncset.done $0x0  }
0x4b: {  	[sflag:s6] =	ssyncadd.s32 $0xFFFFFF80  }
0x4c: {  	v3 =	vld [tilespmem:$0x80];
	_ =	sdelay $0x4  }
0x4d: {  	v63 =	vshll.u32 v3, $0x3  }
0x4e: {  	v3 =	vand.u32 $0x7, v3;
	v4 =	vand.u32 $0xFFFFFFC0, v63  }
0x4f: {  	v3 =	vor.u32 v3, v4  }
0x50: {  	v4 =	vperm.xlane v3, v0;
	_ =	sdelay $0x1  }
0x51: {  	v4 =	vadd.s32 v1, v4;
	_ =	sdelay $0x4  }
0x52: {  	[tilespmem:s7], [sflag:$0x2] =	stream.indirect_vreg.gather [hbm4b:s1+s4], $0x80, v4, vm0, $0xb8;
	[tilespmem:$0x18200] =	vst v63  }
0x53: {  	s15 =	simm.s32 $0x4A00;
	v3 =	vperm.xlane v3, v2  }
0x54: {  	[tilespmem:s15], [sflag:$0x2] =	stream.indirect_vreg.gather [hbm4b:s12+s4], $0x80, v4, vm0, $0xb8;
	[tilespmem:$0x18200] =	vst v63  }
0x55: {  	s18 =	simm.s32 $0x5200;
	v3 =	vadd.s32 v1, v3  }
0x56: {  	[tilespmem:s18], [sflag:$0x2] =	stream.indirect_vreg.gather [hbm4b:s13+s4], $0x80, v4, vm0, $0xb8;
	[tilespmem:$0x18200] =	vst v63  }
0x57: {  	s19 =	simm.s32 $0x5A00  }
0x58: {  	[tilespmem:s19], [sflag:$0x2] =	stream.indirect_vreg.gather [hbm4b:s14+s4], $0x80, v4, vm0, $0xb8;
	[tilespmem:$0x18200] =	vst v63  }
0x59: {  	s20 =	simm.s32 $0x6200  }
0x5a: {  	[tilespmem:s20], [sflag:$0x2] =	stream.indirect_vreg.gather [hbm4b:s1+s4], $0x80, v3, vm0, $0xb8;
	[tilespmem:$0x18200] =	vst v63  }
0x5b: {  	s21 =	simm.s32 $0x6A00  }
0x5c: {  	[tilespmem:s21], [sflag:$0x2] =	stream.indirect_vreg.gather [hbm4b:s12+s4], $0x80, v3, vm0, $0xb8;
	[tilespmem:$0x18200] =	vst v63  }
0x5d: {  	s22 =	simm.s32 $0x7200  }
0x5e: {  	[tilespmem:s22], [sflag:$0x2] =	stream.indirect_vreg.gather [hbm4b:s13+s4], $0x80, v3, vm0, $0xb8;
	[tilespmem:$0x18200] =	vst v63  }
0x5f: {  	s26 =	simm.s32 $0x7A00  }
0x60: {  	[tilespmem:s26], [sflag:$0x2] =	stream.indirect_vreg.gather [hbm4b:s14+s4], $0x80, v3, vm0, $0xb8;
	[tilespmem:$0x18200] =	vst v63  }
0x61: {  	_ =	swait.ge [sflag:s31], $0x80  }
0x62: {  	[sflag:s31] =	ssyncset.done $0x0  }
0x63: {  	[sflag:s31] =	ssyncadd.s32 $0xFFFFFF80  }
0x64: {  	_ =	swait.ge [sflag:s0], $0x80  }
0x65: {  	[sflag:s0] =	ssyncset.done $0x0  }
0x66: {  	s10 =	simm.s32 $0x0;
	[sflag:s0] =	ssyncadd.s32 $0xFFFFFF80  }
.LBB2_2:
0x67: {  	s2 =	simm.s32 $0x9  }
0x68: {  	_ =	swait.ge [sflag:s2], $0x4000  }
0x69: {  	[sflag:s2] =	ssyncset.done $0x0  }
0x6a: {  	[sflag:s2] =	ssyncadd.s32 $0xFFFFC000  }
0x6b: {  	_ =	swait.ge [sflag:s23], $0x4000  }
0x6c: {  	p0 =	seq.s32 s10, $0x0;
	[sflag:s23] =	ssyncset.done $0x0  }
0x6d: {  	s5 =	simm.s32 @!p0 $0x7;
	[sflag:s23] =	ssyncadd.s32 $0xFFFFC000  }
0x6e: {  	_ =	swait.ge @!p0 [sflag:s5], $0x4000  }
0x6f: {  	s11 =	sshll.u32 s10, $0x5;
	[sflag:s5] =	ssyncset.done @!p0 $0x0  }
0x70: {  	s22 =	sand.u32 $0x3FFFFFE0, s11;
	[sflag:s5] =	ssyncadd.s32 @!p0 $0xFFFFC000  }
0x71: {  	v3 =	vld [tilespmem:s22+$0x100];
	_ =	sdelay $0x4  }
0x72: {  	v4 =	vshll.u32 v3, $0x3  }
0x73: {  	v3 =	vand.u32 $0x7, v3;
	v4 =	vand.u32 $0xFFFFFFC0, v4  }
0x74: {  	v3 =	vor.u32 v3, v4  }
0x75: {  	v4 =	vperm.xlane v3, v0;
	_ =	sdelay $0x1  }
0x76: {  	v4 =	vadd.s32 v1, v4;
	_ =	sdelay $0x3  }
0x77: {  	s5 =	simm.s32 $0x0  }
0x78: {  	[tilespmem:s25], [sflag:$0x3] =	stream.indirect_vreg.gather [hbm4b:s1+s5], $0x80, v4, vm0, $0xb8;
	[tilespmem:$0x18200] =	vst v63  }
0x79: {  	v3 =	vperm.xlane v3, v2  }
0x7a: {  	[tilespmem:s30], [sflag:$0x3] =	stream.indirect_vreg.gather [hbm4b:s12+s5], $0x80, v4, vm0, $0xb8;
	[tilespmem:$0x18200] =	vst v63  }
0x7b: {  	s26 =	simm.s32 $0x9200;
	v3 =	vadd.s32 v1, v3  }
0x7c: {  	[tilespmem:s26], [sflag:$0x3] =	stream.indirect_vreg.gather [hbm4b:s13+s5], $0x80, v4, vm0, $0xb8;
	[tilespmem:$0x18200] =	vst v63  }
0x7d: {  	s11 =	simm.s32 $0x9A00  }
0x7e: {  	[tilespmem:s11], [sflag:$0x3] =	stream.indirect_vreg.gather [hbm4b:s14+s5], $0x80, v4, vm0, $0xb8;
	[tilespmem:$0x18200] =	vst v63  }
0x7f: {  	s15 =	simm.s32 $0xA200  }
0x80: {  	[tilespmem:s15], [sflag:$0x3] =	stream.indirect_vreg.gather [hbm4b:s1+s5], $0x80, v3, vm0, $0xb8;
	[tilespmem:$0x18200] =	vst v63  }
0x81: {  	s18 =	simm.s32 $0xAA00;
	s15 =	simm.s32 $0x0  }
0x82: {  	[tilespmem:s18], [sflag:$0x3] =	stream.indirect_vreg.gather [hbm4b:s12+s5], $0x80, v3, vm0, $0xb8;
	[tilespmem:$0x18200] =	vst v63  }
0x83: {  	s21 =	sand.u32 $0x2000, s15;
	s18 =	sand.u32 $0x1800, s5  }
0x84: {  	s19 =	simm.s32 $0xB200;
	s26 =	sand.u32 $0x380, s5;
	s11 =	sor.u32 s21, s18  }
0x85: {  	[tilespmem:s19], [sflag:$0x3] =	stream.indirect_vreg.gather [hbm4b:s13+s5], $0x80, v3, vm0, $0xb8;
	[tilespmem:$0x18200] =	vst v63  }
0x86: {  	s20 =	simm.s32 $0xBA00;
	s18 =	sor.u32 s26, s11  }
0x87: {  	[tilespmem:s20], [sflag:$0x3] =	stream.indirect_vreg.gather [hbm4b:s14+s5], $0x80, v3, vm0, $0xb8;
	[tilespmem:$0x18200] =	vst v63  }
0x88: {  	v3 =	vld [tilespmem:s18+$0x10670]  }
0x89: {  	v7 =	vld [tilespmem:s18+$0x10200]  }
0x8a: {  	v8 =	vld [tilespmem:s18+$0x10210]  }
0x8b: {  	v9 =	vld [tilespmem:s18+$0x10220]  }
0x8c: {  	v10 =	vld [tilespmem:s18+$0x10230]  }
0x8d: {  	v11 =	vld [tilespmem:s18+$0x10240]  }
0x8e: {  	v12 =	vld [tilespmem:s18+$0x10250]  }
0x8f: {  	v13 =	vld [tilespmem:s18+$0x10260]  }
0x90: {  	v14 =	vld [tilespmem:s18+$0x10270]  }
0x91: {  	v15 =	vld [tilespmem:s18+$0x10600]  }
0x92: {  	v16 =	vld [tilespmem:s18+$0x10610]  }
0x93: {  	v17 =	vld [tilespmem:s18+$0x10620]  }
0x94: {  	v6 =	vld [tilespmem:s18+$0x10630]  }
0x95: {  	v5 =	vld [tilespmem:s18+$0x10640]  }
0x96: {  	v4 =	vld [tilespmem:s18+$0x10650]  }
0x97: {  	[tilespmem:s18+$0x670] =	vst.add.f32.msk $0xffff, v3  }
0x98: {  	v3 =	vld [tilespmem:s18+$0x10660]  }
0x99: {  	[tilespmem:s18+$0x200] =	vst.add.f32.msk $0xffff, v7  }
0x9a: {  	[tilespmem:s18+$0x210] =	vst.add.f32.msk $0xffff, v8  }
0x9b: {  	[tilespmem:s18+$0x220] =	vst.add.f32.msk $0xffff, v9  }
0x9c: {  	[tilespmem:s18+$0x230] =	vst.add.f32.msk $0xffff, v10  }
0x9d: {  	[tilespmem:s18+$0x240] =	vst.add.f32.msk $0xffff, v11  }
0x9e: {  	[tilespmem:s18+$0x250] =	vst.add.f32.msk $0xffff, v12  }
0x9f: {  	[tilespmem:s18+$0x260] =	vst.add.f32.msk $0xffff, v13  }
0xa0: {  	[tilespmem:s18+$0x270] =	vst.add.f32.msk $0xffff, v14  }
0xa1: {  	[tilespmem:s18+$0x600] =	vst.add.f32.msk $0xffff, v15  }
0xa2: {  	[tilespmem:s18+$0x610] =	vst.add.f32.msk $0xffff, v16  }
0xa3: {  	s11 =	sshll.u32 s10, $0xC;
	s19 =	simm.s32 $0x0;
	[tilespmem:s18+$0x620] =	vst.add.f32.msk $0xffff, v17  }
.LBB2_3:
0xa4: {  	s15 =	sadd.s32 $0x100, s15;
	[tilespmem:s18+$0x630] =	vst.add.f32.msk $0xffff, v6;
	s5 =	sadd.s32 $0x800, s5  }
0xa5: {  	s19 =	sadd.s32 $0x20, s19;
	s20 =	sand.u32 $0x2000, s15;
	s21 =	sand.u32 $0x1800, s5;
	[tilespmem:s18+$0x640] =	vst.add.f32.msk $0xffff, v5  }
0xa6: {  	p1 =	slt.u32 s15, $0x3F00;
	s20 =	sor.u32 s20, s21;
	s21 =	sand.u32 $0x380, s19;
	[tilespmem:s18+$0x650] =	vst.add.f32.msk $0xffff, v4  }
0xa7: {  	[tilespmem:s18+$0x660] =	vst.add.f32.msk $0xffff, v3;
	s18 =	sor.u32 s21, s20  }
0xa8: {  	v3 =	vld [tilespmem:s18+$0x10670]  }
0xa9: {  	v7 =	vld [tilespmem:s18+$0x10200]  }
0xaa: {  	v8 =	vld [tilespmem:s18+$0x10210]  }
0xab: {  	v9 =	vld [tilespmem:s18+$0x10220]  }
0xac: {  	v10 =	vld [tilespmem:s18+$0x10230]  }
0xad: {  	[tilespmem:s18+$0x670] =	vst.add.f32.msk $0xffff, v3  }
0xae: {  	v11 =	vld [tilespmem:s18+$0x10240]  }
0xaf: {  	v12 =	vld [tilespmem:s18+$0x10250]  }
0xb0: {  	v13 =	vld [tilespmem:s18+$0x10260]  }
0xb1: {  	v14 =	vld [tilespmem:s18+$0x10270]  }
0xb2: {  	v15 =	vld [tilespmem:s18+$0x10600]  }
0xb3: {  	v16 =	vld [tilespmem:s18+$0x10610]  }
0xb4: {  	v17 =	vld [tilespmem:s18+$0x10620]  }
0xb5: {  	v6 =	vld [tilespmem:s18+$0x10630]  }
0xb6: {  	v5 =	vld [tilespmem:s18+$0x10640]  }
0xb7: {  	v4 =	vld [tilespmem:s18+$0x10650]  }
0xb8: {  	v3 =	vld [tilespmem:s18+$0x10660]  }
0xb9: {  	[tilespmem:s18+$0x200] =	vst.add.f32.msk $0xffff, v7  }
0xba: {  	[tilespmem:s18+$0x210] =	vst.add.f32.msk $0xffff, v8  }
0xbb: {  	[tilespmem:s18+$0x220] =	vst.add.f32.msk $0xffff, v9  }
0xbc: {  	[tilespmem:s18+$0x230] =	vst.add.f32.msk $0xffff, v10  }
0xbd: {  	[tilespmem:s18+$0x240] =	vst.add.f32.msk $0xffff, v11  }
0xbe: {  	[tilespmem:s18+$0x250] =	vst.add.f32.msk $0xffff, v12  }
.Ltmp2:
0xbf: {  	[tilespmem:s18+$0x260] =	vst.add.f32.msk $0xffff, v13;
	(pc) =	sbr.rel @p1 .LBB2_3-.Ltmp2, $4  }
0xc0: {  	[tilespmem:s18+$0x270] =	vst.add.f32.msk $0xffff, v14  }
0xc1: {  	[tilespmem:s18+$0x600] =	vst.add.f32.msk $0xffff, v15  }
0xc2: {  	[tilespmem:s18+$0x610] =	vst.add.f32.msk $0xffff, v16  }
0xc3: {  	[tilespmem:s18+$0x620] =	vst.add.f32.msk $0xffff, v17  }
0xc4: {  	[tilespmem:s18+$0x630] =	vst.add.f32.msk $0xffff, v6  }
0xc5: {  	[tilespmem:s18+$0x640] =	vst.add.f32.msk $0xffff, v5  }
0xc6: {  	[tilespmem:s18+$0x650] =	vst.add.f32.msk $0xffff, v4  }
0xc7: {  	s2 =	rddreg [dreg:$0x4]  }
0xc8: {  	s5 =	rddreg [dreg:$0x2];
	s21 =	sor.u32 s2, s11  }
0xc9: {  	s15 =	simm.s32 $0x200;
	[tilespmem:s18+$0x660] =	vst.add.f32.msk $0xffff, v3;
	s5 =	sadd.s32 s5, s21  }
0xca: {  	[hbm4b:s5+s4] =	stream.linear.scatter [tilespmem:s15], [sflag:$0x5], $0x4000, $0x38;
	[tilespmem:$0x18200] =	vst v63  }
0xcb: {  	_ =	swait.ge [sflag:s3], $0x4000  }
0xcc: {  	[sflag:s3] =	ssyncset.done $0x0  }
0xcd: {  	s5 =	simm.s32 @!p0 $0x8;
	[sflag:s3] =	ssyncadd.s32 $0xFFFFC000  }
0xce: {  	_ =	swait.ge @!p0 [sflag:s5], $0x4000  }
0xcf: {  	[sflag:s5] =	ssyncset.done @!p0 $0x0  }
0xd0: {  	[sflag:s5] =	ssyncadd.s32 @!p0 $0xFFFFC000  }
0xd1: {  	v3 =	vld [tilespmem:s22+$0x180];
	_ =	sdelay $0x4  }
0xd2: {  	v4 =	vshll.u32 v3, $0x3  }
0xd3: {  	v3 =	vand.u32 $0x7, v3;
	v4 =	vand.u32 $0xFFFFFFC0, v4  }
0xd4: {  	v3 =	vor.u32 v3, v4  }
0xd5: {  	v4 =	vperm.xlane v3, v0;
	_ =	sdelay $0x1  }
0xd6: {  	v4 =	vadd.s32 v1, v4;
	_ =	sdelay $0x3  }
0xd7: {  	s5 =	simm.s32 $0x0  }
0xd8: {  	[tilespmem:s24], [sflag:$0x4] =	stream.indirect_vreg.gather [hbm4b:s1+s5], $0x80, v4, vm0, $0xb8;
	[tilespmem:$0x18200] =	vst v63  }
0xd9: {  	s18 =	simm.s32 $0xCA00;
	v3 =	vperm.xlane v3, v2  }
0xda: {  	[tilespmem:s18], [sflag:$0x4] =	stream.indirect_vreg.gather [hbm4b:s12+s5], $0x80, v4, vm0, $0xb8;
	[tilespmem:$0x18200] =	vst v63  }
0xdb: {  	s19 =	simm.s32 $0xD200;
	v3 =	vadd.s32 v1, v3  }
0xdc: {  	[tilespmem:s19], [sflag:$0x4] =	stream.indirect_vreg.gather [hbm4b:s13+s5], $0x80, v4, vm0, $0xb8;
	[tilespmem:$0x18200] =	vst v63  }
0xdd: {  	s20 =	simm.s32 $0xDA00  }
0xde: {  	[tilespmem:s20], [sflag:$0x4] =	stream.indirect_vreg.gather [hbm4b:s14+s5], $0x80, v4, vm0, $0xb8;
	[tilespmem:$0x18200] =	vst v63  }
0xdf: {  	s26 =	simm.s32 $0xE200  }
0xe0: {  	[tilespmem:s26], [sflag:$0x4] =	stream.indirect_vreg.gather [hbm4b:s1+s5], $0x80, v3, vm0, $0xb8;
	[tilespmem:$0x18200] =	vst v63  }
0xe1: {  	s15 =	simm.s32 $0xEA00  }
0xe2: {  	[tilespmem:s15], [sflag:$0x4] =	stream.indirect_vreg.gather [hbm4b:s12+s5], $0x80, v3, vm0, $0xb8;
	[tilespmem:$0x18200] =	vst v63  }
0xe3: {  	s18 =	simm.s32 $0xF200  }
0xe4: {  	[tilespmem:s18], [sflag:$0x4] =	stream.indirect_vreg.gather [hbm4b:s13+s5], $0x80, v3, vm0, $0xb8;
	[tilespmem:$0x18200] =	vst v63  }
0xe5: {  	s19 =	simm.s32 $0xFA00;
	s15 =	simm.s32 $0x0  }
0xe6: {  	[tilespmem:s19], [sflag:$0x4] =	stream.indirect_vreg.gather [hbm4b:s14+s5], $0x80, v3, vm0, $0xb8;
	[tilespmem:$0x18200] =	vst v63  }
0xe7: {  	s20 =	sand.u32 $0x2000, s15;
	s19 =	sand.u32 $0x1800, s5  }
0xe8: {  	s26 =	sand.u32 $0x380, s5;
	s18 =	sor.u32 s20, s19  }
0xe9: {  	s18 =	sor.u32 s26, s18  }
0xea: {  	v3 =	vld [tilespmem:s18+$0x10670]  }
0xeb: {  	v7 =	vld [tilespmem:s18+$0x10200]  }
0xec: {  	v8 =	vld [tilespmem:s18+$0x10210]  }
0xed: {  	v9 =	vld [tilespmem:s18+$0x10220]  }
0xee: {  	v10 =	vld [tilespmem:s18+$0x10230]  }
0xef: {  	v11 =	vld [tilespmem:s18+$0x10240]  }
0xf0: {  	v12 =	vld [tilespmem:s18+$0x10250]  }
0xf1: {  	v13 =	vld [tilespmem:s18+$0x10260]  }
0xf2: {  	v14 =	vld [tilespmem:s18+$0x10270]  }
0xf3: {  	v15 =	vld [tilespmem:s18+$0x10600]  }
0xf4: {  	v16 =	vld [tilespmem:s18+$0x10610]  }
0xf5: {  	v17 =	vld [tilespmem:s18+$0x10620]  }
0xf6: {  	v6 =	vld [tilespmem:s18+$0x10630]  }
0xf7: {  	v5 =	vld [tilespmem:s18+$0x10640]  }
0xf8: {  	v4 =	vld [tilespmem:s18+$0x10660]  }
0xf9: {  	[tilespmem:s18+$0x4670] =	vst.add.f32.msk $0xffff, v3  }
0xfa: {  	v3 =	vld [tilespmem:s18+$0x10650]  }
0xfb: {  	[tilespmem:s18+$0x4200] =	vst.add.f32.msk $0xffff, v7  }
0xfc: {  	[tilespmem:s18+$0x4210] =	vst.add.f32.msk $0xffff, v8  }
0xfd: {  	[tilespmem:s18+$0x4220] =	vst.add.f32.msk $0xffff, v9  }
0xfe: {  	[tilespmem:s18+$0x4230] =	vst.add.f32.msk $0xffff, v10  }
0xff: {  	[tilespmem:s18+$0x4240] =	vst.add.f32.msk $0xffff, v11  }
0x100: {  	[tilespmem:s18+$0x4250] =	vst.add.f32.msk $0xffff, v12  }
0x101: {  	[tilespmem:s18+$0x4260] =	vst.add.f32.msk $0xffff, v13  }
0x102: {  	[tilespmem:s18+$0x4270] =	vst.add.f32.msk $0xffff, v14  }
0x103: {  	[tilespmem:s18+$0x4600] =	vst.add.f32.msk $0xffff, v15  }
0x104: {  	[tilespmem:s18+$0x4610] =	vst.add.f32.msk $0xffff, v16  }
0x105: {  	s19 =	simm.s32 $0x0;
	[tilespmem:s18+$0x4620] =	vst.add.f32.msk $0xffff, v17  }
.LBB2_5:
0x106: {  	s15 =	sadd.s32 $0x100, s15;
	[tilespmem:s18+$0x4630] =	vst.add.f32.msk $0xffff, v6;
	s5 =	sadd.s32 $0x800, s5  }
0x107: {  	s19 =	sadd.s32 $0x20, s19;
	s20 =	sand.u32 $0x2000, s15;
	s26 =	sand.u32 $0x1800, s5;
	[tilespmem:s18+$0x4640] =	vst.add.f32.msk $0xffff, v5  }
0x108: {  	p0 =	slt.u32 s15, $0x3F00;
	s20 =	sor.u32 s20, s26;
	s26 =	sand.u32 $0x380, s19;
	[tilespmem:s18+$0x4650] =	vst.add.f32.msk $0xffff, v3  }
0x109: {  	[tilespmem:s18+$0x4660] =	vst.add.f32.msk $0xffff, v4;
	s18 =	sor.u32 s26, s20  }
0x10a: {  	v3 =	vld [tilespmem:s18+$0x10670]  }
0x10b: {  	v7 =	vld [tilespmem:s18+$0x10200]  }
0x10c: {  	v8 =	vld [tilespmem:s18+$0x10210]  }
0x10d: {  	v9 =	vld [tilespmem:s18+$0x10220]  }
0x10e: {  	v10 =	vld [tilespmem:s18+$0x10230]  }
0x10f: {  	[tilespmem:s18+$0x4670] =	vst.add.f32.msk $0xffff, v3  }
0x110: {  	v11 =	vld [tilespmem:s18+$0x10240]  }
0x111: {  	v12 =	vld [tilespmem:s18+$0x10250]  }
0x112: {  	v13 =	vld [tilespmem:s18+$0x10260]  }
0x113: {  	v14 =	vld [tilespmem:s18+$0x10270]  }
0x114: {  	v15 =	vld [tilespmem:s18+$0x10600]  }
0x115: {  	v16 =	vld [tilespmem:s18+$0x10610]  }
0x116: {  	v17 =	vld [tilespmem:s18+$0x10620]  }
0x117: {  	v6 =	vld [tilespmem:s18+$0x10630]  }
0x118: {  	v5 =	vld [tilespmem:s18+$0x10640]  }
0x119: {  	v3 =	vld [tilespmem:s18+$0x10650]  }
0x11a: {  	v4 =	vld [tilespmem:s18+$0x10660]  }
0x11b: {  	[tilespmem:s18+$0x4200] =	vst.add.f32.msk $0xffff, v7  }
0x11c: {  	[tilespmem:s18+$0x4210] =	vst.add.f32.msk $0xffff, v8  }
0x11d: {  	[tilespmem:s18+$0x4220] =	vst.add.f32.msk $0xffff, v9  }
0x11e: {  	[tilespmem:s18+$0x4230] =	vst.add.f32.msk $0xffff, v10  }
0x11f: {  	[tilespmem:s18+$0x4240] =	vst.add.f32.msk $0xffff, v11  }
0x120: {  	[tilespmem:s18+$0x4250] =	vst.add.f32.msk $0xffff, v12  }
.Ltmp3:
0x121: {  	[tilespmem:s18+$0x4260] =	vst.add.f32.msk $0xffff, v13;
	(pc) =	sbr.rel @p0 .LBB2_5-.Ltmp3, $4  }
0x122: {  	[tilespmem:s18+$0x4270] =	vst.add.f32.msk $0xffff, v14  }
0x123: {  	[tilespmem:s18+$0x4600] =	vst.add.f32.msk $0xffff, v15  }
0x124: {  	[tilespmem:s18+$0x4610] =	vst.add.f32.msk $0xffff, v16  }
0x125: {  	[tilespmem:s18+$0x4620] =	vst.add.f32.msk $0xffff, v17  }
0x126: {  	[tilespmem:s18+$0x4630] =	vst.add.f32.msk $0xffff, v6  }
0x127: {  	[tilespmem:s18+$0x4640] =	vst.add.f32.msk $0xffff, v5  }
0x128: {  	[tilespmem:s18+$0x4650] =	vst.add.f32.msk $0xffff, v3  }
0x129: {  	[tilespmem:s18+$0x4660] =	vst.add.f32.msk $0xffff, v4  }
0x12a: {  	s2 =	rddreg [dreg:$0xb]  }
0x12b: {  	s5 =	simm.s32 $0x0;
	s15 =	sadd.s32 s11, s2  }
0x12c: {  	[hbm4b:s15+s5] =	stream.linear.scatter [tilespmem:s7], [sflag:$0x6], $0x4000, $0x38;
	[tilespmem:$0x18200] =	vst v63  }
0x12d: {  	_ =	swait.ge [sflag:s28], $0x4000  }
0x12e: {  	[sflag:s28] =	ssyncset.done $0x0  }
0x12f: {  	[sflag:s28] =	ssyncadd.s32 $0xFFFFC000  }
0x130: {  	_ =	swait.ge [sflag:s29], $0x4000  }
0x131: {  	[sflag:s29] =	ssyncset.done $0x0  }
0x132: {  	[sflag:s29] =	ssyncadd.s32 $0xFFFFC000  }
0x133: {  	v3 =	vld [tilespmem:s22+$0x10];
	_ =	sdelay $0x4  }
0x134: {  	v4 =	vshll.u32 v3, $0x3  }
0x135: {  	v3 =	vand.u32 $0x7, v3;
	v4 =	vand.u32 $0xFFFFFFC0, v4  }
0x136: {  	v3 =	vor.u32 v3, v4  }
0x137: {  	v4 =	vperm.xlane v3, v0;
	_ =	sdelay $0x1  }
0x138: {  	v4 =	vadd.s32 v1, v4;
	_ =	sdelay $0x3  }
0x139: {  	s15 =	simm.s32 $0x200  }
0x13a: {  	[tilespmem:s15], [sflag:$0x1] =	stream.indirect_vreg.gather [hbm4b:s1+s5], $0x80, v4, vm0, $0xb8;
	[tilespmem:$0x18200] =	vst v63  }
0x13b: {  	s18 =	simm.s32 $0xA00;
	v3 =	vperm.xlane v3, v2  }
0x13c: {  	[tilespmem:s18], [sflag:$0x1] =	stream.indirect_vreg.gather [hbm4b:s12+s5], $0x80, v4, vm0, $0xb8;
	[tilespmem:$0x18200] =	vst v63  }
0x13d: {  	s19 =	simm.s32 $0x1200;
	v3 =	vadd.s32 v1, v3  }
0x13e: {  	[tilespmem:s19], [sflag:$0x1] =	stream.indirect_vreg.gather [hbm4b:s13+s5], $0x80, v4, vm0, $0xb8;
	[tilespmem:$0x18200] =	vst v63  }
0x13f: {  	s20 =	simm.s32 $0x1A00  }
0x140: {  	[tilespmem:s20], [sflag:$0x1] =	stream.indirect_vreg.gather [hbm4b:s14+s5], $0x80, v4, vm0, $0xb8;
	[tilespmem:$0x18200] =	vst v63  }
0x141: {  	s26 =	simm.s32 $0x2200  }
0x142: {  	[tilespmem:s26], [sflag:$0x1] =	stream.indirect_vreg.gather [hbm4b:s1+s5], $0x80, v3, vm0, $0xb8;
	[tilespmem:$0x18200] =	vst v63  }
0x143: {  	s15 =	simm.s32 $0x2A00  }
0x144: {  	[tilespmem:s15], [sflag:$0x1] =	stream.indirect_vreg.gather [hbm4b:s12+s5], $0x80, v3, vm0, $0xb8;
	[tilespmem:$0x18200] =	vst v63  }
0x145: {  	s18 =	simm.s32 $0x3200  }
0x146: {  	[tilespmem:s18], [sflag:$0x1] =	stream.indirect_vreg.gather [hbm4b:s13+s5], $0x80, v3, vm0, $0xb8;
	[tilespmem:$0x18200] =	vst v63  }
0x147: {  	s19 =	simm.s32 $0x3A00;
	s15 =	simm.s32 $0x0  }
0x148: {  	[tilespmem:s19], [sflag:$0x1] =	stream.indirect_vreg.gather [hbm4b:s14+s5], $0x80, v3, vm0, $0xb8;
	[tilespmem:$0x18200] =	vst v63  }
0x149: {  	s20 =	sand.u32 $0x2000, s15;
	s19 =	sand.u32 $0x1800, s5  }
0x14a: {  	s26 =	sand.u32 $0x380, s5;
	s18 =	sor.u32 s20, s19  }
0x14b: {  	s18 =	sor.u32 s26, s18  }
0x14c: {  	v3 =	vld [tilespmem:s18+$0x10670]  }
0x14d: {  	v7 =	vld [tilespmem:s18+$0x10200]  }
0x14e: {  	v8 =	vld [tilespmem:s18+$0x10210]  }
0x14f: {  	v9 =	vld [tilespmem:s18+$0x10220]  }
0x150: {  	v10 =	vld [tilespmem:s18+$0x10230]  }
0x151: {  	v11 =	vld [tilespmem:s18+$0x10240]  }
0x152: {  	v12 =	vld [tilespmem:s18+$0x10250]  }
0x153: {  	v13 =	vld [tilespmem:s18+$0x10260]  }
0x154: {  	v14 =	vld [tilespmem:s18+$0x10270]  }
0x155: {  	v15 =	vld [tilespmem:s18+$0x10600]  }
0x156: {  	v16 =	vld [tilespmem:s18+$0x10610]  }
0x157: {  	v17 =	vld [tilespmem:s18+$0x10620]  }
0x158: {  	v6 =	vld [tilespmem:s18+$0x10630]  }
0x159: {  	v5 =	vld [tilespmem:s18+$0x10640]  }
0x15a: {  	v4 =	vld [tilespmem:s18+$0x10660]  }
0x15b: {  	[tilespmem:s18+$0x8670] =	vst.add.f32.msk $0xffff, v3  }
0x15c: {  	v3 =	vld [tilespmem:s18+$0x10650]  }
0x15d: {  	[tilespmem:s18+$0x8200] =	vst.add.f32.msk $0xffff, v7  }
0x15e: {  	[tilespmem:s18+$0x8210] =	vst.add.f32.msk $0xffff, v8  }
0x15f: {  	[tilespmem:s18+$0x8220] =	vst.add.f32.msk $0xffff, v9  }
0x160: {  	[tilespmem:s18+$0x8230] =	vst.add.f32.msk $0xffff, v10  }
0x161: {  	[tilespmem:s18+$0x8240] =	vst.add.f32.msk $0xffff, v11  }
0x162: {  	[tilespmem:s18+$0x8250] =	vst.add.f32.msk $0xffff, v12  }
0x163: {  	[tilespmem:s18+$0x8260] =	vst.add.f32.msk $0xffff, v13  }
0x164: {  	[tilespmem:s18+$0x8270] =	vst.add.f32.msk $0xffff, v14  }
0x165: {  	[tilespmem:s18+$0x8600] =	vst.add.f32.msk $0xffff, v15  }
0x166: {  	[tilespmem:s18+$0x8610] =	vst.add.f32.msk $0xffff, v16  }
0x167: {  	s19 =	simm.s32 $0x0;
	[tilespmem:s18+$0x8620] =	vst.add.f32.msk $0xffff, v17  }
.LBB2_7:
0x168: {  	s15 =	sadd.s32 $0x100, s15;
	[tilespmem:s18+$0x8630] =	vst.add.f32.msk $0xffff, v6;
	s5 =	sadd.s32 $0x800, s5  }
0x169: {  	s19 =	sadd.s32 $0x20, s19;
	s20 =	sand.u32 $0x2000, s15;
	s26 =	sand.u32 $0x1800, s5;
	[tilespmem:s18+$0x8640] =	vst.add.f32.msk $0xffff, v5  }
0x16a: {  	p0 =	slt.u32 s15, $0x3F00;
	s20 =	sor.u32 s20, s26;
	s26 =	sand.u32 $0x380, s19;
	[tilespmem:s18+$0x8650] =	vst.add.f32.msk $0xffff, v3  }
0x16b: {  	[tilespmem:s18+$0x8660] =	vst.add.f32.msk $0xffff, v4;
	s18 =	sor.u32 s26, s20  }
0x16c: {  	v3 =	vld [tilespmem:s18+$0x10670]  }
0x16d: {  	v7 =	vld [tilespmem:s18+$0x10200]  }
0x16e: {  	v8 =	vld [tilespmem:s18+$0x10210]  }
0x16f: {  	v9 =	vld [tilespmem:s18+$0x10220]  }
0x170: {  	v10 =	vld [tilespmem:s18+$0x10230]  }
0x171: {  	[tilespmem:s18+$0x8670] =	vst.add.f32.msk $0xffff, v3  }
0x172: {  	v11 =	vld [tilespmem:s18+$0x10240]  }
0x173: {  	v12 =	vld [tilespmem:s18+$0x10250]  }
0x174: {  	v13 =	vld [tilespmem:s18+$0x10260]  }
0x175: {  	v14 =	vld [tilespmem:s18+$0x10270]  }
0x176: {  	v15 =	vld [tilespmem:s18+$0x10600]  }
0x177: {  	v16 =	vld [tilespmem:s18+$0x10610]  }
0x178: {  	v17 =	vld [tilespmem:s18+$0x10620]  }
0x179: {  	v6 =	vld [tilespmem:s18+$0x10630]  }
0x17a: {  	v5 =	vld [tilespmem:s18+$0x10640]  }
0x17b: {  	v3 =	vld [tilespmem:s18+$0x10650]  }
0x17c: {  	v4 =	vld [tilespmem:s18+$0x10660]  }
0x17d: {  	[tilespmem:s18+$0x8200] =	vst.add.f32.msk $0xffff, v7  }
0x17e: {  	[tilespmem:s18+$0x8210] =	vst.add.f32.msk $0xffff, v8  }
0x17f: {  	[tilespmem:s18+$0x8220] =	vst.add.f32.msk $0xffff, v9  }
0x180: {  	[tilespmem:s18+$0x8230] =	vst.add.f32.msk $0xffff, v10  }
0x181: {  	[tilespmem:s18+$0x8240] =	vst.add.f32.msk $0xffff, v11  }
0x182: {  	[tilespmem:s18+$0x8250] =	vst.add.f32.msk $0xffff, v12  }
.Ltmp4:
0x183: {  	[tilespmem:s18+$0x8260] =	vst.add.f32.msk $0xffff, v13;
	(pc) =	sbr.rel @p0 .LBB2_7-.Ltmp4, $4  }
0x184: {  	[tilespmem:s18+$0x8270] =	vst.add.f32.msk $0xffff, v14  }
0x185: {  	[tilespmem:s18+$0x8600] =	vst.add.f32.msk $0xffff, v15  }
0x186: {  	[tilespmem:s18+$0x8610] =	vst.add.f32.msk $0xffff, v16  }
0x187: {  	[tilespmem:s18+$0x8620] =	vst.add.f32.msk $0xffff, v17  }
0x188: {  	[tilespmem:s18+$0x8630] =	vst.add.f32.msk $0xffff, v6  }
0x189: {  	[tilespmem:s18+$0x8640] =	vst.add.f32.msk $0xffff, v5  }
0x18a: {  	[tilespmem:s18+$0x8650] =	vst.add.f32.msk $0xffff, v3  }
0x18b: {  	[tilespmem:s18+$0x8660] =	vst.add.f32.msk $0xffff, v4;
	s15 =	sadd.s32 s11, s16;
	s5 =	simm.s32 $0x0  }
0x18c: {  	[hbm4b:s15+s5] =	stream.linear.scatter [tilespmem:s25], [sflag:$0x7], $0x4000, $0x38;
	[tilespmem:$0x18200] =	vst v63  }
0x18d: {  	_ =	swait.ge [sflag:s8], $0x4000  }
0x18e: {  	[sflag:s8] =	ssyncset.done $0x0  }
0x18f: {  	[sflag:s8] =	ssyncadd.s32 $0xFFFFC000  }
0x190: {  	_ =	swait.ge [sflag:s6], $0x4000  }
0x191: {  	[sflag:s6] =	ssyncset.done $0x0  }
0x192: {  	[sflag:s6] =	ssyncadd.s32 $0xFFFFC000  }
0x193: {  	v3 =	vld [tilespmem:s22+$0x90];
	_ =	sdelay $0x4  }
0x194: {  	v4 =	vshll.u32 v3, $0x3  }
0x195: {  	v3 =	vand.u32 $0x7, v3;
	v4 =	vand.u32 $0xFFFFFFC0, v4  }
0x196: {  	v3 =	vor.u32 v3, v4  }
0x197: {  	v4 =	vperm.xlane v3, v0;
	_ =	sdelay $0x1  }
0x198: {  	v4 =	vadd.s32 v1, v4;
	_ =	sdelay $0x4  }
0x199: {  	[tilespmem:s7], [sflag:$0x2] =	stream.indirect_vreg.gather [hbm4b:s1+s5], $0x80, v4, vm0, $0xb8;
	[tilespmem:$0x18200] =	vst v63  }
0x19a: {  	s2 =	simm.s32 $0x4A00;
	v3 =	vperm.xlane v3, v2  }
0x19b: {  	[tilespmem:s2], [sflag:$0x2] =	stream.indirect_vreg.gather [hbm4b:s12+s5], $0x80, v4, vm0, $0xb8;
	[tilespmem:$0x18200] =	vst v63  }
0x19c: {  	s19 =	simm.s32 $0x5200;
	v3 =	vadd.s32 v1, v3  }
0x19d: {  	[tilespmem:s19], [sflag:$0x2] =	stream.indirect_vreg.gather [hbm4b:s13+s5], $0x80, v4, vm0, $0xb8;
	[tilespmem:$0x18200] =	vst v63  }
0x19e: {  	s20 =	simm.s32 $0x5A00  }
0x19f: {  	[tilespmem:s20], [sflag:$0x2] =	stream.indirect_vreg.gather [hbm4b:s14+s5], $0x80, v4, vm0, $0xb8;
	[tilespmem:$0x18200] =	vst v63  }
0x1a0: {  	s26 =	simm.s32 $0x6200  }
0x1a1: {  	[tilespmem:s26], [sflag:$0x2] =	stream.indirect_vreg.gather [hbm4b:s1+s5], $0x80, v3, vm0, $0xb8;
	[tilespmem:$0x18200] =	vst v63  }
0x1a2: {  	s15 =	simm.s32 $0x6A00  }
0x1a3: {  	[tilespmem:s15], [sflag:$0x2] =	stream.indirect_vreg.gather [hbm4b:s12+s5], $0x80, v3, vm0, $0xb8;
	[tilespmem:$0x18200] =	vst v63  }
0x1a4: {  	s18 =	simm.s32 $0x7200  }
0x1a5: {  	[tilespmem:s18], [sflag:$0x2] =	stream.indirect_vreg.gather [hbm4b:s13+s5], $0x80, v3, vm0, $0xb8;
	[tilespmem:$0x18200] =	vst v63  }
0x1a6: {  	s19 =	simm.s32 $0x7A00;
	s15 =	simm.s32 $0x0  }
0x1a7: {  	[tilespmem:s19], [sflag:$0x2] =	stream.indirect_vreg.gather [hbm4b:s14+s5], $0x80, v3, vm0, $0xb8;
	[tilespmem:$0x18200] =	vst v63  }
0x1a8: {  	s20 =	sand.u32 $0x2000, s15;
	s19 =	sand.u32 $0x1800, s5  }
0x1a9: {  	s26 =	sand.u32 $0x380, s5;
	s18 =	sor.u32 s20, s19  }
0x1aa: {  	s18 =	sor.u32 s26, s18  }
0x1ab: {  	v3 =	vld [tilespmem:s18+$0x10670]  }
0x1ac: {  	v7 =	vld [tilespmem:s18+$0x10200]  }
0x1ad: {  	v8 =	vld [tilespmem:s18+$0x10210]  }
0x1ae: {  	v9 =	vld [tilespmem:s18+$0x10220]  }
0x1af: {  	v10 =	vld [tilespmem:s18+$0x10230]  }
0x1b0: {  	v11 =	vld [tilespmem:s18+$0x10240]  }
0x1b1: {  	v12 =	vld [tilespmem:s18+$0x10250]  }
0x1b2: {  	v13 =	vld [tilespmem:s18+$0x10260]  }
0x1b3: {  	v14 =	vld [tilespmem:s18+$0x10270]  }
0x1b4: {  	v15 =	vld [tilespmem:s18+$0x10600]  }
0x1b5: {  	v16 =	vld [tilespmem:s18+$0x10610]  }
0x1b6: {  	v17 =	vld [tilespmem:s18+$0x10620]  }
0x1b7: {  	v6 =	vld [tilespmem:s18+$0x10630]  }
0x1b8: {  	v5 =	vld [tilespmem:s18+$0x10640]  }
0x1b9: {  	v4 =	vld [tilespmem:s18+$0x10660]  }
0x1ba: {  	[tilespmem:s18+$0xC670] =	vst.add.f32.msk $0xffff, v3  }
0x1bb: {  	v3 =	vld [tilespmem:s18+$0x10650]  }
0x1bc: {  	[tilespmem:s18+$0xC200] =	vst.add.f32.msk $0xffff, v7  }
0x1bd: {  	[tilespmem:s18+$0xC210] =	vst.add.f32.msk $0xffff, v8  }
0x1be: {  	[tilespmem:s18+$0xC220] =	vst.add.f32.msk $0xffff, v9  }
0x1bf: {  	[tilespmem:s18+$0xC230] =	vst.add.f32.msk $0xffff, v10  }
0x1c0: {  	[tilespmem:s18+$0xC240] =	vst.add.f32.msk $0xffff, v11  }
0x1c1: {  	[tilespmem:s18+$0xC250] =	vst.add.f32.msk $0xffff, v12  }
0x1c2: {  	[tilespmem:s18+$0xC260] =	vst.add.f32.msk $0xffff, v13  }
0x1c3: {  	[tilespmem:s18+$0xC270] =	vst.add.f32.msk $0xffff, v14  }
0x1c4: {  	[tilespmem:s18+$0xC600] =	vst.add.f32.msk $0xffff, v15  }
0x1c5: {  	[tilespmem:s18+$0xC610] =	vst.add.f32.msk $0xffff, v16  }
0x1c6: {  	s19 =	simm.s32 $0x0;
	[tilespmem:s18+$0xC620] =	vst.add.f32.msk $0xffff, v17  }
.LBB2_9:
0x1c7: {  	s15 =	sadd.s32 $0x100, s15;
	[tilespmem:s18+$0xC630] =	vst.add.f32.msk $0xffff, v6;
	s5 =	sadd.s32 $0x800, s5  }
0x1c8: {  	s19 =	sadd.s32 $0x20, s19;
	s20 =	sand.u32 $0x2000, s15;
	s26 =	sand.u32 $0x1800, s5;
	[tilespmem:s18+$0xC640] =	vst.add.f32.msk $0xffff, v5  }
0x1c9: {  	p0 =	slt.u32 s15, $0x3F00;
	s20 =	sor.u32 s20, s26;
	s26 =	sand.u32 $0x380, s19;
	[tilespmem:s18+$0xC650] =	vst.add.f32.msk $0xffff, v3  }
0x1ca: {  	[tilespmem:s18+$0xC660] =	vst.add.f32.msk $0xffff, v4;
	s18 =	sor.u32 s26, s20  }
0x1cb: {  	v3 =	vld [tilespmem:s18+$0x10670]  }
0x1cc: {  	v7 =	vld [tilespmem:s18+$0x10200]  }
0x1cd: {  	v8 =	vld [tilespmem:s18+$0x10210]  }
0x1ce: {  	v9 =	vld [tilespmem:s18+$0x10220]  }
0x1cf: {  	v10 =	vld [tilespmem:s18+$0x10230]  }
0x1d0: {  	[tilespmem:s18+$0xC670] =	vst.add.f32.msk $0xffff, v3  }
0x1d1: {  	v11 =	vld [tilespmem:s18+$0x10240]  }
0x1d2: {  	v12 =	vld [tilespmem:s18+$0x10250]  }
0x1d3: {  	v13 =	vld [tilespmem:s18+$0x10260]  }
0x1d4: {  	v14 =	vld [tilespmem:s18+$0x10270]  }
0x1d5: {  	v15 =	vld [tilespmem:s18+$0x10600]  }
0x1d6: {  	v16 =	vld [tilespmem:s18+$0x10610]  }
0x1d7: {  	v17 =	vld [tilespmem:s18+$0x10620]  }
0x1d8: {  	v6 =	vld [tilespmem:s18+$0x10630]  }
0x1d9: {  	v5 =	vld [tilespmem:s18+$0x10640]  }
0x1da: {  	v3 =	vld [tilespmem:s18+$0x10650]  }
0x1db: {  	v4 =	vld [tilespmem:s18+$0x10660]  }
0x1dc: {  	[tilespmem:s18+$0xC200] =	vst.add.f32.msk $0xffff, v7  }
0x1dd: {  	[tilespmem:s18+$0xC210] =	vst.add.f32.msk $0xffff, v8  }
0x1de: {  	[tilespmem:s18+$0xC220] =	vst.add.f32.msk $0xffff, v9  }
0x1df: {  	[tilespmem:s18+$0xC230] =	vst.add.f32.msk $0xffff, v10  }
0x1e0: {  	[tilespmem:s18+$0xC240] =	vst.add.f32.msk $0xffff, v11  }
0x1e1: {  	[tilespmem:s18+$0xC250] =	vst.add.f32.msk $0xffff, v12  }
.Ltmp5:
0x1e2: {  	[tilespmem:s18+$0xC260] =	vst.add.f32.msk $0xffff, v13;
	(pc) =	sbr.rel @p0 .LBB2_9-.Ltmp5, $4  }
0x1e3: {  	[tilespmem:s18+$0xC270] =	vst.add.f32.msk $0xffff, v14  }
0x1e4: {  	[tilespmem:s18+$0xC600] =	vst.add.f32.msk $0xffff, v15  }
0x1e5: {  	[tilespmem:s18+$0xC610] =	vst.add.f32.msk $0xffff, v16  }
0x1e6: {  	[tilespmem:s18+$0xC620] =	vst.add.f32.msk $0xffff, v17  }
0x1e7: {  	[tilespmem:s18+$0xC630] =	vst.add.f32.msk $0xffff, v6  }
0x1e8: {  	[tilespmem:s18+$0xC640] =	vst.add.f32.msk $0xffff, v5  }
0x1e9: {  	[tilespmem:s18+$0xC650] =	vst.add.f32.msk $0xffff, v3  }
0x1ea: {  	[tilespmem:s18+$0xC660] =	vst.add.f32.msk $0xffff, v4;
	s5 =	sadd.s32 s11, s17  }
0x1eb: {  	[hbm4b:s5+s4] =	stream.linear.scatter [tilespmem:s24], [sflag:$0x8], $0x4000, $0x38;
	[tilespmem:$0x18200] =	vst v63  }
0x1ec: {  	p0 =	seq.s32 s10, $0x3;
	s2 =	rddreg [dreg:$0xc]  }
0x1ed: {  	s15 =	simm.s32 @!p0 $0x0;
	s18 =	simm.s32 @!p0 $0x10200;
	s5 =	sadd.s32 @!p0 s11, s2  }
0x1ee: {  	[tilespmem:s18], [sflag:$0x9] =	stream.linear.gather @!p0 [hbm4b:s5+s15], $0x4000, $0x38;
	[tilespmem:$0x18200] =	vst v63  }
0x1ef: {  	_ =	swait.ge [sflag:s9], $0x4000  }
0x1f0: {  	[sflag:s9] =	ssyncset.done $0x0  }
0x1f1: {  	[sflag:s9] =	ssyncadd.s32 $0xFFFFC000  }
0x1f2: {  	_ =	swait.ge [sflag:s23], $0x4000  }
0x1f3: {  	[sflag:s23] =	ssyncset.done $0x0  }
0x1f4: {  	s5 =	sshll.u32 s10, $0x3;
	[sflag:s23] =	ssyncadd.s32 $0xFFFFC000  }
0x1f5: {  	s15 =	sor.u32 $0x6, s5;
	_ =	swait.ge [sflag:s31], $0x4000  }
0x1f6: {  	s19 =	sshll.u32 s15, $0x2;
	[sflag:s31] =	ssyncset.done $0x0  }
0x1f7: {  	s18 =	sand.u32 $0x70, s19;
	[sflag:s31] =	ssyncadd.s32 $0xFFFFC000  }
0x1f8: {  	v3 =	vld [tilespmem:s18+$0x100];
	_ =	sdelay $0x4  }
0x1f9: {  	v4 =	vshll.u32 v3, $0x3  }
0x1fa: {  	v3 =	vand.u32 $0x7, v3;
	v4 =	vand.u32 $0xFFFFFFC0, v4  }
0x1fb: {  	v3 =	vor.u32 v3, v4  }
0x1fc: {  	v4 =	vperm.xlane v3, v0;
	_ =	sdelay $0x1  }
0x1fd: {  	v4 =	vadd.s32 v1, v4;
	_ =	sdelay $0x3  }
0x1fe: {  	s18 =	simm.s32 $0x0  }
0x1ff: {  	[tilespmem:s25], [sflag:$0x3] =	stream.indirect_vreg.gather [hbm4b:s1+s18], $0x80, v4, vm0, $0xb8;
	[tilespmem:$0x18200] =	vst v63  }
0x200: {  	v3 =	vperm.xlane v3, v2  }
0x201: {  	[tilespmem:s30], [sflag:$0x3] =	stream.indirect_vreg.gather [hbm4b:s12+s18], $0x80, v4, vm0, $0xb8;
	[tilespmem:$0x18200] =	vst v63  }
0x202: {  	s20 =	simm.s32 $0x9200;
	v3 =	vadd.s32 v1, v3  }
0x203: {  	[tilespmem:s20], [sflag:$0x3] =	stream.indirect_vreg.gather [hbm4b:s13+s18], $0x80, v4, vm0, $0xb8;
	[tilespmem:$0x18200] =	vst v63  }
0x204: {  	s26 =	simm.s32 $0x9A00  }
0x205: {  	[tilespmem:s26], [sflag:$0x3] =	stream.indirect_vreg.gather [hbm4b:s14+s18], $0x80, v4, vm0, $0xb8;
	[tilespmem:$0x18200] =	vst v63  }
0x206: {  	s30 =	simm.s32 $0xA200  }
0x207: {  	[tilespmem:s30], [sflag:$0x3] =	stream.indirect_vreg.gather [hbm4b:s1+s18], $0x80, v3, vm0, $0xb8;
	[tilespmem:$0x18200] =	vst v63  }
0x208: {  	s19 =	simm.s32 $0xAA00  }
0x209: {  	[tilespmem:s19], [sflag:$0x3] =	stream.indirect_vreg.gather [hbm4b:s12+s18], $0x80, v3, vm0, $0xb8;
	[tilespmem:$0x18200] =	vst v63  }
0x20a: {  	s20 =	simm.s32 $0xB200  }
0x20b: {  	[tilespmem:s20], [sflag:$0x3] =	stream.indirect_vreg.gather [hbm4b:s13+s18], $0x80, v3, vm0, $0xb8;
	[tilespmem:$0x18200] =	vst v63  }
0x20c: {  	s26 =	simm.s32 $0xBA00;
	s19 =	simm.s32 $0x0  }
0x20d: {  	[tilespmem:s26], [sflag:$0x3] =	stream.indirect_vreg.gather [hbm4b:s14+s18], $0x80, v3, vm0, $0xb8;
	[tilespmem:$0x18200] =	vst v63  }
0x20e: {  	s20 =	sand.u32 $0x2000, s19;
	s26 =	sand.u32 $0x1800, s18  }
0x20f: {  	s30 =	sand.u32 $0x380, s18;
	s20 =	sor.u32 s20, s26  }
0x210: {  	s20 =	sor.u32 s30, s20  }
0x211: {  	v3 =	vld [tilespmem:s20+$0x14670]  }
0x212: {  	v7 =	vld [tilespmem:s20+$0x14200]  }
0x213: {  	v8 =	vld [tilespmem:s20+$0x14210]  }
0x214: {  	v9 =	vld [tilespmem:s20+$0x14220]  }
0x215: {  	v10 =	vld [tilespmem:s20+$0x14230]  }
0x216: {  	v11 =	vld [tilespmem:s20+$0x14240]  }
0x217: {  	v12 =	vld [tilespmem:s20+$0x14250]  }
0x218: {  	v13 =	vld [tilespmem:s20+$0x14260]  }
0x219: {  	v14 =	vld [tilespmem:s20+$0x14270]  }
0x21a: {  	v15 =	vld [tilespmem:s20+$0x14600]  }
0x21b: {  	v16 =	vld [tilespmem:s20+$0x14610]  }
0x21c: {  	v17 =	vld [tilespmem:s20+$0x14620]  }
0x21d: {  	v6 =	vld [tilespmem:s20+$0x14630]  }
0x21e: {  	v5 =	vld [tilespmem:s20+$0x14640]  }
0x21f: {  	v4 =	vld [tilespmem:s20+$0x14660]  }
0x220: {  	[tilespmem:s20+$0x670] =	vst.add.f32.msk $0xffff, v3  }
0x221: {  	v3 =	vld [tilespmem:s20+$0x14650]  }
0x222: {  	[tilespmem:s20+$0x200] =	vst.add.f32.msk $0xffff, v7  }
0x223: {  	[tilespmem:s20+$0x210] =	vst.add.f32.msk $0xffff, v8  }
0x224: {  	[tilespmem:s20+$0x220] =	vst.add.f32.msk $0xffff, v9  }
0x225: {  	[tilespmem:s20+$0x230] =	vst.add.f32.msk $0xffff, v10  }
0x226: {  	[tilespmem:s20+$0x240] =	vst.add.f32.msk $0xffff, v11  }
0x227: {  	[tilespmem:s20+$0x250] =	vst.add.f32.msk $0xffff, v12  }
0x228: {  	[tilespmem:s20+$0x260] =	vst.add.f32.msk $0xffff, v13  }
0x229: {  	[tilespmem:s20+$0x270] =	vst.add.f32.msk $0xffff, v14  }
0x22a: {  	[tilespmem:s20+$0x600] =	vst.add.f32.msk $0xffff, v15  }
0x22b: {  	[tilespmem:s20+$0x610] =	vst.add.f32.msk $0xffff, v16  }
0x22c: {  	s26 =	simm.s32 $0x0;
	[tilespmem:s20+$0x620] =	vst.add.f32.msk $0xffff, v17  }
.LBB2_11:
0x22d: {  	s19 =	sadd.s32 $0x100, s19;
	[tilespmem:s20+$0x630] =	vst.add.f32.msk $0xffff, v6;
	s18 =	sadd.s32 $0x800, s18  }
0x22e: {  	s26 =	sadd.s32 $0x20, s26;
	s30 =	sand.u32 $0x2000, s19;
	s2 =	sand.u32 $0x1800, s18;
	[tilespmem:s20+$0x640] =	vst.add.f32.msk $0xffff, v5  }
0x22f: {  	p1 =	slt.u32 s19, $0x3F00;
	s2 =	sor.u32 s30, s2;
	s30 =	sand.u32 $0x380, s26;
	[tilespmem:s20+$0x650] =	vst.add.f32.msk $0xffff, v3  }
0x230: {  	[tilespmem:s20+$0x660] =	vst.add.f32.msk $0xffff, v4;
	s20 =	sor.u32 s30, s2  }
0x231: {  	v3 =	vld [tilespmem:s20+$0x14670]  }
0x232: {  	v7 =	vld [tilespmem:s20+$0x14200]  }
0x233: {  	v8 =	vld [tilespmem:s20+$0x14210]  }
0x234: {  	v9 =	vld [tilespmem:s20+$0x14220]  }
0x235: {  	v10 =	vld [tilespmem:s20+$0x14230]  }
0x236: {  	[tilespmem:s20+$0x670] =	vst.add.f32.msk $0xffff, v3  }
0x237: {  	v11 =	vld [tilespmem:s20+$0x14240]  }
0x238: {  	v12 =	vld [tilespmem:s20+$0x14250]  }
0x239: {  	v13 =	vld [tilespmem:s20+$0x14260]  }
0x23a: {  	v14 =	vld [tilespmem:s20+$0x14270]  }
0x23b: {  	v15 =	vld [tilespmem:s20+$0x14600]  }
0x23c: {  	v16 =	vld [tilespmem:s20+$0x14610]  }
0x23d: {  	v17 =	vld [tilespmem:s20+$0x14620]  }
0x23e: {  	v6 =	vld [tilespmem:s20+$0x14630]  }
0x23f: {  	v5 =	vld [tilespmem:s20+$0x14640]  }
0x240: {  	v3 =	vld [tilespmem:s20+$0x14650]  }
0x241: {  	v4 =	vld [tilespmem:s20+$0x14660]  }
0x242: {  	[tilespmem:s20+$0x200] =	vst.add.f32.msk $0xffff, v7  }
0x243: {  	[tilespmem:s20+$0x210] =	vst.add.f32.msk $0xffff, v8  }
0x244: {  	[tilespmem:s20+$0x220] =	vst.add.f32.msk $0xffff, v9  }
0x245: {  	[tilespmem:s20+$0x230] =	vst.add.f32.msk $0xffff, v10  }
0x246: {  	[tilespmem:s20+$0x240] =	vst.add.f32.msk $0xffff, v11  }
0x247: {  	[tilespmem:s20+$0x250] =	vst.add.f32.msk $0xffff, v12  }
.Ltmp6:
0x248: {  	[tilespmem:s20+$0x260] =	vst.add.f32.msk $0xffff, v13;
	(pc) =	sbr.rel @p1 .LBB2_11-.Ltmp6, $4  }
0x249: {  	[tilespmem:s20+$0x270] =	vst.add.f32.msk $0xffff, v14  }
0x24a: {  	[tilespmem:s20+$0x600] =	vst.add.f32.msk $0xffff, v15  }
0x24b: {  	[tilespmem:s20+$0x610] =	vst.add.f32.msk $0xffff, v16  }
0x24c: {  	[tilespmem:s20+$0x620] =	vst.add.f32.msk $0xffff, v17  }
0x24d: {  	[tilespmem:s20+$0x630] =	vst.add.f32.msk $0xffff, v6  }
0x24e: {  	[tilespmem:s20+$0x640] =	vst.add.f32.msk $0xffff, v5  }
0x24f: {  	[tilespmem:s20+$0x650] =	vst.add.f32.msk $0xffff, v3  }
0x250: {  	[tilespmem:s20+$0x660] =	vst.add.f32.msk $0xffff, v4  }
0x251: {  	s2 =	rddreg [dreg:$0xd]  }
0x252: {  	s18 =	simm.s32 $0x0;
	s19 =	simm.s32 $0x200;
	s2 =	sadd.s32 s21, s2  }
0x253: {  	[hbm4b:s2+s18] =	stream.linear.scatter [tilespmem:s19], [sflag:$0x5], $0x4000, $0x38;
	[tilespmem:$0x18200] =	vst v63  }
0x254: {  	_ =	swait.ge [sflag:s3], $0x4000  }
0x255: {  	[sflag:s3] =	ssyncset.done $0x0  }
0x256: {  	[sflag:s3] =	ssyncadd.s32 $0xFFFFC000  }
0x257: {  	s5 =	sor.u32 $0x7, s5;
	_ =	swait.ge [sflag:s0], $0x4000  }
0x258: {  	s20 =	sshll.u32 s5, $0x2;
	[sflag:s0] =	ssyncset.done $0x0  }
0x259: {  	s2 =	sand.u32 $0x70, s20;
	[sflag:s0] =	ssyncadd.s32 $0xFFFFC000  }
0x25a: {  	v3 =	vld [tilespmem:s2+$0x180];
	_ =	sdelay $0x4  }
0x25b: {  	v4 =	vshll.u32 v3, $0x3  }
0x25c: {  	v3 =	vand.u32 $0x7, v3;
	v4 =	vand.u32 $0xFFFFFFC0, v4  }
0x25d: {  	v3 =	vor.u32 v3, v4  }
0x25e: {  	v4 =	vperm.xlane v3, v0;
	_ =	sdelay $0x1  }
0x25f: {  	v4 =	vadd.s32 v1, v4;
	_ =	sdelay $0x4  }
0x260: {  	[tilespmem:s24], [sflag:$0x4] =	stream.indirect_vreg.gather [hbm4b:s1+s18], $0x80, v4, vm0, $0xb8;
	[tilespmem:$0x18200] =	vst v63  }
0x261: {  	s26 =	simm.s32 $0xCA00;
	v3 =	vperm.xlane v3, v2  }
0x262: {  	[tilespmem:s26], [sflag:$0x4] =	stream.indirect_vreg.gather [hbm4b:s12+s18], $0x80, v4, vm0, $0xb8;
	[tilespmem:$0x18200] =	vst v63  }
0x263: {  	s30 =	simm.s32 $0xD200;
	v3 =	vadd.s32 v1, v3  }
0x264: {  	[tilespmem:s30], [sflag:$0x4] =	stream.indirect_vreg.gather [hbm4b:s13+s18], $0x80, v4, vm0, $0xb8;
	[tilespmem:$0x18200] =	vst v63  }
0x265: {  	s19 =	simm.s32 $0xDA00  }
0x266: {  	[tilespmem:s19], [sflag:$0x4] =	stream.indirect_vreg.gather [hbm4b:s14+s18], $0x80, v4, vm0, $0xb8;
	[tilespmem:$0x18200] =	vst v63  }
0x267: {  	s20 =	simm.s32 $0xE200  }
0x268: {  	[tilespmem:s20], [sflag:$0x4] =	stream.indirect_vreg.gather [hbm4b:s1+s18], $0x80, v3, vm0, $0xb8;
	[tilespmem:$0x18200] =	vst v63  }
0x269: {  	s26 =	simm.s32 $0xEA00  }
0x26a: {  	[tilespmem:s26], [sflag:$0x4] =	stream.indirect_vreg.gather [hbm4b:s12+s18], $0x80, v3, vm0, $0xb8;
	[tilespmem:$0x18200] =	vst v63  }
0x26b: {  	s30 =	simm.s32 $0xF200  }
0x26c: {  	[tilespmem:s30], [sflag:$0x4] =	stream.indirect_vreg.gather [hbm4b:s13+s18], $0x80, v3, vm0, $0xb8;
	[tilespmem:$0x18200] =	vst v63  }
0x26d: {  	s19 =	simm.s32 $0xFA00  }
0x26e: {  	[tilespmem:s19], [sflag:$0x4] =	stream.indirect_vreg.gather [hbm4b:s14+s18], $0x80, v3, vm0, $0xb8;
	[tilespmem:$0x18200] =	vst v63  }
0x26f: {  	s19 =	simm.s32 $0x0  }
0x270: {  	s26 =	sand.u32 $0x1800, s18;
	s20 =	sand.u32 $0x2000, s19  }
0x271: {  	s30 =	sand.u32 $0x380, s18;
	s2 =	sor.u32 s20, s26  }
0x272: {  	s20 =	sor.u32 s30, s2  }
0x273: {  	v3 =	vld [tilespmem:s20+$0x14670]  }
0x274: {  	v7 =	vld [tilespmem:s20+$0x14200]  }
0x275: {  	v8 =	vld [tilespmem:s20+$0x14210]  }
0x276: {  	v9 =	vld [tilespmem:s20+$0x14220]  }
0x277: {  	v10 =	vld [tilespmem:s20+$0x14230]  }
0x278: {  	v11 =	vld [tilespmem:s20+$0x14240]  }
0x279: {  	v12 =	vld [tilespmem:s20+$0x14250]  }
0x27a: {  	v13 =	vld [tilespmem:s20+$0x14260]  }
0x27b: {  	v14 =	vld [tilespmem:s20+$0x14270]  }
0x27c: {  	v15 =	vld [tilespmem:s20+$0x14600]  }
0x27d: {  	v16 =	vld [tilespmem:s20+$0x14610]  }
0x27e: {  	v17 =	vld [tilespmem:s20+$0x14620]  }
0x27f: {  	v6 =	vld [tilespmem:s20+$0x14630]  }
0x280: {  	v5 =	vld [tilespmem:s20+$0x14640]  }
0x281: {  	v4 =	vld [tilespmem:s20+$0x14660]  }
0x282: {  	[tilespmem:s20+$0x4670] =	vst.add.f32.msk $0xffff, v3  }
0x283: {  	v3 =	vld [tilespmem:s20+$0x14650]  }
0x284: {  	[tilespmem:s20+$0x4200] =	vst.add.f32.msk $0xffff, v7  }
0x285: {  	[tilespmem:s20+$0x4210] =	vst.add.f32.msk $0xffff, v8  }
0x286: {  	[tilespmem:s20+$0x4220] =	vst.add.f32.msk $0xffff, v9  }
0x287: {  	[tilespmem:s20+$0x4230] =	vst.add.f32.msk $0xffff, v10  }
0x288: {  	[tilespmem:s20+$0x4240] =	vst.add.f32.msk $0xffff, v11  }
0x289: {  	[tilespmem:s20+$0x4250] =	vst.add.f32.msk $0xffff, v12  }
0x28a: {  	[tilespmem:s20+$0x4260] =	vst.add.f32.msk $0xffff, v13  }
0x28b: {  	[tilespmem:s20+$0x4270] =	vst.add.f32.msk $0xffff, v14  }
0x28c: {  	[tilespmem:s20+$0x4600] =	vst.add.f32.msk $0xffff, v15  }
0x28d: {  	[tilespmem:s20+$0x4610] =	vst.add.f32.msk $0xffff, v16  }
0x28e: {  	s26 =	simm.s32 $0x0;
	[tilespmem:s20+$0x4620] =	vst.add.f32.msk $0xffff, v17  }
.LBB2_13:
0x28f: {  	s19 =	sadd.s32 $0x100, s19;
	[tilespmem:s20+$0x4630] =	vst.add.f32.msk $0xffff, v6;
	s18 =	sadd.s32 $0x800, s18  }
0x290: {  	s26 =	sadd.s32 $0x20, s26;
	s2 =	sand.u32 $0x2000, s19;
	s30 =	sand.u32 $0x1800, s18;
	[tilespmem:s20+$0x4640] =	vst.add.f32.msk $0xffff, v5  }
0x291: {  	p1 =	slt.u32 s19, $0x3F00;
	s2 =	sor.u32 s2, s30;
	s30 =	sand.u32 $0x380, s26;
	[tilespmem:s20+$0x4650] =	vst.add.f32.msk $0xffff, v3  }
0x292: {  	[tilespmem:s20+$0x4660] =	vst.add.f32.msk $0xffff, v4;
	s20 =	sor.u32 s30, s2  }
0x293: {  	v3 =	vld [tilespmem:s20+$0x14670]  }
0x294: {  	v7 =	vld [tilespmem:s20+$0x14200]  }
0x295: {  	v8 =	vld [tilespmem:s20+$0x14210]  }
0x296: {  	v9 =	vld [tilespmem:s20+$0x14220]  }
0x297: {  	v10 =	vld [tilespmem:s20+$0x14230]  }
0x298: {  	[tilespmem:s20+$0x4670] =	vst.add.f32.msk $0xffff, v3  }
0x299: {  	v11 =	vld [tilespmem:s20+$0x14240]  }
0x29a: {  	v12 =	vld [tilespmem:s20+$0x14250]  }
0x29b: {  	v13 =	vld [tilespmem:s20+$0x14260]  }
0x29c: {  	v14 =	vld [tilespmem:s20+$0x14270]  }
0x29d: {  	v15 =	vld [tilespmem:s20+$0x14600]  }
0x29e: {  	v16 =	vld [tilespmem:s20+$0x14610]  }
0x29f: {  	v17 =	vld [tilespmem:s20+$0x14620]  }
0x2a0: {  	v6 =	vld [tilespmem:s20+$0x14630]  }
0x2a1: {  	v5 =	vld [tilespmem:s20+$0x14640]  }
0x2a2: {  	v3 =	vld [tilespmem:s20+$0x14650]  }
0x2a3: {  	v4 =	vld [tilespmem:s20+$0x14660]  }
0x2a4: {  	[tilespmem:s20+$0x4200] =	vst.add.f32.msk $0xffff, v7  }
0x2a5: {  	[tilespmem:s20+$0x4210] =	vst.add.f32.msk $0xffff, v8  }
0x2a6: {  	[tilespmem:s20+$0x4220] =	vst.add.f32.msk $0xffff, v9  }
0x2a7: {  	[tilespmem:s20+$0x4230] =	vst.add.f32.msk $0xffff, v10  }
0x2a8: {  	[tilespmem:s20+$0x4240] =	vst.add.f32.msk $0xffff, v11  }
0x2a9: {  	[tilespmem:s20+$0x4250] =	vst.add.f32.msk $0xffff, v12  }
.Ltmp7:
0x2aa: {  	[tilespmem:s20+$0x4260] =	vst.add.f32.msk $0xffff, v13;
	(pc) =	sbr.rel @p1 .LBB2_13-.Ltmp7, $4  }
0x2ab: {  	[tilespmem:s20+$0x4270] =	vst.add.f32.msk $0xffff, v14  }
0x2ac: {  	[tilespmem:s20+$0x4600] =	vst.add.f32.msk $0xffff, v15  }
0x2ad: {  	[tilespmem:s20+$0x4610] =	vst.add.f32.msk $0xffff, v16  }
0x2ae: {  	[tilespmem:s20+$0x4620] =	vst.add.f32.msk $0xffff, v17  }
0x2af: {  	[tilespmem:s20+$0x4630] =	vst.add.f32.msk $0xffff, v6  }
0x2b0: {  	[tilespmem:s20+$0x4640] =	vst.add.f32.msk $0xffff, v5  }
0x2b1: {  	[tilespmem:s20+$0x4650] =	vst.add.f32.msk $0xffff, v3  }
0x2b2: {  	[tilespmem:s20+$0x4660] =	vst.add.f32.msk $0xffff, v4  }
0x2b3: {  	s2 =	rddreg [dreg:$0xe]  }
0x2b4: {  	s2 =	sadd.s32 s21, s2  }
0x2b5: {  	[hbm4b:s2+s4] =	stream.linear.scatter [tilespmem:s7], [sflag:$0x6], $0x4000, $0x38;
	[tilespmem:$0x18200] =	vst v63  }
0x2b6: {  	_ =	swait.ge [sflag:s28], $0x4000  }
0x2b7: {  	[sflag:s28] =	ssyncset.done $0x0  }
0x2b8: {  	[sflag:s28] =	ssyncadd.s32 $0xFFFFC000  }
0x2b9: {  	_ =	swait.ge [sflag:s29], $0x4000  }
0x2ba: {  	[sflag:s29] =	ssyncset.done $0x0  }
0x2bb: {  	[sflag:s29] =	ssyncadd.s32 $0xFFFFC000  }
0x2bc: {  	v3 =	vld @!p0 [tilespmem:s22+$0x20];
	_ =	sdelay $0x4  }
0x2bd: {  	v4 =	vshll.u32 @!p0 v3, $0x3  }
0x2be: {  	v5 =	vlaneseq.u32 @!p0;
	v3 =	vand.u32 @!p0 $0x7, v3;
	v4 =	vand.u32 @!p0 $0xFFFFFFC0, v4  }
0x2bf: {  	v6 =	vshrl.u32 @!p0 v5, $0x3;
	v3 =	vor.u32 @!p0 v3, v4;
	v4 =	vand.u32 @!p0 $0x7, v5  }
0x2c0: {  	v6 =	vmul.u32 @!p0 $0x8, v6;
	v4 =	vperm.xlane @!p0 v3, v4;
	_ =	sdelay $0x1  }
0x2c1: {  	v4 =	vadd.s32 @!p0 v6, v4;
	_ =	sdelay $0x3  }
0x2c2: {  	vm1 =	vmmov @!p0 $0xffff;
	s18 =	simm.s32 @!p0 $0x200;
	s2 =	simm.s32 @!p0 $0x0  }
0x2c3: {  	v5 =	vor.u32 @!p0 $0x8, v5;
	[tilespmem:s18], [sflag:$0x1] =	stream.indirect_vreg.gather @!p0 [hbm4b:s1+s2], $0x80, v4, vm1, $0xb8;
	[tilespmem:$0x18200] =	vst v63  }
0x2c4: {  	v3 =	vperm.xlane @!p0 v3, v5;
	s18 =	simm.s32 @!p0 $0xA00  }
0x2c5: {  	[tilespmem:s18], [sflag:$0x1] =	stream.indirect_vreg.gather @!p0 [hbm4b:s12+s2], $0x80, v4, vm1, $0xb8;
	[tilespmem:$0x18200] =	vst v63  }
0x2c6: {  	v3 =	vadd.s32 @!p0 v6, v3;
	s18 =	simm.s32 @!p0 $0x1200  }
0x2c7: {  	[tilespmem:s18], [sflag:$0x1] =	stream.indirect_vreg.gather @!p0 [hbm4b:s13+s2], $0x80, v4, vm1, $0xb8;
	[tilespmem:$0x18200] =	vst v63  }
0x2c8: {  	s18 =	simm.s32 @!p0 $0x1A00  }
0x2c9: {  	[tilespmem:s18], [sflag:$0x1] =	stream.indirect_vreg.gather @!p0 [hbm4b:s14+s2], $0x80, v4, vm1, $0xb8;
	[tilespmem:$0x18200] =	vst v63  }
0x2ca: {  	s18 =	simm.s32 @!p0 $0x2200  }
0x2cb: {  	[tilespmem:s18], [sflag:$0x1] =	stream.indirect_vreg.gather @!p0 [hbm4b:s1+s2], $0x80, v3, vm1, $0xb8;
	[tilespmem:$0x18200] =	vst v63  }
0x2cc: {  	s18 =	simm.s32 @!p0 $0x2A00  }
0x2cd: {  	[tilespmem:s18], [sflag:$0x1] =	stream.indirect_vreg.gather @!p0 [hbm4b:s12+s2], $0x80, v3, vm1, $0xb8;
	[tilespmem:$0x18200] =	vst v63  }
0x2ce: {  	s18 =	simm.s32 @!p0 $0x3200  }
0x2cf: {  	[tilespmem:s18], [sflag:$0x1] =	stream.indirect_vreg.gather @!p0 [hbm4b:s13+s2], $0x80, v3, vm1, $0xb8;
	[tilespmem:$0x18200] =	vst v63  }
0x2d0: {  	s18 =	simm.s32 @!p0 $0x3A00  }
0x2d1: {  	[tilespmem:s18], [sflag:$0x1] =	stream.indirect_vreg.gather @!p0 [hbm4b:s14+s2], $0x80, v3, vm1, $0xb8;
	[tilespmem:$0x18200] =	vst v63  }
0x2d2: {  	s19 =	simm.s32 $0x0;
	s18 =	simm.s32 $0x0  }
0x2d3: {  	s21 =	sand.u32 $0x2000, s19;
	s26 =	sand.u32 $0x1800, s18  }
0x2d4: {  	s30 =	sand.u32 $0x380, s18;
	s2 =	sor.u32 s21, s26  }
0x2d5: {  	s21 =	sor.u32 s30, s2  }
0x2d6: {  	v3 =	vld [tilespmem:s21+$0x14670]  }
0x2d7: {  	v7 =	vld [tilespmem:s21+$0x14200]  }
0x2d8: {  	v8 =	vld [tilespmem:s21+$0x14210]  }
0x2d9: {  	v9 =	vld [tilespmem:s21+$0x14220]  }
0x2da: {  	v10 =	vld [tilespmem:s21+$0x14230]  }
0x2db: {  	v11 =	vld [tilespmem:s21+$0x14240]  }
0x2dc: {  	v12 =	vld [tilespmem:s21+$0x14250]  }
0x2dd: {  	v13 =	vld [tilespmem:s21+$0x14260]  }
0x2de: {  	v14 =	vld [tilespmem:s21+$0x14270]  }
0x2df: {  	v15 =	vld [tilespmem:s21+$0x14600]  }
0x2e0: {  	v16 =	vld [tilespmem:s21+$0x14610]  }
0x2e1: {  	v17 =	vld [tilespmem:s21+$0x14620]  }
0x2e2: {  	v6 =	vld [tilespmem:s21+$0x14630]  }
0x2e3: {  	v5 =	vld [tilespmem:s21+$0x14640]  }
0x2e4: {  	v4 =	vld [tilespmem:s21+$0x14650]  }
0x2e5: {  	[tilespmem:s21+$0x8670] =	vst.add.f32.msk $0xffff, v3  }
0x2e6: {  	v3 =	vld [tilespmem:s21+$0x14660]  }
0x2e7: {  	[tilespmem:s21+$0x8200] =	vst.add.f32.msk $0xffff, v7  }
0x2e8: {  	[tilespmem:s21+$0x8210] =	vst.add.f32.msk $0xffff, v8  }
0x2e9: {  	[tilespmem:s21+$0x8220] =	vst.add.f32.msk $0xffff, v9  }
0x2ea: {  	[tilespmem:s21+$0x8230] =	vst.add.f32.msk $0xffff, v10  }
0x2eb: {  	[tilespmem:s21+$0x8240] =	vst.add.f32.msk $0xffff, v11  }
0x2ec: {  	[tilespmem:s21+$0x8250] =	vst.add.f32.msk $0xffff, v12  }
0x2ed: {  	[tilespmem:s21+$0x8260] =	vst.add.f32.msk $0xffff, v13  }
0x2ee: {  	[tilespmem:s21+$0x8270] =	vst.add.f32.msk $0xffff, v14  }
0x2ef: {  	[tilespmem:s21+$0x8600] =	vst.add.f32.msk $0xffff, v15  }
0x2f0: {  	[tilespmem:s21+$0x8610] =	vst.add.f32.msk $0xffff, v16  }
0x2f1: {  	s20 =	simm.s32 $0x0;
	[tilespmem:s21+$0x8620] =	vst.add.f32.msk $0xffff, v17  }
.LBB2_15:
0x2f2: {  	s19 =	sadd.s32 $0x100, s19;
	[tilespmem:s21+$0x8630] =	vst.add.f32.msk $0xffff, v6;
	s18 =	sadd.s32 $0x800, s18  }
0x2f3: {  	s20 =	sadd.s32 $0x20, s20;
	s2 =	sand.u32 $0x2000, s19;
	s26 =	sand.u32 $0x1800, s18;
	[tilespmem:s21+$0x8640] =	vst.add.f32.msk $0xffff, v5  }
0x2f4: {  	p1 =	slt.u32 s19, $0x3F00;
	s2 =	sor.u32 s2, s26;
	s26 =	sand.u32 $0x380, s20;
	[tilespmem:s21+$0x8650] =	vst.add.f32.msk $0xffff, v4  }
0x2f5: {  	[tilespmem:s21+$0x8660] =	vst.add.f32.msk $0xffff, v3;
	s21 =	sor.u32 s26, s2  }
0x2f6: {  	v3 =	vld [tilespmem:s21+$0x14670]  }
0x2f7: {  	v7 =	vld [tilespmem:s21+$0x14200]  }
0x2f8: {  	v8 =	vld [tilespmem:s21+$0x14210]  }
0x2f9: {  	v9 =	vld [tilespmem:s21+$0x14220]  }
0x2fa: {  	v10 =	vld [tilespmem:s21+$0x14230]  }
0x2fb: {  	[tilespmem:s21+$0x8670] =	vst.add.f32.msk $0xffff, v3  }
0x2fc: {  	v11 =	vld [tilespmem:s21+$0x14240]  }
0x2fd: {  	v12 =	vld [tilespmem:s21+$0x14250]  }
0x2fe: {  	v13 =	vld [tilespmem:s21+$0x14260]  }
0x2ff: {  	v14 =	vld [tilespmem:s21+$0x14270]  }
0x300: {  	v15 =	vld [tilespmem:s21+$0x14600]  }
0x301: {  	v16 =	vld [tilespmem:s21+$0x14610]  }
0x302: {  	v17 =	vld [tilespmem:s21+$0x14620]  }
0x303: {  	v6 =	vld [tilespmem:s21+$0x14630]  }
0x304: {  	v5 =	vld [tilespmem:s21+$0x14640]  }
0x305: {  	v4 =	vld [tilespmem:s21+$0x14650]  }
0x306: {  	v3 =	vld [tilespmem:s21+$0x14660]  }
0x307: {  	[tilespmem:s21+$0x8200] =	vst.add.f32.msk $0xffff, v7  }
0x308: {  	[tilespmem:s21+$0x8210] =	vst.add.f32.msk $0xffff, v8  }
0x309: {  	[tilespmem:s21+$0x8220] =	vst.add.f32.msk $0xffff, v9  }
0x30a: {  	[tilespmem:s21+$0x8230] =	vst.add.f32.msk $0xffff, v10  }
0x30b: {  	[tilespmem:s21+$0x8240] =	vst.add.f32.msk $0xffff, v11  }
0x30c: {  	[tilespmem:s21+$0x8250] =	vst.add.f32.msk $0xffff, v12  }
.Ltmp8:
0x30d: {  	[tilespmem:s21+$0x8260] =	vst.add.f32.msk $0xffff, v13;
	(pc) =	sbr.rel @p1 .LBB2_15-.Ltmp8, $4  }
0x30e: {  	[tilespmem:s21+$0x8270] =	vst.add.f32.msk $0xffff, v14  }
0x30f: {  	[tilespmem:s21+$0x8600] =	vst.add.f32.msk $0xffff, v15  }
0x310: {  	[tilespmem:s21+$0x8610] =	vst.add.f32.msk $0xffff, v16  }
0x311: {  	[tilespmem:s21+$0x8620] =	vst.add.f32.msk $0xffff, v17  }
0x312: {  	[tilespmem:s21+$0x8630] =	vst.add.f32.msk $0xffff, v6  }
0x313: {  	[tilespmem:s21+$0x8640] =	vst.add.f32.msk $0xffff, v5;
	s2 =	sshll.u32 s15, $0x9  }
0x314: {  	[tilespmem:s21+$0x8650] =	vst.add.f32.msk $0xffff, v4;
	s2 =	sand.u32 $0x3800, s2  }
0x315: {  	[tilespmem:s21+$0x8660] =	vst.add.f32.msk $0xffff, v3;
	s2 =	sadd.s32 s2, s16  }
0x316: {  	[hbm4b:s2+s4] =	stream.linear.scatter [tilespmem:s25], [sflag:$0x7], $0x4000, $0x38;
	[tilespmem:$0x18200] =	vst v63  }
0x317: {  	_ =	swait.ge [sflag:s8], $0x4000  }
0x318: {  	[sflag:s8] =	ssyncset.done $0x0  }
0x319: {  	[sflag:s8] =	ssyncadd.s32 $0xFFFFC000  }
0x31a: {  	_ =	swait.ge [sflag:s6], $0x4000  }
0x31b: {  	[sflag:s6] =	ssyncset.done $0x0  }
0x31c: {  	[sflag:s6] =	ssyncadd.s32 $0xFFFFC000  }
0x31d: {  	v3 =	vld @!p0 [tilespmem:s22+$0xA0];
	_ =	sdelay $0x4  }
0x31e: {  	v4 =	vshll.u32 @!p0 v3, $0x3  }
0x31f: {  	v5 =	vlaneseq.u32 @!p0;
	v3 =	vand.u32 @!p0 $0x7, v3;
	v4 =	vand.u32 @!p0 $0xFFFFFFC0, v4  }
0x320: {  	v6 =	vshrl.u32 @!p0 v5, $0x3;
	v3 =	vor.u32 @!p0 v3, v4;
	v4 =	vand.u32 @!p0 $0x7, v5  }
0x321: {  	v6 =	vmul.u32 @!p0 $0x8, v6;
	v4 =	vperm.xlane @!p0 v3, v4;
	_ =	sdelay $0x1  }
0x322: {  	v4 =	vadd.s32 @!p0 v6, v4;
	_ =	sdelay $0x3  }
0x323: {  	s15 =	simm.s32 @!p0 $0x4200;
	s2 =	simm.s32 @!p0 $0x0  }
0x324: {  	v5 =	vor.u32 @!p0 $0x8, v5;
	[tilespmem:s15], [sflag:$0x2] =	stream.indirect_vreg.gather @!p0 [hbm4b:s1+s2], $0x80, v4, vm1, $0xb8;
	[tilespmem:$0x18200] =	vst v63  }
0x325: {  	v3 =	vperm.xlane @!p0 v3, v5;
	s15 =	simm.s32 @!p0 $0x4A00  }
0x326: {  	[tilespmem:s15], [sflag:$0x2] =	stream.indirect_vreg.gather @!p0 [hbm4b:s12+s2], $0x80, v4, vm1, $0xb8;
	[tilespmem:$0x18200] =	vst v63  }
0x327: {  	v3 =	vadd.s32 @!p0 v6, v3;
	s15 =	simm.s32 @!p0 $0x5200  }
0x328: {  	[tilespmem:s15], [sflag:$0x2] =	stream.indirect_vreg.gather @!p0 [hbm4b:s13+s2], $0x80, v4, vm1, $0xb8;
	[tilespmem:$0x18200] =	vst v63  }
0x329: {  	s15 =	simm.s32 @!p0 $0x5A00  }
0x32a: {  	[tilespmem:s15], [sflag:$0x2] =	stream.indirect_vreg.gather @!p0 [hbm4b:s14+s2], $0x80, v4, vm1, $0xb8;
	[tilespmem:$0x18200] =	vst v63  }
0x32b: {  	s15 =	simm.s32 @!p0 $0x6200  }
0x32c: {  	[tilespmem:s15], [sflag:$0x2] =	stream.indirect_vreg.gather @!p0 [hbm4b:s1+s2], $0x80, v3, vm1, $0xb8;
	[tilespmem:$0x18200] =	vst v63  }
0x32d: {  	s15 =	simm.s32 @!p0 $0x6A00  }
0x32e: {  	[tilespmem:s15], [sflag:$0x2] =	stream.indirect_vreg.gather @!p0 [hbm4b:s12+s2], $0x80, v3, vm1, $0xb8;
	[tilespmem:$0x18200] =	vst v63  }
0x32f: {  	s15 =	simm.s32 @!p0 $0x7200  }
0x330: {  	[tilespmem:s15], [sflag:$0x2] =	stream.indirect_vreg.gather @!p0 [hbm4b:s13+s2], $0x80, v3, vm1, $0xb8;
	[tilespmem:$0x18200] =	vst v63  }
0x331: {  	s15 =	simm.s32 @!p0 $0x7A00  }
0x332: {  	[tilespmem:s15], [sflag:$0x2] =	stream.indirect_vreg.gather @!p0 [hbm4b:s14+s2], $0x80, v3, vm1, $0xb8;
	[tilespmem:$0x18200] =	vst v63  }
0x333: {  	s19 =	simm.s32 $0x0;
	s15 =	simm.s32 $0x0  }
0x334: {  	s26 =	sand.u32 $0x2000, s19;
	s18 =	sand.u32 $0x1800, s15  }
0x335: {  	s30 =	sand.u32 $0x380, s15;
	s2 =	sor.u32 s26, s18  }
0x336: {  	s18 =	sor.u32 s30, s2  }
0x337: {  	v3 =	vld [tilespmem:s18+$0x14670]  }
0x338: {  	v7 =	vld [tilespmem:s18+$0x14200]  }
0x339: {  	v8 =	vld [tilespmem:s18+$0x14210]  }
0x33a: {  	v9 =	vld [tilespmem:s18+$0x14220]  }
0x33b: {  	v10 =	vld [tilespmem:s18+$0x14230]  }
0x33c: {  	v11 =	vld [tilespmem:s18+$0x14240]  }
0x33d: {  	v12 =	vld [tilespmem:s18+$0x14250]  }
0x33e: {  	v13 =	vld [tilespmem:s18+$0x14260]  }
0x33f: {  	v14 =	vld [tilespmem:s18+$0x14270]  }
0x340: {  	v15 =	vld [tilespmem:s18+$0x14600]  }
0x341: {  	v16 =	vld [tilespmem:s18+$0x14610]  }
0x342: {  	v17 =	vld [tilespmem:s18+$0x14620]  }
0x343: {  	v6 =	vld [tilespmem:s18+$0x14630]  }
0x344: {  	v5 =	vld [tilespmem:s18+$0x14640]  }
0x345: {  	v4 =	vld [tilespmem:s18+$0x14650]  }
0x346: {  	[tilespmem:s18+$0xC670] =	vst.add.f32.msk $0xffff, v3  }
0x347: {  	v3 =	vld [tilespmem:s18+$0x14660]  }
0x348: {  	[tilespmem:s18+$0xC200] =	vst.add.f32.msk $0xffff, v7  }
0x349: {  	[tilespmem:s18+$0xC210] =	vst.add.f32.msk $0xffff, v8  }
0x34a: {  	[tilespmem:s18+$0xC220] =	vst.add.f32.msk $0xffff, v9  }
0x34b: {  	[tilespmem:s18+$0xC230] =	vst.add.f32.msk $0xffff, v10  }
0x34c: {  	[tilespmem:s18+$0xC240] =	vst.add.f32.msk $0xffff, v11  }
0x34d: {  	[tilespmem:s18+$0xC250] =	vst.add.f32.msk $0xffff, v12  }
0x34e: {  	[tilespmem:s18+$0xC260] =	vst.add.f32.msk $0xffff, v13  }
0x34f: {  	[tilespmem:s18+$0xC270] =	vst.add.f32.msk $0xffff, v14  }
0x350: {  	[tilespmem:s18+$0xC600] =	vst.add.f32.msk $0xffff, v15  }
0x351: {  	[tilespmem:s18+$0xC610] =	vst.add.f32.msk $0xffff, v16  }
0x352: {  	s20 =	simm.s32 $0x0;
	[tilespmem:s18+$0xC620] =	vst.add.f32.msk $0xffff, v17  }
.LBB2_17:
0x353: {  	s19 =	sadd.s32 $0x100, s19;
	[tilespmem:s18+$0xC630] =	vst.add.f32.msk $0xffff, v6;
	s15 =	sadd.s32 $0x800, s15  }
0x354: {  	s20 =	sadd.s32 $0x20, s20;
	s2 =	sand.u32 $0x2000, s19;
	s21 =	sand.u32 $0x1800, s15;
	[tilespmem:s18+$0xC640] =	vst.add.f32.msk $0xffff, v5  }
0x355: {  	p1 =	slt.u32 s19, $0x3F00;
	s2 =	sor.u32 s2, s21;
	s21 =	sand.u32 $0x380, s20;
	[tilespmem:s18+$0xC650] =	vst.add.f32.msk $0xffff, v4  }
0x356: {  	[tilespmem:s18+$0xC660] =	vst.add.f32.msk $0xffff, v3;
	s18 =	sor.u32 s21, s2  }
0x357: {  	v3 =	vld [tilespmem:s18+$0x14670]  }
0x358: {  	v7 =	vld [tilespmem:s18+$0x14200]  }
0x359: {  	v8 =	vld [tilespmem:s18+$0x14210]  }
0x35a: {  	v9 =	vld [tilespmem:s18+$0x14220]  }
0x35b: {  	v10 =	vld [tilespmem:s18+$0x14230]  }
0x35c: {  	[tilespmem:s18+$0xC670] =	vst.add.f32.msk $0xffff, v3  }
0x35d: {  	v11 =	vld [tilespmem:s18+$0x14240]  }
0x35e: {  	v12 =	vld [tilespmem:s18+$0x14250]  }
0x35f: {  	v13 =	vld [tilespmem:s18+$0x14260]  }
0x360: {  	v14 =	vld [tilespmem:s18+$0x14270]  }
0x361: {  	v15 =	vld [tilespmem:s18+$0x14600]  }
0x362: {  	v16 =	vld [tilespmem:s18+$0x14610]  }
0x363: {  	v17 =	vld [tilespmem:s18+$0x14620]  }
0x364: {  	v6 =	vld [tilespmem:s18+$0x14630]  }
0x365: {  	v5 =	vld [tilespmem:s18+$0x14640]  }
0x366: {  	v4 =	vld [tilespmem:s18+$0x14650]  }
0x367: {  	v3 =	vld [tilespmem:s18+$0x14660]  }
0x368: {  	[tilespmem:s18+$0xC200] =	vst.add.f32.msk $0xffff, v7  }
0x369: {  	[tilespmem:s18+$0xC210] =	vst.add.f32.msk $0xffff, v8  }
0x36a: {  	[tilespmem:s18+$0xC220] =	vst.add.f32.msk $0xffff, v9  }
0x36b: {  	[tilespmem:s18+$0xC230] =	vst.add.f32.msk $0xffff, v10  }
0x36c: {  	[tilespmem:s18+$0xC240] =	vst.add.f32.msk $0xffff, v11  }
0x36d: {  	[tilespmem:s18+$0xC250] =	vst.add.f32.msk $0xffff, v12  }
.Ltmp9:
0x36e: {  	[tilespmem:s18+$0xC260] =	vst.add.f32.msk $0xffff, v13;
	(pc) =	sbr.rel @p1 .LBB2_17-.Ltmp9, $4  }
0x36f: {  	[tilespmem:s18+$0xC270] =	vst.add.f32.msk $0xffff, v14  }
0x370: {  	[tilespmem:s18+$0xC600] =	vst.add.f32.msk $0xffff, v15  }
0x371: {  	[tilespmem:s18+$0xC610] =	vst.add.f32.msk $0xffff, v16  }
0x372: {  	[tilespmem:s18+$0xC620] =	vst.add.f32.msk $0xffff, v17  }
.Ltmp10:
0x373: {  	[tilespmem:s18+$0xC630] =	vst.add.f32.msk $0xffff, v6;
	(pc) =	sbr.rel @p0 .LBB2_20-.Ltmp10, $4  }
0x374: {  	[tilespmem:s18+$0xC640] =	vst.add.f32.msk $0xffff, v5;
	s2 =	sshll.u32 s5, $0x9  }
0x375: {  	[tilespmem:s18+$0xC650] =	vst.add.f32.msk $0xffff, v4;
	s2 =	sand.u32 $0x3800, s2  }
0x376: {  	[tilespmem:s18+$0xC660] =	vst.add.f32.msk $0xffff, v3;
	s30 =	simm.s32 $0x8A00;
	s2 =	sadd.s32 s2, s17  }
0x377: {  	[hbm4b:s2+s4] =	stream.linear.scatter [tilespmem:s24], [sflag:$0x8], $0x4000, $0x38;
	[tilespmem:$0x18200] =	vst v63  }
.Ltmp11:
0x378: {  	(pc) =	sbr.rel .LBB2_2-.Ltmp11, $4  }
0x379: {  	_ = 	snop  }
0x37a: {  	s2 =	rddreg [dreg:$0xf]  }
0x37b: {  	s5 =	simm.s32 $0x14200;
	s10 =	sadd.s32 $0x1, s10;
	s2 =	sadd.s32 s11, s2  }
0x37c: {  	[tilespmem:s5], [sflag:$0xA] =	stream.linear.gather [hbm4b:s2+s4], $0x4000, $0x38;
	[tilespmem:$0x18200] =	vst v63  }
.LBB2_21:
0x37d: {  	_ =	sfence.sel $0x180000  }
0x37e: {  	[bflag:$0x0] =	sbarrier.arrive $0xFFFF  }
0x37f: {  	_ =	strace $0x90000047  }
0x380: {  	s0 =	stileid.u32;
	[bflag:$0x2] =	sbarrier.arrive $0xFFFF  }
0x381: {  	p0 =	sne.s32 s0, $0x0;
	s0 =	rddreg [dreg:$0x3]  }
0x382: {  	s0 =	sadd.s32 @!p0 $0x100000, s0  }
0x383: {  	[sflag:s0] =	ssyncadd.tile.s32 @!p0 $0x1;
	_ =	shalt  }
.Lfunc_end2:
_tile_overlayer_lowered:
.L_overlay_start_2:
0x384: {  	(tag) =	ssettag $0x2  }
0x385: {  	s0 =	rddreg [dreg:$0x0];
	s2 =	stileid.u32  }
0x386: {  	s1 =	rddreg [dreg:$0x1];
	p0 =	sne.s32 s2, $0x0  }
0x387: {  	s3 =	rddreg [dreg:$0x2];
	[bflag:$0x3] =	sbarrier.arrive $0xFFFF;
	s2 =	simm.s32 @!p0 $0x1C0B  }
0x388: {  	[timem:s3], [sflag:s2] =	dma.local @!p0 [hbm:s0], s1  }
0x389: {  	s0 =	simm.s32 @!p0 $0xB  }
0x38a: {  	_ =	swait.ge @!p0 [sflag:s0], s1  }
0x38b: {  	s1 =	ssub.s32 @!p0 $0x0, s1;
	[sflag:s0] =	ssyncset.done @!p0 $0x0  }
0x38c: {  	[sflag:s0] =	ssyncadd.s32 @!p0 s1  }
0x38d: {  	[bflag:$0x3] =	sbarrier.arrive $0xFFFF  }
0x38e: {  	_ =	shalt  }

</sc_bundles>
